<compile_context>
chip_gen: v7x
topology: tpu7x:2x2x1
jax: 0.10.2.dev20260603
libtpu: 0.0.44.dev20260713+nightly
codegen_flags: <defaults>
</compile_context>

<pallas_src>
import functools

import jax
import jax.numpy as jnp
from jax import lax
from jax.experimental import pallas as pl
from jax.experimental.pallas import tpu as pltpu
from jax.experimental.pallas import tpu_sc as plsc

Q = 1024
D = 32
K_TOTAL = 100000
KT = 2048
K_PAD = 100352
NSTEP = K_PAD // KT
APS = KT // 256
CB = 16
NB = K_PAD // CB
CA = 256
NA = K_PAD // CA
TOPK = 32
NCAND = TOPK * CB
BIG = 3.0e38
IBIG = 2**31 - 1



def _s0_body(q_ref, out_ref):
    q = q_ref[...]
    out_ref[...] = jnp.sum(q * q, axis=1)[None, :]


def _s0(queries):
    return pl.pallas_call(
        _s0_body,
        out_shape=jax.ShapeDtypeStruct((1, Q), jnp.float32),
    )(queries)



def _s1_body(qt_ref, qsq_ref, k_ref, mb_ref, ma_ref, ksq_ref):
    step = pl.program_id(0)
    qt = qt_ref[...]
    qsq = qsq_ref[...]
    k = k_ref[...]
    k_sq = jnp.sum(k * k, axis=1, keepdims=True)
    dots = lax.dot_general(k, qt, (((1,), (0,)), ((), ())),
                           preferred_element_type=jnp.float32)
    dist = (qsq - 2.0 * dots) + k_sq
    row = step * KT + lax.broadcasted_iota(jnp.int32, (KT, 1), 0)
    dist = jnp.where(row < K_TOTAL, dist, BIG)
    bmin = jnp.min(dist.reshape(KT // CB, CB, Q), axis=1)
    mb_ref[0] = jnp.swapaxes(bmin, 0, 1)
    ma_ref[0] = jnp.min(bmin.reshape(KT // CA, CA // CB, Q), axis=1)
    ksq_ref[0] = k_sq


def _s1(queries_t, q_sq, keys_p):
    return pl.pallas_call(
        _s1_body,
        grid=(NSTEP,),
        in_specs=[
            pl.BlockSpec((D, Q), lambda i: (0, 0)),
            pl.BlockSpec((1, Q), lambda i: (0, 0)),
            pl.BlockSpec((KT, D), lambda i: (i, 0)),
        ],
        out_specs=[
            pl.BlockSpec((1, Q, KT // CB), lambda i: (i, 0, 0)),
            pl.BlockSpec((1, KT // CA, Q), lambda i: (i, 0, 0)),
            pl.BlockSpec((1, KT, 1), lambda i: (i, 0, 0)),
        ],
        out_shape=[
            jax.ShapeDtypeStruct((NSTEP, Q, KT // CB), jnp.float32),
            jax.ShapeDtypeStruct((NSTEP, KT // CA, Q), jnp.float32),
            jax.ShapeDtypeStruct((NSTEP, KT, 1), jnp.float32),
        ],
    )(queries_t, q_sq, keys_p)



def _extract_body(v_ref, g_ref, outv_ref, outi_ref):
    V = v_ref[...]
    G = g_ref[...]
    for i in range(TOPK):
        m = jnp.min(V, axis=0)
        hit = V == m[None, :]
        gi = jnp.min(jnp.where(hit, G, IBIG), axis=0)
        outv_ref[i] = m
        outi_ref[i] = gi
        V = jnp.where(hit & (G == gi[None, :]), BIG, V)


def _extract(vals_t, ids_t):
    return pl.pallas_call(
        _extract_body,
        out_shape=[
            jax.ShapeDtypeStruct((TOPK, Q), jnp.float32),
            jax.ShapeDtypeStruct((TOPK, Q), jnp.int32),
        ],
    )(vals_t, ids_t)



def _sc_gather(table, idx, width, chunk):
    b = idx.shape[0]
    info = plsc.get_sparse_core_info()
    nw = info.num_cores * info.num_subcores
    n = b // nw
    mesh = plsc.VectorSubcoreMesh(core_axis_name="c", subcore_axis_name="s")

    @functools.partial(
        pl.kernel, mesh=mesh,
        compiler_params=pltpu.CompilerParams(use_tc_tiling_on_sc=False),
        out_type=jax.ShapeDtypeStruct((b, width), jnp.float32),
        scratch_types=[
            pltpu.VMEM((chunk,), jnp.int32),
            pltpu.VMEM((chunk, width), jnp.float32),
            pltpu.SemaphoreType.DMA,
        ],
    )
    def k(idx_hbm, table_hbm, out_hbm, idx_v, rows_v, sem):
        wid = lax.axis_index("s") * info.num_cores + lax.axis_index("c")
        base = wid * n
        for j in range(n // chunk):
            off = base + j * chunk
            pltpu.sync_copy(idx_hbm.at[pl.ds(off, chunk)], idx_v)
            pltpu.async_copy(table_hbm.at[idx_v], rows_v, sem).wait()
            pltpu.sync_copy(rows_v, out_hbm.at[pl.ds(off, chunk)])

    return k(idx, table)



QB = 8
CBLK = QB * NCAND


def _s6a_body(c_ref, q_ref, ksq_ref, out_ref):
    cand = c_ref[...]
    qb = q_ref[...]
    ksq = ksq_ref[...]
    q_sq = jnp.sum(qb * qb, axis=1, keepdims=True)
    cand_t = jnp.swapaxes(cand, 0, 1)
    dots = lax.dot_general(qb, cand_t, (((1,), (0,)), ((), ())),
                           preferred_element_type=jnp.float32)
    t3 = dots.reshape(QB, QB, NCAND)
    ii = lax.broadcasted_iota(jnp.int32, (QB, QB, NCAND), 0)
    jj = lax.broadcasted_iota(jnp.int32, (QB, QB, NCAND), 1)
    own = jnp.sum(jnp.where(ii == jj, t3, 0.0), axis=1)
    out_ref[...] = (q_sq - 2.0 * own) + ksq


def _s6a(cand, queries, ksq_cand):
    return pl.pallas_call(
        _s6a_body,
        grid=(Q // QB,),
        in_specs=[
            pl.BlockSpec((CBLK, D), lambda i: (i, 0)),
            pl.BlockSpec((QB, D), lambda i: (i, 0)),
            pl.BlockSpec((QB, NCAND), lambda i: (i, 0)),
        ],
        out_specs=pl.BlockSpec((QB, NCAND), lambda i: (i, 0)),
        out_shape=jax.ShapeDtypeStruct((Q, NCAND), jnp.float32),
    )(cand, queries, ksq_cand)



def kernel(queries, keys, k):
    keys_p = jnp.pad(keys, ((0, K_PAD - K_TOTAL), (0, 0)))
    queries_t = queries.T

    q_sq = _s0(queries)

    m_b3, m_a3, ksq3 = _s1(queries_t, q_sq, keys_p)
    m_at = m_a3.reshape(NA, Q)

    a_ids = lax.broadcasted_iota(jnp.int32, (NA, Q), 0)
    _, sel_a_t = _extract(m_at, a_ids)
    sel_a = sel_a_t.T

    qcol = jnp.arange(Q, dtype=jnp.int32)[:, None]
    gb = (sel_a[:, :, None] * CB +
          jnp.arange(CB, dtype=jnp.int32)[None, None, :]).reshape(Q, NCAND)
    bm_idx = ((sel_a // APS) * (Q * APS) + qcol * APS + sel_a % APS).reshape(-1)
    bm = _sc_gather(m_b3.reshape(NSTEP * Q * APS, CB), bm_idx, CB, 1024)
    bm_t = bm.reshape(Q, NCAND).T

    _, sel_b_t = _extract(bm_t, gb.T)
    sel_b = sel_b_t.T

    ck = (sel_b[:, :, None] * CB +
          jnp.arange(CB, dtype=jnp.int32)[None, None, :]).reshape(Q, NCAND)
    ck_flat = ck.reshape(-1)
    cand = _sc_gather(keys_p, ck_flat, D, 2048)
    ksq_cand = _sc_gather(ksq3.reshape(NB, CB), sel_b.reshape(-1), CB, 1024)

    dist_c = _s6a(cand, queries, ksq_cand.reshape(Q, NCAND))
    vals_t, idx_t = _extract(dist_c.T, ck.T)
    top_vals = vals_t.T
    top_idx = idx_t.T + (k * 0)

    gathered = _sc_gather(keys_p, top_idx.reshape(-1), D, 1024)
    return gathered.reshape(Q, TOPK, D), top_vals, top_idx

# --- scband reference (transcript-rebuilt; emitter-appended) ---
"""Pipeline reference for scband-modolo-20804821582200 (READ-ONLY COPY).

The authoritative reference and input builder live on the scoring server;
editing this copy changes nothing except your own understanding.
"""

import jax, jax.numpy as jnp
import numpy as np

def setup_inputs(seed: int = 0) -> dict:
    key = jax.random.key(seed)
    kq, kk = jax.random.split(key)
    queries = jax.random.normal(kq, (1024, 32), dtype=jnp.float32)
    keys = jax.random.normal(kk, (100000, 32), dtype=jnp.float32)
    return {"queries": queries, "keys": keys, "k": 32}

def reference(queries, keys, k):
    # kNN retrieval core of Modolo._get_local_clusters_vecs:
    # for each query center, rank all candidate nodes by Euclidean distance
    # (torch.norm of position deltas + torch.argsort + slice[:amount]) and
    # gather their feature vectors (g[c_name].x[idxs]).
    q_sq = jnp.sum(queries * queries, axis=1, keepdims=True)        # [Q, 1]
    k_sq = jnp.sum(keys * keys, axis=1)                             # [K]
    dots = queries @ keys.T                                         # [Q, K]
    dist2 = q_sq - 2.0 * dots + k_sq[None, :]                       # [Q, K]
    neg_dist = -dist2
    k_static = queries.shape[1]
    top_vals, top_idx = jax.lax.top_k(neg_dist, k_static)           # [Q, k]
    top_idx = top_idx + (k * 0)
    # gather the neighbor feature vectors (the 'node_vecs' gather)
    gathered = jnp.take(keys, top_idx, axis=0)                      # [Q, k, d]
    return gathered, -top_vals, top_idx

if __name__ == "__main__":
    import jax
    _d = setup_inputs()
    print(jax.jit(kernel)(*tuple(_d.values())))

</pallas_src>

<mosaic_0001>
#map = affine_map<(d0, d1) -> (0)>
#map1 = affine_map<(d0, d1) -> (0, 0)>
module attributes {stable_mosaic.version = 14 : i64} {
  func.func @k(%arg0: i32, %arg1: i32, %arg2: memref<32768xi32, #tpu.memory_space<hbm>>, %arg3: memref<100352x32xf32, #tpu.memory_space<hbm>>, %arg4: memref<32768x32xf32, #tpu.memory_space<hbm>>, %arg5: memref<1024xi32, #tpu.memory_space<vmem>>, %arg6: memref<1024x32xf32, #tpu.memory_space<vmem>>, %arg7: memref<!tpu.dma_semaphore, #tpu.memory_space<semaphore_mem>>) attributes {dimension_semantics = [#tpu.dimension_semantics<core_parallel>, #tpu.dimension_semantics<subcore_parallel>], iteration_bounds = array<i64: 2, 16>, scalar_prefetch = 0 : i64, scratch_operands = 3 : i64, tpu.core_type = #tpu.core_type<sc_vector_subcore>, window_params = [{transform_indices = #map}, {transform_indices = #map1}, {transform_indices = #map1}]} {
    %mul3A = arith.constant 2 : i32
    %mul3A_0 = arith.muli %arg1, %mul3A : i32
    %add3A = arith.addi %mul3A_0, %arg0 : i32
    %mul3A_1 = arith.constant 1024 : i32
    %mul3A_2 = arith.muli %add3A, %mul3A_1 : i32
    %add3A_3 = arith.constant 0 : i32
    %add3A_4 = arith.addi %mul3A_2, %add3A_3 : i32
    "tpu.region"() ({
      %run_scoped3A = tpu.sem_alloc : memref<!tpu.dma_semaphore, #tpu.memory_space<semaphore_mem>>
      %dma_start3A_9 = tpu.memref_slice %arg2[%add3A_4] : memref<32768xi32, #tpu.memory_space<hbm>> -> memref<1024xi32, #tpu.memory_space<hbm>>
      %dma_start3A_10 = tpu.memref_slice %arg2[%add3A_4] : memref<32768xi32, #tpu.memory_space<hbm>> -> memref<1024xi32, #tpu.memory_space<hbm>>
      tpu.enqueue_dma source(%dma_start3A_10 : memref<1024xi32, #tpu.memory_space<hbm>>) target(%arg5 : memref<1024xi32, #tpu.memory_space<vmem>>) target_semaphore(%run_scoped3A : memref<!tpu.dma_semaphore, #tpu.memory_space<semaphore_mem>>)
      %dma_wait3A_11 = tpu.memref_slice %arg2[%add3A_4] : memref<32768xi32, #tpu.memory_space<hbm>> -> memref<1024xi32, #tpu.memory_space<hbm>>
      %dma_wait3A_12 = tpu.memref_slice %arg2[%add3A_4] : memref<32768xi32, #tpu.memory_space<hbm>> -> memref<1024xi32, #tpu.memory_space<hbm>>
      tpu.wait_dma2 semaphore(%run_scoped3A : memref<!tpu.dma_semaphore, #tpu.memory_space<semaphore_mem>>) src(%dma_wait3A_12 : memref<1024xi32, #tpu.memory_space<hbm>>) dst(%arg5 : memref<1024xi32, #tpu.memory_space<vmem>>)
      tpu.yield
    }) : () -> ()
    %dma_start3A = arith.constant 0 : i32
    %dma_start3A_5 = arith.constant 0 : i32
    %dma_start3A_6 = tpu.memref_slice %arg3[%dma_start3A, %dma_start3A_5] : memref<100352x32xf32, #tpu.memory_space<hbm>> -> memref<100352x32xf32, #tpu.memory_space<hbm>>
    tpu.enqueue_indirect_dma source(%dma_start3A_6 : memref<100352x32xf32, #tpu.memory_space<hbm>>) target(%arg6 : memref<1024x32xf32, #tpu.memory_space<vmem>>) offsets(%arg5 : memref<1024xi32, #tpu.memory_space<vmem>>) semaphore(%arg7 : memref<!tpu.dma_semaphore, #tpu.memory_space<semaphore_mem>>)
    %dma_wait3A = arith.constant 0 : i32
    %dma_wait3A_7 = arith.constant 0 : i32
    %dma_wait3A_8 = tpu.memref_slice %arg3[%dma_wait3A, %dma_wait3A_7] : memref<100352x32xf32, #tpu.memory_space<hbm>> -> memref<100352x32xf32, #tpu.memory_space<hbm>>
    tpu.wait_indirect_dma semaphore(%arg7 : memref<!tpu.dma_semaphore, #tpu.memory_space<semaphore_mem>>) src(%dma_wait3A_8 : memref<100352x32xf32, #tpu.memory_space<hbm>>) dst(%arg6 : memref<1024x32xf32, #tpu.memory_space<vmem>>)
    "tpu.region"() ({
      %run_scoped3A = tpu.sem_alloc : memref<!tpu.dma_semaphore, #tpu.memory_space<semaphore_mem>>
      %dma_start3A_9 = arith.constant 0 : i32
      %dma_start3A_10 = tpu.memref_slice %arg4[%add3A_4, %dma_start3A_9] : memref<32768x32xf32, #tpu.memory_space<hbm>> -> memref<1024x32xf32, #tpu.memory_space<hbm>>
      %dma_start3A_11 = arith.constant 0 : i32
      %dma_start3A_12 = tpu.memref_slice %arg4[%add3A_4, %dma_start3A_11] : memref<32768x32xf32, #tpu.memory_space<hbm>> -> memref<1024x32xf32, #tpu.memory_space<hbm>>
      tpu.enqueue_dma source(%arg6 : memref<1024x32xf32, #tpu.memory_space<vmem>>) target(%dma_start3A_12 : memref<1024x32xf32, #tpu.memory_space<hbm>>) target_semaphore(%run_scoped3A : memref<!tpu.dma_semaphore, #tpu.memory_space<semaphore_mem>>)
      %dma_wait3A_13 = arith.constant 0 : i32
      %dma_wait3A_14 = tpu.memref_slice %arg4[%add3A_4, %dma_wait3A_13] : memref<32768x32xf32, #tpu.memory_space<hbm>> -> memref<1024x32xf32, #tpu.memory_space<hbm>>
      %dma_wait3A_15 = arith.constant 0 : i32
      %dma_wait3A_16 = tpu.memref_slice %arg4[%add3A_4, %dma_wait3A_15] : memref<32768x32xf32, #tpu.memory_space<hbm>> -> memref<1024x32xf32, #tpu.memory_space<hbm>>
      tpu.wait_dma2 semaphore(%run_scoped3A : memref<!tpu.dma_semaphore, #tpu.memory_space<semaphore_mem>>) src(%arg6 : memref<1024x32xf32, #tpu.memory_space<vmem>>) dst(%dma_wait3A_16 : memref<1024x32xf32, #tpu.memory_space<hbm>>)
      tpu.yield
    }) : () -> ()
    return
  }
}

#map = affine_map<(d0, d1) -> (0)>
#map1 = affine_map<(d0, d1) -> (0, 0)>
module attributes {stable_mosaic.version = 14 : i64} {
  func.func @k(%arg0: i32, %arg1: i32, %arg2: memref<32768xi32, #tpu.memory_space<hbm>>, %arg3: memref<401408x16xf32, #tpu.memory_space<hbm>>, %arg4: memref<32768x16xf32, #tpu.memory_space<hbm>>, %arg5: memref<1024xi32, #tpu.memory_space<vmem>>, %arg6: memref<1024x16xf32, #tpu.memory_space<vmem>>, %arg7: memref<!tpu.dma_semaphore, #tpu.memory_space<semaphore_mem>>) attributes {dimension_semantics = [#tpu.dimension_semantics<core_parallel>, #tpu.dimension_semantics<subcore_parallel>], iteration_bounds = array<i64: 2, 16>, scalar_prefetch = 0 : i64, scratch_operands = 3 : i64, tpu.core_type = #tpu.core_type<sc_vector_subcore>, window_params = [{transform_indices = #map}, {transform_indices = #map1}, {transform_indices = #map1}]} {
    %mul3A = arith.constant 2 : i32
    %mul3A_0 = arith.muli %arg1, %mul3A : i32
    %add3A = arith.addi %mul3A_0, %arg0 : i32
    %mul3A_1 = arith.constant 1024 : i32
    %mul3A_2 = arith.muli %add3A, %mul3A_1 : i32
    %add3A_3 = arith.constant 0 : i32
    %add3A_4 = arith.addi %mul3A_2, %add3A_3 : i32
    "tpu.region"() ({
      %run_scoped3A = tpu.sem_alloc : memref<!tpu.dma_semaphore, #tpu.memory_space<semaphore_mem>>
      %dma_start3A_9 = tpu.memref_slice %arg2[%add3A_4] : memref<32768xi32, #tpu.memory_space<hbm>> -> memref<1024xi32, #tpu.memory_space<hbm>>
      %dma_start3A_10 = tpu.memref_slice %arg2[%add3A_4] : memref<32768xi32, #tpu.memory_space<hbm>> -> memref<1024xi32, #tpu.memory_space<hbm>>
      tpu.enqueue_dma source(%dma_start3A_10 : memref<1024xi32, #tpu.memory_space<hbm>>) target(%arg5 : memref<1024xi32, #tpu.memory_space<vmem>>) target_semaphore(%run_scoped3A : memref<!tpu.dma_semaphore, #tpu.memory_space<semaphore_mem>>)
      %dma_wait3A_11 = tpu.memref_slice %arg2[%add3A_4] : memref<32768xi32, #tpu.memory_space<hbm>> -> memref<1024xi32, #tpu.memory_space<hbm>>
      %dma_wait3A_12 = tpu.memref_slice %arg2[%add3A_4] : memref<32768xi32, #tpu.memory_space<hbm>> -> memref<1024xi32, #tpu.memory_space<hbm>>
      tpu.wait_dma2 semaphore(%run_scoped3A : memref<!tpu.dma_semaphore, #tpu.memory_space<semaphore_mem>>) src(%dma_wait3A_12 : memref<1024xi32, #tpu.memory_space<hbm>>) dst(%arg5 : memref<1024xi32, #tpu.memory_space<vmem>>)
      tpu.yield
    }) : () -> ()
    %dma_start3A = arith.constant 0 : i32
    %dma_start3A_5 = arith.constant 0 : i32
    %dma_start3A_6 = tpu.memref_slice %arg3[%dma_start3A, %dma_start3A_5] : memref<401408x16xf32, #tpu.memory_space<hbm>> -> memref<401408x16xf32, #tpu.memory_space<hbm>>
    tpu.enqueue_indirect_dma source(%dma_start3A_6 : memref<401408x16xf32, #tpu.memory_space<hbm>>) target(%arg6 : memref<1024x16xf32, #tpu.memory_space<vmem>>) offsets(%arg5 : memref<1024xi32, #tpu.memory_space<vmem>>) semaphore(%arg7 : memref<!tpu.dma_semaphore, #tpu.memory_space<semaphore_mem>>)
    %dma_wait3A = arith.constant 0 : i32
    %dma_wait3A_7 = arith.constant 0 : i32
    %dma_wait3A_8 = tpu.memref_slice %arg3[%dma_wait3A, %dma_wait3A_7] : memref<401408x16xf32, #tpu.memory_space<hbm>> -> memref<401408x16xf32, #tpu.memory_space<hbm>>
    tpu.wait_indirect_dma semaphore(%arg7 : memref<!tpu.dma_semaphore, #tpu.memory_space<semaphore_mem>>) src(%dma_wait3A_8 : memref<401408x16xf32, #tpu.memory_space<hbm>>) dst(%arg6 : memref<1024x16xf32, #tpu.memory_space<vmem>>)
    "tpu.region"() ({
      %run_scoped3A = tpu.sem_alloc : memref<!tpu.dma_semaphore, #tpu.memory_space<semaphore_mem>>
      %dma_start3A_9 = arith.constant 0 : i32
      %dma_start3A_10 = tpu.memref_slice %arg4[%add3A_4, %dma_start3A_9] : memref<32768x16xf32, #tpu.memory_space<hbm>> -> memref<1024x16xf32, #tpu.memory_space<hbm>>
      %dma_start3A_11 = arith.constant 0 : i32
      %dma_start3A_12 = tpu.memref_slice %arg4[%add3A_4, %dma_start3A_11] : memref<32768x16xf32, #tpu.memory_space<hbm>> -> memref<1024x16xf32, #tpu.memory_space<hbm>>
      tpu.enqueue_dma source(%arg6 : memref<1024x16xf32, #tpu.memory_space<vmem>>) target(%dma_start3A_12 : memref<1024x16xf32, #tpu.memory_space<hbm>>) target_semaphore(%run_scoped3A : memref<!tpu.dma_semaphore, #tpu.memory_space<semaphore_mem>>)
      %dma_wait3A_13 = arith.constant 0 : i32
      %dma_wait3A_14 = tpu.memref_slice %arg4[%add3A_4, %dma_wait3A_13] : memref<32768x16xf32, #tpu.memory_space<hbm>> -> memref<1024x16xf32, #tpu.memory_space<hbm>>
      %dma_wait3A_15 = arith.constant 0 : i32
      %dma_wait3A_16 = tpu.memref_slice %arg4[%add3A_4, %dma_wait3A_15] : memref<32768x16xf32, #tpu.memory_space<hbm>> -> memref<1024x16xf32, #tpu.memory_space<hbm>>
      tpu.wait_dma2 semaphore(%run_scoped3A : memref<!tpu.dma_semaphore, #tpu.memory_space<semaphore_mem>>) src(%arg6 : memref<1024x16xf32, #tpu.memory_space<vmem>>) dst(%dma_wait3A_16 : memref<1024x16xf32, #tpu.memory_space<hbm>>)
      tpu.yield
    }) : () -> ()
    return
  }
}

#map = affine_map<(d0, d1) -> (0)>
#map1 = affine_map<(d0, d1) -> (0, 0)>
module attributes {stable_mosaic.version = 14 : i64} {
  func.func @k(%arg0: i32, %arg1: i32, %arg2: memref<524288xi32, #tpu.memory_space<hbm>>, %arg3: memref<100352x32xf32, #tpu.memory_space<hbm>>, %arg4: memref<524288x32xf32, #tpu.memory_space<hbm>>, %arg5: memref<2048xi32, #tpu.memory_space<vmem>>, %arg6: memref<2048x32xf32, #tpu.memory_space<vmem>>, %arg7: memref<!tpu.dma_semaphore, #tpu.memory_space<semaphore_mem>>) attributes {dimension_semantics = [#tpu.dimension_semantics<core_parallel>, #tpu.dimension_semantics<subcore_parallel>], iteration_bounds = array<i64: 2, 16>, scalar_prefetch = 0 : i64, scratch_operands = 3 : i64, tpu.core_type = #tpu.core_type<sc_vector_subcore>, window_params = [{transform_indices = #map}, {transform_indices = #map1}, {transform_indices = #map1}]} {
    %mul3A = arith.constant 2 : i32
    %mul3A_0 = arith.muli %arg1, %mul3A : i32
    %add3A = arith.addi %mul3A_0, %arg0 : i32
    %mul3A_1 = arith.constant 16384 : i32
    %mul3A_2 = arith.muli %add3A, %mul3A_1 : i32
    %add3A_3 = arith.constant 0 : i32
    %add3A_4 = arith.addi %mul3A_2, %add3A_3 : i32
    "tpu.region"() ({
      %run_scoped3A = tpu.sem_alloc : memref<!tpu.dma_semaphore, #tpu.memory_space<semaphore_mem>>
      %dma_start3A_65 = tpu.memref_slice %arg2[%add3A_4] : memref<524288xi32, #tpu.memory_space<hbm>> -> memref<2048xi32, #tpu.memory_space<hbm>>
      %dma_start3A_66 = tpu.memref_slice %arg2[%add3A_4] : memref<524288xi32, #tpu.memory_space<hbm>> -> memref<2048xi32, #tpu.memory_space<hbm>>
      tpu.enqueue_dma source(%dma_start3A_66 : memref<2048xi32, #tpu.memory_space<hbm>>) target(%arg5 : memref<2048xi32, #tpu.memory_space<vmem>>) target_semaphore(%run_scoped3A : memref<!tpu.dma_semaphore, #tpu.memory_space<semaphore_mem>>)
      %dma_wait3A_67 = tpu.memref_slice %arg2[%add3A_4] : memref<524288xi32, #tpu.memory_space<hbm>> -> memref<2048xi32, #tpu.memory_space<hbm>>
      %dma_wait3A_68 = tpu.memref_slice %arg2[%add3A_4] : memref<524288xi32, #tpu.memory_space<hbm>> -> memref<2048xi32, #tpu.memory_space<hbm>>
      tpu.wait_dma2 semaphore(%run_scoped3A : memref<!tpu.dma_semaphore, #tpu.memory_space<semaphore_mem>>) src(%dma_wait3A_68 : memref<2048xi32, #tpu.memory_space<hbm>>) dst(%arg5 : memref<2048xi32, #tpu.memory_space<vmem>>)
      tpu.yield
    }) : () -> ()
    %dma_start3A = arith.constant 0 : i32
    %dma_start3A_5 = arith.constant 0 : i32
    %dma_start3A_6 = tpu.memref_slice %arg3[%dma_start3A, %dma_start3A_5] : memref<100352x32xf32, #tpu.memory_space<hbm>> -> memref<100352x32xf32, #tpu.memory_space<hbm>>
    tpu.enqueue_indirect_dma source(%dma_start3A_6 : memref<100352x32xf32, #tpu.memory_space<hbm>>) target(%arg6 : memref<2048x32xf32, #tpu.memory_space<vmem>>) offsets(%arg5 : memref<2048xi32, #tpu.memory_space<vmem>>) semaphore(%arg7 : memref<!tpu.dma_semaphore, #tpu.memory_space<semaphore_mem>>)
    %dma_wait3A = arith.constant 0 : i32
    %dma_wait3A_7 = arith.constant 0 : i32
    %dma_wait3A_8 = tpu.memref_slice %arg3[%dma_wait3A, %dma_wait3A_7] : memref<100352x32xf32, #tpu.memory_space<hbm>> -> memref<100352x32xf32, #tpu.memory_space<hbm>>
    tpu.wait_indirect_dma semaphore(%arg7 : memref<!tpu.dma_semaphore, #tpu.memory_space<semaphore_mem>>) src(%dma_wait3A_8 : memref<100352x32xf32, #tpu.memory_space<hbm>>) dst(%arg6 : memref<2048x32xf32, #tpu.memory_space<vmem>>)
    "tpu.region"() ({
      %run_scoped3A = tpu.sem_alloc : memref<!tpu.dma_semaphore, #tpu.memory_space<semaphore_mem>>
      %dma_start3A_65 = arith.constant 0 : i32
      %dma_start3A_66 = tpu.memref_slice %arg4[%add3A_4, %dma_start3A_65] : memref<524288x32xf32, #tpu.memory_space<hbm>> -> memref<2048x32xf32, #tpu.memory_space<hbm>>
      %dma_start3A_67 = arith.constant 0 : i32
      %dma_start3A_68 = tpu.memref_slice %arg4[%add3A_4, %dma_start3A_67] : memref<524288x32xf32, #tpu.memory_space<hbm>> -> memref<2048x32xf32, #tpu.memory_space<hbm>>
      tpu.enqueue_dma source(%arg6 : memref<2048x32xf32, #tpu.memory_space<vmem>>) target(%dma_start3A_68 : memref<2048x32xf32, #tpu.memory_space<hbm>>) target_semaphore(%run_scoped3A : memref<!tpu.dma_semaphore, #tpu.memory_space<semaphore_mem>>)
      %dma_wait3A_69 = arith.constant 0 : i32
      %dma_wait3A_70 = tpu.memref_slice %arg4[%add3A_4, %dma_wait3A_69] : memref<524288x32xf32, #tpu.memory_space<hbm>> -> memref<2048x32xf32, #tpu.memory_space<hbm>>
      %dma_wait3A_71 = arith.constant 0 : i32
      %dma_wait3A_72 = tpu.memref_slice %arg4[%add3A_4, %dma_wait3A_71] : memref<524288x32xf32, #tpu.memory_space<hbm>> -> memref<2048x32xf32, #tpu.memory_space<hbm>>
      tpu.wait_dma2 semaphore(%run_scoped3A : memref<!tpu.dma_semaphore, #tpu.memory_space<semaphore_mem>>) src(%arg6 : memref<2048x32xf32, #tpu.memory_space<vmem>>) dst(%dma_wait3A_72 : memref<2048x32xf32, #tpu.memory_space<hbm>>)
      tpu.yield
    }) : () -> ()
    %add3A_9 = arith.constant 2048 : i32
    %add3A_10 = arith.addi %mul3A_2, %add3A_9 : i32
    "tpu.region"() ({
      %run_scoped3A = tpu.sem_alloc : memref<!tpu.dma_semaphore, #tpu.memory_space<semaphore_mem>>
      %dma_start3A_65 = tpu.memref_slice %arg2[%add3A_10] : memref<524288xi32, #tpu.memory_space<hbm>> -> memref<2048xi32, #tpu.memory_space<hbm>>
      %dma_start3A_66 = tpu.memref_slice %arg2[%add3A_10] : memref<524288xi32, #tpu.memory_space<hbm>> -> memref<2048xi32, #tpu.memory_space<hbm>>
      tpu.enqueue_dma source(%dma_start3A_66 : memref<2048xi32, #tpu.memory_space<hbm>>) target(%arg5 : memref<2048xi32, #tpu.memory_space<vmem>>) target_semaphore(%run_scoped3A : memref<!tpu.dma_semaphore, #tpu.memory_space<semaphore_mem>>)
      %dma_wait3A_67 = tpu.memref_slice %arg2[%add3A_10] : memref<524288xi32, #tpu.memory_space<hbm>> -> memref<2048xi32, #tpu.memory_space<hbm>>
      %dma_wait3A_68 = tpu.memref_slice %arg2[%add3A_10] : memref<524288xi32, #tpu.memory_space<hbm>> -> memref<2048xi32, #tpu.memory_space<hbm>>
      tpu.wait_dma2 semaphore(%run_scoped3A : memref<!tpu.dma_semaphore, #tpu.memory_space<semaphore_mem>>) src(%dma_wait3A_68 : memref<2048xi32, #tpu.memory_space<hbm>>) dst(%arg5 : memref<2048xi32, #tpu.memory_space<vmem>>)
      tpu.yield
    }) : () -> ()
    %dma_start3A_11 = arith.constant 0 : i32
    %dma_start3A_12 = arith.constant 0 : i32
    %dma_start3A_13 = tpu.memref_slice %arg3[%dma_start3A_11, %dma_start3A_12] : memref<100352x32xf32, #tpu.memory_space<hbm>> -> memref<100352x32xf32, #tpu.memory_space<hbm>>
    tpu.enqueue_indirect_dma source(%dma_start3A_13 : memref<100352x32xf32, #tpu.memory_space<hbm>>) target(%arg6 : memref<2048x32xf32, #tpu.memory_space<vmem>>) offsets(%arg5 : memref<2048xi32, #tpu.memory_space<vmem>>) semaphore(%arg7 : memref<!tpu.dma_semaphore, #tpu.memory_space<semaphore_mem>>)
    %dma_wait3A_14 = arith.constant 0 : i32
    %dma_wait3A_15 = arith.constant 0 : i32
    %dma_wait3A_16 = tpu.memref_slice %arg3[%dma_wait3A_14, %dma_wait3A_15] : memref<100352x32xf32, #tpu.memory_space<hbm>> -> memref<100352x32xf32, #tpu.memory_space<hbm>>
    tpu.wait_indirect_dma semaphore(%arg7 : memref<!tpu.dma_semaphore, #tpu.memory_space<semaphore_mem>>) src(%dma_wait3A_16 : memref<100352x32xf32, #tpu.memory_space<hbm>>) dst(%arg6 : memref<2048x32xf32, #tpu.memory_space<vmem>>)
    "tpu.region"() ({
      %run_scoped3A = tpu.sem_alloc : memref<!tpu.dma_semaphore, #tpu.memory_space<semaphore_mem>>
      %dma_start3A_65 = arith.constant 0 : i32
      %dma_start3A_66 = tpu.memref_slice %arg4[%add3A_10, %dma_start3A_65] : memref<524288x32xf32, #tpu.memory_space<hbm>> -> memref<2048x32xf32, #tpu.memory_space<hbm>>
      %dma_start3A_67 = arith.constant 0 : i32
      %dma_start3A_68 = tpu.memref_slice %arg4[%add3A_10, %dma_start3A_67] : memref<524288x32xf32, #tpu.memory_space<hbm>> -> memref<2048x32xf32, #tpu.memory_space<hbm>>
      tpu.enqueue_dma source(%arg6 : memref<2048x32xf32, #tpu.memory_space<vmem>>) target(%dma_start3A_68 : memref<2048x32xf32, #tpu.memory_space<hbm>>) target_semaphore(%run_scoped3A : memref<!tpu.dma_semaphore, #tpu.memory_space<semaphore_mem>>)
      %dma_wait3A_69 = arith.constant 0 : i32
      %dma_wait3A_70 = tpu.memref_slice %arg4[%add3A_10, %dma_wait3A_69] : memref<524288x32xf32, #tpu.memory_space<hbm>> -> memref<2048x32xf32, #tpu.memory_space<hbm>>
      %dma_wait3A_71 = arith.constant 0 : i32
      %dma_wait3A_72 = tpu.memref_slice %arg4[%add3A_10, %dma_wait3A_71] : memref<524288x32xf32, #tpu.memory_space<hbm>> -> memref<2048x32xf32, #tpu.memory_space<hbm>>
      tpu.wait_dma2 semaphore(%run_scoped3A : memref<!tpu.dma_semaphore, #tpu.memory_space<semaphore_mem>>) src(%arg6 : memref<2048x32xf32, #tpu.memory_space<vmem>>) dst(%dma_wait3A_72 : memref<2048x32xf32, #tpu.memory_space<hbm>>)
      tpu.yield
    }) : () -> ()
    %add3A_17 = arith.constant 4096 : i32
    %add3A_18 = arith.addi %mul3A_2, %add3A_17 : i32
    "tpu.region"() ({
      %run_scoped3A = tpu.sem_alloc : memref<!tpu.dma_semaphore, #tpu.memory_space<semaphore_mem>>
      %dma_start3A_65 = tpu.memref_slice %arg2[%add3A_18] : memref<524288xi32, #tpu.memory_space<hbm>> -> memref<2048xi32, #tpu.memory_space<hbm>>
      %dma_start3A_66 = tpu.memref_slice %arg2[%add3A_18] : memref<524288xi32, #tpu.memory_space<hbm>> -> memref<2048xi32, #tpu.memory_space<hbm>>
      tpu.enqueue_dma source(%dma_start3A_66 : memref<2048xi32, #tpu.memory_space<hbm>>) target(%arg5 : memref<2048xi32, #tpu.memory_space<vmem>>) target_semaphore(%run_scoped3A : memref<!tpu.dma_semaphore, #tpu.memory_space<semaphore_mem>>)
      %dma_wait3A_67 = tpu.memref_slice %arg2[%add3A_18] : memref<524288xi32, #tpu.memory_space<hbm>> -> memref<2048xi32, #tpu.memory_space<hbm>>
      %dma_wait3A_68 = tpu.memref_slice %arg2[%add3A_18] : memref<524288xi32, #tpu.memory_space<hbm>> -> memref<2048xi32, #tpu.memory_space<hbm>>
      tpu.wait_dma2 semaphore(%run_scoped3A : memref<!tpu.dma_semaphore, #tpu.memory_space<semaphore_mem>>) src(%dma_wait3A_68 : memref<2048xi32, #tpu.memory_space<hbm>>) dst(%arg5 : memref<2048xi32, #tpu.memory_space<vmem>>)
      tpu.yield
    }) : () -> ()
    %dma_start3A_19 = arith.constant 0 : i32
    %dma_start3A_20 = arith.constant 0 : i32
    %dma_start3A_21 = tpu.memref_slice %arg3[%dma_start3A_19, %dma_start3A_20] : memref<100352x32xf32, #tpu.memory_space<hbm>> -> memref<100352x32xf32, #tpu.memory_space<hbm>>
    tpu.enqueue_indirect_dma source(%dma_start3A_21 : memref<100352x32xf32, #tpu.memory_space<hbm>>) target(%arg6 : memref<2048x32xf32, #tpu.memory_space<vmem>>) offsets(%arg5 : memref<2048xi32, #tpu.memory_space<vmem>>) semaphore(%arg7 : memref<!tpu.dma_semaphore, #tpu.memory_space<semaphore_mem>>)
    %dma_wait3A_22 = arith.constant 0 : i32
    %dma_wait3A_23 = arith.constant 0 : i32
    %dma_wait3A_24 = tpu.memref_slice %arg3[%dma_wait3A_22, %dma_wait3A_23] : memref<100352x32xf32, #tpu.memory_space<hbm>> -> memref<100352x32xf32, #tpu.memory_space<hbm>>
    tpu.wait_indirect_dma semaphore(%arg7 : memref<!tpu.dma_semaphore, #tpu.memory_space<semaphore_mem>>) src(%dma_wait3A_24 : memref<100352x32xf32, #tpu.memory_space<hbm>>) dst(%arg6 : memref<2048x32xf32, #tpu.memory_space<vmem>>)
    "tpu.region"() ({
      %run_scoped3A = tpu.sem_alloc : memref<!tpu.dma_semaphore, #tpu.memory_space<semaphore_mem>>
      %dma_start3A_65 = arith.constant 0 : i32
      %dma_start3A_66 = tpu.memref_slice %arg4[%add3A_18, %dma_start3A_65] : memref<524288x32xf32, #tpu.memory_space<hbm>> -> memref<2048x32xf32, #tpu.memory_space<hbm>>
      %dma_start3A_67 = arith.constant 0 : i32
      %dma_start3A_68 = tpu.memref_slice %arg4[%add3A_18, %dma_start3A_67] : memref<524288x32xf32, #tpu.memory_space<hbm>> -> memref<2048x32xf32, #tpu.memory_space<hbm>>
      tpu.enqueue_dma source(%arg6 : memref<2048x32xf32, #tpu.memory_space<vmem>>) target(%dma_start3A_68 : memref<2048x32xf32, #tpu.memory_space<hbm>>) target_semaphore(%run_scoped3A : memref<!tpu.dma_semaphore, #tpu.memory_space<semaphore_mem>>)
      %dma_wait3A_69 = arith.constant 0 : i32
      %dma_wait3A_70 = tpu.memref_slice %arg4[%add3A_18, %dma_wait3A_69] : memref<524288x32xf32, #tpu.memory_space<hbm>> -> memref<2048x32xf32, #tpu.memory_space<hbm>>
      %dma_wait3A_71 = arith.constant 0 : i32
      %dma_wait3A_72 = tpu.memref_slice %arg4[%add3A_18, %dma_wait3A_71] : memref<524288x32xf32, #tpu.memory_space<hbm>> -> memref<2048x32xf32, #tpu.memory_space<hbm>>
      tpu.wait_dma2 semaphore(%run_scoped3A : memref<!tpu.dma_semaphore, #tpu.memory_space<semaphore_mem>>) src(%arg6 : memref<2048x32xf32, #tpu.memory_space<vmem>>) dst(%dma_wait3A_72 : memref<2048x32xf32, #tpu.memory_space<hbm>>)
      tpu.yield
    }) : () -> ()
    %add3A_25 = arith.constant 6144 : i32
    %add3A_26 = arith.addi %mul3A_2, %add3A_25 : i32
    "tpu.region"() ({
      %run_scoped3A = tpu.sem_alloc : memref<!tpu.dma_semaphore, #tpu.memory_space<semaphore_mem>>
      %dma_start3A_65 = tpu.memref_slice %arg2[%add3A_26] : memref<524288xi32, #tpu.memory_space<hbm>> -> memref<2048xi32, #tpu.memory_space<hbm>>
      %dma_start3A_66 = tpu.memref_slice %arg2[%add3A_26] : memref<524288xi32, #tpu.memory_space<hbm>> -> memref<2048xi32, #tpu.memory_space<hbm>>
      tpu.enqueue_dma source(%dma_start3A_66 : memref<2048xi32, #tpu.memory_space<hbm>>) target(%arg5 : memref<2048xi32, #tpu.memory_space<vmem>>) target_semaphore(%run_scoped3A : memref<!tpu.dma_semaphore, #tpu.memory_space<semaphore_mem>>)
      %dma_wait3A_67 = tpu.memref_slice %arg2[%add3A_26] : memref<524288xi32, #tpu.memory_space<hbm>> -> memref<2048xi32, #tpu.memory_space<hbm>>
      %dma_wait3A_68 = tpu.memref_slice %arg2[%add3A_26] : memref<524288xi32, #tpu.memory_space<hbm>> -> memref<2048xi32, #tpu.memory_space<hbm>>
      tpu.wait_dma2 semaphore(%run_scoped3A : memref<!tpu.dma_semaphore, #tpu.memory_space<semaphore_mem>>) src(%dma_wait3A_68 : memref<2048xi32, #tpu.memory_space<hbm>>) dst(%arg5 : memref<2048xi32, #tpu.memory_space<vmem>>)
      tpu.yield
    }) : () -> ()
    %dma_start3A_27 = arith.constant 0 : i32
    %dma_start3A_28 = arith.constant 0 : i32
    %dma_start3A_29 = tpu.memref_slice %arg3[%dma_start3A_27, %dma_start3A_28] : memref<100352x32xf32, #tpu.memory_space<hbm>> -> memref<100352x32xf32, #tpu.memory_space<hbm>>
    tpu.enqueue_indirect_dma source(%dma_start3A_29 : memref<100352x32xf32, #tpu.memory_space<hbm>>) target(%arg6 : memref<2048x32xf32, #tpu.memory_space<vmem>>) offsets(%arg5 : memref<2048xi32, #tpu.memory_space<vmem>>) semaphore(%arg7 : memref<!tpu.dma_semaphore, #tpu.memory_space<semaphore_mem>>)
    %dma_wait3A_30 = arith.constant 0 : i32
    %dma_wait3A_31 = arith.constant 0 : i32
    %dma_wait3A_32 = tpu.memref_slice %arg3[%dma_wait3A_30, %dma_wait3A_31] : memref<100352x32xf32, #tpu.memory_space<hbm>> -> memref<100352x32xf32, #tpu.memory_space<hbm>>
    tpu.wait_indirect_dma semaphore(%arg7 : memref<!tpu.dma_semaphore, #tpu.memory_space<semaphore_mem>>) src(%dma_wait3A_32 : memref<100352x32xf32, #tpu.memory_space<hbm>>) dst(%arg6 : memref<2048x32xf32, #tpu.memory_space<vmem>>)
    "tpu.region"() ({
      %run_scoped3A = tpu.sem_alloc : memref<!tpu.dma_semaphore, #tpu.memory_space<semaphore_mem>>
      %dma_start3A_65 = arith.constant 0 : i32
      %dma_start3A_66 = tpu.memref_slice %arg4[%add3A_26, %dma_start3A_65] : memref<524288x32xf32, #tpu.memory_space<hbm>> -> memref<2048x32xf32, #tpu.memory_space<hbm>>
      %dma_start3A_67 = arith.constant 0 : i32
      %dma_start3A_68 = tpu.memref_slice %arg4[%add3A_26, %dma_start3A_67] : memref<524288x32xf32, #tpu.memory_space<hbm>> -> memref<2048x32xf32, #tpu.memory_space<hbm>>
      tpu.enqueue_dma source(%arg6 : memref<2048x32xf32, #tpu.memory_space<vmem>>) target(%dma_start3A_68 : memref<2048x32xf32, #tpu.memory_space<hbm>>) target_semaphore(%run_scoped3A : memref<!tpu.dma_semaphore, #tpu.memory_space<semaphore_mem>>)
      %dma_wait3A_69 = arith.constant 0 : i32
      %dma_wait3A_70 = tpu.memref_slice %arg4[%add3A_26, %dma_wait3A_69] : memref<524288x32xf32, #tpu.memory_space<hbm>> -> memref<2048x32xf32, #tpu.memory_space<hbm>>
      %dma_wait3A_71 = arith.constant 0 : i32
      %dma_wait3A_72 = tpu.memref_slice %arg4[%add3A_26, %dma_wait3A_71] : memref<524288x32xf32, #tpu.memory_space<hbm>> -> memref<2048x32xf32, #tpu.memory_space<hbm>>
      tpu.wait_dma2 semaphore(%run_scoped3A : memref<!tpu.dma_semaphore, #tpu.memory_space<semaphore_mem>>) src(%arg6 : memref<2048x32xf32, #tpu.memory_space<vmem>>) dst(%dma_wait3A_72 : memref<2048x32xf32, #tpu.memory_space<hbm>>)
      tpu.yield
    }) : () -> ()
    %add3A_33 = arith.constant 8192 : i32
    %add3A_34 = arith.addi %mul3A_2, %add3A_33 : i32
    "tpu.region"() ({
      %run_scoped3A = tpu.sem_alloc : memref<!tpu.dma_semaphore, #tpu.memory_space<semaphore_mem>>
      %dma_start3A_65 = tpu.memref_slice %arg2[%add3A_34] : memref<524288xi32, #tpu.memory_space<hbm>> -> memref<2048xi32, #tpu.memory_space<hbm>>
      %dma_start3A_66 = tpu.memref_slice %arg2[%add3A_34] : memref<524288xi32, #tpu.memory_space<hbm>> -> memref<2048xi32, #tpu.memory_space<hbm>>
      tpu.enqueue_dma source(%dma_start3A_66 : memref<2048xi32, #tpu.memory_space<hbm>>) target(%arg5 : memref<2048xi32, #tpu.memory_space<vmem>>) target_semaphore(%run_scoped3A : memref<!tpu.dma_semaphore, #tpu.memory_space<semaphore_mem>>)
      %dma_wait3A_67 = tpu.memref_slice %arg2[%add3A_34] : memref<524288xi32, #tpu.memory_space<hbm>> -> memref<2048xi32, #tpu.memory_space<hbm>>
      %dma_wait3A_68 = tpu.memref_slice %arg2[%add3A_34] : memref<524288xi32, #tpu.memory_space<hbm>> -> memref<2048xi32, #tpu.memory_space<hbm>>
      tpu.wait_dma2 semaphore(%run_scoped3A : memref<!tpu.dma_semaphore, #tpu.memory_space<semaphore_mem>>) src(%dma_wait3A_68 : memref<2048xi32, #tpu.memory_space<hbm>>) dst(%arg5 : memref<2048xi32, #tpu.memory_space<vmem>>)
      tpu.yield
    }) : () -> ()
    %dma_start3A_35 = arith.constant 0 : i32
    %dma_start3A_36 = arith.constant 0 : i32
    %dma_start3A_37 = tpu.memref_slice %arg3[%dma_start3A_35, %dma_start3A_36] : memref<100352x32xf32, #tpu.memory_space<hbm>> -> memref<100352x32xf32, #tpu.memory_space<hbm>>
    tpu.enqueue_indirect_dma source(%dma_start3A_37 : memref<100352x32xf32, #tpu.memory_space<hbm>>) target(%arg6 : memref<2048x32xf32, #tpu.memory_space<vmem>>) offsets(%arg5 : memref<2048xi32, #tpu.memory_space<vmem>>) semaphore(%arg7 : memref<!tpu.dma_semaphore, #tpu.memory_space<semaphore_mem>>)
    %dma_wait3A_38 = arith.constant 0 : i32
    %dma_wait3A_39 = arith.constant 0 : i32
    %dma_wait3A_40 = tpu.memref_slice %arg3[%dma_wait3A_38, %dma_wait3A_39] : memref<100352x32xf32, #tpu.memory_space<hbm>> -> memref<100352x32xf32, #tpu.memory_space<hbm>>
    tpu.wait_indirect_dma semaphore(%arg7 : memref<!tpu.dma_semaphore, #tpu.memory_space<semaphore_mem>>) src(%dma_wait3A_40 : memref<100352x32xf32, #tpu.memory_space<hbm>>) dst(%arg6 : memref<2048x32xf32, #tpu.memory_space<vmem>>)
    "tpu.region"() ({
      %run_scoped3A = tpu.sem_alloc : memref<!tpu.dma_semaphore, #tpu.memory_space<semaphore_mem>>
      %dma_start3A_65 = arith.constant 0 : i32
      %dma_start3A_66 = tpu.memref_slice %arg4[%add3A_34, %dma_start3A_65] : memref<524288x32xf32, #tpu.memory_space<hbm>> -> memref<2048x32xf32, #tpu.memory_space<hbm>>
      %dma_start3A_67 = arith.constant 0 : i32
      %dma_start3A_68 = tpu.memref_slice %arg4[%add3A_34, %dma_start3A_67] : memref<524288x32xf32, #tpu.memory_space<hbm>> -> memref<2048x32xf32, #tpu.memory_space<hbm>>
      tpu.enqueue_dma source(%arg6 : memref<2048x32xf32, #tpu.memory_space<vmem>>) target(%dma_start3A_68 : memref<2048x32xf32, #tpu.memory_space<hbm>>) target_semaphore(%run_scoped3A : memref<!tpu.dma_semaphore, #tpu.memory_space<semaphore_mem>>)
      %dma_wait3A_69 = arith.constant 0 : i32
      %dma_wait3A_70 = tpu.memref_slice %arg4[%add3A_34, %dma_wait3A_69] : memref<524288x32xf32, #tpu.memory_space<hbm>> -> memref<2048x32xf32, #tpu.memory_space<hbm>>
      %dma_wait3A_71 = arith.constant 0 : i32
      %dma_wait3A_72 = tpu.memref_slice %arg4[%add3A_34, %dma_wait3A_71] : memref<524288x32xf32, #tpu.memory_space<hbm>> -> memref<2048x32xf32, #tpu.memory_space<hbm>>
      tpu.wait_dma2 semaphore(%run_scoped3A : memref<!tpu.dma_semaphore, #tpu.memory_space<semaphore_mem>>) src(%arg6 : memref<2048x32xf32, #tpu.memory_space<vmem>>) dst(%dma_wait3A_72 : memref<2048x32xf32, #tpu.memory_space<hbm>>)
      tpu.yield
    }) : () -> ()
    %add3A_41 = arith.constant 10240 : i32
    %add3A_42 = arith.addi %mul3A_2, %add3A_41 : i32
    "tpu.region"() ({
      %run_scoped3A = tpu.sem_alloc : memref<!tpu.dma_semaphore, #tpu.memory_space<semaphore_mem>>
      %dma_start3A_65 = tpu.memref_slice %arg2[%add3A_42] : memref<524288xi32, #tpu.memory_space<hbm>> -> memref<2048xi32, #tpu.memory_space<hbm>>
      %dma_start3A_66 = tpu.memref_slice %arg2[%add3A_42] : memref<524288xi32, #tpu.memory_space<hbm>> -> memref<2048xi32, #tpu.memory_space<hbm>>
      tpu.enqueue_dma source(%dma_start3A_66 : memref<2048xi32, #tpu.memory_space<hbm>>) target(%arg5 : memref<2048xi32, #tpu.memory_space<vmem>>) target_semaphore(%run_scoped3A : memref<!tpu.dma_semaphore, #tpu.memory_space<semaphore_mem>>)
      %dma_wait3A_67 = tpu.memref_slice %arg2[%add3A_42] : memref<524288xi32, #tpu.memory_space<hbm>> -> memref<2048xi32, #tpu.memory_space<hbm>>
      %dma_wait3A_68 = tpu.memref_slice %arg2[%add3A_42] : memref<524288xi32, #tpu.memory_space<hbm>> -> memref<2048xi32, #tpu.memory_space<hbm>>
      tpu.wait_dma2 semaphore(%run_scoped3A : memref<!tpu.dma_semaphore, #tpu.memory_space<semaphore_mem>>) src(%dma_wait3A_68 : memref<2048xi32, #tpu.memory_space<hbm>>) dst(%arg5 : memref<2048xi32, #tpu.memory_space<vmem>>)
      tpu.yield
    }) : () -> ()
    %dma_start3A_43 = arith.constant 0 : i32
    %dma_start3A_44 = arith.constant 0 : i32
    %dma_start3A_45 = tpu.memref_slice %arg3[%dma_start3A_43, %dma_start3A_44] : memref<100352x32xf32, #tpu.memory_space<hbm>> -> memref<100352x32xf32, #tpu.memory_space<hbm>>
    tpu.enqueue_indirect_dma source(%dma_start3A_45 : memref<100352x32xf32, #tpu.memory_space<hbm>>) target(%arg6 : memref<2048x32xf32, #tpu.memory_space<vmem>>) offsets(%arg5 : memref<2048xi32, #tpu.memory_space<vmem>>) semaphore(%arg7 : memref<!tpu.dma_semaphore, #tpu.memory_space<semaphore_mem>>)
    %dma_wait3A_46 = arith.constant 0 : i32
    %dma_wait3A_47 = arith.constant 0 : i32
    %dma_wait3A_48 = tpu.memref_slice %arg3[%dma_wait3A_46, %dma_wait3A_47] : memref<100352x32xf32, #tpu.memory_space<hbm>> -> memref<100352x32xf32, #tpu.memory_space<hbm>>
    tpu.wait_indirect_dma semaphore(%arg7 : memref<!tpu.dma_semaphore, #tpu.memory_space<semaphore_mem>>) src(%dma_wait3A_48 : memref<100352x32xf32, #tpu.memory_space<hbm>>) dst(%arg6 : memref<2048x32xf32, #tpu.memory_space<vmem>>)
    "tpu.region"() ({
      %run_scoped3A = tpu.sem_alloc : memref<!tpu.dma_semaphore, #tpu.memory_space<semaphore_mem>>
      %dma_start3A_65 = arith.constant 0 : i32
      %dma_start3A_66 = tpu.memref_slice %arg4[%add3A_42, %dma_start3A_65] : memref<524288x32xf32, #tpu.memory_space<hbm>> -> memref<2048x32xf32, #tpu.memory_space<hbm>>
      %dma_start3A_67 = arith.constant 0 : i32
      %dma_start3A_68 = tpu.memref_slice %arg4[%add3A_42, %dma_start3A_67] : memref<524288x32xf32, #tpu.memory_space<hbm>> -> memref<2048x32xf32, #tpu.memory_space<hbm>>
      tpu.enqueue_dma source(%arg6 : memref<2048x32xf32, #tpu.memory_space<vmem>>) target(%dma_start3A_68 : memref<2048x32xf32, #tpu.memory_space<hbm>>) target_semaphore(%run_scoped3A : memref<!tpu.dma_semaphore, #tpu.memory_space<semaphore_mem>>)
      %dma_wait3A_69 = arith.constant 0 : i32
      %dma_wait3A_70 = tpu.memref_slice %arg4[%add3A_42, %dma_wait3A_69] : memref<524288x32xf32, #tpu.memory_space<hbm>> -> memref<2048x32xf32, #tpu.memory_space<hbm>>
      %dma_wait3A_71 = arith.constant 0 : i32
      %dma_wait3A_72 = tpu.memref_slice %arg4[%add3A_42, %dma_wait3A_71] : memref<524288x32xf32, #tpu.memory_space<hbm>> -> memref<2048x32xf32, #tpu.memory_space<hbm>>
      tpu.wait_dma2 semaphore(%run_scoped3A : memref<!tpu.dma_semaphore, #tpu.memory_space<semaphore_mem>>) src(%arg6 : memref<2048x32xf32, #tpu.memory_space<vmem>>) dst(%dma_wait3A_72 : memref<2048x32xf32, #tpu.memory_space<hbm>>)
      tpu.yield
    }) : () -> ()
    %add3A_49 = arith.constant 12288 : i32
    %add3A_50 = arith.addi %mul3A_2, %add3A_49 : i32
    "tpu.region"() ({
      %run_scoped3A = tpu.sem_alloc : memref<!tpu.dma_semaphore, #tpu.memory_space<semaphore_mem>>
      %dma_start3A_65 = tpu.memref_slice %arg2[%add3A_50] : memref<524288xi32, #tpu.memory_space<hbm>> -> memref<2048xi32, #tpu.memory_space<hbm>>
      %dma_start3A_66 = tpu.memref_slice %arg2[%add3A_50] : memref<524288xi32, #tpu.memory_space<hbm>> -> memref<2048xi32, #tpu.memory_space<hbm>>
      tpu.enqueue_dma source(%dma_start3A_66 : memref<2048xi32, #tpu.memory_space<hbm>>) target(%arg5 : memref<2048xi32, #tpu.memory_space<vmem>>) target_semaphore(%run_scoped3A : memref<!tpu.dma_semaphore, #tpu.memory_space<semaphore_mem>>)
      %dma_wait3A_67 = tpu.memref_slice %arg2[%add3A_50] : memref<524288xi32, #tpu.memory_space<hbm>> -> memref<2048xi32, #tpu.memory_space<hbm>>
      %dma_wait3A_68 = tpu.memref_slice %arg2[%add3A_50] : memref<524288xi32, #tpu.memory_space<hbm>> -> memref<2048xi32, #tpu.memory_space<hbm>>
      tpu.wait_dma2 semaphore(%run_scoped3A : memref<!tpu.dma_semaphore, #tpu.memory_space<semaphore_mem>>) src(%dma_wait3A_68 : memref<2048xi32, #tpu.memory_space<hbm>>) dst(%arg5 : memref<2048xi32, #tpu.memory_space<vmem>>)
      tpu.yield
    }) : () -> ()
    %dma_start3A_51 = arith.constant 0 : i32
    %dma_start3A_52 = arith.constant 0 : i32
    %dma_start3A_53 = tpu.memref_slice %arg3[%dma_start3A_51, %dma_start3A_52] : memref<100352x32xf32, #tpu.memory_space<hbm>> -> memref<100352x32xf32, #tpu.memory_space<hbm>>
    tpu.enqueue_indirect_dma source(%dma_start3A_53 : memref<100352x32xf32, #tpu.memory_space<hbm>>) target(%arg6 : memref<2048x32xf32, #tpu.memory_space<vmem>>) offsets(%arg5 : memref<2048xi32, #tpu.memory_space<vmem>>) semaphore(%arg7 : memref<!tpu.dma_semaphore, #tpu.memory_space<semaphore_mem>>)
    %dma_wait3A_54 = arith.constant 0 : i32
    %dma_wait3A_55 = arith.constant 0 : i32
    %dma_wait3A_56 = tpu.memref_slice %arg3[%dma_wait3A_54, %dma_wait3A_55] : memref<100352x32xf32, #tpu.memory_space<hbm>> -> memref<100352x32xf32, #tpu.memory_space<hbm>>
    tpu.wait_indirect_dma semaphore(%arg7 : memref<!tpu.dma_semaphore, #tpu.memory_space<semaphore_mem>>) src(%dma_wait3A_56 : memref<100352x32xf32, #tpu.memory_space<hbm>>) dst(%arg6 : memref<2048x32xf32, #tpu.memory_space<vmem>>)
    "tpu.region"() ({
      %run_scoped3A = tpu.sem_alloc : memref<!tpu.dma_semaphore, #tpu.memory_space<semaphore_mem>>
      %dma_start3A_65 = arith.constant 0 : i32
      %dma_start3A_66 = tpu.memref_slice %arg4[%add3A_50, %dma_start3A_65] : memref<524288x32xf32, #tpu.memory_space<hbm>> -> memref<2048x32xf32, #tpu.memory_space<hbm>>
      %dma_start3A_67 = arith.constant 0 : i32
      %dma_start3A_68 = tpu.memref_slice %arg4[%add3A_50, %dma_start3A_67] : memref<524288x32xf32, #tpu.memory_space<hbm>> -> memref<2048x32xf32, #tpu.memory_space<hbm>>
      tpu.enqueue_dma source(%arg6 : memref<2048x32xf32, #tpu.memory_space<vmem>>) target(%dma_start3A_68 : memref<2048x32xf32, #tpu.memory_space<hbm>>) target_semaphore(%run_scoped3A : memref<!tpu.dma_semaphore, #tpu.memory_space<semaphore_mem>>)
      %dma_wait3A_69 = arith.constant 0 : i32
      %dma_wait3A_70 = tpu.memref_slice %arg4[%add3A_50, %dma_wait3A_69] : memref<524288x32xf32, #tpu.memory_space<hbm>> -> memref<2048x32xf32, #tpu.memory_space<hbm>>
      %dma_wait3A_71 = arith.constant 0 : i32
      %dma_wait3A_72 = tpu.memref_slice %arg4[%add3A_50, %dma_wait3A_71] : memref<524288x32xf32, #tpu.memory_space<hbm>> -> memref<2048x32xf32, #tpu.memory_space<hbm>>
      tpu.wait_dma2 semaphore(%run_scoped3A : memref<!tpu.dma_semaphore, #tpu.memory_space<semaphore_mem>>) src(%arg6 : memref<2048x32xf32, #tpu.memory_space<vmem>>) dst(%dma_wait3A_72 : memref<2048x32xf32, #tpu.memory_space<hbm>>)
      tpu.yield
    }) : () -> ()
    %add3A_57 = arith.constant 14336 : i32
    %add3A_58 = arith.addi %mul3A_2, %add3A_57 : i32
    "tpu.region"() ({
      %run_scoped3A = tpu.sem_alloc : memref<!tpu.dma_semaphore, #tpu.memory_space<semaphore_mem>>
      %dma_start3A_65 = tpu.memref_slice %arg2[%add3A_58] : memref<524288xi32, #tpu.memory_space<hbm>> -> memref<2048xi32, #tpu.memory_space<hbm>>
      %dma_start3A_66 = tpu.memref_slice %arg2[%add3A_58] : memref<524288xi32, #tpu.memory_space<hbm>> -> memref<2048xi32, #tpu.memory_space<hbm>>
      tpu.enqueue_dma source(%dma_start3A_66 : memref<2048xi32, #tpu.memory_space<hbm>>) target(%arg5 : memref<2048xi32, #tpu.memory_space<vmem>>) target_semaphore(%run_scoped3A : memref<!tpu.dma_semaphore, #tpu.memory_space<semaphore_mem>>)
      %dma_wait3A_67 = tpu.memref_slice %arg2[%add3A_58] : memref<524288xi32, #tpu.memory_space<hbm>> -> memref<2048xi32, #tpu.memory_space<hbm>>
      %dma_wait3A_68 = tpu.memref_slice %arg2[%add3A_58] : memref<524288xi32, #tpu.memory_space<hbm>> -> memref<2048xi32, #tpu.memory_space<hbm>>
      tpu.wait_dma2 semaphore(%run_scoped3A : memref<!tpu.dma_semaphore, #tpu.memory_space<semaphore_mem>>) src(%dma_wait3A_68 : memref<2048xi32, #tpu.memory_space<hbm>>) dst(%arg5 : memref<2048xi32, #tpu.memory_space<vmem>>)
      tpu.yield
    }) : () -> ()
    %dma_start3A_59 = arith.constant 0 : i32
    %dma_start3A_60 = arith.constant 0 : i32
    %dma_start3A_61 = tpu.memref_slice %arg3[%dma_start3A_59, %dma_start3A_60] : memref<100352x32xf32, #tpu.memory_space<hbm>> -> memref<100352x32xf32, #tpu.memory_space<hbm>>
    tpu.enqueue_indirect_dma source(%dma_start3A_61 : memref<100352x32xf32, #tpu.memory_space<hbm>>) target(%arg6 : memref<2048x32xf32, #tpu.memory_space<vmem>>) offsets(%arg5 : memref<2048xi32, #tpu.memory_space<vmem>>) semaphore(%arg7 : memref<!tpu.dma_semaphore, #tpu.memory_space<semaphore_mem>>)
    %dma_wait3A_62 = arith.constant 0 : i32
    %dma_wait3A_63 = arith.constant 0 : i32
    %dma_wait3A_64 = tpu.memref_slice %arg3[%dma_wait3A_62, %dma_wait3A_63] : memref<100352x32xf32, #tpu.memory_space<hbm>> -> memref<100352x32xf32, #tpu.memory_space<hbm>>
    tpu.wait_indirect_dma semaphore(%arg7 : memref<!tpu.dma_semaphore, #tpu.memory_space<semaphore_mem>>) src(%dma_wait3A_64 : memref<100352x32xf32, #tpu.memory_space<hbm>>) dst(%arg6 : memref<2048x32xf32, #tpu.memory_space<vmem>>)
    "tpu.region"() ({
      %run_scoped3A = tpu.sem_alloc : memref<!tpu.dma_semaphore, #tpu.memory_space<semaphore_mem>>
      %dma_start3A_65 = arith.constant 0 : i32
      %dma_start3A_66 = tpu.memref_slice %arg4[%add3A_58, %dma_start3A_65] : memref<524288x32xf32, #tpu.memory_space<hbm>> -> memref<2048x32xf32, #tpu.memory_space<hbm>>
      %dma_start3A_67 = arith.constant 0 : i32
      %dma_start3A_68 = tpu.memref_slice %arg4[%add3A_58, %dma_start3A_67] : memref<524288x32xf32, #tpu.memory_space<hbm>> -> memref<2048x32xf32, #tpu.memory_space<hbm>>
      tpu.enqueue_dma source(%arg6 : memref<2048x32xf32, #tpu.memory_space<vmem>>) target(%dma_start3A_68 : memref<2048x32xf32, #tpu.memory_space<hbm>>) target_semaphore(%run_scoped3A : memref<!tpu.dma_semaphore, #tpu.memory_space<semaphore_mem>>)
      %dma_wait3A_69 = arith.constant 0 : i32
      %dma_wait3A_70 = tpu.memref_slice %arg4[%add3A_58, %dma_wait3A_69] : memref<524288x32xf32, #tpu.memory_space<hbm>> -> memref<2048x32xf32, #tpu.memory_space<hbm>>
      %dma_wait3A_71 = arith.constant 0 : i32
      %dma_wait3A_72 = tpu.memref_slice %arg4[%add3A_58, %dma_wait3A_71] : memref<524288x32xf32, #tpu.memory_space<hbm>> -> memref<2048x32xf32, #tpu.memory_space<hbm>>
      tpu.wait_dma2 semaphore(%run_scoped3A : memref<!tpu.dma_semaphore, #tpu.memory_space<semaphore_mem>>) src(%arg6 : memref<2048x32xf32, #tpu.memory_space<vmem>>) dst(%dma_wait3A_72 : memref<2048x32xf32, #tpu.memory_space<hbm>>)
      tpu.yield
    }) : () -> ()
    return
  }
}

#map = affine_map<(d0, d1) -> (0)>
#map1 = affine_map<(d0, d1) -> (0, 0)>
module attributes {stable_mosaic.version = 14 : i64} {
  func.func @k(%arg0: i32, %arg1: i32, %arg2: memref<32768xi32, #tpu.memory_space<hbm>>, %arg3: memref<6272x16xf32, #tpu.memory_space<hbm>>, %arg4: memref<32768x16xf32, #tpu.memory_space<hbm>>, %arg5: memref<1024xi32, #tpu.memory_space<vmem>>, %arg6: memref<1024x16xf32, #tpu.memory_space<vmem>>, %arg7: memref<!tpu.dma_semaphore, #tpu.memory_space<semaphore_mem>>) attributes {dimension_semantics = [#tpu.dimension_semantics<core_parallel>, #tpu.dimension_semantics<subcore_parallel>], iteration_bounds = array<i64: 2, 16>, scalar_prefetch = 0 : i64, scratch_operands = 3 : i64, tpu.core_type = #tpu.core_type<sc_vector_subcore>, window_params = [{transform_indices = #map}, {transform_indices = #map1}, {transform_indices = #map1}]} {
    %mul3A = arith.constant 2 : i32
    %mul3A_0 = arith.muli %arg1, %mul3A : i32
    %add3A = arith.addi %mul3A_0, %arg0 : i32
    %mul3A_1 = arith.constant 1024 : i32
    %mul3A_2 = arith.muli %add3A, %mul3A_1 : i32
    %add3A_3 = arith.constant 0 : i32
    %add3A_4 = arith.addi %mul3A_2, %add3A_3 : i32
    "tpu.region"() ({
      %run_scoped3A = tpu.sem_alloc : memref<!tpu.dma_semaphore, #tpu.memory_space<semaphore_mem>>
      %dma_start3A_9 = tpu.memref_slice %arg2[%add3A_4] : memref<32768xi32, #tpu.memory_space<hbm>> -> memref<1024xi32, #tpu.memory_space<hbm>>
      %dma_start3A_10 = tpu.memref_slice %arg2[%add3A_4] : memref<32768xi32, #tpu.memory_space<hbm>> -> memref<1024xi32, #tpu.memory_space<hbm>>
      tpu.enqueue_dma source(%dma_start3A_10 : memref<1024xi32, #tpu.memory_space<hbm>>) target(%arg5 : memref<1024xi32, #tpu.memory_space<vmem>>) target_semaphore(%run_scoped3A : memref<!tpu.dma_semaphore, #tpu.memory_space<semaphore_mem>>)
      %dma_wait3A_11 = tpu.memref_slice %arg2[%add3A_4] : memref<32768xi32, #tpu.memory_space<hbm>> -> memref<1024xi32, #tpu.memory_space<hbm>>
      %dma_wait3A_12 = tpu.memref_slice %arg2[%add3A_4] : memref<32768xi32, #tpu.memory_space<hbm>> -> memref<1024xi32, #tpu.memory_space<hbm>>
      tpu.wait_dma2 semaphore(%run_scoped3A : memref<!tpu.dma_semaphore, #tpu.memory_space<semaphore_mem>>) src(%dma_wait3A_12 : memref<1024xi32, #tpu.memory_space<hbm>>) dst(%arg5 : memref<1024xi32, #tpu.memory_space<vmem>>)
      tpu.yield
    }) : () -> ()
    %dma_start3A = arith.constant 0 : i32
    %dma_start3A_5 = arith.constant 0 : i32
    %dma_start3A_6 = tpu.memref_slice %arg3[%dma_start3A, %dma_start3A_5] : memref<6272x16xf32, #tpu.memory_space<hbm>> -> memref<6272x16xf32, #tpu.memory_space<hbm>>
    tpu.enqueue_indirect_dma source(%dma_start3A_6 : memref<6272x16xf32, #tpu.memory_space<hbm>>) target(%arg6 : memref<1024x16xf32, #tpu.memory_space<vmem>>) offsets(%arg5 : memref<1024xi32, #tpu.memory_space<vmem>>) semaphore(%arg7 : memref<!tpu.dma_semaphore, #tpu.memory_space<semaphore_mem>>)
    %dma_wait3A = arith.constant 0 : i32
    %dma_wait3A_7 = arith.constant 0 : i32
    %dma_wait3A_8 = tpu.memref_slice %arg3[%dma_wait3A, %dma_wait3A_7] : memref<6272x16xf32, #tpu.memory_space<hbm>> -> memref<6272x16xf32, #tpu.memory_space<hbm>>
    tpu.wait_indirect_dma semaphore(%arg7 : memref<!tpu.dma_semaphore, #tpu.memory_space<semaphore_mem>>) src(%dma_wait3A_8 : memref<6272x16xf32, #tpu.memory_space<hbm>>) dst(%arg6 : memref<1024x16xf32, #tpu.memory_space<vmem>>)
    "tpu.region"() ({
      %run_scoped3A = tpu.sem_alloc : memref<!tpu.dma_semaphore, #tpu.memory_space<semaphore_mem>>
      %dma_start3A_9 = arith.constant 0 : i32
      %dma_start3A_10 = tpu.memref_slice %arg4[%add3A_4, %dma_start3A_9] : memref<32768x16xf32, #tpu.memory_space<hbm>> -> memref<1024x16xf32, #tpu.memory_space<hbm>>
      %dma_start3A_11 = arith.constant 0 : i32
      %dma_start3A_12 = tpu.memref_slice %arg4[%add3A_4, %dma_start3A_11] : memref<32768x16xf32, #tpu.memory_space<hbm>> -> memref<1024x16xf32, #tpu.memory_space<hbm>>
      tpu.enqueue_dma source(%arg6 : memref<1024x16xf32, #tpu.memory_space<vmem>>) target(%dma_start3A_12 : memref<1024x16xf32, #tpu.memory_space<hbm>>) target_semaphore(%run_scoped3A : memref<!tpu.dma_semaphore, #tpu.memory_space<semaphore_mem>>)
      %dma_wait3A_13 = arith.constant 0 : i32
      %dma_wait3A_14 = tpu.memref_slice %arg4[%add3A_4, %dma_wait3A_13] : memref<32768x16xf32, #tpu.memory_space<hbm>> -> memref<1024x16xf32, #tpu.memory_space<hbm>>
      %dma_wait3A_15 = arith.constant 0 : i32
      %dma_wait3A_16 = tpu.memref_slice %arg4[%add3A_4, %dma_wait3A_15] : memref<32768x16xf32, #tpu.memory_space<hbm>> -> memref<1024x16xf32, #tpu.memory_space<hbm>>
      tpu.wait_dma2 semaphore(%run_scoped3A : memref<!tpu.dma_semaphore, #tpu.memory_space<semaphore_mem>>) src(%arg6 : memref<1024x16xf32, #tpu.memory_space<vmem>>) dst(%dma_wait3A_16 : memref<1024x16xf32, #tpu.memory_space<hbm>>)
      tpu.yield
    }) : () -> ()
    return
  }
}

module attributes {stable_mosaic.version = 14 : i64} {
  func.func @_s0_body(%arg0: memref<1024x32xf32, #tpu.memory_space<vmem>>, %arg1: memref<1x1024xf32, #tpu.memory_space<vmem>>) attributes {dimension_semantics = [], scalar_prefetch = 0 : i64, scratch_operands = 0 : i64, tpu.core_type = #tpu.core_type<tc>} {
    %get3A = arith.constant 0 : index
    %get3A_0 = arith.constant 0 : index
    %get3A_1 = vector.load %arg0[%get3A, %get3A_0] : memref<1024x32xf32, #tpu.memory_space<vmem>>, vector<1024x32xf32>
    %mul3A = arith.mulf %get3A_1, %get3A_1 : vector<1024x32xf32>
    %reduce_sum3A = arith.constant dense<0.000000e+00> : vector<1024xf32>
    %reduce_sum3A_2 = vector.multi_reduction <add>, %mul3A, %reduce_sum3A [1] : vector<1024x32xf32> to vector<1024xf32>
    %broadcast_in_dim3A = vector.shape_cast %reduce_sum3A_2 : vector<1024xf32> to vector<1x1024xf32>
    %swap3A = arith.constant 0 : index
    %swap3A_3 = arith.constant 0 : index
    %swap3A_4 = vector.load %arg1[%swap3A, %swap3A_3] : memref<1x1024xf32, #tpu.memory_space<vmem>>, vector<1x1024xf32>
    tpu.vector_store %arg1[%swap3A, %swap3A_3], %broadcast_in_dim3A {strides = array<i32>} : memref<1x1024xf32, #tpu.memory_space<vmem>>, vector<1x1024xf32>,
    return
  }
}

module attributes {stable_mosaic.version = 14 : i64} {
  func.func @_s1_body(%arg0: i32, %arg1: memref<32x1024xf32, #tpu.memory_space<vmem>>, %arg2: memref<1x1024xf32, #tpu.memory_space<vmem>>, %arg3: memref<2048x32xf32, #tpu.memory_space<vmem>>, %arg4: memref<1x1024x128xf32, #tpu.memory_space<vmem>>, %arg5: memref<1x8x1024xf32, #tpu.memory_space<vmem>>, %arg6: memref<1x2048x1xf32, #tpu.memory_space<vmem>>) attributes {dimension_semantics = [#tpu.dimension_semantics<arbitrary>], iteration_bounds = array<i64: 49>, scalar_prefetch = 0 : i64, scratch_operands = 0 : i64, tpu.core_type = #tpu.core_type<tc>, window_params = [{pipeline_mode = #tpu.pipeline_mode<synchronous>, transform_indices = @transform_0, window_bounds = array<i64: 32, 1024>}, {pipeline_mode = #tpu.pipeline_mode<synchronous>, transform_indices = @transform_1, window_bounds = array<i64: 1, 1024>}, {transform_indices = @transform_2, window_bounds = array<i64: 2048, 32>}, {transform_indices = @transform_3, window_bounds = array<i64: 1, 1024, 128>}, {transform_indices = @transform_4, window_bounds = array<i64: 1, 8, 1024>}, {transform_indices = @transform_5, window_bounds = array<i64: 1, 2048, 1>}]} {
    %get3A = arith.constant 0 : index
    %get3A_0 = arith.constant 0 : index
    %get3A_1 = vector.load %arg1[%get3A, %get3A_0] : memref<32x1024xf32, #tpu.memory_space<vmem>>, vector<32x1024xf32>
    %get3A_2 = arith.constant 0 : index
    %get3A_3 = arith.constant 0 : index
    %get3A_4 = vector.load %arg2[%get3A_2, %get3A_3] : memref<1x1024xf32, #tpu.memory_space<vmem>>, vector<1x1024xf32>
    %get3A_5 = arith.constant 0 : index
    %get3A_6 = arith.constant 0 : index
    %get3A_7 = vector.load %arg3[%get3A_5, %get3A_6] : memref<2048x32xf32, #tpu.memory_space<vmem>>, vector<2048x32xf32>
    %mul3A = arith.mulf %get3A_7, %get3A_7 : vector<2048x32xf32>
    %reduce_sum3A = arith.constant dense<0.000000e+00> : vector<2048xf32>
    %reduce_sum3A_8 = vector.multi_reduction <add>, %mul3A, %reduce_sum3A [1] : vector<2048x32xf32> to vector<2048xf32>
    %broadcast_in_dim3A = vector.shape_cast %reduce_sum3A_8 : vector<2048xf32> to vector<2048x1xf32>
    %dot_general3A = arith.constant dense<0.000000e+00> : vector<2048x1024xf32>
    %dot_general3A_9 = tpu.matmul %get3A_7, %get3A_1, %dot_general3A {dimension_numbers = #tpu.dot_dimension_numbers<[1], [0], [0], [1], [0, 0, 1, 1], [], []>, transpose_lhs_hint = false} : vector<2048x32xf32>, vector<32x1024xf32>, vector<2048x1024xf32> -> vector<2048x1024xf32>
    %mul3A_10 = arith.constant 2.000000e+00 : f32
    %mul3A_11 = vector.broadcast %mul3A_10 : f32 to vector<2048x1024xf32>
    %mul3A_12 = arith.mulf %mul3A_11, %dot_general3A_9 : vector<2048x1024xf32>
    %sub3A = vector.broadcast %get3A_4 : vector<1x1024xf32> to vector<2048x1024xf32>
    %sub3A_13 = arith.subf %sub3A, %mul3A_12 : vector<2048x1024xf32>
    %add3A = vector.broadcast %broadcast_in_dim3A : vector<2048x1xf32> to vector<2048x1024xf32>
    %add3A_14 = arith.addf %sub3A_13, %add3A : vector<2048x1024xf32>
    %mul3A_15 = arith.constant 2048 : i32
    %mul3A_16 = arith.muli %arg0, %mul3A_15 : i32
    %iota3A = tpu.iota {dimensions = array<i32: 0>} : vector<2048x1xi32>
    %add3A_17 = vector.broadcast %mul3A_16 : i32 to vector<2048x1xi32>
    %add3A_18 = arith.addi %add3A_17, %iota3A : vector<2048x1xi32>
    %lt3A = arith.constant 100000 : i32
    %lt3A_19 = vector.broadcast %lt3A : i32 to vector<2048x1xi32>
    %lt3A_20 = arith.cmpi slt, %add3A_18, %lt3A_19 : vector<2048x1xi32>
    %jit3A = arith.constant 3.000000e+38 : f32
    %broadcast_in_dim3A_21 = vector.shape_cast %lt3A_20 : vector<2048x1xi1> to vector<2048x1xi1>
    %broadcast_in_dim3A_22 = vector.broadcast %broadcast_in_dim3A_21 : vector<2048x1xi1> to vector<2048x1024xi1>
    %broadcast_in_dim3A_23 = vector.broadcast %jit3A : f32 to vector<2048x1024xf32>
    %select_n3A = arith.select %broadcast_in_dim3A_22, %add3A_14, %broadcast_in_dim3A_23 : vector<2048x1024xi1>, vector<2048x1024xf32>
    %reshape3A = vector.shape_cast %select_n3A : vector<2048x1024xf32> to vector<128x16x1024xf32>
    %reduce_min3A = arith.constant dense<0x7F800000> : vector<128x1024xf32>
    %reduce_min3A_24 = vector.multi_reduction <minimumf>, %reshape3A, %reduce_min3A [1] : vector<128x16x1024xf32> to vector<128x1024xf32>
    %transpose3A = tpu.transpose %reduce_min3A_24, [1, 0] : vector<128x1024xf32> -> vector<1024x128xf32>
    %swap3A = arith.constant 0 : index
    %swap3A_25 = arith.constant 0 : index
    %swap3A_26 = arith.constant 0 : index
    %swap3A_27 = vector.load %arg4[%swap3A, %swap3A_25, %swap3A_26] : memref<1x1024x128xf32, #tpu.memory_space<vmem>>, vector<1x1024x128xf32>
    %swap3A_28 = vector.shape_cast %swap3A_27 : vector<1x1024x128xf32> to vector<1024x128xf32>
    %swap3A_29 = vector.shape_cast %transpose3A : vector<1024x128xf32> to vector<1x1024x128xf32>
    tpu.vector_store %arg4[%swap3A, %swap3A_25, %swap3A_26], %swap3A_29 {strides = array<i32>} : memref<1x1024x128xf32, #tpu.memory_space<vmem>>, vector<1x1024x128xf32>,
    %reshape3A_30 = vector.shape_cast %reduce_min3A_24 : vector<128x1024xf32> to vector<8x16x1024xf32>
    %reduce_min3A_31 = arith.constant dense<0x7F800000> : vector<8x1024xf32>
    %reduce_min3A_32 = vector.multi_reduction <minimumf>, %reshape3A_30, %reduce_min3A_31 [1] : vector<8x16x1024xf32> to vector<8x1024xf32>
    %swap3A_33 = arith.constant 0 : index
    %swap3A_34 = arith.constant 0 : index
    %swap3A_35 = arith.constant 0 : index
    %swap3A_36 = vector.load %arg5[%swap3A_33, %swap3A_34, %swap3A_35] : memref<1x8x1024xf32, #tpu.memory_space<vmem>>, vector<1x8x1024xf32>
    %swap3A_37 = vector.shape_cast %swap3A_36 : vector<1x8x1024xf32> to vector<8x1024xf32>
    %swap3A_38 = vector.shape_cast %reduce_min3A_32 : vector<8x1024xf32> to vector<1x8x1024xf32>
    tpu.vector_store %arg5[%swap3A_33, %swap3A_34, %swap3A_35], %swap3A_38 {strides = array<i32>} : memref<1x8x1024xf32, #tpu.memory_space<vmem>>, vector<1x8x1024xf32>,
    %swap3A_39 = arith.constant 0 : index
    %swap3A_40 = arith.constant 0 : index
    %swap3A_41 = arith.constant 0 : index
    %swap3A_42 = vector.load %arg6[%swap3A_39, %swap3A_40, %swap3A_41] : memref<1x2048x1xf32, #tpu.memory_space<vmem>>, vector<1x2048x1xf32>
    %swap3A_43 = vector.shape_cast %swap3A_42 : vector<1x2048x1xf32> to vector<2048x1xf32>
    %swap3A_44 = vector.shape_cast %broadcast_in_dim3A : vector<2048x1xf32> to vector<1x2048x1xf32>
    tpu.vector_store %arg6[%swap3A_39, %swap3A_40, %swap3A_41], %swap3A_44 {strides = array<i32>} : memref<1x2048x1xf32, #tpu.memory_space<vmem>>, vector<1x2048x1xf32>,
    return
  }
  func.func @transform_0(%arg0: i32) -> (i32, i32) {
    %c0_i32 = arith.constant 0 : i32
    %c0_i32_0 = arith.constant 0 : i32
    %c0_i32_1 = arith.constant 0 : i32
    return %c0_i32, %c0_i32_0 : i32, i32
  }
  func.func @transform_1(%arg0: i32) -> (i32, i32) {
    %c0_i32 = arith.constant 0 : i32
    %c0_i32_0 = arith.constant 0 : i32
    %c0_i32_1 = arith.constant 0 : i32
    return %c0_i32, %c0_i32_0 : i32, i32
  }
  func.func @transform_2(%arg0: i32) -> (i32, i32) {
    %c0_i32 = arith.constant 0 : i32
    %c0_i32_0 = arith.constant 0 : i32
    return %arg0, %c0_i32 : i32, i32
  }
  func.func @transform_3(%arg0: i32) -> (i32, i32, i32) {
    %c0_i32 = arith.constant 0 : i32
    %c0_i32_0 = arith.constant 0 : i32
    %c0_i32_1 = arith.constant 0 : i32
    return %arg0, %c0_i32, %c0_i32_0 : i32, i32, i32
  }
  func.func @transform_4(%arg0: i32) -> (i32, i32, i32) {
    %c0_i32 = arith.constant 0 : i32
    %c0_i32_0 = arith.constant 0 : i32
    %c0_i32_1 = arith.constant 0 : i32
    return %arg0, %c0_i32, %c0_i32_0 : i32, i32, i32
  }
  func.func @transform_5(%arg0: i32) -> (i32, i32, i32) {
    %c0_i32 = arith.constant 0 : i32
    %c0_i32_0 = arith.constant 0 : i32
    %c0_i32_1 = arith.constant 0 : i32
    return %arg0, %c0_i32, %c0_i32_0 : i32, i32, i32
  }
}

module attributes {stable_mosaic.version = 14 : i64} {
  func.func @_extract_body(%arg0: memref<392x1024xf32, #tpu.memory_space<vmem>>, %arg1: memref<392x1024xi32, #tpu.memory_space<vmem>>, %arg2: memref<32x1024xf32, #tpu.memory_space<vmem>>, %arg3: memref<32x1024xi32, #tpu.memory_space<vmem>>) attributes {dimension_semantics = [], scalar_prefetch = 0 : i64, scratch_operands = 0 : i64, tpu.core_type = #tpu.core_type<tc>} {
    %get3A = arith.constant 0 : index
    %get3A_0 = arith.constant 0 : index
    %get3A_1 = vector.load %arg0[%get3A, %get3A_0] : memref<392x1024xf32, #tpu.memory_space<vmem>>, vector<392x1024xf32>
    %get3A_2 = arith.constant 0 : index
    %get3A_3 = arith.constant 0 : index
    %get3A_4 = vector.load %arg1[%get3A_2, %get3A_3] : memref<392x1024xi32, #tpu.memory_space<vmem>>, vector<392x1024xi32>
    %reduce_min3A = arith.constant dense<0x7F800000> : vector<1024xf32>
    %reduce_min3A_5 = vector.multi_reduction <minimumf>, %get3A_1, %reduce_min3A [0] : vector<392x1024xf32> to vector<1024xf32>
    %broadcast_in_dim3A = vector.shape_cast %reduce_min3A_5 : vector<1024xf32> to vector<1x1024xf32>
    %eq3A = vector.broadcast %broadcast_in_dim3A : vector<1x1024xf32> to vector<392x1024xf32>
    %eq3A_6 = arith.cmpf oeq, %get3A_1, %eq3A : vector<392x1024xf32>
    %jit3A = arith.constant 2147483647 : i32
    %broadcast_in_dim3A_7 = vector.broadcast %jit3A : i32 to vector<392x1024xi32>
    %select_n3A = arith.select %eq3A_6, %get3A_4, %broadcast_in_dim3A_7 : vector<392x1024xi1>, vector<392x1024xi32>
    %reduce_min3A_8 = arith.constant dense<2147483647> : vector<1024xi32>
    %reduce_min3A_9 = vector.multi_reduction <minsi>, %select_n3A, %reduce_min3A_8 [0] : vector<392x1024xi32> to vector<1024xi32>
    %swap3A = arith.constant 0 : index
    %swap3A_10 = arith.constant 0 : index
    %swap3A_11 = vector.load %arg2[%swap3A, %swap3A_10] : memref<32x1024xf32, #tpu.memory_space<vmem>>, vector<1x1024xf32>
    %swap3A_12 = vector.shape_cast %swap3A_11 : vector<1x1024xf32> to vector<1024xf32>
    %swap3A_13 = vector.shape_cast %reduce_min3A_5 : vector<1024xf32> to vector<1x1024xf32>
    tpu.vector_store %arg2[%swap3A, %swap3A_10], %swap3A_13 {strides = array<i32>} : memref<32x1024xf32, #tpu.memory_space<vmem>>, vector<1x1024xf32>,
    %swap3A_14 = arith.constant 0 : index
    %swap3A_15 = arith.constant 0 : index
    %swap3A_16 = vector.load %arg3[%swap3A_14, %swap3A_15] : memref<32x1024xi32, #tpu.memory_space<vmem>>, vector<1x1024xi32>
    %swap3A_17 = vector.shape_cast %swap3A_16 : vector<1x1024xi32> to vector<1024xi32>
    %swap3A_18 = vector.shape_cast %reduce_min3A_9 : vector<1024xi32> to vector<1x1024xi32>
    tpu.vector_store %arg3[%swap3A_14, %swap3A_15], %swap3A_18 {strides = array<i32>} : memref<32x1024xi32, #tpu.memory_space<vmem>>, vector<1x1024xi32>,
    %broadcast_in_dim3A_19 = vector.shape_cast %reduce_min3A_9 : vector<1024xi32> to vector<1x1024xi32>
    %eq3A_20 = vector.broadcast %broadcast_in_dim3A_19 : vector<1x1024xi32> to vector<392x1024xi32>
    %eq3A_21 = arith.cmpi eq, %get3A_4, %eq3A_20 : vector<392x1024xi32>
    %and3A = arith.andi %eq3A_6, %eq3A_21 : vector<392x1024xi1>
    %jit3A_22 = arith.constant 3.000000e+38 : f32
    %broadcast_in_dim3A_23 = vector.broadcast %jit3A_22 : f32 to vector<392x1024xf32>
    %select_n3A_24 = arith.select %and3A, %broadcast_in_dim3A_23, %get3A_1 : vector<392x1024xi1>, vector<392x1024xf32>
    %reduce_min3A_25 = arith.constant dense<0x7F800000> : vector<1024xf32>
    %reduce_min3A_26 = vector.multi_reduction <minimumf>, %select_n3A_24, %reduce_min3A_25 [0] : vector<392x1024xf32> to vector<1024xf32>
    %broadcast_in_dim3A_27 = vector.shape_cast %reduce_min3A_26 : vector<1024xf32> to vector<1x1024xf32>
    %eq3A_28 = vector.broadcast %broadcast_in_dim3A_27 : vector<1x1024xf32> to vector<392x1024xf32>
    %eq3A_29 = arith.cmpf oeq, %select_n3A_24, %eq3A_28 : vector<392x1024xf32>
    %jit3A_30 = arith.constant 2147483647 : i32
    %broadcast_in_dim3A_31 = vector.broadcast %jit3A_30 : i32 to vector<392x1024xi32>
    %select_n3A_32 = arith.select %eq3A_29, %get3A_4, %broadcast_in_dim3A_31 : vector<392x1024xi1>, vector<392x1024xi32>
    %reduce_min3A_33 = arith.constant dense<2147483647> : vector<1024xi32>
    %reduce_min3A_34 = vector.multi_reduction <minsi>, %select_n3A_32, %reduce_min3A_33 [0] : vector<392x1024xi32> to vector<1024xi32>
    %swap3A_35 = arith.constant 1 : index
    %swap3A_36 = arith.constant 0 : index
    %swap3A_37 = vector.load %arg2[%swap3A_35, %swap3A_36] : memref<32x1024xf32, #tpu.memory_space<vmem>>, vector<1x1024xf32>
    %swap3A_38 = vector.shape_cast %swap3A_37 : vector<1x1024xf32> to vector<1024xf32>
    %swap3A_39 = vector.shape_cast %reduce_min3A_26 : vector<1024xf32> to vector<1x1024xf32>
    tpu.vector_store %arg2[%swap3A_35, %swap3A_36], %swap3A_39 {strides = array<i32>} : memref<32x1024xf32, #tpu.memory_space<vmem>>, vector<1x1024xf32>,
    %swap3A_40 = arith.constant 1 : index
    %swap3A_41 = arith.constant 0 : index
    %swap3A_42 = vector.load %arg3[%swap3A_40, %swap3A_41] : memref<32x1024xi32, #tpu.memory_space<vmem>>, vector<1x1024xi32>
    %swap3A_43 = vector.shape_cast %swap3A_42 : vector<1x1024xi32> to vector<1024xi32>
    %swap3A_44 = vector.shape_cast %reduce_min3A_34 : vector<1024xi32> to vector<1x1024xi32>
    tpu.vector_store %arg3[%swap3A_40, %swap3A_41], %swap3A_44 {strides = array<i32>} : memref<32x1024xi32, #tpu.memory_space<vmem>>, vector<1x1024xi32>,
    %broadcast_in_dim3A_45 = vector.shape_cast %reduce_min3A_34 : vector<1024xi32> to vector<1x1024xi32>
    %eq3A_46 = vector.broadcast %broadcast_in_dim3A_45 : vector<1x1024xi32> to vector<392x1024xi32>
    %eq3A_47 = arith.cmpi eq, %get3A_4, %eq3A_46 : vector<392x1024xi32>
    %and3A_48 = arith.andi %eq3A_29, %eq3A_47 : vector<392x1024xi1>
    %jit3A_49 = arith.constant 3.000000e+38 : f32
    %broadcast_in_dim3A_50 = vector.broadcast %jit3A_49 : f32 to vector<392x1024xf32>
    %select_n3A_51 = arith.select %and3A_48, %broadcast_in_dim3A_50, %select_n3A_24 : vector<392x1024xi1>, vector<392x1024xf32>
    %reduce_min3A_52 = arith.constant dense<0x7F800000> : vector<1024xf32>
    %reduce_min3A_53 = vector.multi_reduction <minimumf>, %select_n3A_51, %reduce_min3A_52 [0] : vector<392x1024xf32> to vector<1024xf32>
    %broadcast_in_dim3A_54 = vector.shape_cast %reduce_min3A_53 : vector<1024xf32> to vector<1x1024xf32>
    %eq3A_55 = vector.broadcast %broadcast_in_dim3A_54 : vector<1x1024xf32> to vector<392x1024xf32>
    %eq3A_56 = arith.cmpf oeq, %select_n3A_51, %eq3A_55 : vector<392x1024xf32>
    %jit3A_57 = arith.constant 2147483647 : i32
    %broadcast_in_dim3A_58 = vector.broadcast %jit3A_57 : i32 to vector<392x1024xi32>
    %select_n3A_59 = arith.select %eq3A_56, %get3A_4, %broadcast_in_dim3A_58 : vector<392x1024xi1>, vector<392x1024xi32>
    %reduce_min3A_60 = arith.constant dense<2147483647> : vector<1024xi32>
    %reduce_min3A_61 = vector.multi_reduction <minsi>, %select_n3A_59, %reduce_min3A_60 [0] : vector<392x1024xi32> to vector<1024xi32>
    %swap3A_62 = arith.constant 2 : index
    %swap3A_63 = arith.constant 0 : index
    %swap3A_64 = vector.load %arg2[%swap3A_62, %swap3A_63] : memref<32x1024xf32, #tpu.memory_space<vmem>>, vector<1x1024xf32>
    %swap3A_65 = vector.shape_cast %swap3A_64 : vector<1x1024xf32> to vector<1024xf32>
    %swap3A_66 = vector.shape_cast %reduce_min3A_53 : vector<1024xf32> to vector<1x1024xf32>
    tpu.vector_store %arg2[%swap3A_62, %swap3A_63], %swap3A_66 {strides = array<i32>} : memref<32x1024xf32, #tpu.memory_space<vmem>>, vector<1x1024xf32>,
    %swap3A_67 = arith.constant 2 : index
    %swap3A_68 = arith.constant 0 : index
    %swap3A_69 = vector.load %arg3[%swap3A_67, %swap3A_68] : memref<32x1024xi32, #tpu.memory_space<vmem>>, vector<1x1024xi32>
    %swap3A_70 = vector.shape_cast %swap3A_69 : vector<1x1024xi32> to vector<1024xi32>
    %swap3A_71 = vector.shape_cast %reduce_min3A_61 : vector<1024xi32> to vector<1x1024xi32>
    tpu.vector_store %arg3[%swap3A_67, %swap3A_68], %swap3A_71 {strides = array<i32>} : memref<32x1024xi32, #tpu.memory_space<vmem>>, vector<1x1024xi32>,
    %broadcast_in_dim3A_72 = vector.shape_cast %reduce_min3A_61 : vector<1024xi32> to vector<1x1024xi32>
    %eq3A_73 = vector.broadcast %broadcast_in_dim3A_72 : vector<1x1024xi32> to vector<392x1024xi32>
    %eq3A_74 = arith.cmpi eq, %get3A_4, %eq3A_73 : vector<392x1024xi32>
    %and3A_75 = arith.andi %eq3A_56, %eq3A_74 : vector<392x1024xi1>
    %jit3A_76 = arith.constant 3.000000e+38 : f32
    %broadcast_in_dim3A_77 = vector.broadcast %jit3A_76 : f32 to vector<392x1024xf32>
    %select_n3A_78 = arith.select %and3A_75, %broadcast_in_dim3A_77, %select_n3A_51 : vector<392x1024xi1>, vector<392x1024xf32>
    %reduce_min3A_79 = arith.constant dense<0x7F800000> : vector<1024xf32>
    %reduce_min3A_80 = vector.multi_reduction <minimumf>, %select_n3A_78, %reduce_min3A_79 [0] : vector<392x1024xf32> to vector<1024xf32>
    %broadcast_in_dim3A_81 = vector.shape_cast %reduce_min3A_80 : vector<1024xf32> to vector<1x1024xf32>
    %eq3A_82 = vector.broadcast %broadcast_in_dim3A_81 : vector<1x1024xf32> to vector<392x1024xf32>
    %eq3A_83 = arith.cmpf oeq, %select_n3A_78, %eq3A_82 : vector<392x1024xf32>
    %jit3A_84 = arith.constant 2147483647 : i32
    %broadcast_in_dim3A_85 = vector.broadcast %jit3A_84 : i32 to vector<392x1024xi32>
    %select_n3A_86 = arith.select %eq3A_83, %get3A_4, %broadcast_in_dim3A_85 : vector<392x1024xi1>, vector<392x1024xi32>
    %reduce_min3A_87 = arith.constant dense<2147483647> : vector<1024xi32>
    %reduce_min3A_88 = vector.multi_reduction <minsi>, %select_n3A_86, %reduce_min3A_87 [0] : vector<392x1024xi32> to vector<1024xi32>
    %swap3A_89 = arith.constant 3 : index
    %swap3A_90 = arith.constant 0 : index
    %swap3A_91 = vector.load %arg2[%swap3A_89, %swap3A_90] : memref<32x1024xf32, #tpu.memory_space<vmem>>, vector<1x1024xf32>
    %swap3A_92 = vector.shape_cast %swap3A_91 : vector<1x1024xf32> to vector<1024xf32>
    %swap3A_93 = vector.shape_cast %reduce_min3A_80 : vector<1024xf32> to vector<1x1024xf32>
    tpu.vector_store %arg2[%swap3A_89, %swap3A_90], %swap3A_93 {strides = array<i32>} : memref<32x1024xf32, #tpu.memory_space<vmem>>, vector<1x1024xf32>,
    %swap3A_94 = arith.constant 3 : index
    %swap3A_95 = arith.constant 0 : index
    %swap3A_96 = vector.load %arg3[%swap3A_94, %swap3A_95] : memref<32x1024xi32, #tpu.memory_space<vmem>>, vector<1x1024xi32>
    %swap3A_97 = vector.shape_cast %swap3A_96 : vector<1x1024xi32> to vector<1024xi32>
    %swap3A_98 = vector.shape_cast %reduce_min3A_88 : vector<1024xi32> to vector<1x1024xi32>
    tpu.vector_store %arg3[%swap3A_94, %swap3A_95], %swap3A_98 {strides = array<i32>} : memref<32x1024xi32, #tpu.memory_space<vmem>>, vector<1x1024xi32>,
    %broadcast_in_dim3A_99 = vector.shape_cast %reduce_min3A_88 : vector<1024xi32> to vector<1x1024xi32>
    %eq3A_100 = vector.broadcast %broadcast_in_dim3A_99 : vector<1x1024xi32> to vector<392x1024xi32>
    %eq3A_101 = arith.cmpi eq, %get3A_4, %eq3A_100 : vector<392x1024xi32>
    %and3A_102 = arith.andi %eq3A_83, %eq3A_101 : vector<392x1024xi1>
    %jit3A_103 = arith.constant 3.000000e+38 : f32
    %broadcast_in_dim3A_104 = vector.broadcast %jit3A_103 : f32 to vector<392x1024xf32>
    %select_n3A_105 = arith.select %and3A_102, %broadcast_in_dim3A_104, %select_n3A_78 : vector<392x1024xi1>, vector<392x1024xf32>
    %reduce_min3A_106 = arith.constant dense<0x7F800000> : vector<1024xf32>
    %reduce_min3A_107 = vector.multi_reduction <minimumf>, %select_n3A_105, %reduce_min3A_106 [0] : vector<392x1024xf32> to vector<1024xf32>
    %broadcast_in_dim3A_108 = vector.shape_cast %reduce_min3A_107 : vector<1024xf32> to vector<1x1024xf32>
    %eq3A_109 = vector.broadcast %broadcast_in_dim3A_108 : vector<1x1024xf32> to vector<392x1024xf32>
    %eq3A_110 = arith.cmpf oeq, %select_n3A_105, %eq3A_109 : vector<392x1024xf32>
    %jit3A_111 = arith.constant 2147483647 : i32
    %broadcast_in_dim3A_112 = vector.broadcast %jit3A_111 : i32 to vector<392x1024xi32>
    %select_n3A_113 = arith.select %eq3A_110, %get3A_4, %broadcast_in_dim3A_112 : vector<392x1024xi1>, vector<392x1024xi32>
    %reduce_min3A_114 = arith.constant dense<2147483647> : vector<1024xi32>
    %reduce_min3A_115 = vector.multi_reduction <minsi>, %select_n3A_113, %reduce_min3A_114 [0] : vector<392x1024xi32> to vector<1024xi32>
    %swap3A_116 = arith.constant 4 : index
    %swap3A_117 = arith.constant 0 : index
    %swap3A_118 = vector.load %arg2[%swap3A_116, %swap3A_117] : memref<32x1024xf32, #tpu.memory_space<vmem>>, vector<1x1024xf32>
    %swap3A_119 = vector.shape_cast %swap3A_118 : vector<1x1024xf32> to vector<1024xf32>
    %swap3A_120 = vector.shape_cast %reduce_min3A_107 : vector<1024xf32> to vector<1x1024xf32>
    tpu.vector_store %arg2[%swap3A_116, %swap3A_117], %swap3A_120 {strides = array<i32>} : memref<32x1024xf32, #tpu.memory_space<vmem>>, vector<1x1024xf32>,
    %swap3A_121 = arith.constant 4 : index
    %swap3A_122 = arith.constant 0 : index
    %swap3A_123 = vector.load %arg3[%swap3A_121, %swap3A_122] : memref<32x1024xi32, #tpu.memory_space<vmem>>, vector<1x1024xi32>
    %swap3A_124 = vector.shape_cast %swap3A_123 : vector<1x1024xi32> to vector<1024xi32>
    %swap3A_125 = vector.shape_cast %reduce_min3A_115 : vector<1024xi32> to vector<1x1024xi32>
    tpu.vector_store %arg3[%swap3A_121, %swap3A_122], %swap3A_125 {strides = array<i32>} : memref<32x1024xi32, #tpu.memory_space<vmem>>, vector<1x1024xi32>,
    %broadcast_in_dim3A_126 = vector.shape_cast %reduce_min3A_115 : vector<1024xi32> to vector<1x1024xi32>
    %eq3A_127 = vector.broadcast %broadcast_in_dim3A_126 : vector<1x1024xi32> to vector<392x1024xi32>
    %eq3A_128 = arith.cmpi eq, %get3A_4, %eq3A_127 : vector<392x1024xi32>
    %and3A_129 = arith.andi %eq3A_110, %eq3A_128 : vector<392x1024xi1>
    %jit3A_130 = arith.constant 3.000000e+38 : f32
    %broadcast_in_dim3A_131 = vector.broadcast %jit3A_130 : f32 to vector<392x1024xf32>
    %select_n3A_132 = arith.select %and3A_129, %broadcast_in_dim3A_131, %select_n3A_105 : vector<392x1024xi1>, vector<392x1024xf32>
    %reduce_min3A_133 = arith.constant dense<0x7F800000> : vector<1024xf32>
    %reduce_min3A_134 = vector.multi_reduction <minimumf>, %select_n3A_132, %reduce_min3A_133 [0] : vector<392x1024xf32> to vector<1024xf32>
    %broadcast_in_dim3A_135 = vector.shape_cast %reduce_min3A_134 : vector<1024xf32> to vector<1x1024xf32>
    %eq3A_136 = vector.broadcast %broadcast_in_dim3A_135 : vector<1x1024xf32> to vector<392x1024xf32>
    %eq3A_137 = arith.cmpf oeq, %select_n3A_132, %eq3A_136 : vector<392x1024xf32>
    %jit3A_138 = arith.constant 2147483647 : i32
    %broadcast_in_dim3A_139 = vector.broadcast %jit3A_138 : i32 to vector<392x1024xi32>
    %select_n3A_140 = arith.select %eq3A_137, %get3A_4, %broadcast_in_dim3A_139 : vector<392x1024xi1>, vector<392x1024xi32>
    %reduce_min3A_141 = arith.constant dense<2147483647> : vector<1024xi32>
    %reduce_min3A_142 = vector.multi_reduction <minsi>, %select_n3A_140, %reduce_min3A_141 [0] : vector<392x1024xi32> to vector<1024xi32>
    %swap3A_143 = arith.constant 5 : index
    %swap3A_144 = arith.constant 0 : index
    %swap3A_145 = vector.load %arg2[%swap3A_143, %swap3A_144] : memref<32x1024xf32, #tpu.memory_space<vmem>>, vector<1x1024xf32>
    %swap3A_146 = vector.shape_cast %swap3A_145 : vector<1x1024xf32> to vector<1024xf32>
    %swap3A_147 = vector.shape_cast %reduce_min3A_134 : vector<1024xf32> to vector<1x1024xf32>
    tpu.vector_store %arg2[%swap3A_143, %swap3A_144], %swap3A_147 {strides = array<i32>} : memref<32x1024xf32, #tpu.memory_space<vmem>>, vector<1x1024xf32>,
    %swap3A_148 = arith.constant 5 : index
    %swap3A_149 = arith.constant 0 : index
    %swap3A_150 = vector.load %arg3[%swap3A_148, %swap3A_149] : memref<32x1024xi32, #tpu.memory_space<vmem>>, vector<1x1024xi32>
    %swap3A_151 = vector.shape_cast %swap3A_150 : vector<1x1024xi32> to vector<1024xi32>
    %swap3A_152 = vector.shape_cast %reduce_min3A_142 : vector<1024xi32> to vector<1x1024xi32>
    tpu.vector_store %arg3[%swap3A_148, %swap3A_149], %swap3A_152 {strides = array<i32>} : memref<32x1024xi32, #tpu.memory_space<vmem>>, vector<1x1024xi32>,
    %broadcast_in_dim3A_153 = vector.shape_cast %reduce_min3A_142 : vector<1024xi32> to vector<1x1024xi32>
    %eq3A_154 = vector.broadcast %broadcast_in_dim3A_153 : vector<1x1024xi32> to vector<392x1024xi32>
    %eq3A_155 = arith.cmpi eq, %get3A_4, %eq3A_154 : vector<392x1024xi32>
    %and3A_156 = arith.andi %eq3A_137, %eq3A_155 : vector<392x1024xi1>
    %jit3A_157 = arith.constant 3.000000e+38 : f32
    %broadcast_in_dim3A_158 = vector.broadcast %jit3A_157 : f32 to vector<392x1024xf32>
    %select_n3A_159 = arith.select %and3A_156, %broadcast_in_dim3A_158, %select_n3A_132 : vector<392x1024xi1>, vector<392x1024xf32>
    %reduce_min3A_160 = arith.constant dense<0x7F800000> : vector<1024xf32>
    %reduce_min3A_161 = vector.multi_reduction <minimumf>, %select_n3A_159, %reduce_min3A_160 [0] : vector<392x1024xf32> to vector<1024xf32>
    %broadcast_in_dim3A_162 = vector.shape_cast %reduce_min3A_161 : vector<1024xf32> to vector<1x1024xf32>
    %eq3A_163 = vector.broadcast %broadcast_in_dim3A_162 : vector<1x1024xf32> to vector<392x1024xf32>
    %eq3A_164 = arith.cmpf oeq, %select_n3A_159, %eq3A_163 : vector<392x1024xf32>
    %jit3A_165 = arith.constant 2147483647 : i32
    %broadcast_in_dim3A_166 = vector.broadcast %jit3A_165 : i32 to vector<392x1024xi32>
    %select_n3A_167 = arith.select %eq3A_164, %get3A_4, %broadcast_in_dim3A_166 : vector<392x1024xi1>, vector<392x1024xi32>
    %reduce_min3A_168 = arith.constant dense<2147483647> : vector<1024xi32>
    %reduce_min3A_169 = vector.multi_reduction <minsi>, %select_n3A_167, %reduce_min3A_168 [0] : vector<392x1024xi32> to vector<1024xi32>
    %swap3A_170 = arith.constant 6 : index
    %swap3A_171 = arith.constant 0 : index
    %swap3A_172 = vector.load %arg2[%swap3A_170, %swap3A_171] : memref<32x1024xf32, #tpu.memory_space<vmem>>, vector<1x1024xf32>
    %swap3A_173 = vector.shape_cast %swap3A_172 : vector<1x1024xf32> to vector<1024xf32>
    %swap3A_174 = vector.shape_cast %reduce_min3A_161 : vector<1024xf32> to vector<1x1024xf32>
    tpu.vector_store %arg2[%swap3A_170, %swap3A_171], %swap3A_174 {strides = array<i32>} : memref<32x1024xf32, #tpu.memory_space<vmem>>, vector<1x1024xf32>,
    %swap3A_175 = arith.constant 6 : index
    %swap3A_176 = arith.constant 0 : index
    %swap3A_177 = vector.load %arg3[%swap3A_175, %swap3A_176] : memref<32x1024xi32, #tpu.memory_space<vmem>>, vector<1x1024xi32>
    %swap3A_178 = vector.shape_cast %swap3A_177 : vector<1x1024xi32> to vector<1024xi32>
    %swap3A_179 = vector.shape_cast %reduce_min3A_169 : vector<1024xi32> to vector<1x1024xi32>
    tpu.vector_store %arg3[%swap3A_175, %swap3A_176], %swap3A_179 {strides = array<i32>} : memref<32x1024xi32, #tpu.memory_space<vmem>>, vector<1x1024xi32>,
    %broadcast_in_dim3A_180 = vector.shape_cast %reduce_min3A_169 : vector<1024xi32> to vector<1x1024xi32>
    %eq3A_181 = vector.broadcast %broadcast_in_dim3A_180 : vector<1x1024xi32> to vector<392x1024xi32>
    %eq3A_182 = arith.cmpi eq, %get3A_4, %eq3A_181 : vector<392x1024xi32>
    %and3A_183 = arith.andi %eq3A_164, %eq3A_182 : vector<392x1024xi1>
    %jit3A_184 = arith.constant 3.000000e+38 : f32
    %broadcast_in_dim3A_185 = vector.broadcast %jit3A_184 : f32 to vector<392x1024xf32>
    %select_n3A_186 = arith.select %and3A_183, %broadcast_in_dim3A_185, %select_n3A_159 : vector<392x1024xi1>, vector<392x1024xf32>
    %reduce_min3A_187 = arith.constant dense<0x7F800000> : vector<1024xf32>
    %reduce_min3A_188 = vector.multi_reduction <minimumf>, %select_n3A_186, %reduce_min3A_187 [0] : vector<392x1024xf32> to vector<1024xf32>
    %broadcast_in_dim3A_189 = vector.shape_cast %reduce_min3A_188 : vector<1024xf32> to vector<1x1024xf32>
    %eq3A_190 = vector.broadcast %broadcast_in_dim3A_189 : vector<1x1024xf32> to vector<392x1024xf32>
    %eq3A_191 = arith.cmpf oeq, %select_n3A_186, %eq3A_190 : vector<392x1024xf32>
    %jit3A_192 = arith.constant 2147483647 : i32
    %broadcast_in_dim3A_193 = vector.broadcast %jit3A_192 : i32 to vector<392x1024xi32>
    %select_n3A_194 = arith.select %eq3A_191, %get3A_4, %broadcast_in_dim3A_193 : vector<392x1024xi1>, vector<392x1024xi32>
    %reduce_min3A_195 = arith.constant dense<2147483647> : vector<1024xi32>
    %reduce_min3A_196 = vector.multi_reduction <minsi>, %select_n3A_194, %reduce_min3A_195 [0] : vector<392x1024xi32> to vector<1024xi32>
    %swap3A_197 = arith.constant 7 : index
    %swap3A_198 = arith.constant 0 : index
    %swap3A_199 = vector.load %arg2[%swap3A_197, %swap3A_198] : memref<32x1024xf32, #tpu.memory_space<vmem>>, vector<1x1024xf32>
    %swap3A_200 = vector.shape_cast %swap3A_199 : vector<1x1024xf32> to vector<1024xf32>
    %swap3A_201 = vector.shape_cast %reduce_min3A_188 : vector<1024xf32> to vector<1x1024xf32>
    tpu.vector_store %arg2[%swap3A_197, %swap3A_198], %swap3A_201 {strides = array<i32>} : memref<32x1024xf32, #tpu.memory_space<vmem>>, vector<1x1024xf32>,
    %swap3A_202 = arith.constant 7 : index
    %swap3A_203 = arith.constant 0 : index
    %swap3A_204 = vector.load %arg3[%swap3A_202, %swap3A_203] : memref<32x1024xi32, #tpu.memory_space<vmem>>, vector<1x1024xi32>
    %swap3A_205 = vector.shape_cast %swap3A_204 : vector<1x1024xi32> to vector<1024xi32>
    %swap3A_206 = vector.shape_cast %reduce_min3A_196 : vector<1024xi32> to vector<1x1024xi32>
    tpu.vector_store %arg3[%swap3A_202, %swap3A_203], %swap3A_206 {strides = array<i32>} : memref<32x1024xi32, #tpu.memory_space<vmem>>, vector<1x1024xi32>,
    %broadcast_in_dim3A_207 = vector.shape_cast %reduce_min3A_196 : vector<1024xi32> to vector<1x1024xi32>
    %eq3A_208 = vector.broadcast %broadcast_in_dim3A_207 : vector<1x1024xi32> to vector<392x1024xi32>
    %eq3A_209 = arith.cmpi eq, %get3A_4, %eq3A_208 : vector<392x1024xi32>
    %and3A_210 = arith.andi %eq3A_191, %eq3A_209 : vector<392x1024xi1>
    %jit3A_211 = arith.constant 3.000000e+38 : f32
    %broadcast_in_dim3A_212 = vector.broadcast %jit3A_211 : f32 to vector<392x1024xf32>
    %select_n3A_213 = arith.select %and3A_210, %broadcast_in_dim3A_212, %select_n3A_186 : vector<392x1024xi1>, vector<392x1024xf32>
    %reduce_min3A_214 = arith.constant dense<0x7F800000> : vector<1024xf32>
    %reduce_min3A_215 = vector.multi_reduction <minimumf>, %select_n3A_213, %reduce_min3A_214 [0] : vector<392x1024xf32> to vector<1024xf32>
    %broadcast_in_dim3A_216 = vector.shape_cast %reduce_min3A_215 : vector<1024xf32> to vector<1x1024xf32>
    %eq3A_217 = vector.broadcast %broadcast_in_dim3A_216 : vector<1x1024xf32> to vector<392x1024xf32>
    %eq3A_218 = arith.cmpf oeq, %select_n3A_213, %eq3A_217 : vector<392x1024xf32>
    %jit3A_219 = arith.constant 2147483647 : i32
    %broadcast_in_dim3A_220 = vector.broadcast %jit3A_219 : i32 to vector<392x1024xi32>
    %select_n3A_221 = arith.select %eq3A_218, %get3A_4, %broadcast_in_dim3A_220 : vector<392x1024xi1>, vector<392x1024xi32>
    %reduce_min3A_222 = arith.constant dense<2147483647> : vector<1024xi32>
    %reduce_min3A_223 = vector.multi_reduction <minsi>, %select_n3A_221, %reduce_min3A_222 [0] : vector<392x1024xi32> to vector<1024xi32>
    %swap3A_224 = arith.constant 8 : index
    %swap3A_225 = arith.constant 0 : index
    %swap3A_226 = vector.load %arg2[%swap3A_224, %swap3A_225] : memref<32x1024xf32, #tpu.memory_space<vmem>>, vector<1x1024xf32>
    %swap3A_227 = vector.shape_cast %swap3A_226 : vector<1x1024xf32> to vector<1024xf32>
    %swap3A_228 = vector.shape_cast %reduce_min3A_215 : vector<1024xf32> to vector<1x1024xf32>
    tpu.vector_store %arg2[%swap3A_224, %swap3A_225], %swap3A_228 {strides = array<i32>} : memref<32x1024xf32, #tpu.memory_space<vmem>>, vector<1x1024xf32>,
    %swap3A_229 = arith.constant 8 : index
    %swap3A_230 = arith.constant 0 : index
    %swap3A_231 = vector.load %arg3[%swap3A_229, %swap3A_230] : memref<32x1024xi32, #tpu.memory_space<vmem>>, vector<1x1024xi32>
    %swap3A_232 = vector.shape_cast %swap3A_231 : vector<1x1024xi32> to vector<1024xi32>
    %swap3A_233 = vector.shape_cast %reduce_min3A_223 : vector<1024xi32> to vector<1x1024xi32>
    tpu.vector_store %arg3[%swap3A_229, %swap3A_230], %swap3A_233 {strides = array<i32>} : memref<32x1024xi32, #tpu.memory_space<vmem>>, vector<1x1024xi32>,
    %broadcast_in_dim3A_234 = vector.shape_cast %reduce_min3A_223 : vector<1024xi32> to vector<1x1024xi32>
    %eq3A_235 = vector.broadcast %broadcast_in_dim3A_234 : vector<1x1024xi32> to vector<392x1024xi32>
    %eq3A_236 = arith.cmpi eq, %get3A_4, %eq3A_235 : vector<392x1024xi32>
    %and3A_237 = arith.andi %eq3A_218, %eq3A_236 : vector<392x1024xi1>
    %jit3A_238 = arith.constant 3.000000e+38 : f32
    %broadcast_in_dim3A_239 = vector.broadcast %jit3A_238 : f32 to vector<392x1024xf32>
    %select_n3A_240 = arith.select %and3A_237, %broadcast_in_dim3A_239, %select_n3A_213 : vector<392x1024xi1>, vector<392x1024xf32>
    %reduce_min3A_241 = arith.constant dense<0x7F800000> : vector<1024xf32>
    %reduce_min3A_242 = vector.multi_reduction <minimumf>, %select_n3A_240, %reduce_min3A_241 [0] : vector<392x1024xf32> to vector<1024xf32>
    %broadcast_in_dim3A_243 = vector.shape_cast %reduce_min3A_242 : vector<1024xf32> to vector<1x1024xf32>
    %eq3A_244 = vector.broadcast %broadcast_in_dim3A_243 : vector<1x1024xf32> to vector<392x1024xf32>
    %eq3A_245 = arith.cmpf oeq, %select_n3A_240, %eq3A_244 : vector<392x1024xf32>
    %jit3A_246 = arith.constant 2147483647 : i32
    %broadcast_in_dim3A_247 = vector.broadcast %jit3A_246 : i32 to vector<392x1024xi32>
    %select_n3A_248 = arith.select %eq3A_245, %get3A_4, %broadcast_in_dim3A_247 : vector<392x1024xi1>, vector<392x1024xi32>
    %reduce_min3A_249 = arith.constant dense<2147483647> : vector<1024xi32>
    %reduce_min3A_250 = vector.multi_reduction <minsi>, %select_n3A_248, %reduce_min3A_249 [0] : vector<392x1024xi32> to vector<1024xi32>
    %swap3A_251 = arith.constant 9 : index
    %swap3A_252 = arith.constant 0 : index
    %swap3A_253 = vector.load %arg2[%swap3A_251, %swap3A_252] : memref<32x1024xf32, #tpu.memory_space<vmem>>, vector<1x1024xf32>
    %swap3A_254 = vector.shape_cast %swap3A_253 : vector<1x1024xf32> to vector<1024xf32>
    %swap3A_255 = vector.shape_cast %reduce_min3A_242 : vector<1024xf32> to vector<1x1024xf32>
    tpu.vector_store %arg2[%swap3A_251, %swap3A_252], %swap3A_255 {strides = array<i32>} : memref<32x1024xf32, #tpu.memory_space<vmem>>, vector<1x1024xf32>,
    %swap3A_256 = arith.constant 9 : index
    %swap3A_257 = arith.constant 0 : index
    %swap3A_258 = vector.load %arg3[%swap3A_256, %swap3A_257] : memref<32x1024xi32, #tpu.memory_space<vmem>>, vector<1x1024xi32>
    %swap3A_259 = vector.shape_cast %swap3A_258 : vector<1x1024xi32> to vector<1024xi32>
    %swap3A_260 = vector.shape_cast %reduce_min3A_250 : vector<1024xi32> to vector<1x1024xi32>
    tpu.vector_store %arg3[%swap3A_256, %swap3A_257], %swap3A_260 {strides = array<i32>} : memref<32x1024xi32, #tpu.memory_space<vmem>>, vector<1x1024xi32>,
    %broadcast_in_dim3A_261 = vector.shape_cast %reduce_min3A_250 : vector<1024xi32> to vector<1x1024xi32>
    %eq3A_262 = vector.broadcast %broadcast_in_dim3A_261 : vector<1x1024xi32> to vector<392x1024xi32>
    %eq3A_263 = arith.cmpi eq, %get3A_4, %eq3A_262 : vector<392x1024xi32>
    %and3A_264 = arith.andi %eq3A_245, %eq3A_263 : vector<392x1024xi1>
    %jit3A_265 = arith.constant 3.000000e+38 : f32
    %broadcast_in_dim3A_266 = vector.broadcast %jit3A_265 : f32 to vector<392x1024xf32>
    %select_n3A_267 = arith.select %and3A_264, %broadcast_in_dim3A_266, %select_n3A_240 : vector<392x1024xi1>, vector<392x1024xf32>
    %reduce_min3A_268 = arith.constant dense<0x7F800000> : vector<1024xf32>
    %reduce_min3A_269 = vector.multi_reduction <minimumf>, %select_n3A_267, %reduce_min3A_268 [0] : vector<392x1024xf32> to vector<1024xf32>
    %broadcast_in_dim3A_270 = vector.shape_cast %reduce_min3A_269 : vector<1024xf32> to vector<1x1024xf32>
    %eq3A_271 = vector.broadcast %broadcast_in_dim3A_270 : vector<1x1024xf32> to vector<392x1024xf32>
    %eq3A_272 = arith.cmpf oeq, %select_n3A_267, %eq3A_271 : vector<392x1024xf32>
    %jit3A_273 = arith.constant 2147483647 : i32
    %broadcast_in_dim3A_274 = vector.broadcast %jit3A_273 : i32 to vector<392x1024xi32>
    %select_n3A_275 = arith.select %eq3A_272, %get3A_4, %broadcast_in_dim3A_274 : vector<392x1024xi1>, vector<392x1024xi32>
    %reduce_min3A_276 = arith.constant dense<2147483647> : vector<1024xi32>
    %reduce_min3A_277 = vector.multi_reduction <minsi>, %select_n3A_275, %reduce_min3A_276 [0] : vector<392x1024xi32> to vector<1024xi32>
    %swap3A_278 = arith.constant 10 : index
    %swap3A_279 = arith.constant 0 : index
    %swap3A_280 = vector.load %arg2[%swap3A_278, %swap3A_279] : memref<32x1024xf32, #tpu.memory_space<vmem>>, vector<1x1024xf32>
    %swap3A_281 = vector.shape_cast %swap3A_280 : vector<1x1024xf32> to vector<1024xf32>
    %swap3A_282 = vector.shape_cast %reduce_min3A_269 : vector<1024xf32> to vector<1x1024xf32>
    tpu.vector_store %arg2[%swap3A_278, %swap3A_279], %swap3A_282 {strides = array<i32>} : memref<32x1024xf32, #tpu.memory_space<vmem>>, vector<1x1024xf32>,
    %swap3A_283 = arith.constant 10 : index
    %swap3A_284 = arith.constant 0 : index
    %swap3A_285 = vector.load %arg3[%swap3A_283, %swap3A_284] : memref<32x1024xi32, #tpu.memory_space<vmem>>, vector<1x1024xi32>
    %swap3A_286 = vector.shape_cast %swap3A_285 : vector<1x1024xi32> to vector<1024xi32>
    %swap3A_287 = vector.shape_cast %reduce_min3A_277 : vector<1024xi32> to vector<1x1024xi32>
    tpu.vector_store %arg3[%swap3A_283, %swap3A_284], %swap3A_287 {strides = array<i32>} : memref<32x1024xi32, #tpu.memory_space<vmem>>, vector<1x1024xi32>,
    %broadcast_in_dim3A_288 = vector.shape_cast %reduce_min3A_277 : vector<1024xi32> to vector<1x1024xi32>
    %eq3A_289 = vector.broadcast %broadcast_in_dim3A_288 : vector<1x1024xi32> to vector<392x1024xi32>
    %eq3A_290 = arith.cmpi eq, %get3A_4, %eq3A_289 : vector<392x1024xi32>
    %and3A_291 = arith.andi %eq3A_272, %eq3A_290 : vector<392x1024xi1>
    %jit3A_292 = arith.constant 3.000000e+38 : f32
    %broadcast_in_dim3A_293 = vector.broadcast %jit3A_292 : f32 to vector<392x1024xf32>
    %select_n3A_294 = arith.select %and3A_291, %broadcast_in_dim3A_293, %select_n3A_267 : vector<392x1024xi1>, vector<392x1024xf32>
    %reduce_min3A_295 = arith.constant dense<0x7F800000> : vector<1024xf32>
    %reduce_min3A_296 = vector.multi_reduction <minimumf>, %select_n3A_294, %reduce_min3A_295 [0] : vector<392x1024xf32> to vector<1024xf32>
    %broadcast_in_dim3A_297 = vector.shape_cast %reduce_min3A_296 : vector<1024xf32> to vector<1x1024xf32>
    %eq3A_298 = vector.broadcast %broadcast_in_dim3A_297 : vector<1x1024xf32> to vector<392x1024xf32>
    %eq3A_299 = arith.cmpf oeq, %select_n3A_294, %eq3A_298 : vector<392x1024xf32>
    %jit3A_300 = arith.constant 2147483647 : i32
    %broadcast_in_dim3A_301 = vector.broadcast %jit3A_300 : i32 to vector<392x1024xi32>
    %select_n3A_302 = arith.select %eq3A_299, %get3A_4, %broadcast_in_dim3A_301 : vector<392x1024xi1>, vector<392x1024xi32>
    %reduce_min3A_303 = arith.constant dense<2147483647> : vector<1024xi32>
    %reduce_min3A_304 = vector.multi_reduction <minsi>, %select_n3A_302, %reduce_min3A_303 [0] : vector<392x1024xi32> to vector<1024xi32>
    %swap3A_305 = arith.constant 11 : index
    %swap3A_306 = arith.constant 0 : index
    %swap3A_307 = vector.load %arg2[%swap3A_305, %swap3A_306] : memref<32x1024xf32, #tpu.memory_space<vmem>>, vector<1x1024xf32>
    %swap3A_308 = vector.shape_cast %swap3A_307 : vector<1x1024xf32> to vector<1024xf32>
    %swap3A_309 = vector.shape_cast %reduce_min3A_296 : vector<1024xf32> to vector<1x1024xf32>
    tpu.vector_store %arg2[%swap3A_305, %swap3A_306], %swap3A_309 {strides = array<i32>} : memref<32x1024xf32, #tpu.memory_space<vmem>>, vector<1x1024xf32>,
    %swap3A_310 = arith.constant 11 : index
    %swap3A_311 = arith.constant 0 : index
    %swap3A_312 = vector.load %arg3[%swap3A_310, %swap3A_311] : memref<32x1024xi32, #tpu.memory_space<vmem>>, vector<1x1024xi32>
    %swap3A_313 = vector.shape_cast %swap3A_312 : vector<1x1024xi32> to vector<1024xi32>
    %swap3A_314 = vector.shape_cast %reduce_min3A_304 : vector<1024xi32> to vector<1x1024xi32>
    tpu.vector_store %arg3[%swap3A_310, %swap3A_311], %swap3A_314 {strides = array<i32>} : memref<32x1024xi32, #tpu.memory_space<vmem>>, vector<1x1024xi32>,
    %broadcast_in_dim3A_315 = vector.shape_cast %reduce_min3A_304 : vector<1024xi32> to vector<1x1024xi32>
    %eq3A_316 = vector.broadcast %broadcast_in_dim3A_315 : vector<1x1024xi32> to vector<392x1024xi32>
    %eq3A_317 = arith.cmpi eq, %get3A_4, %eq3A_316 : vector<392x1024xi32>
    %and3A_318 = arith.andi %eq3A_299, %eq3A_317 : vector<392x1024xi1>
    %jit3A_319 = arith.constant 3.000000e+38 : f32
    %broadcast_in_dim3A_320 = vector.broadcast %jit3A_319 : f32 to vector<392x1024xf32>
    %select_n3A_321 = arith.select %and3A_318, %broadcast_in_dim3A_320, %select_n3A_294 : vector<392x1024xi1>, vector<392x1024xf32>
    %reduce_min3A_322 = arith.constant dense<0x7F800000> : vector<1024xf32>
    %reduce_min3A_323 = vector.multi_reduction <minimumf>, %select_n3A_321, %reduce_min3A_322 [0] : vector<392x1024xf32> to vector<1024xf32>
    %broadcast_in_dim3A_324 = vector.shape_cast %reduce_min3A_323 : vector<1024xf32> to vector<1x1024xf32>
    %eq3A_325 = vector.broadcast %broadcast_in_dim3A_324 : vector<1x1024xf32> to vector<392x1024xf32>
    %eq3A_326 = arith.cmpf oeq, %select_n3A_321, %eq3A_325 : vector<392x1024xf32>
    %jit3A_327 = arith.constant 2147483647 : i32
    %broadcast_in_dim3A_328 = vector.broadcast %jit3A_327 : i32 to vector<392x1024xi32>
    %select_n3A_329 = arith.select %eq3A_326, %get3A_4, %broadcast_in_dim3A_328 : vector<392x1024xi1>, vector<392x1024xi32>
    %reduce_min3A_330 = arith.constant dense<2147483647> : vector<1024xi32>
    %reduce_min3A_331 = vector.multi_reduction <minsi>, %select_n3A_329, %reduce_min3A_330 [0] : vector<392x1024xi32> to vector<1024xi32>
    %swap3A_332 = arith.constant 12 : index
    %swap3A_333 = arith.constant 0 : index
    %swap3A_334 = vector.load %arg2[%swap3A_332, %swap3A_333] : memref<32x1024xf32, #tpu.memory_space<vmem>>, vector<1x1024xf32>
    %swap3A_335 = vector.shape_cast %swap3A_334 : vector<1x1024xf32> to vector<1024xf32>
    %swap3A_336 = vector.shape_cast %reduce_min3A_323 : vector<1024xf32> to vector<1x1024xf32>
    tpu.vector_store %arg2[%swap3A_332, %swap3A_333], %swap3A_336 {strides = array<i32>} : memref<32x1024xf32, #tpu.memory_space<vmem>>, vector<1x1024xf32>,
    %swap3A_337 = arith.constant 12 : index
    %swap3A_338 = arith.constant 0 : index
    %swap3A_339 = vector.load %arg3[%swap3A_337, %swap3A_338] : memref<32x1024xi32, #tpu.memory_space<vmem>>, vector<1x1024xi32>
    %swap3A_340 = vector.shape_cast %swap3A_339 : vector<1x1024xi32> to vector<1024xi32>
    %swap3A_341 = vector.shape_cast %reduce_min3A_331 : vector<1024xi32> to vector<1x1024xi32>
    tpu.vector_store %arg3[%swap3A_337, %swap3A_338], %swap3A_341 {strides = array<i32>} : memref<32x1024xi32, #tpu.memory_space<vmem>>, vector<1x1024xi32>,
    %broadcast_in_dim3A_342 = vector.shape_cast %reduce_min3A_331 : vector<1024xi32> to vector<1x1024xi32>
    %eq3A_343 = vector.broadcast %broadcast_in_dim3A_342 : vector<1x1024xi32> to vector<392x1024xi32>
    %eq3A_344 = arith.cmpi eq, %get3A_4, %eq3A_343 : vector<392x1024xi32>
    %and3A_345 = arith.andi %eq3A_326, %eq3A_344 : vector<392x1024xi1>
    %jit3A_346 = arith.constant 3.000000e+38 : f32
    %broadcast_in_dim3A_347 = vector.broadcast %jit3A_346 : f32 to vector<392x1024xf32>
    %select_n3A_348 = arith.select %and3A_345, %broadcast_in_dim3A_347, %select_n3A_321 : vector<392x1024xi1>, vector<392x1024xf32>
    %reduce_min3A_349 = arith.constant dense<0x7F800000> : vector<1024xf32>
    %reduce_min3A_350 = vector.multi_reduction <minimumf>, %select_n3A_348, %reduce_min3A_349 [0] : vector<392x1024xf32> to vector<1024xf32>
    %broadcast_in_dim3A_351 = vector.shape_cast %reduce_min3A_350 : vector<1024xf32> to vector<1x1024xf32>
    %eq3A_352 = vector.broadcast %broadcast_in_dim3A_351 : vector<1x1024xf32> to vector<392x1024xf32>
    %eq3A_353 = arith.cmpf oeq, %select_n3A_348, %eq3A_352 : vector<392x1024xf32>
    %jit3A_354 = arith.constant 2147483647 : i32
    %broadcast_in_dim3A_355 = vector.broadcast %jit3A_354 : i32 to vector<392x1024xi32>
    %select_n3A_356 = arith.select %eq3A_353, %get3A_4, %broadcast_in_dim3A_355 : vector<392x1024xi1>, vector<392x1024xi32>
    %reduce_min3A_357 = arith.constant dense<2147483647> : vector<1024xi32>
    %reduce_min3A_358 = vector.multi_reduction <minsi>, %select_n3A_356, %reduce_min3A_357 [0] : vector<392x1024xi32> to vector<1024xi32>
    %swap3A_359 = arith.constant 13 : index
    %swap3A_360 = arith.constant 0 : index
    %swap3A_361 = vector.load %arg2[%swap3A_359, %swap3A_360] : memref<32x1024xf32, #tpu.memory_space<vmem>>, vector<1x1024xf32>
    %swap3A_362 = vector.shape_cast %swap3A_361 : vector<1x1024xf32> to vector<1024xf32>
    %swap3A_363 = vector.shape_cast %reduce_min3A_350 : vector<1024xf32> to vector<1x1024xf32>
    tpu.vector_store %arg2[%swap3A_359, %swap3A_360], %swap3A_363 {strides = array<i32>} : memref<32x1024xf32, #tpu.memory_space<vmem>>, vector<1x1024xf32>,
    %swap3A_364 = arith.constant 13 : index
    %swap3A_365 = arith.constant 0 : index
    %swap3A_366 = vector.load %arg3[%swap3A_364, %swap3A_365] : memref<32x1024xi32, #tpu.memory_space<vmem>>, vector<1x1024xi32>
    %swap3A_367 = vector.shape_cast %swap3A_366 : vector<1x1024xi32> to vector<1024xi32>
    %swap3A_368 = vector.shape_cast %reduce_min3A_358 : vector<1024xi32> to vector<1x1024xi32>
    tpu.vector_store %arg3[%swap3A_364, %swap3A_365], %swap3A_368 {strides = array<i32>} : memref<32x1024xi32, #tpu.memory_space<vmem>>, vector<1x1024xi32>,
    %broadcast_in_dim3A_369 = vector.shape_cast %reduce_min3A_358 : vector<1024xi32> to vector<1x1024xi32>
    %eq3A_370 = vector.broadcast %broadcast_in_dim3A_369 : vector<1x1024xi32> to vector<392x1024xi32>
    %eq3A_371 = arith.cmpi eq, %get3A_4, %eq3A_370 : vector<392x1024xi32>
    %and3A_372 = arith.andi %eq3A_353, %eq3A_371 : vector<392x1024xi1>
    %jit3A_373 = arith.constant 3.000000e+38 : f32
    %broadcast_in_dim3A_374 = vector.broadcast %jit3A_373 : f32 to vector<392x1024xf32>
    %select_n3A_375 = arith.select %and3A_372, %broadcast_in_dim3A_374, %select_n3A_348 : vector<392x1024xi1>, vector<392x1024xf32>
    %reduce_min3A_376 = arith.constant dense<0x7F800000> : vector<1024xf32>
    %reduce_min3A_377 = vector.multi_reduction <minimumf>, %select_n3A_375, %reduce_min3A_376 [0] : vector<392x1024xf32> to vector<1024xf32>
    %broadcast_in_dim3A_378 = vector.shape_cast %reduce_min3A_377 : vector<1024xf32> to vector<1x1024xf32>
    %eq3A_379 = vector.broadcast %broadcast_in_dim3A_378 : vector<1x1024xf32> to vector<392x1024xf32>
    %eq3A_380 = arith.cmpf oeq, %select_n3A_375, %eq3A_379 : vector<392x1024xf32>
    %jit3A_381 = arith.constant 2147483647 : i32
    %broadcast_in_dim3A_382 = vector.broadcast %jit3A_381 : i32 to vector<392x1024xi32>
    %select_n3A_383 = arith.select %eq3A_380, %get3A_4, %broadcast_in_dim3A_382 : vector<392x1024xi1>, vector<392x1024xi32>
    %reduce_min3A_384 = arith.constant dense<2147483647> : vector<1024xi32>
    %reduce_min3A_385 = vector.multi_reduction <minsi>, %select_n3A_383, %reduce_min3A_384 [0] : vector<392x1024xi32> to vector<1024xi32>
    %swap3A_386 = arith.constant 14 : index
    %swap3A_387 = arith.constant 0 : index
    %swap3A_388 = vector.load %arg2[%swap3A_386, %swap3A_387] : memref<32x1024xf32, #tpu.memory_space<vmem>>, vector<1x1024xf32>
    %swap3A_389 = vector.shape_cast %swap3A_388 : vector<1x1024xf32> to vector<1024xf32>
    %swap3A_390 = vector.shape_cast %reduce_min3A_377 : vector<1024xf32> to vector<1x1024xf32>
    tpu.vector_store %arg2[%swap3A_386, %swap3A_387], %swap3A_390 {strides = array<i32>} : memref<32x1024xf32, #tpu.memory_space<vmem>>, vector<1x1024xf32>,
    %swap3A_391 = arith.constant 14 : index
    %swap3A_392 = arith.constant 0 : index
    %swap3A_393 = vector.load %arg3[%swap3A_391, %swap3A_392] : memref<32x1024xi32, #tpu.memory_space<vmem>>, vector<1x1024xi32>
    %swap3A_394 = vector.shape_cast %swap3A_393 : vector<1x1024xi32> to vector<1024xi32>
    %swap3A_395 = vector.shape_cast %reduce_min3A_385 : vector<1024xi32> to vector<1x1024xi32>
    tpu.vector_store %arg3[%swap3A_391, %swap3A_392], %swap3A_395 {strides = array<i32>} : memref<32x1024xi32, #tpu.memory_space<vmem>>, vector<1x1024xi32>,
    %broadcast_in_dim3A_396 = vector.shape_cast %reduce_min3A_385 : vector<1024xi32> to vector<1x1024xi32>
    %eq3A_397 = vector.broadcast %broadcast_in_dim3A_396 : vector<1x1024xi32> to vector<392x1024xi32>
    %eq3A_398 = arith.cmpi eq, %get3A_4, %eq3A_397 : vector<392x1024xi32>
    %and3A_399 = arith.andi %eq3A_380, %eq3A_398 : vector<392x1024xi1>
    %jit3A_400 = arith.constant 3.000000e+38 : f32
    %broadcast_in_dim3A_401 = vector.broadcast %jit3A_400 : f32 to vector<392x1024xf32>
    %select_n3A_402 = arith.select %and3A_399, %broadcast_in_dim3A_401, %select_n3A_375 : vector<392x1024xi1>, vector<392x1024xf32>
    %reduce_min3A_403 = arith.constant dense<0x7F800000> : vector<1024xf32>
    %reduce_min3A_404 = vector.multi_reduction <minimumf>, %select_n3A_402, %reduce_min3A_403 [0] : vector<392x1024xf32> to vector<1024xf32>
    %broadcast_in_dim3A_405 = vector.shape_cast %reduce_min3A_404 : vector<1024xf32> to vector<1x1024xf32>
    %eq3A_406 = vector.broadcast %broadcast_in_dim3A_405 : vector<1x1024xf32> to vector<392x1024xf32>
    %eq3A_407 = arith.cmpf oeq, %select_n3A_402, %eq3A_406 : vector<392x1024xf32>
    %jit3A_408 = arith.constant 2147483647 : i32
    %broadcast_in_dim3A_409 = vector.broadcast %jit3A_408 : i32 to vector<392x1024xi32>
    %select_n3A_410 = arith.select %eq3A_407, %get3A_4, %broadcast_in_dim3A_409 : vector<392x1024xi1>, vector<392x1024xi32>
    %reduce_min3A_411 = arith.constant dense<2147483647> : vector<1024xi32>
    %reduce_min3A_412 = vector.multi_reduction <minsi>, %select_n3A_410, %reduce_min3A_411 [0] : vector<392x1024xi32> to vector<1024xi32>
    %swap3A_413 = arith.constant 15 : index
    %swap3A_414 = arith.constant 0 : index
    %swap3A_415 = vector.load %arg2[%swap3A_413, %swap3A_414] : memref<32x1024xf32, #tpu.memory_space<vmem>>, vector<1x1024xf32>
    %swap3A_416 = vector.shape_cast %swap3A_415 : vector<1x1024xf32> to vector<1024xf32>
    %swap3A_417 = vector.shape_cast %reduce_min3A_404 : vector<1024xf32> to vector<1x1024xf32>
    tpu.vector_store %arg2[%swap3A_413, %swap3A_414], %swap3A_417 {strides = array<i32>} : memref<32x1024xf32, #tpu.memory_space<vmem>>, vector<1x1024xf32>,
    %swap3A_418 = arith.constant 15 : index
    %swap3A_419 = arith.constant 0 : index
    %swap3A_420 = vector.load %arg3[%swap3A_418, %swap3A_419] : memref<32x1024xi32, #tpu.memory_space<vmem>>, vector<1x1024xi32>
    %swap3A_421 = vector.shape_cast %swap3A_420 : vector<1x1024xi32> to vector<1024xi32>
    %swap3A_422 = vector.shape_cast %reduce_min3A_412 : vector<1024xi32> to vector<1x1024xi32>
    tpu.vector_store %arg3[%swap3A_418, %swap3A_419], %swap3A_422 {strides = array<i32>} : memref<32x1024xi32, #tpu.memory_space<vmem>>, vector<1x1024xi32>,
    %broadcast_in_dim3A_423 = vector.shape_cast %reduce_min3A_412 : vector<1024xi32> to vector<1x1024xi32>
    %eq3A_424 = vector.broadcast %broadcast_in_dim3A_423 : vector<1x1024xi32> to vector<392x1024xi32>
    %eq3A_425 = arith.cmpi eq, %get3A_4, %eq3A_424 : vector<392x1024xi32>
    %and3A_426 = arith.andi %eq3A_407, %eq3A_425 : vector<392x1024xi1>
    %jit3A_427 = arith.constant 3.000000e+38 : f32
    %broadcast_in_dim3A_428 = vector.broadcast %jit3A_427 : f32 to vector<392x1024xf32>
    %select_n3A_429 = arith.select %and3A_426, %broadcast_in_dim3A_428, %select_n3A_402 : vector<392x1024xi1>, vector<392x1024xf32>
    %reduce_min3A_430 = arith.constant dense<0x7F800000> : vector<1024xf32>
    %reduce_min3A_431 = vector.multi_reduction <minimumf>, %select_n3A_429, %reduce_min3A_430 [0] : vector<392x1024xf32> to vector<1024xf32>
    %broadcast_in_dim3A_432 = vector.shape_cast %reduce_min3A_431 : vector<1024xf32> to vector<1x1024xf32>
    %eq3A_433 = vector.broadcast %broadcast_in_dim3A_432 : vector<1x1024xf32> to vector<392x1024xf32>
    %eq3A_434 = arith.cmpf oeq, %select_n3A_429, %eq3A_433 : vector<392x1024xf32>
    %jit3A_435 = arith.constant 2147483647 : i32
    %broadcast_in_dim3A_436 = vector.broadcast %jit3A_435 : i32 to vector<392x1024xi32>
    %select_n3A_437 = arith.select %eq3A_434, %get3A_4, %broadcast_in_dim3A_436 : vector<392x1024xi1>, vector<392x1024xi32>
    %reduce_min3A_438 = arith.constant dense<2147483647> : vector<1024xi32>
    %reduce_min3A_439 = vector.multi_reduction <minsi>, %select_n3A_437, %reduce_min3A_438 [0] : vector<392x1024xi32> to vector<1024xi32>
    %swap3A_440 = arith.constant 16 : index
    %swap3A_441 = arith.constant 0 : index
    %swap3A_442 = vector.load %arg2[%swap3A_440, %swap3A_441] : memref<32x1024xf32, #tpu.memory_space<vmem>>, vector<1x1024xf32>
    %swap3A_443 = vector.shape_cast %swap3A_442 : vector<1x1024xf32> to vector<1024xf32>
    %swap3A_444 = vector.shape_cast %reduce_min3A_431 : vector<1024xf32> to vector<1x1024xf32>
    tpu.vector_store %arg2[%swap3A_440, %swap3A_441], %swap3A_444 {strides = array<i32>} : memref<32x1024xf32, #tpu.memory_space<vmem>>, vector<1x1024xf32>,
    %swap3A_445 = arith.constant 16 : index
    %swap3A_446 = arith.constant 0 : index
    %swap3A_447 = vector.load %arg3[%swap3A_445, %swap3A_446] : memref<32x1024xi32, #tpu.memory_space<vmem>>, vector<1x1024xi32>
    %swap3A_448 = vector.shape_cast %swap3A_447 : vector<1x1024xi32> to vector<1024xi32>
    %swap3A_449 = vector.shape_cast %reduce_min3A_439 : vector<1024xi32> to vector<1x1024xi32>
    tpu.vector_store %arg3[%swap3A_445, %swap3A_446], %swap3A_449 {strides = array<i32>} : memref<32x1024xi32, #tpu.memory_space<vmem>>, vector<1x1024xi32>,
    %broadcast_in_dim3A_450 = vector.shape_cast %reduce_min3A_439 : vector<1024xi32> to vector<1x1024xi32>
    %eq3A_451 = vector.broadcast %broadcast_in_dim3A_450 : vector<1x1024xi32> to vector<392x1024xi32>
    %eq3A_452 = arith.cmpi eq, %get3A_4, %eq3A_451 : vector<392x1024xi32>
    %and3A_453 = arith.andi %eq3A_434, %eq3A_452 : vector<392x1024xi1>
    %jit3A_454 = arith.constant 3.000000e+38 : f32
    %broadcast_in_dim3A_455 = vector.broadcast %jit3A_454 : f32 to vector<392x1024xf32>
    %select_n3A_456 = arith.select %and3A_453, %broadcast_in_dim3A_455, %select_n3A_429 : vector<392x1024xi1>, vector<392x1024xf32>
    %reduce_min3A_457 = arith.constant dense<0x7F800000> : vector<1024xf32>
    %reduce_min3A_458 = vector.multi_reduction <minimumf>, %select_n3A_456, %reduce_min3A_457 [0] : vector<392x1024xf32> to vector<1024xf32>
    %broadcast_in_dim3A_459 = vector.shape_cast %reduce_min3A_458 : vector<1024xf32> to vector<1x1024xf32>
    %eq3A_460 = vector.broadcast %broadcast_in_dim3A_459 : vector<1x1024xf32> to vector<392x1024xf32>
    %eq3A_461 = arith.cmpf oeq, %select_n3A_456, %eq3A_460 : vector<392x1024xf32>
    %jit3A_462 = arith.constant 2147483647 : i32
    %broadcast_in_dim3A_463 = vector.broadcast %jit3A_462 : i32 to vector<392x1024xi32>
    %select_n3A_464 = arith.select %eq3A_461, %get3A_4, %broadcast_in_dim3A_463 : vector<392x1024xi1>, vector<392x1024xi32>
    %reduce_min3A_465 = arith.constant dense<2147483647> : vector<1024xi32>
    %reduce_min3A_466 = vector.multi_reduction <minsi>, %select_n3A_464, %reduce_min3A_465 [0] : vector<392x1024xi32> to vector<1024xi32>
    %swap3A_467 = arith.constant 17 : index
    %swap3A_468 = arith.constant 0 : index
    %swap3A_469 = vector.load %arg2[%swap3A_467, %swap3A_468] : memref<32x1024xf32, #tpu.memory_space<vmem>>, vector<1x1024xf32>
    %swap3A_470 = vector.shape_cast %swap3A_469 : vector<1x1024xf32> to vector<1024xf32>
    %swap3A_471 = vector.shape_cast %reduce_min3A_458 : vector<1024xf32> to vector<1x1024xf32>
    tpu.vector_store %arg2[%swap3A_467, %swap3A_468], %swap3A_471 {strides = array<i32>} : memref<32x1024xf32, #tpu.memory_space<vmem>>, vector<1x1024xf32>,
    %swap3A_472 = arith.constant 17 : index
    %swap3A_473 = arith.constant 0 : index
    %swap3A_474 = vector.load %arg3[%swap3A_472, %swap3A_473] : memref<32x1024xi32, #tpu.memory_space<vmem>>, vector<1x1024xi32>
    %swap3A_475 = vector.shape_cast %swap3A_474 : vector<1x1024xi32> to vector<1024xi32>
    %swap3A_476 = vector.shape_cast %reduce_min3A_466 : vector<1024xi32> to vector<1x1024xi32>
    tpu.vector_store %arg3[%swap3A_472, %swap3A_473], %swap3A_476 {strides = array<i32>} : memref<32x1024xi32, #tpu.memory_space<vmem>>, vector<1x1024xi32>,
    %broadcast_in_dim3A_477 = vector.shape_cast %reduce_min3A_466 : vector<1024xi32> to vector<1x1024xi32>
    %eq3A_478 = vector.broadcast %broadcast_in_dim3A_477 : vector<1x1024xi32> to vector<392x1024xi32>
    %eq3A_479 = arith.cmpi eq, %get3A_4, %eq3A_478 : vector<392x1024xi32>
    %and3A_480 = arith.andi %eq3A_461, %eq3A_479 : vector<392x1024xi1>
    %jit3A_481 = arith.constant 3.000000e+38 : f32
    %broadcast_in_dim3A_482 = vector.broadcast %jit3A_481 : f32 to vector<392x1024xf32>
    %select_n3A_483 = arith.select %and3A_480, %broadcast_in_dim3A_482, %select_n3A_456 : vector<392x1024xi1>, vector<392x1024xf32>
    %reduce_min3A_484 = arith.constant dense<0x7F800000> : vector<1024xf32>
    %reduce_min3A_485 = vector.multi_reduction <minimumf>, %select_n3A_483, %reduce_min3A_484 [0] : vector<392x1024xf32> to vector<1024xf32>
    %broadcast_in_dim3A_486 = vector.shape_cast %reduce_min3A_485 : vector<1024xf32> to vector<1x1024xf32>
    %eq3A_487 = vector.broadcast %broadcast_in_dim3A_486 : vector<1x1024xf32> to vector<392x1024xf32>
    %eq3A_488 = arith.cmpf oeq, %select_n3A_483, %eq3A_487 : vector<392x1024xf32>
    %jit3A_489 = arith.constant 2147483647 : i32
    %broadcast_in_dim3A_490 = vector.broadcast %jit3A_489 : i32 to vector<392x1024xi32>
    %select_n3A_491 = arith.select %eq3A_488, %get3A_4, %broadcast_in_dim3A_490 : vector<392x1024xi1>, vector<392x1024xi32>
    %reduce_min3A_492 = arith.constant dense<2147483647> : vector<1024xi32>
    %reduce_min3A_493 = vector.multi_reduction <minsi>, %select_n3A_491, %reduce_min3A_492 [0] : vector<392x1024xi32> to vector<1024xi32>
    %swap3A_494 = arith.constant 18 : index
    %swap3A_495 = arith.constant 0 : index
    %swap3A_496 = vector.load %arg2[%swap3A_494, %swap3A_495] : memref<32x1024xf32, #tpu.memory_space<vmem>>, vector<1x1024xf32>
    %swap3A_497 = vector.shape_cast %swap3A_496 : vector<1x1024xf32> to vector<1024xf32>
    %swap3A_498 = vector.shape_cast %reduce_min3A_485 : vector<1024xf32> to vector<1x1024xf32>
    tpu.vector_store %arg2[%swap3A_494, %swap3A_495], %swap3A_498 {strides = array<i32>} : memref<32x1024xf32, #tpu.memory_space<vmem>>, vector<1x1024xf32>,
    %swap3A_499 = arith.constant 18 : index
    %swap3A_500 = arith.constant 0 : index
    %swap3A_501 = vector.load %arg3[%swap3A_499, %swap3A_500] : memref<32x1024xi32, #tpu.memory_space<vmem>>, vector<1x1024xi32>
    %swap3A_502 = vector.shape_cast %swap3A_501 : vector<1x1024xi32> to vector<1024xi32>
    %swap3A_503 = vector.shape_cast %reduce_min3A_493 : vector<1024xi32> to vector<1x1024xi32>
    tpu.vector_store %arg3[%swap3A_499, %swap3A_500], %swap3A_503 {strides = array<i32>} : memref<32x1024xi32, #tpu.memory_space<vmem>>, vector<1x1024xi32>,
    %broadcast_in_dim3A_504 = vector.shape_cast %reduce_min3A_493 : vector<1024xi32> to vector<1x1024xi32>
    %eq3A_505 = vector.broadcast %broadcast_in_dim3A_504 : vector<1x1024xi32> to vector<392x1024xi32>
    %eq3A_506 = arith.cmpi eq, %get3A_4, %eq3A_505 : vector<392x1024xi32>
    %and3A_507 = arith.andi %eq3A_488, %eq3A_506 : vector<392x1024xi1>
    %jit3A_508 = arith.constant 3.000000e+38 : f32
    %broadcast_in_dim3A_509 = vector.broadcast %jit3A_508 : f32 to vector<392x1024xf32>
    %select_n3A_510 = arith.select %and3A_507, %broadcast_in_dim3A_509, %select_n3A_483 : vector<392x1024xi1>, vector<392x1024xf32>
    %reduce_min3A_511 = arith.constant dense<0x7F800000> : vector<1024xf32>
    %reduce_min3A_512 = vector.multi_reduction <minimumf>, %select_n3A_510, %reduce_min3A_511 [0] : vector<392x1024xf32> to vector<1024xf32>
    %broadcast_in_dim3A_513 = vector.shape_cast %reduce_min3A_512 : vector<1024xf32> to vector<1x1024xf32>
    %eq3A_514 = vector.broadcast %broadcast_in_dim3A_513 : vector<1x1024xf32> to vector<392x1024xf32>
    %eq3A_515 = arith.cmpf oeq, %select_n3A_510, %eq3A_514 : vector<392x1024xf32>
    %jit3A_516 = arith.constant 2147483647 : i32
    %broadcast_in_dim3A_517 = vector.broadcast %jit3A_516 : i32 to vector<392x1024xi32>
    %select_n3A_518 = arith.select %eq3A_515, %get3A_4, %broadcast_in_dim3A_517 : vector<392x1024xi1>, vector<392x1024xi32>
    %reduce_min3A_519 = arith.constant dense<2147483647> : vector<1024xi32>
    %reduce_min3A_520 = vector.multi_reduction <minsi>, %select_n3A_518, %reduce_min3A_519 [0] : vector<392x1024xi32> to vector<1024xi32>
    %swap3A_521 = arith.constant 19 : index
    %swap3A_522 = arith.constant 0 : index
    %swap3A_523 = vector.load %arg2[%swap3A_521, %swap3A_522] : memref<32x1024xf32, #tpu.memory_space<vmem>>, vector<1x1024xf32>
    %swap3A_524 = vector.shape_cast %swap3A_523 : vector<1x1024xf32> to vector<1024xf32>
    %swap3A_525 = vector.shape_cast %reduce_min3A_512 : vector<1024xf32> to vector<1x1024xf32>
    tpu.vector_store %arg2[%swap3A_521, %swap3A_522], %swap3A_525 {strides = array<i32>} : memref<32x1024xf32, #tpu.memory_space<vmem>>, vector<1x1024xf32>,
    %swap3A_526 = arith.constant 19 : index
    %swap3A_527 = arith.constant 0 : index
    %swap3A_528 = vector.load %arg3[%swap3A_526, %swap3A_527] : memref<32x1024xi32, #tpu.memory_space<vmem>>, vector<1x1024xi32>
    %swap3A_529 = vector.shape_cast %swap3A_528 : vector<1x1024xi32> to vector<1024xi32>
    %swap3A_530 = vector.shape_cast %reduce_min3A_520 : vector<1024xi32> to vector<1x1024xi32>
    tpu.vector_store %arg3[%swap3A_526, %swap3A_527], %swap3A_530 {strides = array<i32>} : memref<32x1024xi32, #tpu.memory_space<vmem>>, vector<1x1024xi32>,
    %broadcast_in_dim3A_531 = vector.shape_cast %reduce_min3A_520 : vector<1024xi32> to vector<1x1024xi32>
    %eq3A_532 = vector.broadcast %broadcast_in_dim3A_531 : vector<1x1024xi32> to vector<392x1024xi32>
    %eq3A_533 = arith.cmpi eq, %get3A_4, %eq3A_532 : vector<392x1024xi32>
    %and3A_534 = arith.andi %eq3A_515, %eq3A_533 : vector<392x1024xi1>
    %jit3A_535 = arith.constant 3.000000e+38 : f32
    %broadcast_in_dim3A_536 = vector.broadcast %jit3A_535 : f32 to vector<392x1024xf32>
    %select_n3A_537 = arith.select %and3A_534, %broadcast_in_dim3A_536, %select_n3A_510 : vector<392x1024xi1>, vector<392x1024xf32>
    %reduce_min3A_538 = arith.constant dense<0x7F800000> : vector<1024xf32>
    %reduce_min3A_539 = vector.multi_reduction <minimumf>, %select_n3A_537, %reduce_min3A_538 [0] : vector<392x1024xf32> to vector<1024xf32>
    %broadcast_in_dim3A_540 = vector.shape_cast %reduce_min3A_539 : vector<1024xf32> to vector<1x1024xf32>
    %eq3A_541 = vector.broadcast %broadcast_in_dim3A_540 : vector<1x1024xf32> to vector<392x1024xf32>
    %eq3A_542 = arith.cmpf oeq, %select_n3A_537, %eq3A_541 : vector<392x1024xf32>
    %jit3A_543 = arith.constant 2147483647 : i32
    %broadcast_in_dim3A_544 = vector.broadcast %jit3A_543 : i32 to vector<392x1024xi32>
    %select_n3A_545 = arith.select %eq3A_542, %get3A_4, %broadcast_in_dim3A_544 : vector<392x1024xi1>, vector<392x1024xi32>
    %reduce_min3A_546 = arith.constant dense<2147483647> : vector<1024xi32>
    %reduce_min3A_547 = vector.multi_reduction <minsi>, %select_n3A_545, %reduce_min3A_546 [0] : vector<392x1024xi32> to vector<1024xi32>
    %swap3A_548 = arith.constant 20 : index
    %swap3A_549 = arith.constant 0 : index
    %swap3A_550 = vector.load %arg2[%swap3A_548, %swap3A_549] : memref<32x1024xf32, #tpu.memory_space<vmem>>, vector<1x1024xf32>
    %swap3A_551 = vector.shape_cast %swap3A_550 : vector<1x1024xf32> to vector<1024xf32>
    %swap3A_552 = vector.shape_cast %reduce_min3A_539 : vector<1024xf32> to vector<1x1024xf32>
    tpu.vector_store %arg2[%swap3A_548, %swap3A_549], %swap3A_552 {strides = array<i32>} : memref<32x1024xf32, #tpu.memory_space<vmem>>, vector<1x1024xf32>,
    %swap3A_553 = arith.constant 20 : index
    %swap3A_554 = arith.constant 0 : index
    %swap3A_555 = vector.load %arg3[%swap3A_553, %swap3A_554] : memref<32x1024xi32, #tpu.memory_space<vmem>>, vector<1x1024xi32>
    %swap3A_556 = vector.shape_cast %swap3A_555 : vector<1x1024xi32> to vector<1024xi32>
    %swap3A_557 = vector.shape_cast %reduce_min3A_547 : vector<1024xi32> to vector<1x1024xi32>
    tpu.vector_store %arg3[%swap3A_553, %swap3A_554], %swap3A_557 {strides = array<i32>} : memref<32x1024xi32, #tpu.memory_space<vmem>>, vector<1x1024xi32>,
    %broadcast_in_dim3A_558 = vector.shape_cast %reduce_min3A_547 : vector<1024xi32> to vector<1x1024xi32>
    %eq3A_559 = vector.broadcast %broadcast_in_dim3A_558 : vector<1x1024xi32> to vector<392x1024xi32>
    %eq3A_560 = arith.cmpi eq, %get3A_4, %eq3A_559 : vector<392x1024xi32>
    %and3A_561 = arith.andi %eq3A_542, %eq3A_560 : vector<392x1024xi1>
    %jit3A_562 = arith.constant 3.000000e+38 : f32
    %broadcast_in_dim3A_563 = vector.broadcast %jit3A_562 : f32 to vector<392x1024xf32>
    %select_n3A_564 = arith.select %and3A_561, %broadcast_in_dim3A_563, %select_n3A_537 : vector<392x1024xi1>, vector<392x1024xf32>
    %reduce_min3A_565 = arith.constant dense<0x7F800000> : vector<1024xf32>
    %reduce_min3A_566 = vector.multi_reduction <minimumf>, %select_n3A_564, %reduce_min3A_565 [0] : vector<392x1024xf32> to vector<1024xf32>
    %broadcast_in_dim3A_567 = vector.shape_cast %reduce_min3A_566 : vector<1024xf32> to vector<1x1024xf32>
    %eq3A_568 = vector.broadcast %broadcast_in_dim3A_567 : vector<1x1024xf32> to vector<392x1024xf32>
    %eq3A_569 = arith.cmpf oeq, %select_n3A_564, %eq3A_568 : vector<392x1024xf32>
    %jit3A_570 = arith.constant 2147483647 : i32
    %broadcast_in_dim3A_571 = vector.broadcast %jit3A_570 : i32 to vector<392x1024xi32>
    %select_n3A_572 = arith.select %eq3A_569, %get3A_4, %broadcast_in_dim3A_571 : vector<392x1024xi1>, vector<392x1024xi32>
    %reduce_min3A_573 = arith.constant dense<2147483647> : vector<1024xi32>
    %reduce_min3A_574 = vector.multi_reduction <minsi>, %select_n3A_572, %reduce_min3A_573 [0] : vector<392x1024xi32> to vector<1024xi32>
    %swap3A_575 = arith.constant 21 : index
    %swap3A_576 = arith.constant 0 : index
    %swap3A_577 = vector.load %arg2[%swap3A_575, %swap3A_576] : memref<32x1024xf32, #tpu.memory_space<vmem>>, vector<1x1024xf32>
    %swap3A_578 = vector.shape_cast %swap3A_577 : vector<1x1024xf32> to vector<1024xf32>
    %swap3A_579 = vector.shape_cast %reduce_min3A_566 : vector<1024xf32> to vector<1x1024xf32>
    tpu.vector_store %arg2[%swap3A_575, %swap3A_576], %swap3A_579 {strides = array<i32>} : memref<32x1024xf32, #tpu.memory_space<vmem>>, vector<1x1024xf32>,
    %swap3A_580 = arith.constant 21 : index
    %swap3A_581 = arith.constant 0 : index
    %swap3A_582 = vector.load %arg3[%swap3A_580, %swap3A_581] : memref<32x1024xi32, #tpu.memory_space<vmem>>, vector<1x1024xi32>
    %swap3A_583 = vector.shape_cast %swap3A_582 : vector<1x1024xi32> to vector<1024xi32>
    %swap3A_584 = vector.shape_cast %reduce_min3A_574 : vector<1024xi32> to vector<1x1024xi32>
    tpu.vector_store %arg3[%swap3A_580, %swap3A_581], %swap3A_584 {strides = array<i32>} : memref<32x1024xi32, #tpu.memory_space<vmem>>, vector<1x1024xi32>,
    %broadcast_in_dim3A_585 = vector.shape_cast %reduce_min3A_574 : vector<1024xi32> to vector<1x1024xi32>
    %eq3A_586 = vector.broadcast %broadcast_in_dim3A_585 : vector<1x1024xi32> to vector<392x1024xi32>
    %eq3A_587 = arith.cmpi eq, %get3A_4, %eq3A_586 : vector<392x1024xi32>
    %and3A_588 = arith.andi %eq3A_569, %eq3A_587 : vector<392x1024xi1>
    %jit3A_589 = arith.constant 3.000000e+38 : f32
    %broadcast_in_dim3A_590 = vector.broadcast %jit3A_589 : f32 to vector<392x1024xf32>
    %select_n3A_591 = arith.select %and3A_588, %broadcast_in_dim3A_590, %select_n3A_564 : vector<392x1024xi1>, vector<392x1024xf32>
    %reduce_min3A_592 = arith.constant dense<0x7F800000> : vector<1024xf32>
    %reduce_min3A_593 = vector.multi_reduction <minimumf>, %select_n3A_591, %reduce_min3A_592 [0] : vector<392x1024xf32> to vector<1024xf32>
    %broadcast_in_dim3A_594 = vector.shape_cast %reduce_min3A_593 : vector<1024xf32> to vector<1x1024xf32>
    %eq3A_595 = vector.broadcast %broadcast_in_dim3A_594 : vector<1x1024xf32> to vector<392x1024xf32>
    %eq3A_596 = arith.cmpf oeq, %select_n3A_591, %eq3A_595 : vector<392x1024xf32>
    %jit3A_597 = arith.constant 2147483647 : i32
    %broadcast_in_dim3A_598 = vector.broadcast %jit3A_597 : i32 to vector<392x1024xi32>
    %select_n3A_599 = arith.select %eq3A_596, %get3A_4, %broadcast_in_dim3A_598 : vector<392x1024xi1>, vector<392x1024xi32>
    %reduce_min3A_600 = arith.constant dense<2147483647> : vector<1024xi32>
    %reduce_min3A_601 = vector.multi_reduction <minsi>, %select_n3A_599, %reduce_min3A_600 [0] : vector<392x1024xi32> to vector<1024xi32>
    %swap3A_602 = arith.constant 22 : index
    %swap3A_603 = arith.constant 0 : index
    %swap3A_604 = vector.load %arg2[%swap3A_602, %swap3A_603] : memref<32x1024xf32, #tpu.memory_space<vmem>>, vector<1x1024xf32>
    %swap3A_605 = vector.shape_cast %swap3A_604 : vector<1x1024xf32> to vector<1024xf32>
    %swap3A_606 = vector.shape_cast %reduce_min3A_593 : vector<1024xf32> to vector<1x1024xf32>
    tpu.vector_store %arg2[%swap3A_602, %swap3A_603], %swap3A_606 {strides = array<i32>} : memref<32x1024xf32, #tpu.memory_space<vmem>>, vector<1x1024xf32>,
    %swap3A_607 = arith.constant 22 : index
    %swap3A_608 = arith.constant 0 : index
    %swap3A_609 = vector.load %arg3[%swap3A_607, %swap3A_608] : memref<32x1024xi32, #tpu.memory_space<vmem>>, vector<1x1024xi32>
    %swap3A_610 = vector.shape_cast %swap3A_609 : vector<1x1024xi32> to vector<1024xi32>
    %swap3A_611 = vector.shape_cast %reduce_min3A_601 : vector<1024xi32> to vector<1x1024xi32>
    tpu.vector_store %arg3[%swap3A_607, %swap3A_608], %swap3A_611 {strides = array<i32>} : memref<32x1024xi32, #tpu.memory_space<vmem>>, vector<1x1024xi32>,
    %broadcast_in_dim3A_612 = vector.shape_cast %reduce_min3A_601 : vector<1024xi32> to vector<1x1024xi32>
    %eq3A_613 = vector.broadcast %broadcast_in_dim3A_612 : vector<1x1024xi32> to vector<392x1024xi32>
    %eq3A_614 = arith.cmpi eq, %get3A_4, %eq3A_613 : vector<392x1024xi32>
    %and3A_615 = arith.andi %eq3A_596, %eq3A_614 : vector<392x1024xi1>
    %jit3A_616 = arith.constant 3.000000e+38 : f32
    %broadcast_in_dim3A_617 = vector.broadcast %jit3A_616 : f32 to vector<392x1024xf32>
    %select_n3A_618 = arith.select %and3A_615, %broadcast_in_dim3A_617, %select_n3A_591 : vector<392x1024xi1>, vector<392x1024xf32>
    %reduce_min3A_619 = arith.constant dense<0x7F800000> : vector<1024xf32>
    %reduce_min3A_620 = vector.multi_reduction <minimumf>, %select_n3A_618, %reduce_min3A_619 [0] : vector<392x1024xf32> to vector<1024xf32>
    %broadcast_in_dim3A_621 = vector.shape_cast %reduce_min3A_620 : vector<1024xf32> to vector<1x1024xf32>
    %eq3A_622 = vector.broadcast %broadcast_in_dim3A_621 : vector<1x1024xf32> to vector<392x1024xf32>
    %eq3A_623 = arith.cmpf oeq, %select_n3A_618, %eq3A_622 : vector<392x1024xf32>
    %jit3A_624 = arith.constant 2147483647 : i32
    %broadcast_in_dim3A_625 = vector.broadcast %jit3A_624 : i32 to vector<392x1024xi32>
    %select_n3A_626 = arith.select %eq3A_623, %get3A_4, %broadcast_in_dim3A_625 : vector<392x1024xi1>, vector<392x1024xi32>
    %reduce_min3A_627 = arith.constant dense<2147483647> : vector<1024xi32>
    %reduce_min3A_628 = vector.multi_reduction <minsi>, %select_n3A_626, %reduce_min3A_627 [0] : vector<392x1024xi32> to vector<1024xi32>
    %swap3A_629 = arith.constant 23 : index
    %swap3A_630 = arith.constant 0 : index
    %swap3A_631 = vector.load %arg2[%swap3A_629, %swap3A_630] : memref<32x1024xf32, #tpu.memory_space<vmem>>, vector<1x1024xf32>
    %swap3A_632 = vector.shape_cast %swap3A_631 : vector<1x1024xf32> to vector<1024xf32>
    %swap3A_633 = vector.shape_cast %reduce_min3A_620 : vector<1024xf32> to vector<1x1024xf32>
    tpu.vector_store %arg2[%swap3A_629, %swap3A_630], %swap3A_633 {strides = array<i32>} : memref<32x1024xf32, #tpu.memory_space<vmem>>, vector<1x1024xf32>,
    %swap3A_634 = arith.constant 23 : index
    %swap3A_635 = arith.constant 0 : index
    %swap3A_636 = vector.load %arg3[%swap3A_634, %swap3A_635] : memref<32x1024xi32, #tpu.memory_space<vmem>>, vector<1x1024xi32>
    %swap3A_637 = vector.shape_cast %swap3A_636 : vector<1x1024xi32> to vector<1024xi32>
    %swap3A_638 = vector.shape_cast %reduce_min3A_628 : vector<1024xi32> to vector<1x1024xi32>
    tpu.vector_store %arg3[%swap3A_634, %swap3A_635], %swap3A_638 {strides = array<i32>} : memref<32x1024xi32, #tpu.memory_space<vmem>>, vector<1x1024xi32>,
    %broadcast_in_dim3A_639 = vector.shape_cast %reduce_min3A_628 : vector<1024xi32> to vector<1x1024xi32>
    %eq3A_640 = vector.broadcast %broadcast_in_dim3A_639 : vector<1x1024xi32> to vector<392x1024xi32>
    %eq3A_641 = arith.cmpi eq, %get3A_4, %eq3A_640 : vector<392x1024xi32>
    %and3A_642 = arith.andi %eq3A_623, %eq3A_641 : vector<392x1024xi1>
    %jit3A_643 = arith.constant 3.000000e+38 : f32
    %broadcast_in_dim3A_644 = vector.broadcast %jit3A_643 : f32 to vector<392x1024xf32>
    %select_n3A_645 = arith.select %and3A_642, %broadcast_in_dim3A_644, %select_n3A_618 : vector<392x1024xi1>, vector<392x1024xf32>
    %reduce_min3A_646 = arith.constant dense<0x7F800000> : vector<1024xf32>
    %reduce_min3A_647 = vector.multi_reduction <minimumf>, %select_n3A_645, %reduce_min3A_646 [0] : vector<392x1024xf32> to vector<1024xf32>
    %broadcast_in_dim3A_648 = vector.shape_cast %reduce_min3A_647 : vector<1024xf32> to vector<1x1024xf32>
    %eq3A_649 = vector.broadcast %broadcast_in_dim3A_648 : vector<1x1024xf32> to vector<392x1024xf32>
    %eq3A_650 = arith.cmpf oeq, %select_n3A_645, %eq3A_649 : vector<392x1024xf32>
    %jit3A_651 = arith.constant 2147483647 : i32
    %broadcast_in_dim3A_652 = vector.broadcast %jit3A_651 : i32 to vector<392x1024xi32>
    %select_n3A_653 = arith.select %eq3A_650, %get3A_4, %broadcast_in_dim3A_652 : vector<392x1024xi1>, vector<392x1024xi32>
    %reduce_min3A_654 = arith.constant dense<2147483647> : vector<1024xi32>
    %reduce_min3A_655 = vector.multi_reduction <minsi>, %select_n3A_653, %reduce_min3A_654 [0] : vector<392x1024xi32> to vector<1024xi32>
    %swap3A_656 = arith.constant 24 : index
    %swap3A_657 = arith.constant 0 : index
    %swap3A_658 = vector.load %arg2[%swap3A_656, %swap3A_657] : memref<32x1024xf32, #tpu.memory_space<vmem>>, vector<1x1024xf32>
    %swap3A_659 = vector.shape_cast %swap3A_658 : vector<1x1024xf32> to vector<1024xf32>
    %swap3A_660 = vector.shape_cast %reduce_min3A_647 : vector<1024xf32> to vector<1x1024xf32>
    tpu.vector_store %arg2[%swap3A_656, %swap3A_657], %swap3A_660 {strides = array<i32>} : memref<32x1024xf32, #tpu.memory_space<vmem>>, vector<1x1024xf32>,
    %swap3A_661 = arith.constant 24 : index
    %swap3A_662 = arith.constant 0 : index
    %swap3A_663 = vector.load %arg3[%swap3A_661, %swap3A_662] : memref<32x1024xi32, #tpu.memory_space<vmem>>, vector<1x1024xi32>
    %swap3A_664 = vector.shape_cast %swap3A_663 : vector<1x1024xi32> to vector<1024xi32>
    %swap3A_665 = vector.shape_cast %reduce_min3A_655 : vector<1024xi32> to vector<1x1024xi32>
    tpu.vector_store %arg3[%swap3A_661, %swap3A_662], %swap3A_665 {strides = array<i32>} : memref<32x1024xi32, #tpu.memory_space<vmem>>, vector<1x1024xi32>,
    %broadcast_in_dim3A_666 = vector.shape_cast %reduce_min3A_655 : vector<1024xi32> to vector<1x1024xi32>
    %eq3A_667 = vector.broadcast %broadcast_in_dim3A_666 : vector<1x1024xi32> to vector<392x1024xi32>
    %eq3A_668 = arith.cmpi eq, %get3A_4, %eq3A_667 : vector<392x1024xi32>
    %and3A_669 = arith.andi %eq3A_650, %eq3A_668 : vector<392x1024xi1>
    %jit3A_670 = arith.constant 3.000000e+38 : f32
    %broadcast_in_dim3A_671 = vector.broadcast %jit3A_670 : f32 to vector<392x1024xf32>
    %select_n3A_672 = arith.select %and3A_669, %broadcast_in_dim3A_671, %select_n3A_645 : vector<392x1024xi1>, vector<392x1024xf32>
    %reduce_min3A_673 = arith.constant dense<0x7F800000> : vector<1024xf32>
    %reduce_min3A_674 = vector.multi_reduction <minimumf>, %select_n3A_672, %reduce_min3A_673 [0] : vector<392x1024xf32> to vector<1024xf32>
    %broadcast_in_dim3A_675 = vector.shape_cast %reduce_min3A_674 : vector<1024xf32> to vector<1x1024xf32>
    %eq3A_676 = vector.broadcast %broadcast_in_dim3A_675 : vector<1x1024xf32> to vector<392x1024xf32>
    %eq3A_677 = arith.cmpf oeq, %select_n3A_672, %eq3A_676 : vector<392x1024xf32>
    %jit3A_678 = arith.constant 2147483647 : i32
    %broadcast_in_dim3A_679 = vector.broadcast %jit3A_678 : i32 to vector<392x1024xi32>
    %select_n3A_680 = arith.select %eq3A_677, %get3A_4, %broadcast_in_dim3A_679 : vector<392x1024xi1>, vector<392x1024xi32>
    %reduce_min3A_681 = arith.constant dense<2147483647> : vector<1024xi32>
    %reduce_min3A_682 = vector.multi_reduction <minsi>, %select_n3A_680, %reduce_min3A_681 [0] : vector<392x1024xi32> to vector<1024xi32>
    %swap3A_683 = arith.constant 25 : index
    %swap3A_684 = arith.constant 0 : index
    %swap3A_685 = vector.load %arg2[%swap3A_683, %swap3A_684] : memref<32x1024xf32, #tpu.memory_space<vmem>>, vector<1x1024xf32>
    %swap3A_686 = vector.shape_cast %swap3A_685 : vector<1x1024xf32> to vector<1024xf32>
    %swap3A_687 = vector.shape_cast %reduce_min3A_674 : vector<1024xf32> to vector<1x1024xf32>
    tpu.vector_store %arg2[%swap3A_683, %swap3A_684], %swap3A_687 {strides = array<i32>} : memref<32x1024xf32, #tpu.memory_space<vmem>>, vector<1x1024xf32>,
    %swap3A_688 = arith.constant 25 : index
    %swap3A_689 = arith.constant 0 : index
    %swap3A_690 = vector.load %arg3[%swap3A_688, %swap3A_689] : memref<32x1024xi32, #tpu.memory_space<vmem>>, vector<1x1024xi32>
    %swap3A_691 = vector.shape_cast %swap3A_690 : vector<1x1024xi32> to vector<1024xi32>
    %swap3A_692 = vector.shape_cast %reduce_min3A_682 : vector<1024xi32> to vector<1x1024xi32>
    tpu.vector_store %arg3[%swap3A_688, %swap3A_689], %swap3A_692 {strides = array<i32>} : memref<32x1024xi32, #tpu.memory_space<vmem>>, vector<1x1024xi32>,
    %broadcast_in_dim3A_693 = vector.shape_cast %reduce_min3A_682 : vector<1024xi32> to vector<1x1024xi32>
    %eq3A_694 = vector.broadcast %broadcast_in_dim3A_693 : vector<1x1024xi32> to vector<392x1024xi32>
    %eq3A_695 = arith.cmpi eq, %get3A_4, %eq3A_694 : vector<392x1024xi32>
    %and3A_696 = arith.andi %eq3A_677, %eq3A_695 : vector<392x1024xi1>
    %jit3A_697 = arith.constant 3.000000e+38 : f32
    %broadcast_in_dim3A_698 = vector.broadcast %jit3A_697 : f32 to vector<392x1024xf32>
    %select_n3A_699 = arith.select %and3A_696, %broadcast_in_dim3A_698, %select_n3A_672 : vector<392x1024xi1>, vector<392x1024xf32>
    %reduce_min3A_700 = arith.constant dense<0x7F800000> : vector<1024xf32>
    %reduce_min3A_701 = vector.multi_reduction <minimumf>, %select_n3A_699, %reduce_min3A_700 [0] : vector<392x1024xf32> to vector<1024xf32>
    %broadcast_in_dim3A_702 = vector.shape_cast %reduce_min3A_701 : vector<1024xf32> to vector<1x1024xf32>
    %eq3A_703 = vector.broadcast %broadcast_in_dim3A_702 : vector<1x1024xf32> to vector<392x1024xf32>
    %eq3A_704 = arith.cmpf oeq, %select_n3A_699, %eq3A_703 : vector<392x1024xf32>
    %jit3A_705 = arith.constant 2147483647 : i32
    %broadcast_in_dim3A_706 = vector.broadcast %jit3A_705 : i32 to vector<392x1024xi32>
    %select_n3A_707 = arith.select %eq3A_704, %get3A_4, %broadcast_in_dim3A_706 : vector<392x1024xi1>, vector<392x1024xi32>
    %reduce_min3A_708 = arith.constant dense<2147483647> : vector<1024xi32>
    %reduce_min3A_709 = vector.multi_reduction <minsi>, %select_n3A_707, %reduce_min3A_708 [0] : vector<392x1024xi32> to vector<1024xi32>
    %swap3A_710 = arith.constant 26 : index
    %swap3A_711 = arith.constant 0 : index
    %swap3A_712 = vector.load %arg2[%swap3A_710, %swap3A_711] : memref<32x1024xf32, #tpu.memory_space<vmem>>, vector<1x1024xf32>
    %swap3A_713 = vector.shape_cast %swap3A_712 : vector<1x1024xf32> to vector<1024xf32>
    %swap3A_714 = vector.shape_cast %reduce_min3A_701 : vector<1024xf32> to vector<1x1024xf32>
    tpu.vector_store %arg2[%swap3A_710, %swap3A_711], %swap3A_714 {strides = array<i32>} : memref<32x1024xf32, #tpu.memory_space<vmem>>, vector<1x1024xf32>,
    %swap3A_715 = arith.constant 26 : index
    %swap3A_716 = arith.constant 0 : index
    %swap3A_717 = vector.load %arg3[%swap3A_715, %swap3A_716] : memref<32x1024xi32, #tpu.memory_space<vmem>>, vector<1x1024xi32>
    %swap3A_718 = vector.shape_cast %swap3A_717 : vector<1x1024xi32> to vector<1024xi32>
    %swap3A_719 = vector.shape_cast %reduce_min3A_709 : vector<1024xi32> to vector<1x1024xi32>
    tpu.vector_store %arg3[%swap3A_715, %swap3A_716], %swap3A_719 {strides = array<i32>} : memref<32x1024xi32, #tpu.memory_space<vmem>>, vector<1x1024xi32>,
    %broadcast_in_dim3A_720 = vector.shape_cast %reduce_min3A_709 : vector<1024xi32> to vector<1x1024xi32>
    %eq3A_721 = vector.broadcast %broadcast_in_dim3A_720 : vector<1x1024xi32> to vector<392x1024xi32>
    %eq3A_722 = arith.cmpi eq, %get3A_4, %eq3A_721 : vector<392x1024xi32>
    %and3A_723 = arith.andi %eq3A_704, %eq3A_722 : vector<392x1024xi1>
    %jit3A_724 = arith.constant 3.000000e+38 : f32
    %broadcast_in_dim3A_725 = vector.broadcast %jit3A_724 : f32 to vector<392x1024xf32>
    %select_n3A_726 = arith.select %and3A_723, %broadcast_in_dim3A_725, %select_n3A_699 : vector<392x1024xi1>, vector<392x1024xf32>
    %reduce_min3A_727 = arith.constant dense<0x7F800000> : vector<1024xf32>
    %reduce_min3A_728 = vector.multi_reduction <minimumf>, %select_n3A_726, %reduce_min3A_727 [0] : vector<392x1024xf32> to vector<1024xf32>
    %broadcast_in_dim3A_729 = vector.shape_cast %reduce_min3A_728 : vector<1024xf32> to vector<1x1024xf32>
    %eq3A_730 = vector.broadcast %broadcast_in_dim3A_729 : vector<1x1024xf32> to vector<392x1024xf32>
    %eq3A_731 = arith.cmpf oeq, %select_n3A_726, %eq3A_730 : vector<392x1024xf32>
    %jit3A_732 = arith.constant 2147483647 : i32
    %broadcast_in_dim3A_733 = vector.broadcast %jit3A_732 : i32 to vector<392x1024xi32>
    %select_n3A_734 = arith.select %eq3A_731, %get3A_4, %broadcast_in_dim3A_733 : vector<392x1024xi1>, vector<392x1024xi32>
    %reduce_min3A_735 = arith.constant dense<2147483647> : vector<1024xi32>
    %reduce_min3A_736 = vector.multi_reduction <minsi>, %select_n3A_734, %reduce_min3A_735 [0] : vector<392x1024xi32> to vector<1024xi32>
    %swap3A_737 = arith.constant 27 : index
    %swap3A_738 = arith.constant 0 : index
    %swap3A_739 = vector.load %arg2[%swap3A_737, %swap3A_738] : memref<32x1024xf32, #tpu.memory_space<vmem>>, vector<1x1024xf32>
    %swap3A_740 = vector.shape_cast %swap3A_739 : vector<1x1024xf32> to vector<1024xf32>
    %swap3A_741 = vector.shape_cast %reduce_min3A_728 : vector<1024xf32> to vector<1x1024xf32>
    tpu.vector_store %arg2[%swap3A_737, %swap3A_738], %swap3A_741 {strides = array<i32>} : memref<32x1024xf32, #tpu.memory_space<vmem>>, vector<1x1024xf32>,
    %swap3A_742 = arith.constant 27 : index
    %swap3A_743 = arith.constant 0 : index
    %swap3A_744 = vector.load %arg3[%swap3A_742, %swap3A_743] : memref<32x1024xi32, #tpu.memory_space<vmem>>, vector<1x1024xi32>
    %swap3A_745 = vector.shape_cast %swap3A_744 : vector<1x1024xi32> to vector<1024xi32>
    %swap3A_746 = vector.shape_cast %reduce_min3A_736 : vector<1024xi32> to vector<1x1024xi32>
    tpu.vector_store %arg3[%swap3A_742, %swap3A_743], %swap3A_746 {strides = array<i32>} : memref<32x1024xi32, #tpu.memory_space<vmem>>, vector<1x1024xi32>,
    %broadcast_in_dim3A_747 = vector.shape_cast %reduce_min3A_736 : vector<1024xi32> to vector<1x1024xi32>
    %eq3A_748 = vector.broadcast %broadcast_in_dim3A_747 : vector<1x1024xi32> to vector<392x1024xi32>
    %eq3A_749 = arith.cmpi eq, %get3A_4, %eq3A_748 : vector<392x1024xi32>
    %and3A_750 = arith.andi %eq3A_731, %eq3A_749 : vector<392x1024xi1>
    %jit3A_751 = arith.constant 3.000000e+38 : f32
    %broadcast_in_dim3A_752 = vector.broadcast %jit3A_751 : f32 to vector<392x1024xf32>
    %select_n3A_753 = arith.select %and3A_750, %broadcast_in_dim3A_752, %select_n3A_726 : vector<392x1024xi1>, vector<392x1024xf32>
    %reduce_min3A_754 = arith.constant dense<0x7F800000> : vector<1024xf32>
    %reduce_min3A_755 = vector.multi_reduction <minimumf>, %select_n3A_753, %reduce_min3A_754 [0] : vector<392x1024xf32> to vector<1024xf32>
    %broadcast_in_dim3A_756 = vector.shape_cast %reduce_min3A_755 : vector<1024xf32> to vector<1x1024xf32>
    %eq3A_757 = vector.broadcast %broadcast_in_dim3A_756 : vector<1x1024xf32> to vector<392x1024xf32>
    %eq3A_758 = arith.cmpf oeq, %select_n3A_753, %eq3A_757 : vector<392x1024xf32>
    %jit3A_759 = arith.constant 2147483647 : i32
    %broadcast_in_dim3A_760 = vector.broadcast %jit3A_759 : i32 to vector<392x1024xi32>
    %select_n3A_761 = arith.select %eq3A_758, %get3A_4, %broadcast_in_dim3A_760 : vector<392x1024xi1>, vector<392x1024xi32>
    %reduce_min3A_762 = arith.constant dense<2147483647> : vector<1024xi32>
    %reduce_min3A_763 = vector.multi_reduction <minsi>, %select_n3A_761, %reduce_min3A_762 [0] : vector<392x1024xi32> to vector<1024xi32>
    %swap3A_764 = arith.constant 28 : index
    %swap3A_765 = arith.constant 0 : index
    %swap3A_766 = vector.load %arg2[%swap3A_764, %swap3A_765] : memref<32x1024xf32, #tpu.memory_space<vmem>>, vector<1x1024xf32>
    %swap3A_767 = vector.shape_cast %swap3A_766 : vector<1x1024xf32> to vector<1024xf32>
    %swap3A_768 = vector.shape_cast %reduce_min3A_755 : vector<1024xf32> to vector<1x1024xf32>
    tpu.vector_store %arg2[%swap3A_764, %swap3A_765], %swap3A_768 {strides = array<i32>} : memref<32x1024xf32, #tpu.memory_space<vmem>>, vector<1x1024xf32>,
    %swap3A_769 = arith.constant 28 : index
    %swap3A_770 = arith.constant 0 : index
    %swap3A_771 = vector.load %arg3[%swap3A_769, %swap3A_770] : memref<32x1024xi32, #tpu.memory_space<vmem>>, vector<1x1024xi32>
    %swap3A_772 = vector.shape_cast %swap3A_771 : vector<1x1024xi32> to vector<1024xi32>
    %swap3A_773 = vector.shape_cast %reduce_min3A_763 : vector<1024xi32> to vector<1x1024xi32>
    tpu.vector_store %arg3[%swap3A_769, %swap3A_770], %swap3A_773 {strides = array<i32>} : memref<32x1024xi32, #tpu.memory_space<vmem>>, vector<1x1024xi32>,
    %broadcast_in_dim3A_774 = vector.shape_cast %reduce_min3A_763 : vector<1024xi32> to vector<1x1024xi32>
    %eq3A_775 = vector.broadcast %broadcast_in_dim3A_774 : vector<1x1024xi32> to vector<392x1024xi32>
    %eq3A_776 = arith.cmpi eq, %get3A_4, %eq3A_775 : vector<392x1024xi32>
    %and3A_777 = arith.andi %eq3A_758, %eq3A_776 : vector<392x1024xi1>
    %jit3A_778 = arith.constant 3.000000e+38 : f32
    %broadcast_in_dim3A_779 = vector.broadcast %jit3A_778 : f32 to vector<392x1024xf32>
    %select_n3A_780 = arith.select %and3A_777, %broadcast_in_dim3A_779, %select_n3A_753 : vector<392x1024xi1>, vector<392x1024xf32>
    %reduce_min3A_781 = arith.constant dense<0x7F800000> : vector<1024xf32>
    %reduce_min3A_782 = vector.multi_reduction <minimumf>, %select_n3A_780, %reduce_min3A_781 [0] : vector<392x1024xf32> to vector<1024xf32>
    %broadcast_in_dim3A_783 = vector.shape_cast %reduce_min3A_782 : vector<1024xf32> to vector<1x1024xf32>
    %eq3A_784 = vector.broadcast %broadcast_in_dim3A_783 : vector<1x1024xf32> to vector<392x1024xf32>
    %eq3A_785 = arith.cmpf oeq, %select_n3A_780, %eq3A_784 : vector<392x1024xf32>
    %jit3A_786 = arith.constant 2147483647 : i32
    %broadcast_in_dim3A_787 = vector.broadcast %jit3A_786 : i32 to vector<392x1024xi32>
    %select_n3A_788 = arith.select %eq3A_785, %get3A_4, %broadcast_in_dim3A_787 : vector<392x1024xi1>, vector<392x1024xi32>
    %reduce_min3A_789 = arith.constant dense<2147483647> : vector<1024xi32>
    %reduce_min3A_790 = vector.multi_reduction <minsi>, %select_n3A_788, %reduce_min3A_789 [0] : vector<392x1024xi32> to vector<1024xi32>
    %swap3A_791 = arith.constant 29 : index
    %swap3A_792 = arith.constant 0 : index
    %swap3A_793 = vector.load %arg2[%swap3A_791, %swap3A_792] : memref<32x1024xf32, #tpu.memory_space<vmem>>, vector<1x1024xf32>
    %swap3A_794 = vector.shape_cast %swap3A_793 : vector<1x1024xf32> to vector<1024xf32>
    %swap3A_795 = vector.shape_cast %reduce_min3A_782 : vector<1024xf32> to vector<1x1024xf32>
    tpu.vector_store %arg2[%swap3A_791, %swap3A_792], %swap3A_795 {strides = array<i32>} : memref<32x1024xf32, #tpu.memory_space<vmem>>, vector<1x1024xf32>,
    %swap3A_796 = arith.constant 29 : index
    %swap3A_797 = arith.constant 0 : index
    %swap3A_798 = vector.load %arg3[%swap3A_796, %swap3A_797] : memref<32x1024xi32, #tpu.memory_space<vmem>>, vector<1x1024xi32>
    %swap3A_799 = vector.shape_cast %swap3A_798 : vector<1x1024xi32> to vector<1024xi32>
    %swap3A_800 = vector.shape_cast %reduce_min3A_790 : vector<1024xi32> to vector<1x1024xi32>
    tpu.vector_store %arg3[%swap3A_796, %swap3A_797], %swap3A_800 {strides = array<i32>} : memref<32x1024xi32, #tpu.memory_space<vmem>>, vector<1x1024xi32>,
    %broadcast_in_dim3A_801 = vector.shape_cast %reduce_min3A_790 : vector<1024xi32> to vector<1x1024xi32>
    %eq3A_802 = vector.broadcast %broadcast_in_dim3A_801 : vector<1x1024xi32> to vector<392x1024xi32>
    %eq3A_803 = arith.cmpi eq, %get3A_4, %eq3A_802 : vector<392x1024xi32>
    %and3A_804 = arith.andi %eq3A_785, %eq3A_803 : vector<392x1024xi1>
    %jit3A_805 = arith.constant 3.000000e+38 : f32
    %broadcast_in_dim3A_806 = vector.broadcast %jit3A_805 : f32 to vector<392x1024xf32>
    %select_n3A_807 = arith.select %and3A_804, %broadcast_in_dim3A_806, %select_n3A_780 : vector<392x1024xi1>, vector<392x1024xf32>
    %reduce_min3A_808 = arith.constant dense<0x7F800000> : vector<1024xf32>
    %reduce_min3A_809 = vector.multi_reduction <minimumf>, %select_n3A_807, %reduce_min3A_808 [0] : vector<392x1024xf32> to vector<1024xf32>
    %broadcast_in_dim3A_810 = vector.shape_cast %reduce_min3A_809 : vector<1024xf32> to vector<1x1024xf32>
    %eq3A_811 = vector.broadcast %broadcast_in_dim3A_810 : vector<1x1024xf32> to vector<392x1024xf32>
    %eq3A_812 = arith.cmpf oeq, %select_n3A_807, %eq3A_811 : vector<392x1024xf32>
    %jit3A_813 = arith.constant 2147483647 : i32
    %broadcast_in_dim3A_814 = vector.broadcast %jit3A_813 : i32 to vector<392x1024xi32>
    %select_n3A_815 = arith.select %eq3A_812, %get3A_4, %broadcast_in_dim3A_814 : vector<392x1024xi1>, vector<392x1024xi32>
    %reduce_min3A_816 = arith.constant dense<2147483647> : vector<1024xi32>
    %reduce_min3A_817 = vector.multi_reduction <minsi>, %select_n3A_815, %reduce_min3A_816 [0] : vector<392x1024xi32> to vector<1024xi32>
    %swap3A_818 = arith.constant 30 : index
    %swap3A_819 = arith.constant 0 : index
    %swap3A_820 = vector.load %arg2[%swap3A_818, %swap3A_819] : memref<32x1024xf32, #tpu.memory_space<vmem>>, vector<1x1024xf32>
    %swap3A_821 = vector.shape_cast %swap3A_820 : vector<1x1024xf32> to vector<1024xf32>
    %swap3A_822 = vector.shape_cast %reduce_min3A_809 : vector<1024xf32> to vector<1x1024xf32>
    tpu.vector_store %arg2[%swap3A_818, %swap3A_819], %swap3A_822 {strides = array<i32>} : memref<32x1024xf32, #tpu.memory_space<vmem>>, vector<1x1024xf32>,
    %swap3A_823 = arith.constant 30 : index
    %swap3A_824 = arith.constant 0 : index
    %swap3A_825 = vector.load %arg3[%swap3A_823, %swap3A_824] : memref<32x1024xi32, #tpu.memory_space<vmem>>, vector<1x1024xi32>
    %swap3A_826 = vector.shape_cast %swap3A_825 : vector<1x1024xi32> to vector<1024xi32>
    %swap3A_827 = vector.shape_cast %reduce_min3A_817 : vector<1024xi32> to vector<1x1024xi32>
    tpu.vector_store %arg3[%swap3A_823, %swap3A_824], %swap3A_827 {strides = array<i32>} : memref<32x1024xi32, #tpu.memory_space<vmem>>, vector<1x1024xi32>,
    %broadcast_in_dim3A_828 = vector.shape_cast %reduce_min3A_817 : vector<1024xi32> to vector<1x1024xi32>
    %eq3A_829 = vector.broadcast %broadcast_in_dim3A_828 : vector<1x1024xi32> to vector<392x1024xi32>
    %eq3A_830 = arith.cmpi eq, %get3A_4, %eq3A_829 : vector<392x1024xi32>
    %and3A_831 = arith.andi %eq3A_812, %eq3A_830 : vector<392x1024xi1>
    %jit3A_832 = arith.constant 3.000000e+38 : f32
    %broadcast_in_dim3A_833 = vector.broadcast %jit3A_832 : f32 to vector<392x1024xf32>
    %select_n3A_834 = arith.select %and3A_831, %broadcast_in_dim3A_833, %select_n3A_807 : vector<392x1024xi1>, vector<392x1024xf32>
    %reduce_min3A_835 = arith.constant dense<0x7F800000> : vector<1024xf32>
    %reduce_min3A_836 = vector.multi_reduction <minimumf>, %select_n3A_834, %reduce_min3A_835 [0] : vector<392x1024xf32> to vector<1024xf32>
    %broadcast_in_dim3A_837 = vector.shape_cast %reduce_min3A_836 : vector<1024xf32> to vector<1x1024xf32>
    %eq3A_838 = vector.broadcast %broadcast_in_dim3A_837 : vector<1x1024xf32> to vector<392x1024xf32>
    %eq3A_839 = arith.cmpf oeq, %select_n3A_834, %eq3A_838 : vector<392x1024xf32>
    %jit3A_840 = arith.constant 2147483647 : i32
    %broadcast_in_dim3A_841 = vector.broadcast %jit3A_840 : i32 to vector<392x1024xi32>
    %select_n3A_842 = arith.select %eq3A_839, %get3A_4, %broadcast_in_dim3A_841 : vector<392x1024xi1>, vector<392x1024xi32>
    %reduce_min3A_843 = arith.constant dense<2147483647> : vector<1024xi32>
    %reduce_min3A_844 = vector.multi_reduction <minsi>, %select_n3A_842, %reduce_min3A_843 [0] : vector<392x1024xi32> to vector<1024xi32>
    %swap3A_845 = arith.constant 31 : index
    %swap3A_846 = arith.constant 0 : index
    %swap3A_847 = vector.load %arg2[%swap3A_845, %swap3A_846] : memref<32x1024xf32, #tpu.memory_space<vmem>>, vector<1x1024xf32>
    %swap3A_848 = vector.shape_cast %swap3A_847 : vector<1x1024xf32> to vector<1024xf32>
    %swap3A_849 = vector.shape_cast %reduce_min3A_836 : vector<1024xf32> to vector<1x1024xf32>
    tpu.vector_store %arg2[%swap3A_845, %swap3A_846], %swap3A_849 {strides = array<i32>} : memref<32x1024xf32, #tpu.memory_space<vmem>>, vector<1x1024xf32>,
    %swap3A_850 = arith.constant 31 : index
    %swap3A_851 = arith.constant 0 : index
    %swap3A_852 = vector.load %arg3[%swap3A_850, %swap3A_851] : memref<32x1024xi32, #tpu.memory_space<vmem>>, vector<1x1024xi32>
    %swap3A_853 = vector.shape_cast %swap3A_852 : vector<1x1024xi32> to vector<1024xi32>
    %swap3A_854 = vector.shape_cast %reduce_min3A_844 : vector<1024xi32> to vector<1x1024xi32>
    tpu.vector_store %arg3[%swap3A_850, %swap3A_851], %swap3A_854 {strides = array<i32>} : memref<32x1024xi32, #tpu.memory_space<vmem>>, vector<1x1024xi32>,
    return
  }
}

module attributes {stable_mosaic.version = 14 : i64} {
  func.func @_extract_body(%arg0: memref<512x1024xf32, #tpu.memory_space<vmem>>, %arg1: memref<512x1024xi32, #tpu.memory_space<vmem>>, %arg2: memref<32x1024xf32, #tpu.memory_space<vmem>>, %arg3: memref<32x1024xi32, #tpu.memory_space<vmem>>) attributes {dimension_semantics = [], scalar_prefetch = 0 : i64, scratch_operands = 0 : i64, tpu.core_type = #tpu.core_type<tc>} {
    %get3A = arith.constant 0 : index
    %get3A_0 = arith.constant 0 : index
    %get3A_1 = vector.load %arg0[%get3A, %get3A_0] : memref<512x1024xf32, #tpu.memory_space<vmem>>, vector<512x1024xf32>
    %get3A_2 = arith.constant 0 : index
    %get3A_3 = arith.constant 0 : index
    %get3A_4 = vector.load %arg1[%get3A_2, %get3A_3] : memref<512x1024xi32, #tpu.memory_space<vmem>>, vector<512x1024xi32>
    %reduce_min3A = arith.constant dense<0x7F800000> : vector<1024xf32>
    %reduce_min3A_5 = vector.multi_reduction <minimumf>, %get3A_1, %reduce_min3A [0] : vector<512x1024xf32> to vector<1024xf32>
    %broadcast_in_dim3A = vector.shape_cast %reduce_min3A_5 : vector<1024xf32> to vector<1x1024xf32>
    %eq3A = vector.broadcast %broadcast_in_dim3A : vector<1x1024xf32> to vector<512x1024xf32>
    %eq3A_6 = arith.cmpf oeq, %get3A_1, %eq3A : vector<512x1024xf32>
    %jit3A = arith.constant 2147483647 : i32
    %broadcast_in_dim3A_7 = vector.broadcast %jit3A : i32 to vector<512x1024xi32>
    %select_n3A = arith.select %eq3A_6, %get3A_4, %broadcast_in_dim3A_7 : vector<512x1024xi1>, vector<512x1024xi32>
    %reduce_min3A_8 = arith.constant dense<2147483647> : vector<1024xi32>
    %reduce_min3A_9 = vector.multi_reduction <minsi>, %select_n3A, %reduce_min3A_8 [0] : vector<512x1024xi32> to vector<1024xi32>
    %swap3A = arith.constant 0 : index
    %swap3A_10 = arith.constant 0 : index
    %swap3A_11 = vector.load %arg2[%swap3A, %swap3A_10] : memref<32x1024xf32, #tpu.memory_space<vmem>>, vector<1x1024xf32>
    %swap3A_12 = vector.shape_cast %swap3A_11 : vector<1x1024xf32> to vector<1024xf32>
    %swap3A_13 = vector.shape_cast %reduce_min3A_5 : vector<1024xf32> to vector<1x1024xf32>
    tpu.vector_store %arg2[%swap3A, %swap3A_10], %swap3A_13 {strides = array<i32>} : memref<32x1024xf32, #tpu.memory_space<vmem>>, vector<1x1024xf32>,
    %swap3A_14 = arith.constant 0 : index
    %swap3A_15 = arith.constant 0 : index
    %swap3A_16 = vector.load %arg3[%swap3A_14, %swap3A_15] : memref<32x1024xi32, #tpu.memory_space<vmem>>, vector<1x1024xi32>
    %swap3A_17 = vector.shape_cast %swap3A_16 : vector<1x1024xi32> to vector<1024xi32>
    %swap3A_18 = vector.shape_cast %reduce_min3A_9 : vector<1024xi32> to vector<1x1024xi32>
    tpu.vector_store %arg3[%swap3A_14, %swap3A_15], %swap3A_18 {strides = array<i32>} : memref<32x1024xi32, #tpu.memory_space<vmem>>, vector<1x1024xi32>,
    %broadcast_in_dim3A_19 = vector.shape_cast %reduce_min3A_9 : vector<1024xi32> to vector<1x1024xi32>
    %eq3A_20 = vector.broadcast %broadcast_in_dim3A_19 : vector<1x1024xi32> to vector<512x1024xi32>
    %eq3A_21 = arith.cmpi eq, %get3A_4, %eq3A_20 : vector<512x1024xi32>
    %and3A = arith.andi %eq3A_6, %eq3A_21 : vector<512x1024xi1>
    %jit3A_22 = arith.constant 3.000000e+38 : f32
    %broadcast_in_dim3A_23 = vector.broadcast %jit3A_22 : f32 to vector<512x1024xf32>
    %select_n3A_24 = arith.select %and3A, %broadcast_in_dim3A_23, %get3A_1 : vector<512x1024xi1>, vector<512x1024xf32>
    %reduce_min3A_25 = arith.constant dense<0x7F800000> : vector<1024xf32>
    %reduce_min3A_26 = vector.multi_reduction <minimumf>, %select_n3A_24, %reduce_min3A_25 [0] : vector<512x1024xf32> to vector<1024xf32>
    %broadcast_in_dim3A_27 = vector.shape_cast %reduce_min3A_26 : vector<1024xf32> to vector<1x1024xf32>
    %eq3A_28 = vector.broadcast %broadcast_in_dim3A_27 : vector<1x1024xf32> to vector<512x1024xf32>
    %eq3A_29 = arith.cmpf oeq, %select_n3A_24, %eq3A_28 : vector<512x1024xf32>
    %jit3A_30 = arith.constant 2147483647 : i32
    %broadcast_in_dim3A_31 = vector.broadcast %jit3A_30 : i32 to vector<512x1024xi32>
    %select_n3A_32 = arith.select %eq3A_29, %get3A_4, %broadcast_in_dim3A_31 : vector<512x1024xi1>, vector<512x1024xi32>
    %reduce_min3A_33 = arith.constant dense<2147483647> : vector<1024xi32>
    %reduce_min3A_34 = vector.multi_reduction <minsi>, %select_n3A_32, %reduce_min3A_33 [0] : vector<512x1024xi32> to vector<1024xi32>
    %swap3A_35 = arith.constant 1 : index
    %swap3A_36 = arith.constant 0 : index
    %swap3A_37 = vector.load %arg2[%swap3A_35, %swap3A_36] : memref<32x1024xf32, #tpu.memory_space<vmem>>, vector<1x1024xf32>
    %swap3A_38 = vector.shape_cast %swap3A_37 : vector<1x1024xf32> to vector<1024xf32>
    %swap3A_39 = vector.shape_cast %reduce_min3A_26 : vector<1024xf32> to vector<1x1024xf32>
    tpu.vector_store %arg2[%swap3A_35, %swap3A_36], %swap3A_39 {strides = array<i32>} : memref<32x1024xf32, #tpu.memory_space<vmem>>, vector<1x1024xf32>,
    %swap3A_40 = arith.constant 1 : index
    %swap3A_41 = arith.constant 0 : index
    %swap3A_42 = vector.load %arg3[%swap3A_40, %swap3A_41] : memref<32x1024xi32, #tpu.memory_space<vmem>>, vector<1x1024xi32>
    %swap3A_43 = vector.shape_cast %swap3A_42 : vector<1x1024xi32> to vector<1024xi32>
    %swap3A_44 = vector.shape_cast %reduce_min3A_34 : vector<1024xi32> to vector<1x1024xi32>
    tpu.vector_store %arg3[%swap3A_40, %swap3A_41], %swap3A_44 {strides = array<i32>} : memref<32x1024xi32, #tpu.memory_space<vmem>>, vector<1x1024xi32>,
    %broadcast_in_dim3A_45 = vector.shape_cast %reduce_min3A_34 : vector<1024xi32> to vector<1x1024xi32>
    %eq3A_46 = vector.broadcast %broadcast_in_dim3A_45 : vector<1x1024xi32> to vector<512x1024xi32>
    %eq3A_47 = arith.cmpi eq, %get3A_4, %eq3A_46 : vector<512x1024xi32>
    %and3A_48 = arith.andi %eq3A_29, %eq3A_47 : vector<512x1024xi1>
    %jit3A_49 = arith.constant 3.000000e+38 : f32
    %broadcast_in_dim3A_50 = vector.broadcast %jit3A_49 : f32 to vector<512x1024xf32>
    %select_n3A_51 = arith.select %and3A_48, %broadcast_in_dim3A_50, %select_n3A_24 : vector<512x1024xi1>, vector<512x1024xf32>
    %reduce_min3A_52 = arith.constant dense<0x7F800000> : vector<1024xf32>
    %reduce_min3A_53 = vector.multi_reduction <minimumf>, %select_n3A_51, %reduce_min3A_52 [0] : vector<512x1024xf32> to vector<1024xf32>
    %broadcast_in_dim3A_54 = vector.shape_cast %reduce_min3A_53 : vector<1024xf32> to vector<1x1024xf32>
    %eq3A_55 = vector.broadcast %broadcast_in_dim3A_54 : vector<1x1024xf32> to vector<512x1024xf32>
    %eq3A_56 = arith.cmpf oeq, %select_n3A_51, %eq3A_55 : vector<512x1024xf32>
    %jit3A_57 = arith.constant 2147483647 : i32
    %broadcast_in_dim3A_58 = vector.broadcast %jit3A_57 : i32 to vector<512x1024xi32>
    %select_n3A_59 = arith.select %eq3A_56, %get3A_4, %broadcast_in_dim3A_58 : vector<512x1024xi1>, vector<512x1024xi32>
    %reduce_min3A_60 = arith.constant dense<2147483647> : vector<1024xi32>
    %reduce_min3A_61 = vector.multi_reduction <minsi>, %select_n3A_59, %reduce_min3A_60 [0] : vector<512x1024xi32> to vector<1024xi32>
    %swap3A_62 = arith.constant 2 : index
    %swap3A_63 = arith.constant 0 : index
    %swap3A_64 = vector.load %arg2[%swap3A_62, %swap3A_63] : memref<32x1024xf32, #tpu.memory_space<vmem>>, vector<1x1024xf32>
    %swap3A_65 = vector.shape_cast %swap3A_64 : vector<1x1024xf32> to vector<1024xf32>
    %swap3A_66 = vector.shape_cast %reduce_min3A_53 : vector<1024xf32> to vector<1x1024xf32>
    tpu.vector_store %arg2[%swap3A_62, %swap3A_63], %swap3A_66 {strides = array<i32>} : memref<32x1024xf32, #tpu.memory_space<vmem>>, vector<1x1024xf32>,
    %swap3A_67 = arith.constant 2 : index
    %swap3A_68 = arith.constant 0 : index
    %swap3A_69 = vector.load %arg3[%swap3A_67, %swap3A_68] : memref<32x1024xi32, #tpu.memory_space<vmem>>, vector<1x1024xi32>
    %swap3A_70 = vector.shape_cast %swap3A_69 : vector<1x1024xi32> to vector<1024xi32>
    %swap3A_71 = vector.shape_cast %reduce_min3A_61 : vector<1024xi32> to vector<1x1024xi32>
    tpu.vector_store %arg3[%swap3A_67, %swap3A_68], %swap3A_71 {strides = array<i32>} : memref<32x1024xi32, #tpu.memory_space<vmem>>, vector<1x1024xi32>,
    %broadcast_in_dim3A_72 = vector.shape_cast %reduce_min3A_61 : vector<1024xi32> to vector<1x1024xi32>
    %eq3A_73 = vector.broadcast %broadcast_in_dim3A_72 : vector<1x1024xi32> to vector<512x1024xi32>
    %eq3A_74 = arith.cmpi eq, %get3A_4, %eq3A_73 : vector<512x1024xi32>
    %and3A_75 = arith.andi %eq3A_56, %eq3A_74 : vector<512x1024xi1>
    %jit3A_76 = arith.constant 3.000000e+38 : f32
    %broadcast_in_dim3A_77 = vector.broadcast %jit3A_76 : f32 to vector<512x1024xf32>
    %select_n3A_78 = arith.select %and3A_75, %broadcast_in_dim3A_77, %select_n3A_51 : vector<512x1024xi1>, vector<512x1024xf32>
    %reduce_min3A_79 = arith.constant dense<0x7F800000> : vector<1024xf32>
    %reduce_min3A_80 = vector.multi_reduction <minimumf>, %select_n3A_78, %reduce_min3A_79 [0] : vector<512x1024xf32> to vector<1024xf32>
    %broadcast_in_dim3A_81 = vector.shape_cast %reduce_min3A_80 : vector<1024xf32> to vector<1x1024xf32>
    %eq3A_82 = vector.broadcast %broadcast_in_dim3A_81 : vector<1x1024xf32> to vector<512x1024xf32>
    %eq3A_83 = arith.cmpf oeq, %select_n3A_78, %eq3A_82 : vector<512x1024xf32>
    %jit3A_84 = arith.constant 2147483647 : i32
    %broadcast_in_dim3A_85 = vector.broadcast %jit3A_84 : i32 to vector<512x1024xi32>
    %select_n3A_86 = arith.select %eq3A_83, %get3A_4, %broadcast_in_dim3A_85 : vector<512x1024xi1>, vector<512x1024xi32>
    %reduce_min3A_87 = arith.constant dense<2147483647> : vector<1024xi32>
    %reduce_min3A_88 = vector.multi_reduction <minsi>, %select_n3A_86, %reduce_min3A_87 [0] : vector<512x1024xi32> to vector<1024xi32>
    %swap3A_89 = arith.constant 3 : index
    %swap3A_90 = arith.constant 0 : index
    %swap3A_91 = vector.load %arg2[%swap3A_89, %swap3A_90] : memref<32x1024xf32, #tpu.memory_space<vmem>>, vector<1x1024xf32>
    %swap3A_92 = vector.shape_cast %swap3A_91 : vector<1x1024xf32> to vector<1024xf32>
    %swap3A_93 = vector.shape_cast %reduce_min3A_80 : vector<1024xf32> to vector<1x1024xf32>
    tpu.vector_store %arg2[%swap3A_89, %swap3A_90], %swap3A_93 {strides = array<i32>} : memref<32x1024xf32, #tpu.memory_space<vmem>>, vector<1x1024xf32>,
    %swap3A_94 = arith.constant 3 : index
    %swap3A_95 = arith.constant 0 : index
    %swap3A_96 = vector.load %arg3[%swap3A_94, %swap3A_95] : memref<32x1024xi32, #tpu.memory_space<vmem>>, vector<1x1024xi32>
    %swap3A_97 = vector.shape_cast %swap3A_96 : vector<1x1024xi32> to vector<1024xi32>
    %swap3A_98 = vector.shape_cast %reduce_min3A_88 : vector<1024xi32> to vector<1x1024xi32>
    tpu.vector_store %arg3[%swap3A_94, %swap3A_95], %swap3A_98 {strides = array<i32>} : memref<32x1024xi32, #tpu.memory_space<vmem>>, vector<1x1024xi32>,
    %broadcast_in_dim3A_99 = vector.shape_cast %reduce_min3A_88 : vector<1024xi32> to vector<1x1024xi32>
    %eq3A_100 = vector.broadcast %broadcast_in_dim3A_99 : vector<1x1024xi32> to vector<512x1024xi32>
    %eq3A_101 = arith.cmpi eq, %get3A_4, %eq3A_100 : vector<512x1024xi32>
    %and3A_102 = arith.andi %eq3A_83, %eq3A_101 : vector<512x1024xi1>
    %jit3A_103 = arith.constant 3.000000e+38 : f32
    %broadcast_in_dim3A_104 = vector.broadcast %jit3A_103 : f32 to vector<512x1024xf32>
    %select_n3A_105 = arith.select %and3A_102, %broadcast_in_dim3A_104, %select_n3A_78 : vector<512x1024xi1>, vector<512x1024xf32>
    %reduce_min3A_106 = arith.constant dense<0x7F800000> : vector<1024xf32>
    %reduce_min3A_107 = vector.multi_reduction <minimumf>, %select_n3A_105, %reduce_min3A_106 [0] : vector<512x1024xf32> to vector<1024xf32>
    %broadcast_in_dim3A_108 = vector.shape_cast %reduce_min3A_107 : vector<1024xf32> to vector<1x1024xf32>
    %eq3A_109 = vector.broadcast %broadcast_in_dim3A_108 : vector<1x1024xf32> to vector<512x1024xf32>
    %eq3A_110 = arith.cmpf oeq, %select_n3A_105, %eq3A_109 : vector<512x1024xf32>
    %jit3A_111 = arith.constant 2147483647 : i32
    %broadcast_in_dim3A_112 = vector.broadcast %jit3A_111 : i32 to vector<512x1024xi32>
    %select_n3A_113 = arith.select %eq3A_110, %get3A_4, %broadcast_in_dim3A_112 : vector<512x1024xi1>, vector<512x1024xi32>
    %reduce_min3A_114 = arith.constant dense<2147483647> : vector<1024xi32>
    %reduce_min3A_115 = vector.multi_reduction <minsi>, %select_n3A_113, %reduce_min3A_114 [0] : vector<512x1024xi32> to vector<1024xi32>
    %swap3A_116 = arith.constant 4 : index
    %swap3A_117 = arith.constant 0 : index
    %swap3A_118 = vector.load %arg2[%swap3A_116, %swap3A_117] : memref<32x1024xf32, #tpu.memory_space<vmem>>, vector<1x1024xf32>
    %swap3A_119 = vector.shape_cast %swap3A_118 : vector<1x1024xf32> to vector<1024xf32>
    %swap3A_120 = vector.shape_cast %reduce_min3A_107 : vector<1024xf32> to vector<1x1024xf32>
    tpu.vector_store %arg2[%swap3A_116, %swap3A_117], %swap3A_120 {strides = array<i32>} : memref<32x1024xf32, #tpu.memory_space<vmem>>, vector<1x1024xf32>,
    %swap3A_121 = arith.constant 4 : index
    %swap3A_122 = arith.constant 0 : index
    %swap3A_123 = vector.load %arg3[%swap3A_121, %swap3A_122] : memref<32x1024xi32, #tpu.memory_space<vmem>>, vector<1x1024xi32>
    %swap3A_124 = vector.shape_cast %swap3A_123 : vector<1x1024xi32> to vector<1024xi32>
    %swap3A_125 = vector.shape_cast %reduce_min3A_115 : vector<1024xi32> to vector<1x1024xi32>
    tpu.vector_store %arg3[%swap3A_121, %swap3A_122], %swap3A_125 {strides = array<i32>} : memref<32x1024xi32, #tpu.memory_space<vmem>>, vector<1x1024xi32>,
    %broadcast_in_dim3A_126 = vector.shape_cast %reduce_min3A_115 : vector<1024xi32> to vector<1x1024xi32>
    %eq3A_127 = vector.broadcast %broadcast_in_dim3A_126 : vector<1x1024xi32> to vector<512x1024xi32>
    %eq3A_128 = arith.cmpi eq, %get3A_4, %eq3A_127 : vector<512x1024xi32>
    %and3A_129 = arith.andi %eq3A_110, %eq3A_128 : vector<512x1024xi1>
    %jit3A_130 = arith.constant 3.000000e+38 : f32
    %broadcast_in_dim3A_131 = vector.broadcast %jit3A_130 : f32 to vector<512x1024xf32>
    %select_n3A_132 = arith.select %and3A_129, %broadcast_in_dim3A_131, %select_n3A_105 : vector<512x1024xi1>, vector<512x1024xf32>
    %reduce_min3A_133 = arith.constant dense<0x7F800000> : vector<1024xf32>
    %reduce_min3A_134 = vector.multi_reduction <minimumf>, %select_n3A_132, %reduce_min3A_133 [0] : vector<512x1024xf32> to vector<1024xf32>
    %broadcast_in_dim3A_135 = vector.shape_cast %reduce_min3A_134 : vector<1024xf32> to vector<1x1024xf32>
    %eq3A_136 = vector.broadcast %broadcast_in_dim3A_135 : vector<1x1024xf32> to vector<512x1024xf32>
    %eq3A_137 = arith.cmpf oeq, %select_n3A_132, %eq3A_136 : vector<512x1024xf32>
    %jit3A_138 = arith.constant 2147483647 : i32
    %broadcast_in_dim3A_139 = vector.broadcast %jit3A_138 : i32 to vector<512x1024xi32>
    %select_n3A_140 = arith.select %eq3A_137, %get3A_4, %broadcast_in_dim3A_139 : vector<512x1024xi1>, vector<512x1024xi32>
    %reduce_min3A_141 = arith.constant dense<2147483647> : vector<1024xi32>
    %reduce_min3A_142 = vector.multi_reduction <minsi>, %select_n3A_140, %reduce_min3A_141 [0] : vector<512x1024xi32> to vector<1024xi32>
    %swap3A_143 = arith.constant 5 : index
    %swap3A_144 = arith.constant 0 : index
    %swap3A_145 = vector.load %arg2[%swap3A_143, %swap3A_144] : memref<32x1024xf32, #tpu.memory_space<vmem>>, vector<1x1024xf32>
    %swap3A_146 = vector.shape_cast %swap3A_145 : vector<1x1024xf32> to vector<1024xf32>
    %swap3A_147 = vector.shape_cast %reduce_min3A_134 : vector<1024xf32> to vector<1x1024xf32>
    tpu.vector_store %arg2[%swap3A_143, %swap3A_144], %swap3A_147 {strides = array<i32>} : memref<32x1024xf32, #tpu.memory_space<vmem>>, vector<1x1024xf32>,
    %swap3A_148 = arith.constant 5 : index
    %swap3A_149 = arith.constant 0 : index
    %swap3A_150 = vector.load %arg3[%swap3A_148, %swap3A_149] : memref<32x1024xi32, #tpu.memory_space<vmem>>, vector<1x1024xi32>
    %swap3A_151 = vector.shape_cast %swap3A_150 : vector<1x1024xi32> to vector<1024xi32>
    %swap3A_152 = vector.shape_cast %reduce_min3A_142 : vector<1024xi32> to vector<1x1024xi32>
    tpu.vector_store %arg3[%swap3A_148, %swap3A_149], %swap3A_152 {strides = array<i32>} : memref<32x1024xi32, #tpu.memory_space<vmem>>, vector<1x1024xi32>,
    %broadcast_in_dim3A_153 = vector.shape_cast %reduce_min3A_142 : vector<1024xi32> to vector<1x1024xi32>
    %eq3A_154 = vector.broadcast %broadcast_in_dim3A_153 : vector<1x1024xi32> to vector<512x1024xi32>
    %eq3A_155 = arith.cmpi eq, %get3A_4, %eq3A_154 : vector<512x1024xi32>
    %and3A_156 = arith.andi %eq3A_137, %eq3A_155 : vector<512x1024xi1>
    %jit3A_157 = arith.constant 3.000000e+38 : f32
    %broadcast_in_dim3A_158 = vector.broadcast %jit3A_157 : f32 to vector<512x1024xf32>
    %select_n3A_159 = arith.select %and3A_156, %broadcast_in_dim3A_158, %select_n3A_132 : vector<512x1024xi1>, vector<512x1024xf32>
    %reduce_min3A_160 = arith.constant dense<0x7F800000> : vector<1024xf32>
    %reduce_min3A_161 = vector.multi_reduction <minimumf>, %select_n3A_159, %reduce_min3A_160 [0] : vector<512x1024xf32> to vector<1024xf32>
    %broadcast_in_dim3A_162 = vector.shape_cast %reduce_min3A_161 : vector<1024xf32> to vector<1x1024xf32>
    %eq3A_163 = vector.broadcast %broadcast_in_dim3A_162 : vector<1x1024xf32> to vector<512x1024xf32>
    %eq3A_164 = arith.cmpf oeq, %select_n3A_159, %eq3A_163 : vector<512x1024xf32>
    %jit3A_165 = arith.constant 2147483647 : i32
    %broadcast_in_dim3A_166 = vector.broadcast %jit3A_165 : i32 to vector<512x1024xi32>
    %select_n3A_167 = arith.select %eq3A_164, %get3A_4, %broadcast_in_dim3A_166 : vector<512x1024xi1>, vector<512x1024xi32>
    %reduce_min3A_168 = arith.constant dense<2147483647> : vector<1024xi32>
    %reduce_min3A_169 = vector.multi_reduction <minsi>, %select_n3A_167, %reduce_min3A_168 [0] : vector<512x1024xi32> to vector<1024xi32>
    %swap3A_170 = arith.constant 6 : index
    %swap3A_171 = arith.constant 0 : index
    %swap3A_172 = vector.load %arg2[%swap3A_170, %swap3A_171] : memref<32x1024xf32, #tpu.memory_space<vmem>>, vector<1x1024xf32>
    %swap3A_173 = vector.shape_cast %swap3A_172 : vector<1x1024xf32> to vector<1024xf32>
    %swap3A_174 = vector.shape_cast %reduce_min3A_161 : vector<1024xf32> to vector<1x1024xf32>
    tpu.vector_store %arg2[%swap3A_170, %swap3A_171], %swap3A_174 {strides = array<i32>} : memref<32x1024xf32, #tpu.memory_space<vmem>>, vector<1x1024xf32>,
    %swap3A_175 = arith.constant 6 : index
    %swap3A_176 = arith.constant 0 : index
    %swap3A_177 = vector.load %arg3[%swap3A_175, %swap3A_176] : memref<32x1024xi32, #tpu.memory_space<vmem>>, vector<1x1024xi32>
    %swap3A_178 = vector.shape_cast %swap3A_177 : vector<1x1024xi32> to vector<1024xi32>
    %swap3A_179 = vector.shape_cast %reduce_min3A_169 : vector<1024xi32> to vector<1x1024xi32>
    tpu.vector_store %arg3[%swap3A_175, %swap3A_176], %swap3A_179 {strides = array<i32>} : memref<32x1024xi32, #tpu.memory_space<vmem>>, vector<1x1024xi32>,
    %broadcast_in_dim3A_180 = vector.shape_cast %reduce_min3A_169 : vector<1024xi32> to vector<1x1024xi32>
    %eq3A_181 = vector.broadcast %broadcast_in_dim3A_180 : vector<1x1024xi32> to vector<512x1024xi32>
    %eq3A_182 = arith.cmpi eq, %get3A_4, %eq3A_181 : vector<512x1024xi32>
    %and3A_183 = arith.andi %eq3A_164, %eq3A_182 : vector<512x1024xi1>
    %jit3A_184 = arith.constant 3.000000e+38 : f32
    %broadcast_in_dim3A_185 = vector.broadcast %jit3A_184 : f32 to vector<512x1024xf32>
    %select_n3A_186 = arith.select %and3A_183, %broadcast_in_dim3A_185, %select_n3A_159 : vector<512x1024xi1>, vector<512x1024xf32>
    %reduce_min3A_187 = arith.constant dense<0x7F800000> : vector<1024xf32>
    %reduce_min3A_188 = vector.multi_reduction <minimumf>, %select_n3A_186, %reduce_min3A_187 [0] : vector<512x1024xf32> to vector<1024xf32>
    %broadcast_in_dim3A_189 = vector.shape_cast %reduce_min3A_188 : vector<1024xf32> to vector<1x1024xf32>
    %eq3A_190 = vector.broadcast %broadcast_in_dim3A_189 : vector<1x1024xf32> to vector<512x1024xf32>
    %eq3A_191 = arith.cmpf oeq, %select_n3A_186, %eq3A_190 : vector<512x1024xf32>
    %jit3A_192 = arith.constant 2147483647 : i32
    %broadcast_in_dim3A_193 = vector.broadcast %jit3A_192 : i32 to vector<512x1024xi32>
    %select_n3A_194 = arith.select %eq3A_191, %get3A_4, %broadcast_in_dim3A_193 : vector<512x1024xi1>, vector<512x1024xi32>
    %reduce_min3A_195 = arith.constant dense<2147483647> : vector<1024xi32>
    %reduce_min3A_196 = vector.multi_reduction <minsi>, %select_n3A_194, %reduce_min3A_195 [0] : vector<512x1024xi32> to vector<1024xi32>
    %swap3A_197 = arith.constant 7 : index
    %swap3A_198 = arith.constant 0 : index
    %swap3A_199 = vector.load %arg2[%swap3A_197, %swap3A_198] : memref<32x1024xf32, #tpu.memory_space<vmem>>, vector<1x1024xf32>
    %swap3A_200 = vector.shape_cast %swap3A_199 : vector<1x1024xf32> to vector<1024xf32>
    %swap3A_201 = vector.shape_cast %reduce_min3A_188 : vector<1024xf32> to vector<1x1024xf32>
    tpu.vector_store %arg2[%swap3A_197, %swap3A_198], %swap3A_201 {strides = array<i32>} : memref<32x1024xf32, #tpu.memory_space<vmem>>, vector<1x1024xf32>,
    %swap3A_202 = arith.constant 7 : index
    %swap3A_203 = arith.constant 0 : index
    %swap3A_204 = vector.load %arg3[%swap3A_202, %swap3A_203] : memref<32x1024xi32, #tpu.memory_space<vmem>>, vector<1x1024xi32>
    %swap3A_205 = vector.shape_cast %swap3A_204 : vector<1x1024xi32> to vector<1024xi32>
    %swap3A_206 = vector.shape_cast %reduce_min3A_196 : vector<1024xi32> to vector<1x1024xi32>
    tpu.vector_store %arg3[%swap3A_202, %swap3A_203], %swap3A_206 {strides = array<i32>} : memref<32x1024xi32, #tpu.memory_space<vmem>>, vector<1x1024xi32>,
    %broadcast_in_dim3A_207 = vector.shape_cast %reduce_min3A_196 : vector<1024xi32> to vector<1x1024xi32>
    %eq3A_208 = vector.broadcast %broadcast_in_dim3A_207 : vector<1x1024xi32> to vector<512x1024xi32>
    %eq3A_209 = arith.cmpi eq, %get3A_4, %eq3A_208 : vector<512x1024xi32>
    %and3A_210 = arith.andi %eq3A_191, %eq3A_209 : vector<512x1024xi1>
    %jit3A_211 = arith.constant 3.000000e+38 : f32
    %broadcast_in_dim3A_212 = vector.broadcast %jit3A_211 : f32 to vector<512x1024xf32>
    %select_n3A_213 = arith.select %and3A_210, %broadcast_in_dim3A_212, %select_n3A_186 : vector<512x1024xi1>, vector<512x1024xf32>
    %reduce_min3A_214 = arith.constant dense<0x7F800000> : vector<1024xf32>
    %reduce_min3A_215 = vector.multi_reduction <minimumf>, %select_n3A_213, %reduce_min3A_214 [0] : vector<512x1024xf32> to vector<1024xf32>
    %broadcast_in_dim3A_216 = vector.shape_cast %reduce_min3A_215 : vector<1024xf32> to vector<1x1024xf32>
    %eq3A_217 = vector.broadcast %broadcast_in_dim3A_216 : vector<1x1024xf32> to vector<512x1024xf32>
    %eq3A_218 = arith.cmpf oeq, %select_n3A_213, %eq3A_217 : vector<512x1024xf32>
    %jit3A_219 = arith.constant 2147483647 : i32
    %broadcast_in_dim3A_220 = vector.broadcast %jit3A_219 : i32 to vector<512x1024xi32>
    %select_n3A_221 = arith.select %eq3A_218, %get3A_4, %broadcast_in_dim3A_220 : vector<512x1024xi1>, vector<512x1024xi32>
    %reduce_min3A_222 = arith.constant dense<2147483647> : vector<1024xi32>
    %reduce_min3A_223 = vector.multi_reduction <minsi>, %select_n3A_221, %reduce_min3A_222 [0] : vector<512x1024xi32> to vector<1024xi32>
    %swap3A_224 = arith.constant 8 : index
    %swap3A_225 = arith.constant 0 : index
    %swap3A_226 = vector.load %arg2[%swap3A_224, %swap3A_225] : memref<32x1024xf32, #tpu.memory_space<vmem>>, vector<1x1024xf32>
    %swap3A_227 = vector.shape_cast %swap3A_226 : vector<1x1024xf32> to vector<1024xf32>
    %swap3A_228 = vector.shape_cast %reduce_min3A_215 : vector<1024xf32> to vector<1x1024xf32>
    tpu.vector_store %arg2[%swap3A_224, %swap3A_225], %swap3A_228 {strides = array<i32>} : memref<32x1024xf32, #tpu.memory_space<vmem>>, vector<1x1024xf32>,
    %swap3A_229 = arith.constant 8 : index
    %swap3A_230 = arith.constant 0 : index
    %swap3A_231 = vector.load %arg3[%swap3A_229, %swap3A_230] : memref<32x1024xi32, #tpu.memory_space<vmem>>, vector<1x1024xi32>
    %swap3A_232 = vector.shape_cast %swap3A_231 : vector<1x1024xi32> to vector<1024xi32>
    %swap3A_233 = vector.shape_cast %reduce_min3A_223 : vector<1024xi32> to vector<1x1024xi32>
    tpu.vector_store %arg3[%swap3A_229, %swap3A_230], %swap3A_233 {strides = array<i32>} : memref<32x1024xi32, #tpu.memory_space<vmem>>, vector<1x1024xi32>,
    %broadcast_in_dim3A_234 = vector.shape_cast %reduce_min3A_223 : vector<1024xi32> to vector<1x1024xi32>
    %eq3A_235 = vector.broadcast %broadcast_in_dim3A_234 : vector<1x1024xi32> to vector<512x1024xi32>
    %eq3A_236 = arith.cmpi eq, %get3A_4, %eq3A_235 : vector<512x1024xi32>
    %and3A_237 = arith.andi %eq3A_218, %eq3A_236 : vector<512x1024xi1>
    %jit3A_238 = arith.constant 3.000000e+38 : f32
    %broadcast_in_dim3A_239 = vector.broadcast %jit3A_238 : f32 to vector<512x1024xf32>
    %select_n3A_240 = arith.select %and3A_237, %broadcast_in_dim3A_239, %select_n3A_213 : vector<512x1024xi1>, vector<512x1024xf32>
    %reduce_min3A_241 = arith.constant dense<0x7F800000> : vector<1024xf32>
    %reduce_min3A_242 = vector.multi_reduction <minimumf>, %select_n3A_240, %reduce_min3A_241 [0] : vector<512x1024xf32> to vector<1024xf32>
    %broadcast_in_dim3A_243 = vector.shape_cast %reduce_min3A_242 : vector<1024xf32> to vector<1x1024xf32>
    %eq3A_244 = vector.broadcast %broadcast_in_dim3A_243 : vector<1x1024xf32> to vector<512x1024xf32>
    %eq3A_245 = arith.cmpf oeq, %select_n3A_240, %eq3A_244 : vector<512x1024xf32>
    %jit3A_246 = arith.constant 2147483647 : i32
    %broadcast_in_dim3A_247 = vector.broadcast %jit3A_246 : i32 to vector<512x1024xi32>
    %select_n3A_248 = arith.select %eq3A_245, %get3A_4, %broadcast_in_dim3A_247 : vector<512x1024xi1>, vector<512x1024xi32>
    %reduce_min3A_249 = arith.constant dense<2147483647> : vector<1024xi32>
    %reduce_min3A_250 = vector.multi_reduction <minsi>, %select_n3A_248, %reduce_min3A_249 [0] : vector<512x1024xi32> to vector<1024xi32>
    %swap3A_251 = arith.constant 9 : index
    %swap3A_252 = arith.constant 0 : index
    %swap3A_253 = vector.load %arg2[%swap3A_251, %swap3A_252] : memref<32x1024xf32, #tpu.memory_space<vmem>>, vector<1x1024xf32>
    %swap3A_254 = vector.shape_cast %swap3A_253 : vector<1x1024xf32> to vector<1024xf32>
    %swap3A_255 = vector.shape_cast %reduce_min3A_242 : vector<1024xf32> to vector<1x1024xf32>
    tpu.vector_store %arg2[%swap3A_251, %swap3A_252], %swap3A_255 {strides = array<i32>} : memref<32x1024xf32, #tpu.memory_space<vmem>>, vector<1x1024xf32>,
    %swap3A_256 = arith.constant 9 : index
    %swap3A_257 = arith.constant 0 : index
    %swap3A_258 = vector.load %arg3[%swap3A_256, %swap3A_257] : memref<32x1024xi32, #tpu.memory_space<vmem>>, vector<1x1024xi32>
    %swap3A_259 = vector.shape_cast %swap3A_258 : vector<1x1024xi32> to vector<1024xi32>
    %swap3A_260 = vector.shape_cast %reduce_min3A_250 : vector<1024xi32> to vector<1x1024xi32>
    tpu.vector_store %arg3[%swap3A_256, %swap3A_257], %swap3A_260 {strides = array<i32>} : memref<32x1024xi32, #tpu.memory_space<vmem>>, vector<1x1024xi32>,
    %broadcast_in_dim3A_261 = vector.shape_cast %reduce_min3A_250 : vector<1024xi32> to vector<1x1024xi32>
    %eq3A_262 = vector.broadcast %broadcast_in_dim3A_261 : vector<1x1024xi32> to vector<512x1024xi32>
    %eq3A_263 = arith.cmpi eq, %get3A_4, %eq3A_262 : vector<512x1024xi32>
    %and3A_264 = arith.andi %eq3A_245, %eq3A_263 : vector<512x1024xi1>
    %jit3A_265 = arith.constant 3.000000e+38 : f32
    %broadcast_in_dim3A_266 = vector.broadcast %jit3A_265 : f32 to vector<512x1024xf32>
    %select_n3A_267 = arith.select %and3A_264, %broadcast_in_dim3A_266, %select_n3A_240 : vector<512x1024xi1>, vector<512x1024xf32>
    %reduce_min3A_268 = arith.constant dense<0x7F800000> : vector<1024xf32>
    %reduce_min3A_269 = vector.multi_reduction <minimumf>, %select_n3A_267, %reduce_min3A_268 [0] : vector<512x1024xf32> to vector<1024xf32>
    %broadcast_in_dim3A_270 = vector.shape_cast %reduce_min3A_269 : vector<1024xf32> to vector<1x1024xf32>
    %eq3A_271 = vector.broadcast %broadcast_in_dim3A_270 : vector<1x1024xf32> to vector<512x1024xf32>
    %eq3A_272 = arith.cmpf oeq, %select_n3A_267, %eq3A_271 : vector<512x1024xf32>
    %jit3A_273 = arith.constant 2147483647 : i32
    %broadcast_in_dim3A_274 = vector.broadcast %jit3A_273 : i32 to vector<512x1024xi32>
    %select_n3A_275 = arith.select %eq3A_272, %get3A_4, %broadcast_in_dim3A_274 : vector<512x1024xi1>, vector<512x1024xi32>
    %reduce_min3A_276 = arith.constant dense<2147483647> : vector<1024xi32>
    %reduce_min3A_277 = vector.multi_reduction <minsi>, %select_n3A_275, %reduce_min3A_276 [0] : vector<512x1024xi32> to vector<1024xi32>
    %swap3A_278 = arith.constant 10 : index
    %swap3A_279 = arith.constant 0 : index
    %swap3A_280 = vector.load %arg2[%swap3A_278, %swap3A_279] : memref<32x1024xf32, #tpu.memory_space<vmem>>, vector<1x1024xf32>
    %swap3A_281 = vector.shape_cast %swap3A_280 : vector<1x1024xf32> to vector<1024xf32>
    %swap3A_282 = vector.shape_cast %reduce_min3A_269 : vector<1024xf32> to vector<1x1024xf32>
    tpu.vector_store %arg2[%swap3A_278, %swap3A_279], %swap3A_282 {strides = array<i32>} : memref<32x1024xf32, #tpu.memory_space<vmem>>, vector<1x1024xf32>,
    %swap3A_283 = arith.constant 10 : index
    %swap3A_284 = arith.constant 0 : index
    %swap3A_285 = vector.load %arg3[%swap3A_283, %swap3A_284] : memref<32x1024xi32, #tpu.memory_space<vmem>>, vector<1x1024xi32>
    %swap3A_286 = vector.shape_cast %swap3A_285 : vector<1x1024xi32> to vector<1024xi32>
    %swap3A_287 = vector.shape_cast %reduce_min3A_277 : vector<1024xi32> to vector<1x1024xi32>
    tpu.vector_store %arg3[%swap3A_283, %swap3A_284], %swap3A_287 {strides = array<i32>} : memref<32x1024xi32, #tpu.memory_space<vmem>>, vector<1x1024xi32>,
    %broadcast_in_dim3A_288 = vector.shape_cast %reduce_min3A_277 : vector<1024xi32> to vector<1x1024xi32>
    %eq3A_289 = vector.broadcast %broadcast_in_dim3A_288 : vector<1x1024xi32> to vector<512x1024xi32>
    %eq3A_290 = arith.cmpi eq, %get3A_4, %eq3A_289 : vector<512x1024xi32>
    %and3A_291 = arith.andi %eq3A_272, %eq3A_290 : vector<512x1024xi1>
    %jit3A_292 = arith.constant 3.000000e+38 : f32
    %broadcast_in_dim3A_293 = vector.broadcast %jit3A_292 : f32 to vector<512x1024xf32>
    %select_n3A_294 = arith.select %and3A_291, %broadcast_in_dim3A_293, %select_n3A_267 : vector<512x1024xi1>, vector<512x1024xf32>
    %reduce_min3A_295 = arith.constant dense<0x7F800000> : vector<1024xf32>
    %reduce_min3A_296 = vector.multi_reduction <minimumf>, %select_n3A_294, %reduce_min3A_295 [0] : vector<512x1024xf32> to vector<1024xf32>
    %broadcast_in_dim3A_297 = vector.shape_cast %reduce_min3A_296 : vector<1024xf32> to vector<1x1024xf32>
    %eq3A_298 = vector.broadcast %broadcast_in_dim3A_297 : vector<1x1024xf32> to vector<512x1024xf32>
    %eq3A_299 = arith.cmpf oeq, %select_n3A_294, %eq3A_298 : vector<512x1024xf32>
    %jit3A_300 = arith.constant 2147483647 : i32
    %broadcast_in_dim3A_301 = vector.broadcast %jit3A_300 : i32 to vector<512x1024xi32>
    %select_n3A_302 = arith.select %eq3A_299, %get3A_4, %broadcast_in_dim3A_301 : vector<512x1024xi1>, vector<512x1024xi32>
    %reduce_min3A_303 = arith.constant dense<2147483647> : vector<1024xi32>
    %reduce_min3A_304 = vector.multi_reduction <minsi>, %select_n3A_302, %reduce_min3A_303 [0] : vector<512x1024xi32> to vector<1024xi32>
    %swap3A_305 = arith.constant 11 : index
    %swap3A_306 = arith.constant 0 : index
    %swap3A_307 = vector.load %arg2[%swap3A_305, %swap3A_306] : memref<32x1024xf32, #tpu.memory_space<vmem>>, vector<1x1024xf32>
    %swap3A_308 = vector.shape_cast %swap3A_307 : vector<1x1024xf32> to vector<1024xf32>
    %swap3A_309 = vector.shape_cast %reduce_min3A_296 : vector<1024xf32> to vector<1x1024xf32>
    tpu.vector_store %arg2[%swap3A_305, %swap3A_306], %swap3A_309 {strides = array<i32>} : memref<32x1024xf32, #tpu.memory_space<vmem>>, vector<1x1024xf32>,
    %swap3A_310 = arith.constant 11 : index
    %swap3A_311 = arith.constant 0 : index
    %swap3A_312 = vector.load %arg3[%swap3A_310, %swap3A_311] : memref<32x1024xi32, #tpu.memory_space<vmem>>, vector<1x1024xi32>
    %swap3A_313 = vector.shape_cast %swap3A_312 : vector<1x1024xi32> to vector<1024xi32>
    %swap3A_314 = vector.shape_cast %reduce_min3A_304 : vector<1024xi32> to vector<1x1024xi32>
    tpu.vector_store %arg3[%swap3A_310, %swap3A_311], %swap3A_314 {strides = array<i32>} : memref<32x1024xi32, #tpu.memory_space<vmem>>, vector<1x1024xi32>,
    %broadcast_in_dim3A_315 = vector.shape_cast %reduce_min3A_304 : vector<1024xi32> to vector<1x1024xi32>
    %eq3A_316 = vector.broadcast %broadcast_in_dim3A_315 : vector<1x1024xi32> to vector<512x1024xi32>
    %eq3A_317 = arith.cmpi eq, %get3A_4, %eq3A_316 : vector<512x1024xi32>
    %and3A_318 = arith.andi %eq3A_299, %eq3A_317 : vector<512x1024xi1>
    %jit3A_319 = arith.constant 3.000000e+38 : f32
    %broadcast_in_dim3A_320 = vector.broadcast %jit3A_319 : f32 to vector<512x1024xf32>
    %select_n3A_321 = arith.select %and3A_318, %broadcast_in_dim3A_320, %select_n3A_294 : vector<512x1024xi1>, vector<512x1024xf32>
    %reduce_min3A_322 = arith.constant dense<0x7F800000> : vector<1024xf32>
    %reduce_min3A_323 = vector.multi_reduction <minimumf>, %select_n3A_321, %reduce_min3A_322 [0] : vector<512x1024xf32> to vector<1024xf32>
    %broadcast_in_dim3A_324 = vector.shape_cast %reduce_min3A_323 : vector<1024xf32> to vector<1x1024xf32>
    %eq3A_325 = vector.broadcast %broadcast_in_dim3A_324 : vector<1x1024xf32> to vector<512x1024xf32>
    %eq3A_326 = arith.cmpf oeq, %select_n3A_321, %eq3A_325 : vector<512x1024xf32>
    %jit3A_327 = arith.constant 2147483647 : i32
    %broadcast_in_dim3A_328 = vector.broadcast %jit3A_327 : i32 to vector<512x1024xi32>
    %select_n3A_329 = arith.select %eq3A_326, %get3A_4, %broadcast_in_dim3A_328 : vector<512x1024xi1>, vector<512x1024xi32>
    %reduce_min3A_330 = arith.constant dense<2147483647> : vector<1024xi32>
    %reduce_min3A_331 = vector.multi_reduction <minsi>, %select_n3A_329, %reduce_min3A_330 [0] : vector<512x1024xi32> to vector<1024xi32>
    %swap3A_332 = arith.constant 12 : index
    %swap3A_333 = arith.constant 0 : index
    %swap3A_334 = vector.load %arg2[%swap3A_332, %swap3A_333] : memref<32x1024xf32, #tpu.memory_space<vmem>>, vector<1x1024xf32>
    %swap3A_335 = vector.shape_cast %swap3A_334 : vector<1x1024xf32> to vector<1024xf32>
    %swap3A_336 = vector.shape_cast %reduce_min3A_323 : vector<1024xf32> to vector<1x1024xf32>
    tpu.vector_store %arg2[%swap3A_332, %swap3A_333], %swap3A_336 {strides = array<i32>} : memref<32x1024xf32, #tpu.memory_space<vmem>>, vector<1x1024xf32>,
    %swap3A_337 = arith.constant 12 : index
    %swap3A_338 = arith.constant 0 : index
    %swap3A_339 = vector.load %arg3[%swap3A_337, %swap3A_338] : memref<32x1024xi32, #tpu.memory_space<vmem>>, vector<1x1024xi32>
    %swap3A_340 = vector.shape_cast %swap3A_339 : vector<1x1024xi32> to vector<1024xi32>
    %swap3A_341 = vector.shape_cast %reduce_min3A_331 : vector<1024xi32> to vector<1x1024xi32>
    tpu.vector_store %arg3[%swap3A_337, %swap3A_338], %swap3A_341 {strides = array<i32>} : memref<32x1024xi32, #tpu.memory_space<vmem>>, vector<1x1024xi32>,
    %broadcast_in_dim3A_342 = vector.shape_cast %reduce_min3A_331 : vector<1024xi32> to vector<1x1024xi32>
    %eq3A_343 = vector.broadcast %broadcast_in_dim3A_342 : vector<1x1024xi32> to vector<512x1024xi32>
    %eq3A_344 = arith.cmpi eq, %get3A_4, %eq3A_343 : vector<512x1024xi32>
    %and3A_345 = arith.andi %eq3A_326, %eq3A_344 : vector<512x1024xi1>
    %jit3A_346 = arith.constant 3.000000e+38 : f32
    %broadcast_in_dim3A_347 = vector.broadcast %jit3A_346 : f32 to vector<512x1024xf32>
    %select_n3A_348 = arith.select %and3A_345, %broadcast_in_dim3A_347, %select_n3A_321 : vector<512x1024xi1>, vector<512x1024xf32>
    %reduce_min3A_349 = arith.constant dense<0x7F800000> : vector<1024xf32>
    %reduce_min3A_350 = vector.multi_reduction <minimumf>, %select_n3A_348, %reduce_min3A_349 [0] : vector<512x1024xf32> to vector<1024xf32>
    %broadcast_in_dim3A_351 = vector.shape_cast %reduce_min3A_350 : vector<1024xf32> to vector<1x1024xf32>
    %eq3A_352 = vector.broadcast %broadcast_in_dim3A_351 : vector<1x1024xf32> to vector<512x1024xf32>
    %eq3A_353 = arith.cmpf oeq, %select_n3A_348, %eq3A_352 : vector<512x1024xf32>
    %jit3A_354 = arith.constant 2147483647 : i32
    %broadcast_in_dim3A_355 = vector.broadcast %jit3A_354 : i32 to vector<512x1024xi32>
    %select_n3A_356 = arith.select %eq3A_353, %get3A_4, %broadcast_in_dim3A_355 : vector<512x1024xi1>, vector<512x1024xi32>
    %reduce_min3A_357 = arith.constant dense<2147483647> : vector<1024xi32>
    %reduce_min3A_358 = vector.multi_reduction <minsi>, %select_n3A_356, %reduce_min3A_357 [0] : vector<512x1024xi32> to vector<1024xi32>
    %swap3A_359 = arith.constant 13 : index
    %swap3A_360 = arith.constant 0 : index
    %swap3A_361 = vector.load %arg2[%swap3A_359, %swap3A_360] : memref<32x1024xf32, #tpu.memory_space<vmem>>, vector<1x1024xf32>
    %swap3A_362 = vector.shape_cast %swap3A_361 : vector<1x1024xf32> to vector<1024xf32>
    %swap3A_363 = vector.shape_cast %reduce_min3A_350 : vector<1024xf32> to vector<1x1024xf32>
    tpu.vector_store %arg2[%swap3A_359, %swap3A_360], %swap3A_363 {strides = array<i32>} : memref<32x1024xf32, #tpu.memory_space<vmem>>, vector<1x1024xf32>,
    %swap3A_364 = arith.constant 13 : index
    %swap3A_365 = arith.constant 0 : index
    %swap3A_366 = vector.load %arg3[%swap3A_364, %swap3A_365] : memref<32x1024xi32, #tpu.memory_space<vmem>>, vector<1x1024xi32>
    %swap3A_367 = vector.shape_cast %swap3A_366 : vector<1x1024xi32> to vector<1024xi32>
    %swap3A_368 = vector.shape_cast %reduce_min3A_358 : vector<1024xi32> to vector<1x1024xi32>
    tpu.vector_store %arg3[%swap3A_364, %swap3A_365], %swap3A_368 {strides = array<i32>} : memref<32x1024xi32, #tpu.memory_space<vmem>>, vector<1x1024xi32>,
    %broadcast_in_dim3A_369 = vector.shape_cast %reduce_min3A_358 : vector<1024xi32> to vector<1x1024xi32>
    %eq3A_370 = vector.broadcast %broadcast_in_dim3A_369 : vector<1x1024xi32> to vector<512x1024xi32>
    %eq3A_371 = arith.cmpi eq, %get3A_4, %eq3A_370 : vector<512x1024xi32>
    %and3A_372 = arith.andi %eq3A_353, %eq3A_371 : vector<512x1024xi1>
    %jit3A_373 = arith.constant 3.000000e+38 : f32
    %broadcast_in_dim3A_374 = vector.broadcast %jit3A_373 : f32 to vector<512x1024xf32>
    %select_n3A_375 = arith.select %and3A_372, %broadcast_in_dim3A_374, %select_n3A_348 : vector<512x1024xi1>, vector<512x1024xf32>
    %reduce_min3A_376 = arith.constant dense<0x7F800000> : vector<1024xf32>
    %reduce_min3A_377 = vector.multi_reduction <minimumf>, %select_n3A_375, %reduce_min3A_376 [0] : vector<512x1024xf32> to vector<1024xf32>
    %broadcast_in_dim3A_378 = vector.shape_cast %reduce_min3A_377 : vector<1024xf32> to vector<1x1024xf32>
    %eq3A_379 = vector.broadcast %broadcast_in_dim3A_378 : vector<1x1024xf32> to vector<512x1024xf32>
    %eq3A_380 = arith.cmpf oeq, %select_n3A_375, %eq3A_379 : vector<512x1024xf32>
    %jit3A_381 = arith.constant 2147483647 : i32
    %broadcast_in_dim3A_382 = vector.broadcast %jit3A_381 : i32 to vector<512x1024xi32>
    %select_n3A_383 = arith.select %eq3A_380, %get3A_4, %broadcast_in_dim3A_382 : vector<512x1024xi1>, vector<512x1024xi32>
    %reduce_min3A_384 = arith.constant dense<2147483647> : vector<1024xi32>
    %reduce_min3A_385 = vector.multi_reduction <minsi>, %select_n3A_383, %reduce_min3A_384 [0] : vector<512x1024xi32> to vector<1024xi32>
    %swap3A_386 = arith.constant 14 : index
    %swap3A_387 = arith.constant 0 : index
    %swap3A_388 = vector.load %arg2[%swap3A_386, %swap3A_387] : memref<32x1024xf32, #tpu.memory_space<vmem>>, vector<1x1024xf32>
    %swap3A_389 = vector.shape_cast %swap3A_388 : vector<1x1024xf32> to vector<1024xf32>
    %swap3A_390 = vector.shape_cast %reduce_min3A_377 : vector<1024xf32> to vector<1x1024xf32>
    tpu.vector_store %arg2[%swap3A_386, %swap3A_387], %swap3A_390 {strides = array<i32>} : memref<32x1024xf32, #tpu.memory_space<vmem>>, vector<1x1024xf32>,
    %swap3A_391 = arith.constant 14 : index
    %swap3A_392 = arith.constant 0 : index
    %swap3A_393 = vector.load %arg3[%swap3A_391, %swap3A_392] : memref<32x1024xi32, #tpu.memory_space<vmem>>, vector<1x1024xi32>
    %swap3A_394 = vector.shape_cast %swap3A_393 : vector<1x1024xi32> to vector<1024xi32>
    %swap3A_395 = vector.shape_cast %reduce_min3A_385 : vector<1024xi32> to vector<1x1024xi32>
    tpu.vector_store %arg3[%swap3A_391, %swap3A_392], %swap3A_395 {strides = array<i32>} : memref<32x1024xi32, #tpu.memory_space<vmem>>, vector<1x1024xi32>,
    %broadcast_in_dim3A_396 = vector.shape_cast %reduce_min3A_385 : vector<1024xi32> to vector<1x1024xi32>
    %eq3A_397 = vector.broadcast %broadcast_in_dim3A_396 : vector<1x1024xi32> to vector<512x1024xi32>
    %eq3A_398 = arith.cmpi eq, %get3A_4, %eq3A_397 : vector<512x1024xi32>
    %and3A_399 = arith.andi %eq3A_380, %eq3A_398 : vector<512x1024xi1>
    %jit3A_400 = arith.constant 3.000000e+38 : f32
    %broadcast_in_dim3A_401 = vector.broadcast %jit3A_400 : f32 to vector<512x1024xf32>
    %select_n3A_402 = arith.select %and3A_399, %broadcast_in_dim3A_401, %select_n3A_375 : vector<512x1024xi1>, vector<512x1024xf32>
    %reduce_min3A_403 = arith.constant dense<0x7F800000> : vector<1024xf32>
    %reduce_min3A_404 = vector.multi_reduction <minimumf>, %select_n3A_402, %reduce_min3A_403 [0] : vector<512x1024xf32> to vector<1024xf32>
    %broadcast_in_dim3A_405 = vector.shape_cast %reduce_min3A_404 : vector<1024xf32> to vector<1x1024xf32>
    %eq3A_406 = vector.broadcast %broadcast_in_dim3A_405 : vector<1x1024xf32> to vector<512x1024xf32>
    %eq3A_407 = arith.cmpf oeq, %select_n3A_402, %eq3A_406 : vector<512x1024xf32>
    %jit3A_408 = arith.constant 2147483647 : i32
    %broadcast_in_dim3A_409 = vector.broadcast %jit3A_408 : i32 to vector<512x1024xi32>
    %select_n3A_410 = arith.select %eq3A_407, %get3A_4, %broadcast_in_dim3A_409 : vector<512x1024xi1>, vector<512x1024xi32>
    %reduce_min3A_411 = arith.constant dense<2147483647> : vector<1024xi32>
    %reduce_min3A_412 = vector.multi_reduction <minsi>, %select_n3A_410, %reduce_min3A_411 [0] : vector<512x1024xi32> to vector<1024xi32>
    %swap3A_413 = arith.constant 15 : index
    %swap3A_414 = arith.constant 0 : index
    %swap3A_415 = vector.load %arg2[%swap3A_413, %swap3A_414] : memref<32x1024xf32, #tpu.memory_space<vmem>>, vector<1x1024xf32>
    %swap3A_416 = vector.shape_cast %swap3A_415 : vector<1x1024xf32> to vector<1024xf32>
    %swap3A_417 = vector.shape_cast %reduce_min3A_404 : vector<1024xf32> to vector<1x1024xf32>
    tpu.vector_store %arg2[%swap3A_413, %swap3A_414], %swap3A_417 {strides = array<i32>} : memref<32x1024xf32, #tpu.memory_space<vmem>>, vector<1x1024xf32>,
    %swap3A_418 = arith.constant 15 : index
    %swap3A_419 = arith.constant 0 : index
    %swap3A_420 = vector.load %arg3[%swap3A_418, %swap3A_419] : memref<32x1024xi32, #tpu.memory_space<vmem>>, vector<1x1024xi32>
    %swap3A_421 = vector.shape_cast %swap3A_420 : vector<1x1024xi32> to vector<1024xi32>
    %swap3A_422 = vector.shape_cast %reduce_min3A_412 : vector<1024xi32> to vector<1x1024xi32>
    tpu.vector_store %arg3[%swap3A_418, %swap3A_419], %swap3A_422 {strides = array<i32>} : memref<32x1024xi32, #tpu.memory_space<vmem>>, vector<1x1024xi32>,
    %broadcast_in_dim3A_423 = vector.shape_cast %reduce_min3A_412 : vector<1024xi32> to vector<1x1024xi32>
    %eq3A_424 = vector.broadcast %broadcast_in_dim3A_423 : vector<1x1024xi32> to vector<512x1024xi32>
    %eq3A_425 = arith.cmpi eq, %get3A_4, %eq3A_424 : vector<512x1024xi32>
    %and3A_426 = arith.andi %eq3A_407, %eq3A_425 : vector<512x1024xi1>
    %jit3A_427 = arith.constant 3.000000e+38 : f32
    %broadcast_in_dim3A_428 = vector.broadcast %jit3A_427 : f32 to vector<512x1024xf32>
    %select_n3A_429 = arith.select %and3A_426, %broadcast_in_dim3A_428, %select_n3A_402 : vector<512x1024xi1>, vector<512x1024xf32>
    %reduce_min3A_430 = arith.constant dense<0x7F800000> : vector<1024xf32>
    %reduce_min3A_431 = vector.multi_reduction <minimumf>, %select_n3A_429, %reduce_min3A_430 [0] : vector<512x1024xf32> to vector<1024xf32>
    %broadcast_in_dim3A_432 = vector.shape_cast %reduce_min3A_431 : vector<1024xf32> to vector<1x1024xf32>
    %eq3A_433 = vector.broadcast %broadcast_in_dim3A_432 : vector<1x1024xf32> to vector<512x1024xf32>
    %eq3A_434 = arith.cmpf oeq, %select_n3A_429, %eq3A_433 : vector<512x1024xf32>
    %jit3A_435 = arith.constant 2147483647 : i32
    %broadcast_in_dim3A_436 = vector.broadcast %jit3A_435 : i32 to vector<512x1024xi32>
    %select_n3A_437 = arith.select %eq3A_434, %get3A_4, %broadcast_in_dim3A_436 : vector<512x1024xi1>, vector<512x1024xi32>
    %reduce_min3A_438 = arith.constant dense<2147483647> : vector<1024xi32>
    %reduce_min3A_439 = vector.multi_reduction <minsi>, %select_n3A_437, %reduce_min3A_438 [0] : vector<512x1024xi32> to vector<1024xi32>
    %swap3A_440 = arith.constant 16 : index
    %swap3A_441 = arith.constant 0 : index
    %swap3A_442 = vector.load %arg2[%swap3A_440, %swap3A_441] : memref<32x1024xf32, #tpu.memory_space<vmem>>, vector<1x1024xf32>
    %swap3A_443 = vector.shape_cast %swap3A_442 : vector<1x1024xf32> to vector<1024xf32>
    %swap3A_444 = vector.shape_cast %reduce_min3A_431 : vector<1024xf32> to vector<1x1024xf32>
    tpu.vector_store %arg2[%swap3A_440, %swap3A_441], %swap3A_444 {strides = array<i32>} : memref<32x1024xf32, #tpu.memory_space<vmem>>, vector<1x1024xf32>,
    %swap3A_445 = arith.constant 16 : index
    %swap3A_446 = arith.constant 0 : index
    %swap3A_447 = vector.load %arg3[%swap3A_445, %swap3A_446] : memref<32x1024xi32, #tpu.memory_space<vmem>>, vector<1x1024xi32>
    %swap3A_448 = vector.shape_cast %swap3A_447 : vector<1x1024xi32> to vector<1024xi32>
    %swap3A_449 = vector.shape_cast %reduce_min3A_439 : vector<1024xi32> to vector<1x1024xi32>
    tpu.vector_store %arg3[%swap3A_445, %swap3A_446], %swap3A_449 {strides = array<i32>} : memref<32x1024xi32, #tpu.memory_space<vmem>>, vector<1x1024xi32>,
    %broadcast_in_dim3A_450 = vector.shape_cast %reduce_min3A_439 : vector<1024xi32> to vector<1x1024xi32>
    %eq3A_451 = vector.broadcast %broadcast_in_dim3A_450 : vector<1x1024xi32> to vector<512x1024xi32>
    %eq3A_452 = arith.cmpi eq, %get3A_4, %eq3A_451 : vector<512x1024xi32>
    %and3A_453 = arith.andi %eq3A_434, %eq3A_452 : vector<512x1024xi1>
    %jit3A_454 = arith.constant 3.000000e+38 : f32
    %broadcast_in_dim3A_455 = vector.broadcast %jit3A_454 : f32 to vector<512x1024xf32>
    %select_n3A_456 = arith.select %and3A_453, %broadcast_in_dim3A_455, %select_n3A_429 : vector<512x1024xi1>, vector<512x1024xf32>
    %reduce_min3A_457 = arith.constant dense<0x7F800000> : vector<1024xf32>
    %reduce_min3A_458 = vector.multi_reduction <minimumf>, %select_n3A_456, %reduce_min3A_457 [0] : vector<512x1024xf32> to vector<1024xf32>
    %broadcast_in_dim3A_459 = vector.shape_cast %reduce_min3A_458 : vector<1024xf32> to vector<1x1024xf32>
    %eq3A_460 = vector.broadcast %broadcast_in_dim3A_459 : vector<1x1024xf32> to vector<512x1024xf32>
    %eq3A_461 = arith.cmpf oeq, %select_n3A_456, %eq3A_460 : vector<512x1024xf32>
    %jit3A_462 = arith.constant 2147483647 : i32
    %broadcast_in_dim3A_463 = vector.broadcast %jit3A_462 : i32 to vector<512x1024xi32>
    %select_n3A_464 = arith.select %eq3A_461, %get3A_4, %broadcast_in_dim3A_463 : vector<512x1024xi1>, vector<512x1024xi32>
    %reduce_min3A_465 = arith.constant dense<2147483647> : vector<1024xi32>
    %reduce_min3A_466 = vector.multi_reduction <minsi>, %select_n3A_464, %reduce_min3A_465 [0] : vector<512x1024xi32> to vector<1024xi32>
    %swap3A_467 = arith.constant 17 : index
    %swap3A_468 = arith.constant 0 : index
    %swap3A_469 = vector.load %arg2[%swap3A_467, %swap3A_468] : memref<32x1024xf32, #tpu.memory_space<vmem>>, vector<1x1024xf32>
    %swap3A_470 = vector.shape_cast %swap3A_469 : vector<1x1024xf32> to vector<1024xf32>
    %swap3A_471 = vector.shape_cast %reduce_min3A_458 : vector<1024xf32> to vector<1x1024xf32>
    tpu.vector_store %arg2[%swap3A_467, %swap3A_468], %swap3A_471 {strides = array<i32>} : memref<32x1024xf32, #tpu.memory_space<vmem>>, vector<1x1024xf32>,
    %swap3A_472 = arith.constant 17 : index
    %swap3A_473 = arith.constant 0 : index
    %swap3A_474 = vector.load %arg3[%swap3A_472, %swap3A_473] : memref<32x1024xi32, #tpu.memory_space<vmem>>, vector<1x1024xi32>
    %swap3A_475 = vector.shape_cast %swap3A_474 : vector<1x1024xi32> to vector<1024xi32>
    %swap3A_476 = vector.shape_cast %reduce_min3A_466 : vector<1024xi32> to vector<1x1024xi32>
    tpu.vector_store %arg3[%swap3A_472, %swap3A_473], %swap3A_476 {strides = array<i32>} : memref<32x1024xi32, #tpu.memory_space<vmem>>, vector<1x1024xi32>,
    %broadcast_in_dim3A_477 = vector.shape_cast %reduce_min3A_466 : vector<1024xi32> to vector<1x1024xi32>
    %eq3A_478 = vector.broadcast %broadcast_in_dim3A_477 : vector<1x1024xi32> to vector<512x1024xi32>
    %eq3A_479 = arith.cmpi eq, %get3A_4, %eq3A_478 : vector<512x1024xi32>
    %and3A_480 = arith.andi %eq3A_461, %eq3A_479 : vector<512x1024xi1>
    %jit3A_481 = arith.constant 3.000000e+38 : f32
    %broadcast_in_dim3A_482 = vector.broadcast %jit3A_481 : f32 to vector<512x1024xf32>
    %select_n3A_483 = arith.select %and3A_480, %broadcast_in_dim3A_482, %select_n3A_456 : vector<512x1024xi1>, vector<512x1024xf32>
    %reduce_min3A_484 = arith.constant dense<0x7F800000> : vector<1024xf32>
    %reduce_min3A_485 = vector.multi_reduction <minimumf>, %select_n3A_483, %reduce_min3A_484 [0] : vector<512x1024xf32> to vector<1024xf32>
    %broadcast_in_dim3A_486 = vector.shape_cast %reduce_min3A_485 : vector<1024xf32> to vector<1x1024xf32>
    %eq3A_487 = vector.broadcast %broadcast_in_dim3A_486 : vector<1x1024xf32> to vector<512x1024xf32>
    %eq3A_488 = arith.cmpf oeq, %select_n3A_483, %eq3A_487 : vector<512x1024xf32>
    %jit3A_489 = arith.constant 2147483647 : i32
    %broadcast_in_dim3A_490 = vector.broadcast %jit3A_489 : i32 to vector<512x1024xi32>
    %select_n3A_491 = arith.select %eq3A_488, %get3A_4, %broadcast_in_dim3A_490 : vector<512x1024xi1>, vector<512x1024xi32>
    %reduce_min3A_492 = arith.constant dense<2147483647> : vector<1024xi32>
    %reduce_min3A_493 = vector.multi_reduction <minsi>, %select_n3A_491, %reduce_min3A_492 [0] : vector<512x1024xi32> to vector<1024xi32>
    %swap3A_494 = arith.constant 18 : index
    %swap3A_495 = arith.constant 0 : index
    %swap3A_496 = vector.load %arg2[%swap3A_494, %swap3A_495] : memref<32x1024xf32, #tpu.memory_space<vmem>>, vector<1x1024xf32>
    %swap3A_497 = vector.shape_cast %swap3A_496 : vector<1x1024xf32> to vector<1024xf32>
    %swap3A_498 = vector.shape_cast %reduce_min3A_485 : vector<1024xf32> to vector<1x1024xf32>
    tpu.vector_store %arg2[%swap3A_494, %swap3A_495], %swap3A_498 {strides = array<i32>} : memref<32x1024xf32, #tpu.memory_space<vmem>>, vector<1x1024xf32>,
    %swap3A_499 = arith.constant 18 : index
    %swap3A_500 = arith.constant 0 : index
    %swap3A_501 = vector.load %arg3[%swap3A_499, %swap3A_500] : memref<32x1024xi32, #tpu.memory_space<vmem>>, vector<1x1024xi32>
    %swap3A_502 = vector.shape_cast %swap3A_501 : vector<1x1024xi32> to vector<1024xi32>
    %swap3A_503 = vector.shape_cast %reduce_min3A_493 : vector<1024xi32> to vector<1x1024xi32>
    tpu.vector_store %arg3[%swap3A_499, %swap3A_500], %swap3A_503 {strides = array<i32>} : memref<32x1024xi32, #tpu.memory_space<vmem>>, vector<1x1024xi32>,
    %broadcast_in_dim3A_504 = vector.shape_cast %reduce_min3A_493 : vector<1024xi32> to vector<1x1024xi32>
    %eq3A_505 = vector.broadcast %broadcast_in_dim3A_504 : vector<1x1024xi32> to vector<512x1024xi32>
    %eq3A_506 = arith.cmpi eq, %get3A_4, %eq3A_505 : vector<512x1024xi32>
    %and3A_507 = arith.andi %eq3A_488, %eq3A_506 : vector<512x1024xi1>
    %jit3A_508 = arith.constant 3.000000e+38 : f32
    %broadcast_in_dim3A_509 = vector.broadcast %jit3A_508 : f32 to vector<512x1024xf32>
    %select_n3A_510 = arith.select %and3A_507, %broadcast_in_dim3A_509, %select_n3A_483 : vector<512x1024xi1>, vector<512x1024xf32>
    %reduce_min3A_511 = arith.constant dense<0x7F800000> : vector<1024xf32>
    %reduce_min3A_512 = vector.multi_reduction <minimumf>, %select_n3A_510, %reduce_min3A_511 [0] : vector<512x1024xf32> to vector<1024xf32>
    %broadcast_in_dim3A_513 = vector.shape_cast %reduce_min3A_512 : vector<1024xf32> to vector<1x1024xf32>
    %eq3A_514 = vector.broadcast %broadcast_in_dim3A_513 : vector<1x1024xf32> to vector<512x1024xf32>
    %eq3A_515 = arith.cmpf oeq, %select_n3A_510, %eq3A_514 : vector<512x1024xf32>
    %jit3A_516 = arith.constant 2147483647 : i32
    %broadcast_in_dim3A_517 = vector.broadcast %jit3A_516 : i32 to vector<512x1024xi32>
    %select_n3A_518 = arith.select %eq3A_515, %get3A_4, %broadcast_in_dim3A_517 : vector<512x1024xi1>, vector<512x1024xi32>
    %reduce_min3A_519 = arith.constant dense<2147483647> : vector<1024xi32>
    %reduce_min3A_520 = vector.multi_reduction <minsi>, %select_n3A_518, %reduce_min3A_519 [0] : vector<512x1024xi32> to vector<1024xi32>
    %swap3A_521 = arith.constant 19 : index
    %swap3A_522 = arith.constant 0 : index
    %swap3A_523 = vector.load %arg2[%swap3A_521, %swap3A_522] : memref<32x1024xf32, #tpu.memory_space<vmem>>, vector<1x1024xf32>
    %swap3A_524 = vector.shape_cast %swap3A_523 : vector<1x1024xf32> to vector<1024xf32>
    %swap3A_525 = vector.shape_cast %reduce_min3A_512 : vector<1024xf32> to vector<1x1024xf32>
    tpu.vector_store %arg2[%swap3A_521, %swap3A_522], %swap3A_525 {strides = array<i32>} : memref<32x1024xf32, #tpu.memory_space<vmem>>, vector<1x1024xf32>,
    %swap3A_526 = arith.constant 19 : index
    %swap3A_527 = arith.constant 0 : index
    %swap3A_528 = vector.load %arg3[%swap3A_526, %swap3A_527] : memref<32x1024xi32, #tpu.memory_space<vmem>>, vector<1x1024xi32>
    %swap3A_529 = vector.shape_cast %swap3A_528 : vector<1x1024xi32> to vector<1024xi32>
    %swap3A_530 = vector.shape_cast %reduce_min3A_520 : vector<1024xi32> to vector<1x1024xi32>
    tpu.vector_store %arg3[%swap3A_526, %swap3A_527], %swap3A_530 {strides = array<i32>} : memref<32x1024xi32, #tpu.memory_space<vmem>>, vector<1x1024xi32>,
    %broadcast_in_dim3A_531 = vector.shape_cast %reduce_min3A_520 : vector<1024xi32> to vector<1x1024xi32>
    %eq3A_532 = vector.broadcast %broadcast_in_dim3A_531 : vector<1x1024xi32> to vector<512x1024xi32>
    %eq3A_533 = arith.cmpi eq, %get3A_4, %eq3A_532 : vector<512x1024xi32>
    %and3A_534 = arith.andi %eq3A_515, %eq3A_533 : vector<512x1024xi1>
    %jit3A_535 = arith.constant 3.000000e+38 : f32
    %broadcast_in_dim3A_536 = vector.broadcast %jit3A_535 : f32 to vector<512x1024xf32>
    %select_n3A_537 = arith.select %and3A_534, %broadcast_in_dim3A_536, %select_n3A_510 : vector<512x1024xi1>, vector<512x1024xf32>
    %reduce_min3A_538 = arith.constant dense<0x7F800000> : vector<1024xf32>
    %reduce_min3A_539 = vector.multi_reduction <minimumf>, %select_n3A_537, %reduce_min3A_538 [0] : vector<512x1024xf32> to vector<1024xf32>
    %broadcast_in_dim3A_540 = vector.shape_cast %reduce_min3A_539 : vector<1024xf32> to vector<1x1024xf32>
    %eq3A_541 = vector.broadcast %broadcast_in_dim3A_540 : vector<1x1024xf32> to vector<512x1024xf32>
    %eq3A_542 = arith.cmpf oeq, %select_n3A_537, %eq3A_541 : vector<512x1024xf32>
    %jit3A_543 = arith.constant 2147483647 : i32
    %broadcast_in_dim3A_544 = vector.broadcast %jit3A_543 : i32 to vector<512x1024xi32>
    %select_n3A_545 = arith.select %eq3A_542, %get3A_4, %broadcast_in_dim3A_544 : vector<512x1024xi1>, vector<512x1024xi32>
    %reduce_min3A_546 = arith.constant dense<2147483647> : vector<1024xi32>
    %reduce_min3A_547 = vector.multi_reduction <minsi>, %select_n3A_545, %reduce_min3A_546 [0] : vector<512x1024xi32> to vector<1024xi32>
    %swap3A_548 = arith.constant 20 : index
    %swap3A_549 = arith.constant 0 : index
    %swap3A_550 = vector.load %arg2[%swap3A_548, %swap3A_549] : memref<32x1024xf32, #tpu.memory_space<vmem>>, vector<1x1024xf32>
    %swap3A_551 = vector.shape_cast %swap3A_550 : vector<1x1024xf32> to vector<1024xf32>
    %swap3A_552 = vector.shape_cast %reduce_min3A_539 : vector<1024xf32> to vector<1x1024xf32>
    tpu.vector_store %arg2[%swap3A_548, %swap3A_549], %swap3A_552 {strides = array<i32>} : memref<32x1024xf32, #tpu.memory_space<vmem>>, vector<1x1024xf32>,
    %swap3A_553 = arith.constant 20 : index
    %swap3A_554 = arith.constant 0 : index
    %swap3A_555 = vector.load %arg3[%swap3A_553, %swap3A_554] : memref<32x1024xi32, #tpu.memory_space<vmem>>, vector<1x1024xi32>
    %swap3A_556 = vector.shape_cast %swap3A_555 : vector<1x1024xi32> to vector<1024xi32>
    %swap3A_557 = vector.shape_cast %reduce_min3A_547 : vector<1024xi32> to vector<1x1024xi32>
    tpu.vector_store %arg3[%swap3A_553, %swap3A_554], %swap3A_557 {strides = array<i32>} : memref<32x1024xi32, #tpu.memory_space<vmem>>, vector<1x1024xi32>,
    %broadcast_in_dim3A_558 = vector.shape_cast %reduce_min3A_547 : vector<1024xi32> to vector<1x1024xi32>
    %eq3A_559 = vector.broadcast %broadcast_in_dim3A_558 : vector<1x1024xi32> to vector<512x1024xi32>
    %eq3A_560 = arith.cmpi eq, %get3A_4, %eq3A_559 : vector<512x1024xi32>
    %and3A_561 = arith.andi %eq3A_542, %eq3A_560 : vector<512x1024xi1>
    %jit3A_562 = arith.constant 3.000000e+38 : f32
    %broadcast_in_dim3A_563 = vector.broadcast %jit3A_562 : f32 to vector<512x1024xf32>
    %select_n3A_564 = arith.select %and3A_561, %broadcast_in_dim3A_563, %select_n3A_537 : vector<512x1024xi1>, vector<512x1024xf32>
    %reduce_min3A_565 = arith.constant dense<0x7F800000> : vector<1024xf32>
    %reduce_min3A_566 = vector.multi_reduction <minimumf>, %select_n3A_564, %reduce_min3A_565 [0] : vector<512x1024xf32> to vector<1024xf32>
    %broadcast_in_dim3A_567 = vector.shape_cast %reduce_min3A_566 : vector<1024xf32> to vector<1x1024xf32>
    %eq3A_568 = vector.broadcast %broadcast_in_dim3A_567 : vector<1x1024xf32> to vector<512x1024xf32>
    %eq3A_569 = arith.cmpf oeq, %select_n3A_564, %eq3A_568 : vector<512x1024xf32>
    %jit3A_570 = arith.constant 2147483647 : i32
    %broadcast_in_dim3A_571 = vector.broadcast %jit3A_570 : i32 to vector<512x1024xi32>
    %select_n3A_572 = arith.select %eq3A_569, %get3A_4, %broadcast_in_dim3A_571 : vector<512x1024xi1>, vector<512x1024xi32>
    %reduce_min3A_573 = arith.constant dense<2147483647> : vector<1024xi32>
    %reduce_min3A_574 = vector.multi_reduction <minsi>, %select_n3A_572, %reduce_min3A_573 [0] : vector<512x1024xi32> to vector<1024xi32>
    %swap3A_575 = arith.constant 21 : index
    %swap3A_576 = arith.constant 0 : index
    %swap3A_577 = vector.load %arg2[%swap3A_575, %swap3A_576] : memref<32x1024xf32, #tpu.memory_space<vmem>>, vector<1x1024xf32>
    %swap3A_578 = vector.shape_cast %swap3A_577 : vector<1x1024xf32> to vector<1024xf32>
    %swap3A_579 = vector.shape_cast %reduce_min3A_566 : vector<1024xf32> to vector<1x1024xf32>
    tpu.vector_store %arg2[%swap3A_575, %swap3A_576], %swap3A_579 {strides = array<i32>} : memref<32x1024xf32, #tpu.memory_space<vmem>>, vector<1x1024xf32>,
    %swap3A_580 = arith.constant 21 : index
    %swap3A_581 = arith.constant 0 : index
    %swap3A_582 = vector.load %arg3[%swap3A_580, %swap3A_581] : memref<32x1024xi32, #tpu.memory_space<vmem>>, vector<1x1024xi32>
    %swap3A_583 = vector.shape_cast %swap3A_582 : vector<1x1024xi32> to vector<1024xi32>
    %swap3A_584 = vector.shape_cast %reduce_min3A_574 : vector<1024xi32> to vector<1x1024xi32>
    tpu.vector_store %arg3[%swap3A_580, %swap3A_581], %swap3A_584 {strides = array<i32>} : memref<32x1024xi32, #tpu.memory_space<vmem>>, vector<1x1024xi32>,
    %broadcast_in_dim3A_585 = vector.shape_cast %reduce_min3A_574 : vector<1024xi32> to vector<1x1024xi32>
    %eq3A_586 = vector.broadcast %broadcast_in_dim3A_585 : vector<1x1024xi32> to vector<512x1024xi32>
    %eq3A_587 = arith.cmpi eq, %get3A_4, %eq3A_586 : vector<512x1024xi32>
    %and3A_588 = arith.andi %eq3A_569, %eq3A_587 : vector<512x1024xi1>
    %jit3A_589 = arith.constant 3.000000e+38 : f32
    %broadcast_in_dim3A_590 = vector.broadcast %jit3A_589 : f32 to vector<512x1024xf32>
    %select_n3A_591 = arith.select %and3A_588, %broadcast_in_dim3A_590, %select_n3A_564 : vector<512x1024xi1>, vector<512x1024xf32>
    %reduce_min3A_592 = arith.constant dense<0x7F800000> : vector<1024xf32>
    %reduce_min3A_593 = vector.multi_reduction <minimumf>, %select_n3A_591, %reduce_min3A_592 [0] : vector<512x1024xf32> to vector<1024xf32>
    %broadcast_in_dim3A_594 = vector.shape_cast %reduce_min3A_593 : vector<1024xf32> to vector<1x1024xf32>
    %eq3A_595 = vector.broadcast %broadcast_in_dim3A_594 : vector<1x1024xf32> to vector<512x1024xf32>
    %eq3A_596 = arith.cmpf oeq, %select_n3A_591, %eq3A_595 : vector<512x1024xf32>
    %jit3A_597 = arith.constant 2147483647 : i32
    %broadcast_in_dim3A_598 = vector.broadcast %jit3A_597 : i32 to vector<512x1024xi32>
    %select_n3A_599 = arith.select %eq3A_596, %get3A_4, %broadcast_in_dim3A_598 : vector<512x1024xi1>, vector<512x1024xi32>
    %reduce_min3A_600 = arith.constant dense<2147483647> : vector<1024xi32>
    %reduce_min3A_601 = vector.multi_reduction <minsi>, %select_n3A_599, %reduce_min3A_600 [0] : vector<512x1024xi32> to vector<1024xi32>
    %swap3A_602 = arith.constant 22 : index
    %swap3A_603 = arith.constant 0 : index
    %swap3A_604 = vector.load %arg2[%swap3A_602, %swap3A_603] : memref<32x1024xf32, #tpu.memory_space<vmem>>, vector<1x1024xf32>
    %swap3A_605 = vector.shape_cast %swap3A_604 : vector<1x1024xf32> to vector<1024xf32>
    %swap3A_606 = vector.shape_cast %reduce_min3A_593 : vector<1024xf32> to vector<1x1024xf32>
    tpu.vector_store %arg2[%swap3A_602, %swap3A_603], %swap3A_606 {strides = array<i32>} : memref<32x1024xf32, #tpu.memory_space<vmem>>, vector<1x1024xf32>,
    %swap3A_607 = arith.constant 22 : index
    %swap3A_608 = arith.constant 0 : index
    %swap3A_609 = vector.load %arg3[%swap3A_607, %swap3A_608] : memref<32x1024xi32, #tpu.memory_space<vmem>>, vector<1x1024xi32>
    %swap3A_610 = vector.shape_cast %swap3A_609 : vector<1x1024xi32> to vector<1024xi32>
    %swap3A_611 = vector.shape_cast %reduce_min3A_601 : vector<1024xi32> to vector<1x1024xi32>
    tpu.vector_store %arg3[%swap3A_607, %swap3A_608], %swap3A_611 {strides = array<i32>} : memref<32x1024xi32, #tpu.memory_space<vmem>>, vector<1x1024xi32>,
    %broadcast_in_dim3A_612 = vector.shape_cast %reduce_min3A_601 : vector<1024xi32> to vector<1x1024xi32>
    %eq3A_613 = vector.broadcast %broadcast_in_dim3A_612 : vector<1x1024xi32> to vector<512x1024xi32>
    %eq3A_614 = arith.cmpi eq, %get3A_4, %eq3A_613 : vector<512x1024xi32>
    %and3A_615 = arith.andi %eq3A_596, %eq3A_614 : vector<512x1024xi1>
    %jit3A_616 = arith.constant 3.000000e+38 : f32
    %broadcast_in_dim3A_617 = vector.broadcast %jit3A_616 : f32 to vector<512x1024xf32>
    %select_n3A_618 = arith.select %and3A_615, %broadcast_in_dim3A_617, %select_n3A_591 : vector<512x1024xi1>, vector<512x1024xf32>
    %reduce_min3A_619 = arith.constant dense<0x7F800000> : vector<1024xf32>
    %reduce_min3A_620 = vector.multi_reduction <minimumf>, %select_n3A_618, %reduce_min3A_619 [0] : vector<512x1024xf32> to vector<1024xf32>
    %broadcast_in_dim3A_621 = vector.shape_cast %reduce_min3A_620 : vector<1024xf32> to vector<1x1024xf32>
    %eq3A_622 = vector.broadcast %broadcast_in_dim3A_621 : vector<1x1024xf32> to vector<512x1024xf32>
    %eq3A_623 = arith.cmpf oeq, %select_n3A_618, %eq3A_622 : vector<512x1024xf32>
    %jit3A_624 = arith.constant 2147483647 : i32
    %broadcast_in_dim3A_625 = vector.broadcast %jit3A_624 : i32 to vector<512x1024xi32>
    %select_n3A_626 = arith.select %eq3A_623, %get3A_4, %broadcast_in_dim3A_625 : vector<512x1024xi1>, vector<512x1024xi32>
    %reduce_min3A_627 = arith.constant dense<2147483647> : vector<1024xi32>
    %reduce_min3A_628 = vector.multi_reduction <minsi>, %select_n3A_626, %reduce_min3A_627 [0] : vector<512x1024xi32> to vector<1024xi32>
    %swap3A_629 = arith.constant 23 : index
    %swap3A_630 = arith.constant 0 : index
    %swap3A_631 = vector.load %arg2[%swap3A_629, %swap3A_630] : memref<32x1024xf32, #tpu.memory_space<vmem>>, vector<1x1024xf32>
    %swap3A_632 = vector.shape_cast %swap3A_631 : vector<1x1024xf32> to vector<1024xf32>
    %swap3A_633 = vector.shape_cast %reduce_min3A_620 : vector<1024xf32> to vector<1x1024xf32>
    tpu.vector_store %arg2[%swap3A_629, %swap3A_630], %swap3A_633 {strides = array<i32>} : memref<32x1024xf32, #tpu.memory_space<vmem>>, vector<1x1024xf32>,
    %swap3A_634 = arith.constant 23 : index
    %swap3A_635 = arith.constant 0 : index
    %swap3A_636 = vector.load %arg3[%swap3A_634, %swap3A_635] : memref<32x1024xi32, #tpu.memory_space<vmem>>, vector<1x1024xi32>
    %swap3A_637 = vector.shape_cast %swap3A_636 : vector<1x1024xi32> to vector<1024xi32>
    %swap3A_638 = vector.shape_cast %reduce_min3A_628 : vector<1024xi32> to vector<1x1024xi32>
    tpu.vector_store %arg3[%swap3A_634, %swap3A_635], %swap3A_638 {strides = array<i32>} : memref<32x1024xi32, #tpu.memory_space<vmem>>, vector<1x1024xi32>,
    %broadcast_in_dim3A_639 = vector.shape_cast %reduce_min3A_628 : vector<1024xi32> to vector<1x1024xi32>
    %eq3A_640 = vector.broadcast %broadcast_in_dim3A_639 : vector<1x1024xi32> to vector<512x1024xi32>
    %eq3A_641 = arith.cmpi eq, %get3A_4, %eq3A_640 : vector<512x1024xi32>
    %and3A_642 = arith.andi %eq3A_623, %eq3A_641 : vector<512x1024xi1>
    %jit3A_643 = arith.constant 3.000000e+38 : f32
    %broadcast_in_dim3A_644 = vector.broadcast %jit3A_643 : f32 to vector<512x1024xf32>
    %select_n3A_645 = arith.select %and3A_642, %broadcast_in_dim3A_644, %select_n3A_618 : vector<512x1024xi1>, vector<512x1024xf32>
    %reduce_min3A_646 = arith.constant dense<0x7F800000> : vector<1024xf32>
    %reduce_min3A_647 = vector.multi_reduction <minimumf>, %select_n3A_645, %reduce_min3A_646 [0] : vector<512x1024xf32> to vector<1024xf32>
    %broadcast_in_dim3A_648 = vector.shape_cast %reduce_min3A_647 : vector<1024xf32> to vector<1x1024xf32>
    %eq3A_649 = vector.broadcast %broadcast_in_dim3A_648 : vector<1x1024xf32> to vector<512x1024xf32>
    %eq3A_650 = arith.cmpf oeq, %select_n3A_645, %eq3A_649 : vector<512x1024xf32>
    %jit3A_651 = arith.constant 2147483647 : i32
    %broadcast_in_dim3A_652 = vector.broadcast %jit3A_651 : i32 to vector<512x1024xi32>
    %select_n3A_653 = arith.select %eq3A_650, %get3A_4, %broadcast_in_dim3A_652 : vector<512x1024xi1>, vector<512x1024xi32>
    %reduce_min3A_654 = arith.constant dense<2147483647> : vector<1024xi32>
    %reduce_min3A_655 = vector.multi_reduction <minsi>, %select_n3A_653, %reduce_min3A_654 [0] : vector<512x1024xi32> to vector<1024xi32>
    %swap3A_656 = arith.constant 24 : index
    %swap3A_657 = arith.constant 0 : index
    %swap3A_658 = vector.load %arg2[%swap3A_656, %swap3A_657] : memref<32x1024xf32, #tpu.memory_space<vmem>>, vector<1x1024xf32>
    %swap3A_659 = vector.shape_cast %swap3A_658 : vector<1x1024xf32> to vector<1024xf32>
    %swap3A_660 = vector.shape_cast %reduce_min3A_647 : vector<1024xf32> to vector<1x1024xf32>
    tpu.vector_store %arg2[%swap3A_656, %swap3A_657], %swap3A_660 {strides = array<i32>} : memref<32x1024xf32, #tpu.memory_space<vmem>>, vector<1x1024xf32>,
    %swap3A_661 = arith.constant 24 : index
    %swap3A_662 = arith.constant 0 : index
    %swap3A_663 = vector.load %arg3[%swap3A_661, %swap3A_662] : memref<32x1024xi32, #tpu.memory_space<vmem>>, vector<1x1024xi32>
    %swap3A_664 = vector.shape_cast %swap3A_663 : vector<1x1024xi32> to vector<1024xi32>
    %swap3A_665 = vector.shape_cast %reduce_min3A_655 : vector<1024xi32> to vector<1x1024xi32>
    tpu.vector_store %arg3[%swap3A_661, %swap3A_662], %swap3A_665 {strides = array<i32>} : memref<32x1024xi32, #tpu.memory_space<vmem>>, vector<1x1024xi32>,
    %broadcast_in_dim3A_666 = vector.shape_cast %reduce_min3A_655 : vector<1024xi32> to vector<1x1024xi32>
    %eq3A_667 = vector.broadcast %broadcast_in_dim3A_666 : vector<1x1024xi32> to vector<512x1024xi32>
    %eq3A_668 = arith.cmpi eq, %get3A_4, %eq3A_667 : vector<512x1024xi32>
    %and3A_669 = arith.andi %eq3A_650, %eq3A_668 : vector<512x1024xi1>
    %jit3A_670 = arith.constant 3.000000e+38 : f32
    %broadcast_in_dim3A_671 = vector.broadcast %jit3A_670 : f32 to vector<512x1024xf32>
    %select_n3A_672 = arith.select %and3A_669, %broadcast_in_dim3A_671, %select_n3A_645 : vector<512x1024xi1>, vector<512x1024xf32>
    %reduce_min3A_673 = arith.constant dense<0x7F800000> : vector<1024xf32>
    %reduce_min3A_674 = vector.multi_reduction <minimumf>, %select_n3A_672, %reduce_min3A_673 [0] : vector<512x1024xf32> to vector<1024xf32>
    %broadcast_in_dim3A_675 = vector.shape_cast %reduce_min3A_674 : vector<1024xf32> to vector<1x1024xf32>
    %eq3A_676 = vector.broadcast %broadcast_in_dim3A_675 : vector<1x1024xf32> to vector<512x1024xf32>
    %eq3A_677 = arith.cmpf oeq, %select_n3A_672, %eq3A_676 : vector<512x1024xf32>
    %jit3A_678 = arith.constant 2147483647 : i32
    %broadcast_in_dim3A_679 = vector.broadcast %jit3A_678 : i32 to vector<512x1024xi32>
    %select_n3A_680 = arith.select %eq3A_677, %get3A_4, %broadcast_in_dim3A_679 : vector<512x1024xi1>, vector<512x1024xi32>
    %reduce_min3A_681 = arith.constant dense<2147483647> : vector<1024xi32>
    %reduce_min3A_682 = vector.multi_reduction <minsi>, %select_n3A_680, %reduce_min3A_681 [0] : vector<512x1024xi32> to vector<1024xi32>
    %swap3A_683 = arith.constant 25 : index
    %swap3A_684 = arith.constant 0 : index
    %swap3A_685 = vector.load %arg2[%swap3A_683, %swap3A_684] : memref<32x1024xf32, #tpu.memory_space<vmem>>, vector<1x1024xf32>
    %swap3A_686 = vector.shape_cast %swap3A_685 : vector<1x1024xf32> to vector<1024xf32>
    %swap3A_687 = vector.shape_cast %reduce_min3A_674 : vector<1024xf32> to vector<1x1024xf32>
    tpu.vector_store %arg2[%swap3A_683, %swap3A_684], %swap3A_687 {strides = array<i32>} : memref<32x1024xf32, #tpu.memory_space<vmem>>, vector<1x1024xf32>,
    %swap3A_688 = arith.constant 25 : index
    %swap3A_689 = arith.constant 0 : index
    %swap3A_690 = vector.load %arg3[%swap3A_688, %swap3A_689] : memref<32x1024xi32, #tpu.memory_space<vmem>>, vector<1x1024xi32>
    %swap3A_691 = vector.shape_cast %swap3A_690 : vector<1x1024xi32> to vector<1024xi32>
    %swap3A_692 = vector.shape_cast %reduce_min3A_682 : vector<1024xi32> to vector<1x1024xi32>
    tpu.vector_store %arg3[%swap3A_688, %swap3A_689], %swap3A_692 {strides = array<i32>} : memref<32x1024xi32, #tpu.memory_space<vmem>>, vector<1x1024xi32>,
    %broadcast_in_dim3A_693 = vector.shape_cast %reduce_min3A_682 : vector<1024xi32> to vector<1x1024xi32>
    %eq3A_694 = vector.broadcast %broadcast_in_dim3A_693 : vector<1x1024xi32> to vector<512x1024xi32>
    %eq3A_695 = arith.cmpi eq, %get3A_4, %eq3A_694 : vector<512x1024xi32>
    %and3A_696 = arith.andi %eq3A_677, %eq3A_695 : vector<512x1024xi1>
    %jit3A_697 = arith.constant 3.000000e+38 : f32
    %broadcast_in_dim3A_698 = vector.broadcast %jit3A_697 : f32 to vector<512x1024xf32>
    %select_n3A_699 = arith.select %and3A_696, %broadcast_in_dim3A_698, %select_n3A_672 : vector<512x1024xi1>, vector<512x1024xf32>
    %reduce_min3A_700 = arith.constant dense<0x7F800000> : vector<1024xf32>
    %reduce_min3A_701 = vector.multi_reduction <minimumf>, %select_n3A_699, %reduce_min3A_700 [0] : vector<512x1024xf32> to vector<1024xf32>
    %broadcast_in_dim3A_702 = vector.shape_cast %reduce_min3A_701 : vector<1024xf32> to vector<1x1024xf32>
    %eq3A_703 = vector.broadcast %broadcast_in_dim3A_702 : vector<1x1024xf32> to vector<512x1024xf32>
    %eq3A_704 = arith.cmpf oeq, %select_n3A_699, %eq3A_703 : vector<512x1024xf32>
    %jit3A_705 = arith.constant 2147483647 : i32
    %broadcast_in_dim3A_706 = vector.broadcast %jit3A_705 : i32 to vector<512x1024xi32>
    %select_n3A_707 = arith.select %eq3A_704, %get3A_4, %broadcast_in_dim3A_706 : vector<512x1024xi1>, vector<512x1024xi32>
    %reduce_min3A_708 = arith.constant dense<2147483647> : vector<1024xi32>
    %reduce_min3A_709 = vector.multi_reduction <minsi>, %select_n3A_707, %reduce_min3A_708 [0] : vector<512x1024xi32> to vector<1024xi32>
    %swap3A_710 = arith.constant 26 : index
    %swap3A_711 = arith.constant 0 : index
    %swap3A_712 = vector.load %arg2[%swap3A_710, %swap3A_711] : memref<32x1024xf32, #tpu.memory_space<vmem>>, vector<1x1024xf32>
    %swap3A_713 = vector.shape_cast %swap3A_712 : vector<1x1024xf32> to vector<1024xf32>
    %swap3A_714 = vector.shape_cast %reduce_min3A_701 : vector<1024xf32> to vector<1x1024xf32>
    tpu.vector_store %arg2[%swap3A_710, %swap3A_711], %swap3A_714 {strides = array<i32>} : memref<32x1024xf32, #tpu.memory_space<vmem>>, vector<1x1024xf32>,
    %swap3A_715 = arith.constant 26 : index
    %swap3A_716 = arith.constant 0 : index
    %swap3A_717 = vector.load %arg3[%swap3A_715, %swap3A_716] : memref<32x1024xi32, #tpu.memory_space<vmem>>, vector<1x1024xi32>
    %swap3A_718 = vector.shape_cast %swap3A_717 : vector<1x1024xi32> to vector<1024xi32>
    %swap3A_719 = vector.shape_cast %reduce_min3A_709 : vector<1024xi32> to vector<1x1024xi32>
    tpu.vector_store %arg3[%swap3A_715, %swap3A_716], %swap3A_719 {strides = array<i32>} : memref<32x1024xi32, #tpu.memory_space<vmem>>, vector<1x1024xi32>,
    %broadcast_in_dim3A_720 = vector.shape_cast %reduce_min3A_709 : vector<1024xi32> to vector<1x1024xi32>
    %eq3A_721 = vector.broadcast %broadcast_in_dim3A_720 : vector<1x1024xi32> to vector<512x1024xi32>
    %eq3A_722 = arith.cmpi eq, %get3A_4, %eq3A_721 : vector<512x1024xi32>
    %and3A_723 = arith.andi %eq3A_704, %eq3A_722 : vector<512x1024xi1>
    %jit3A_724 = arith.constant 3.000000e+38 : f32
    %broadcast_in_dim3A_725 = vector.broadcast %jit3A_724 : f32 to vector<512x1024xf32>
    %select_n3A_726 = arith.select %and3A_723, %broadcast_in_dim3A_725, %select_n3A_699 : vector<512x1024xi1>, vector<512x1024xf32>
    %reduce_min3A_727 = arith.constant dense<0x7F800000> : vector<1024xf32>
    %reduce_min3A_728 = vector.multi_reduction <minimumf>, %select_n3A_726, %reduce_min3A_727 [0] : vector<512x1024xf32> to vector<1024xf32>
    %broadcast_in_dim3A_729 = vector.shape_cast %reduce_min3A_728 : vector<1024xf32> to vector<1x1024xf32>
    %eq3A_730 = vector.broadcast %broadcast_in_dim3A_729 : vector<1x1024xf32> to vector<512x1024xf32>
    %eq3A_731 = arith.cmpf oeq, %select_n3A_726, %eq3A_730 : vector<512x1024xf32>
    %jit3A_732 = arith.constant 2147483647 : i32
    %broadcast_in_dim3A_733 = vector.broadcast %jit3A_732 : i32 to vector<512x1024xi32>
    %select_n3A_734 = arith.select %eq3A_731, %get3A_4, %broadcast_in_dim3A_733 : vector<512x1024xi1>, vector<512x1024xi32>
    %reduce_min3A_735 = arith.constant dense<2147483647> : vector<1024xi32>
    %reduce_min3A_736 = vector.multi_reduction <minsi>, %select_n3A_734, %reduce_min3A_735 [0] : vector<512x1024xi32> to vector<1024xi32>
    %swap3A_737 = arith.constant 27 : index
    %swap3A_738 = arith.constant 0 : index
    %swap3A_739 = vector.load %arg2[%swap3A_737, %swap3A_738] : memref<32x1024xf32, #tpu.memory_space<vmem>>, vector<1x1024xf32>
    %swap3A_740 = vector.shape_cast %swap3A_739 : vector<1x1024xf32> to vector<1024xf32>
    %swap3A_741 = vector.shape_cast %reduce_min3A_728 : vector<1024xf32> to vector<1x1024xf32>
    tpu.vector_store %arg2[%swap3A_737, %swap3A_738], %swap3A_741 {strides = array<i32>} : memref<32x1024xf32, #tpu.memory_space<vmem>>, vector<1x1024xf32>,
    %swap3A_742 = arith.constant 27 : index
    %swap3A_743 = arith.constant 0 : index
    %swap3A_744 = vector.load %arg3[%swap3A_742, %swap3A_743] : memref<32x1024xi32, #tpu.memory_space<vmem>>, vector<1x1024xi32>
    %swap3A_745 = vector.shape_cast %swap3A_744 : vector<1x1024xi32> to vector<1024xi32>
    %swap3A_746 = vector.shape_cast %reduce_min3A_736 : vector<1024xi32> to vector<1x1024xi32>
    tpu.vector_store %arg3[%swap3A_742, %swap3A_743], %swap3A_746 {strides = array<i32>} : memref<32x1024xi32, #tpu.memory_space<vmem>>, vector<1x1024xi32>,
    %broadcast_in_dim3A_747 = vector.shape_cast %reduce_min3A_736 : vector<1024xi32> to vector<1x1024xi32>
    %eq3A_748 = vector.broadcast %broadcast_in_dim3A_747 : vector<1x1024xi32> to vector<512x1024xi32>
    %eq3A_749 = arith.cmpi eq, %get3A_4, %eq3A_748 : vector<512x1024xi32>
    %and3A_750 = arith.andi %eq3A_731, %eq3A_749 : vector<512x1024xi1>
    %jit3A_751 = arith.constant 3.000000e+38 : f32
    %broadcast_in_dim3A_752 = vector.broadcast %jit3A_751 : f32 to vector<512x1024xf32>
    %select_n3A_753 = arith.select %and3A_750, %broadcast_in_dim3A_752, %select_n3A_726 : vector<512x1024xi1>, vector<512x1024xf32>
    %reduce_min3A_754 = arith.constant dense<0x7F800000> : vector<1024xf32>
    %reduce_min3A_755 = vector.multi_reduction <minimumf>, %select_n3A_753, %reduce_min3A_754 [0] : vector<512x1024xf32> to vector<1024xf32>
    %broadcast_in_dim3A_756 = vector.shape_cast %reduce_min3A_755 : vector<1024xf32> to vector<1x1024xf32>
    %eq3A_757 = vector.broadcast %broadcast_in_dim3A_756 : vector<1x1024xf32> to vector<512x1024xf32>
    %eq3A_758 = arith.cmpf oeq, %select_n3A_753, %eq3A_757 : vector<512x1024xf32>
    %jit3A_759 = arith.constant 2147483647 : i32
    %broadcast_in_dim3A_760 = vector.broadcast %jit3A_759 : i32 to vector<512x1024xi32>
    %select_n3A_761 = arith.select %eq3A_758, %get3A_4, %broadcast_in_dim3A_760 : vector<512x1024xi1>, vector<512x1024xi32>
    %reduce_min3A_762 = arith.constant dense<2147483647> : vector<1024xi32>
    %reduce_min3A_763 = vector.multi_reduction <minsi>, %select_n3A_761, %reduce_min3A_762 [0] : vector<512x1024xi32> to vector<1024xi32>
    %swap3A_764 = arith.constant 28 : index
    %swap3A_765 = arith.constant 0 : index
    %swap3A_766 = vector.load %arg2[%swap3A_764, %swap3A_765] : memref<32x1024xf32, #tpu.memory_space<vmem>>, vector<1x1024xf32>
    %swap3A_767 = vector.shape_cast %swap3A_766 : vector<1x1024xf32> to vector<1024xf32>
    %swap3A_768 = vector.shape_cast %reduce_min3A_755 : vector<1024xf32> to vector<1x1024xf32>
    tpu.vector_store %arg2[%swap3A_764, %swap3A_765], %swap3A_768 {strides = array<i32>} : memref<32x1024xf32, #tpu.memory_space<vmem>>, vector<1x1024xf32>,
    %swap3A_769 = arith.constant 28 : index
    %swap3A_770 = arith.constant 0 : index
    %swap3A_771 = vector.load %arg3[%swap3A_769, %swap3A_770] : memref<32x1024xi32, #tpu.memory_space<vmem>>, vector<1x1024xi32>
    %swap3A_772 = vector.shape_cast %swap3A_771 : vector<1x1024xi32> to vector<1024xi32>
    %swap3A_773 = vector.shape_cast %reduce_min3A_763 : vector<1024xi32> to vector<1x1024xi32>
    tpu.vector_store %arg3[%swap3A_769, %swap3A_770], %swap3A_773 {strides = array<i32>} : memref<32x1024xi32, #tpu.memory_space<vmem>>, vector<1x1024xi32>,
    %broadcast_in_dim3A_774 = vector.shape_cast %reduce_min3A_763 : vector<1024xi32> to vector<1x1024xi32>
    %eq3A_775 = vector.broadcast %broadcast_in_dim3A_774 : vector<1x1024xi32> to vector<512x1024xi32>
    %eq3A_776 = arith.cmpi eq, %get3A_4, %eq3A_775 : vector<512x1024xi32>
    %and3A_777 = arith.andi %eq3A_758, %eq3A_776 : vector<512x1024xi1>
    %jit3A_778 = arith.constant 3.000000e+38 : f32
    %broadcast_in_dim3A_779 = vector.broadcast %jit3A_778 : f32 to vector<512x1024xf32>
    %select_n3A_780 = arith.select %and3A_777, %broadcast_in_dim3A_779, %select_n3A_753 : vector<512x1024xi1>, vector<512x1024xf32>
    %reduce_min3A_781 = arith.constant dense<0x7F800000> : vector<1024xf32>
    %reduce_min3A_782 = vector.multi_reduction <minimumf>, %select_n3A_780, %reduce_min3A_781 [0] : vector<512x1024xf32> to vector<1024xf32>
    %broadcast_in_dim3A_783 = vector.shape_cast %reduce_min3A_782 : vector<1024xf32> to vector<1x1024xf32>
    %eq3A_784 = vector.broadcast %broadcast_in_dim3A_783 : vector<1x1024xf32> to vector<512x1024xf32>
    %eq3A_785 = arith.cmpf oeq, %select_n3A_780, %eq3A_784 : vector<512x1024xf32>
    %jit3A_786 = arith.constant 2147483647 : i32
    %broadcast_in_dim3A_787 = vector.broadcast %jit3A_786 : i32 to vector<512x1024xi32>
    %select_n3A_788 = arith.select %eq3A_785, %get3A_4, %broadcast_in_dim3A_787 : vector<512x1024xi1>, vector<512x1024xi32>
    %reduce_min3A_789 = arith.constant dense<2147483647> : vector<1024xi32>
    %reduce_min3A_790 = vector.multi_reduction <minsi>, %select_n3A_788, %reduce_min3A_789 [0] : vector<512x1024xi32> to vector<1024xi32>
    %swap3A_791 = arith.constant 29 : index
    %swap3A_792 = arith.constant 0 : index
    %swap3A_793 = vector.load %arg2[%swap3A_791, %swap3A_792] : memref<32x1024xf32, #tpu.memory_space<vmem>>, vector<1x1024xf32>
    %swap3A_794 = vector.shape_cast %swap3A_793 : vector<1x1024xf32> to vector<1024xf32>
    %swap3A_795 = vector.shape_cast %reduce_min3A_782 : vector<1024xf32> to vector<1x1024xf32>
    tpu.vector_store %arg2[%swap3A_791, %swap3A_792], %swap3A_795 {strides = array<i32>} : memref<32x1024xf32, #tpu.memory_space<vmem>>, vector<1x1024xf32>,
    %swap3A_796 = arith.constant 29 : index
    %swap3A_797 = arith.constant 0 : index
    %swap3A_798 = vector.load %arg3[%swap3A_796, %swap3A_797] : memref<32x1024xi32, #tpu.memory_space<vmem>>, vector<1x1024xi32>
    %swap3A_799 = vector.shape_cast %swap3A_798 : vector<1x1024xi32> to vector<1024xi32>
    %swap3A_800 = vector.shape_cast %reduce_min3A_790 : vector<1024xi32> to vector<1x1024xi32>
    tpu.vector_store %arg3[%swap3A_796, %swap3A_797], %swap3A_800 {strides = array<i32>} : memref<32x1024xi32, #tpu.memory_space<vmem>>, vector<1x1024xi32>,
    %broadcast_in_dim3A_801 = vector.shape_cast %reduce_min3A_790 : vector<1024xi32> to vector<1x1024xi32>
    %eq3A_802 = vector.broadcast %broadcast_in_dim3A_801 : vector<1x1024xi32> to vector<512x1024xi32>
    %eq3A_803 = arith.cmpi eq, %get3A_4, %eq3A_802 : vector<512x1024xi32>
    %and3A_804 = arith.andi %eq3A_785, %eq3A_803 : vector<512x1024xi1>
    %jit3A_805 = arith.constant 3.000000e+38 : f32
    %broadcast_in_dim3A_806 = vector.broadcast %jit3A_805 : f32 to vector<512x1024xf32>
    %select_n3A_807 = arith.select %and3A_804, %broadcast_in_dim3A_806, %select_n3A_780 : vector<512x1024xi1>, vector<512x1024xf32>
    %reduce_min3A_808 = arith.constant dense<0x7F800000> : vector<1024xf32>
    %reduce_min3A_809 = vector.multi_reduction <minimumf>, %select_n3A_807, %reduce_min3A_808 [0] : vector<512x1024xf32> to vector<1024xf32>
    %broadcast_in_dim3A_810 = vector.shape_cast %reduce_min3A_809 : vector<1024xf32> to vector<1x1024xf32>
    %eq3A_811 = vector.broadcast %broadcast_in_dim3A_810 : vector<1x1024xf32> to vector<512x1024xf32>
    %eq3A_812 = arith.cmpf oeq, %select_n3A_807, %eq3A_811 : vector<512x1024xf32>
    %jit3A_813 = arith.constant 2147483647 : i32
    %broadcast_in_dim3A_814 = vector.broadcast %jit3A_813 : i32 to vector<512x1024xi32>
    %select_n3A_815 = arith.select %eq3A_812, %get3A_4, %broadcast_in_dim3A_814 : vector<512x1024xi1>, vector<512x1024xi32>
    %reduce_min3A_816 = arith.constant dense<2147483647> : vector<1024xi32>
    %reduce_min3A_817 = vector.multi_reduction <minsi>, %select_n3A_815, %reduce_min3A_816 [0] : vector<512x1024xi32> to vector<1024xi32>
    %swap3A_818 = arith.constant 30 : index
    %swap3A_819 = arith.constant 0 : index
    %swap3A_820 = vector.load %arg2[%swap3A_818, %swap3A_819] : memref<32x1024xf32, #tpu.memory_space<vmem>>, vector<1x1024xf32>
    %swap3A_821 = vector.shape_cast %swap3A_820 : vector<1x1024xf32> to vector<1024xf32>
    %swap3A_822 = vector.shape_cast %reduce_min3A_809 : vector<1024xf32> to vector<1x1024xf32>
    tpu.vector_store %arg2[%swap3A_818, %swap3A_819], %swap3A_822 {strides = array<i32>} : memref<32x1024xf32, #tpu.memory_space<vmem>>, vector<1x1024xf32>,
    %swap3A_823 = arith.constant 30 : index
    %swap3A_824 = arith.constant 0 : index
    %swap3A_825 = vector.load %arg3[%swap3A_823, %swap3A_824] : memref<32x1024xi32, #tpu.memory_space<vmem>>, vector<1x1024xi32>
    %swap3A_826 = vector.shape_cast %swap3A_825 : vector<1x1024xi32> to vector<1024xi32>
    %swap3A_827 = vector.shape_cast %reduce_min3A_817 : vector<1024xi32> to vector<1x1024xi32>
    tpu.vector_store %arg3[%swap3A_823, %swap3A_824], %swap3A_827 {strides = array<i32>} : memref<32x1024xi32, #tpu.memory_space<vmem>>, vector<1x1024xi32>,
    %broadcast_in_dim3A_828 = vector.shape_cast %reduce_min3A_817 : vector<1024xi32> to vector<1x1024xi32>
    %eq3A_829 = vector.broadcast %broadcast_in_dim3A_828 : vector<1x1024xi32> to vector<512x1024xi32>
    %eq3A_830 = arith.cmpi eq, %get3A_4, %eq3A_829 : vector<512x1024xi32>
    %and3A_831 = arith.andi %eq3A_812, %eq3A_830 : vector<512x1024xi1>
    %jit3A_832 = arith.constant 3.000000e+38 : f32
    %broadcast_in_dim3A_833 = vector.broadcast %jit3A_832 : f32 to vector<512x1024xf32>
    %select_n3A_834 = arith.select %and3A_831, %broadcast_in_dim3A_833, %select_n3A_807 : vector<512x1024xi1>, vector<512x1024xf32>
    %reduce_min3A_835 = arith.constant dense<0x7F800000> : vector<1024xf32>
    %reduce_min3A_836 = vector.multi_reduction <minimumf>, %select_n3A_834, %reduce_min3A_835 [0] : vector<512x1024xf32> to vector<1024xf32>
    %broadcast_in_dim3A_837 = vector.shape_cast %reduce_min3A_836 : vector<1024xf32> to vector<1x1024xf32>
    %eq3A_838 = vector.broadcast %broadcast_in_dim3A_837 : vector<1x1024xf32> to vector<512x1024xf32>
    %eq3A_839 = arith.cmpf oeq, %select_n3A_834, %eq3A_838 : vector<512x1024xf32>
    %jit3A_840 = arith.constant 2147483647 : i32
    %broadcast_in_dim3A_841 = vector.broadcast %jit3A_840 : i32 to vector<512x1024xi32>
    %select_n3A_842 = arith.select %eq3A_839, %get3A_4, %broadcast_in_dim3A_841 : vector<512x1024xi1>, vector<512x1024xi32>
    %reduce_min3A_843 = arith.constant dense<2147483647> : vector<1024xi32>
    %reduce_min3A_844 = vector.multi_reduction <minsi>, %select_n3A_842, %reduce_min3A_843 [0] : vector<512x1024xi32> to vector<1024xi32>
    %swap3A_845 = arith.constant 31 : index
    %swap3A_846 = arith.constant 0 : index
    %swap3A_847 = vector.load %arg2[%swap3A_845, %swap3A_846] : memref<32x1024xf32, #tpu.memory_space<vmem>>, vector<1x1024xf32>
    %swap3A_848 = vector.shape_cast %swap3A_847 : vector<1x1024xf32> to vector<1024xf32>
    %swap3A_849 = vector.shape_cast %reduce_min3A_836 : vector<1024xf32> to vector<1x1024xf32>
    tpu.vector_store %arg2[%swap3A_845, %swap3A_846], %swap3A_849 {strides = array<i32>} : memref<32x1024xf32, #tpu.memory_space<vmem>>, vector<1x1024xf32>,
    %swap3A_850 = arith.constant 31 : index
    %swap3A_851 = arith.constant 0 : index
    %swap3A_852 = vector.load %arg3[%swap3A_850, %swap3A_851] : memref<32x1024xi32, #tpu.memory_space<vmem>>, vector<1x1024xi32>
    %swap3A_853 = vector.shape_cast %swap3A_852 : vector<1x1024xi32> to vector<1024xi32>
    %swap3A_854 = vector.shape_cast %reduce_min3A_844 : vector<1024xi32> to vector<1x1024xi32>
    tpu.vector_store %arg3[%swap3A_850, %swap3A_851], %swap3A_854 {strides = array<i32>} : memref<32x1024xi32, #tpu.memory_space<vmem>>, vector<1x1024xi32>,
    return
  }
}

module attributes {stable_mosaic.version = 14 : i64} {
  func.func @_s6a_body(%arg0: i32, %arg1: memref<4096x32xf32, #tpu.memory_space<vmem>>, %arg2: memref<8x32xf32, #tpu.memory_space<vmem>>, %arg3: memref<8x512xf32, #tpu.memory_space<vmem>>, %arg4: memref<8x512xf32, #tpu.memory_space<vmem>>) attributes {dimension_semantics = [#tpu.dimension_semantics<arbitrary>], iteration_bounds = array<i64: 128>, scalar_prefetch = 0 : i64, scratch_operands = 0 : i64, tpu.core_type = #tpu.core_type<tc>, window_params = [{transform_indices = @transform_0, window_bounds = array<i64: 4096, 32>}, {transform_indices = @transform_1, window_bounds = array<i64: 8, 32>}, {transform_indices = @transform_2, window_bounds = array<i64: 8, 512>}, {transform_indices = @transform_3, window_bounds = array<i64: 8, 512>}]} {
    %get3A = arith.constant 0 : index
    %get3A_0 = arith.constant 0 : index
    %get3A_1 = vector.load %arg1[%get3A, %get3A_0] : memref<4096x32xf32, #tpu.memory_space<vmem>>, vector<4096x32xf32>
    %get3A_2 = arith.constant 0 : index
    %get3A_3 = arith.constant 0 : index
    %get3A_4 = vector.load %arg2[%get3A_2, %get3A_3] : memref<8x32xf32, #tpu.memory_space<vmem>>, vector<8x32xf32>
    %get3A_5 = arith.constant 0 : index
    %get3A_6 = arith.constant 0 : index
    %get3A_7 = vector.load %arg3[%get3A_5, %get3A_6] : memref<8x512xf32, #tpu.memory_space<vmem>>, vector<8x512xf32>
    %mul3A = arith.mulf %get3A_4, %get3A_4 : vector<8x32xf32>
    %reduce_sum3A = arith.constant dense<0.000000e+00> : vector<8xf32>
    %reduce_sum3A_8 = vector.multi_reduction <add>, %mul3A, %reduce_sum3A [1] : vector<8x32xf32> to vector<8xf32>
    %broadcast_in_dim3A = vector.shape_cast %reduce_sum3A_8 : vector<8xf32> to vector<8x1xf32>
    %transpose3A = tpu.transpose %get3A_1, [1, 0] : vector<4096x32xf32> -> vector<32x4096xf32>
    %dot_general3A = arith.constant dense<0.000000e+00> : vector<8x4096xf32>
    %dot_general3A_9 = tpu.matmul %get3A_4, %transpose3A, %dot_general3A {dimension_numbers = #tpu.dot_dimension_numbers<[1], [0], [0], [1], [0, 0, 1, 1], [], []>, transpose_lhs_hint = false} : vector<8x32xf32>, vector<32x4096xf32>, vector<8x4096xf32> -> vector<8x4096xf32>
    %reshape3A = vector.shape_cast %dot_general3A_9 : vector<8x4096xf32> to vector<8x8x512xf32>
    %iota3A = tpu.iota {dimensions = array<i32: 0>} : vector<8x8x512xi32>
    %iota3A_10 = tpu.iota {dimensions = array<i32: 1>} : vector<8x8x512xi32>
    %eq3A = arith.cmpi eq, %iota3A, %iota3A_10 : vector<8x8x512xi32>
    %jit3A = arith.constant 0.000000e+00 : f32
    %broadcast_in_dim3A_11 = vector.broadcast %jit3A : f32 to vector<8x8x512xf32>
    %select_n3A = arith.select %eq3A, %reshape3A, %broadcast_in_dim3A_11 : vector<8x8x512xi1>, vector<8x8x512xf32>
    %reduce_sum3A_12 = arith.constant dense<0.000000e+00> : vector<8x512xf32>
    %reduce_sum3A_13 = vector.multi_reduction <add>, %select_n3A, %reduce_sum3A_12 [1] : vector<8x8x512xf32> to vector<8x512xf32>
    %mul3A_14 = arith.constant 2.000000e+00 : f32
    %mul3A_15 = vector.broadcast %mul3A_14 : f32 to vector<8x512xf32>
    %mul3A_16 = arith.mulf %mul3A_15, %reduce_sum3A_13 : vector<8x512xf32>
    %sub3A = vector.broadcast %broadcast_in_dim3A : vector<8x1xf32> to vector<8x512xf32>
    %sub3A_17 = arith.subf %sub3A, %mul3A_16 : vector<8x512xf32>
    %add3A = arith.addf %sub3A_17, %get3A_7 : vector<8x512xf32>
    %swap3A = arith.constant 0 : index
    %swap3A_18 = arith.constant 0 : index
    %swap3A_19 = vector.load %arg4[%swap3A, %swap3A_18] : memref<8x512xf32, #tpu.memory_space<vmem>>, vector<8x512xf32>
    tpu.vector_store %arg4[%swap3A, %swap3A_18], %add3A {strides = array<i32>} : memref<8x512xf32, #tpu.memory_space<vmem>>, vector<8x512xf32>,
    return
  }
  func.func @transform_0(%arg0: i32) -> (i32, i32) {
    %c0_i32 = arith.constant 0 : i32
    %c0_i32_0 = arith.constant 0 : i32
    return %arg0, %c0_i32 : i32, i32
  }
  func.func @transform_1(%arg0: i32) -> (i32, i32) {
    %c0_i32 = arith.constant 0 : i32
    %c0_i32_0 = arith.constant 0 : i32
    return %arg0, %c0_i32 : i32, i32
  }
  func.func @transform_2(%arg0: i32) -> (i32, i32) {
    %c0_i32 = arith.constant 0 : i32
    %c0_i32_0 = arith.constant 0 : i32
    return %arg0, %c0_i32 : i32, i32
  }
  func.func @transform_3(%arg0: i32) -> (i32, i32) {
    %c0_i32 = arith.constant 0 : i32
    %c0_i32_0 = arith.constant 0 : i32
    return %arg0, %c0_i32 : i32, i32
  }
}

module attributes {stable_mosaic.version = 14 : i64} {
  func.func @_extract_body(%arg0: memref<512x1024xf32, #tpu.memory_space<vmem>>, %arg1: memref<512x1024xi32, #tpu.memory_space<vmem>>, %arg2: memref<32x1024xf32, #tpu.memory_space<vmem>>, %arg3: memref<32x1024xi32, #tpu.memory_space<vmem>>) attributes {dimension_semantics = [], scalar_prefetch = 0 : i64, scratch_operands = 0 : i64, tpu.core_type = #tpu.core_type<tc>} {
    %get3A = arith.constant 0 : index
    %get3A_0 = arith.constant 0 : index
    %get3A_1 = vector.load %arg0[%get3A, %get3A_0] : memref<512x1024xf32, #tpu.memory_space<vmem>>, vector<512x1024xf32>
    %get3A_2 = arith.constant 0 : index
    %get3A_3 = arith.constant 0 : index
    %get3A_4 = vector.load %arg1[%get3A_2, %get3A_3] : memref<512x1024xi32, #tpu.memory_space<vmem>>, vector<512x1024xi32>
    %reduce_min3A = arith.constant dense<0x7F800000> : vector<1024xf32>
    %reduce_min3A_5 = vector.multi_reduction <minimumf>, %get3A_1, %reduce_min3A [0] : vector<512x1024xf32> to vector<1024xf32>
    %broadcast_in_dim3A = vector.shape_cast %reduce_min3A_5 : vector<1024xf32> to vector<1x1024xf32>
    %eq3A = vector.broadcast %broadcast_in_dim3A : vector<1x1024xf32> to vector<512x1024xf32>
    %eq3A_6 = arith.cmpf oeq, %get3A_1, %eq3A : vector<512x1024xf32>
    %jit3A = arith.constant 2147483647 : i32
    %broadcast_in_dim3A_7 = vector.broadcast %jit3A : i32 to vector<512x1024xi32>
    %select_n3A = arith.select %eq3A_6, %get3A_4, %broadcast_in_dim3A_7 : vector<512x1024xi1>, vector<512x1024xi32>
    %reduce_min3A_8 = arith.constant dense<2147483647> : vector<1024xi32>
    %reduce_min3A_9 = vector.multi_reduction <minsi>, %select_n3A, %reduce_min3A_8 [0] : vector<512x1024xi32> to vector<1024xi32>
    %swap3A = arith.constant 0 : index
    %swap3A_10 = arith.constant 0 : index
    %swap3A_11 = vector.load %arg2[%swap3A, %swap3A_10] : memref<32x1024xf32, #tpu.memory_space<vmem>>, vector<1x1024xf32>
    %swap3A_12 = vector.shape_cast %swap3A_11 : vector<1x1024xf32> to vector<1024xf32>
    %swap3A_13 = vector.shape_cast %reduce_min3A_5 : vector<1024xf32> to vector<1x1024xf32>
    tpu.vector_store %arg2[%swap3A, %swap3A_10], %swap3A_13 {strides = array<i32>} : memref<32x1024xf32, #tpu.memory_space<vmem>>, vector<1x1024xf32>,
    %swap3A_14 = arith.constant 0 : index
    %swap3A_15 = arith.constant 0 : index
    %swap3A_16 = vector.load %arg3[%swap3A_14, %swap3A_15] : memref<32x1024xi32, #tpu.memory_space<vmem>>, vector<1x1024xi32>
    %swap3A_17 = vector.shape_cast %swap3A_16 : vector<1x1024xi32> to vector<1024xi32>
    %swap3A_18 = vector.shape_cast %reduce_min3A_9 : vector<1024xi32> to vector<1x1024xi32>
    tpu.vector_store %arg3[%swap3A_14, %swap3A_15], %swap3A_18 {strides = array<i32>} : memref<32x1024xi32, #tpu.memory_space<vmem>>, vector<1x1024xi32>,
    %broadcast_in_dim3A_19 = vector.shape_cast %reduce_min3A_9 : vector<1024xi32> to vector<1x1024xi32>
    %eq3A_20 = vector.broadcast %broadcast_in_dim3A_19 : vector<1x1024xi32> to vector<512x1024xi32>
    %eq3A_21 = arith.cmpi eq, %get3A_4, %eq3A_20 : vector<512x1024xi32>
    %and3A = arith.andi %eq3A_6, %eq3A_21 : vector<512x1024xi1>
    %jit3A_22 = arith.constant 3.000000e+38 : f32
    %broadcast_in_dim3A_23 = vector.broadcast %jit3A_22 : f32 to vector<512x1024xf32>
    %select_n3A_24 = arith.select %and3A, %broadcast_in_dim3A_23, %get3A_1 : vector<512x1024xi1>, vector<512x1024xf32>
    %reduce_min3A_25 = arith.constant dense<0x7F800000> : vector<1024xf32>
    %reduce_min3A_26 = vector.multi_reduction <minimumf>, %select_n3A_24, %reduce_min3A_25 [0] : vector<512x1024xf32> to vector<1024xf32>
    %broadcast_in_dim3A_27 = vector.shape_cast %reduce_min3A_26 : vector<1024xf32> to vector<1x1024xf32>
    %eq3A_28 = vector.broadcast %broadcast_in_dim3A_27 : vector<1x1024xf32> to vector<512x1024xf32>
    %eq3A_29 = arith.cmpf oeq, %select_n3A_24, %eq3A_28 : vector<512x1024xf32>
    %jit3A_30 = arith.constant 2147483647 : i32
    %broadcast_in_dim3A_31 = vector.broadcast %jit3A_30 : i32 to vector<512x1024xi32>
    %select_n3A_32 = arith.select %eq3A_29, %get3A_4, %broadcast_in_dim3A_31 : vector<512x1024xi1>, vector<512x1024xi32>
    %reduce_min3A_33 = arith.constant dense<2147483647> : vector<1024xi32>
    %reduce_min3A_34 = vector.multi_reduction <minsi>, %select_n3A_32, %reduce_min3A_33 [0] : vector<512x1024xi32> to vector<1024xi32>
    %swap3A_35 = arith.constant 1 : index
    %swap3A_36 = arith.constant 0 : index
    %swap3A_37 = vector.load %arg2[%swap3A_35, %swap3A_36] : memref<32x1024xf32, #tpu.memory_space<vmem>>, vector<1x1024xf32>
    %swap3A_38 = vector.shape_cast %swap3A_37 : vector<1x1024xf32> to vector<1024xf32>
    %swap3A_39 = vector.shape_cast %reduce_min3A_26 : vector<1024xf32> to vector<1x1024xf32>
    tpu.vector_store %arg2[%swap3A_35, %swap3A_36], %swap3A_39 {strides = array<i32>} : memref<32x1024xf32, #tpu.memory_space<vmem>>, vector<1x1024xf32>,
    %swap3A_40 = arith.constant 1 : index
    %swap3A_41 = arith.constant 0 : index
    %swap3A_42 = vector.load %arg3[%swap3A_40, %swap3A_41] : memref<32x1024xi32, #tpu.memory_space<vmem>>, vector<1x1024xi32>
    %swap3A_43 = vector.shape_cast %swap3A_42 : vector<1x1024xi32> to vector<1024xi32>
    %swap3A_44 = vector.shape_cast %reduce_min3A_34 : vector<1024xi32> to vector<1x1024xi32>
    tpu.vector_store %arg3[%swap3A_40, %swap3A_41], %swap3A_44 {strides = array<i32>} : memref<32x1024xi32, #tpu.memory_space<vmem>>, vector<1x1024xi32>,
    %broadcast_in_dim3A_45 = vector.shape_cast %reduce_min3A_34 : vector<1024xi32> to vector<1x1024xi32>
    %eq3A_46 = vector.broadcast %broadcast_in_dim3A_45 : vector<1x1024xi32> to vector<512x1024xi32>
    %eq3A_47 = arith.cmpi eq, %get3A_4, %eq3A_46 : vector<512x1024xi32>
    %and3A_48 = arith.andi %eq3A_29, %eq3A_47 : vector<512x1024xi1>
    %jit3A_49 = arith.constant 3.000000e+38 : f32
    %broadcast_in_dim3A_50 = vector.broadcast %jit3A_49 : f32 to vector<512x1024xf32>
    %select_n3A_51 = arith.select %and3A_48, %broadcast_in_dim3A_50, %select_n3A_24 : vector<512x1024xi1>, vector<512x1024xf32>
    %reduce_min3A_52 = arith.constant dense<0x7F800000> : vector<1024xf32>
    %reduce_min3A_53 = vector.multi_reduction <minimumf>, %select_n3A_51, %reduce_min3A_52 [0] : vector<512x1024xf32> to vector<1024xf32>
    %broadcast_in_dim3A_54 = vector.shape_cast %reduce_min3A_53 : vector<1024xf32> to vector<1x1024xf32>
    %eq3A_55 = vector.broadcast %broadcast_in_dim3A_54 : vector<1x1024xf32> to vector<512x1024xf32>
    %eq3A_56 = arith.cmpf oeq, %select_n3A_51, %eq3A_55 : vector<512x1024xf32>
    %jit3A_57 = arith.constant 2147483647 : i32
    %broadcast_in_dim3A_58 = vector.broadcast %jit3A_57 : i32 to vector<512x1024xi32>
    %select_n3A_59 = arith.select %eq3A_56, %get3A_4, %broadcast_in_dim3A_58 : vector<512x1024xi1>, vector<512x1024xi32>
    %reduce_min3A_60 = arith.constant dense<2147483647> : vector<1024xi32>
    %reduce_min3A_61 = vector.multi_reduction <minsi>, %select_n3A_59, %reduce_min3A_60 [0] : vector<512x1024xi32> to vector<1024xi32>
    %swap3A_62 = arith.constant 2 : index
    %swap3A_63 = arith.constant 0 : index
    %swap3A_64 = vector.load %arg2[%swap3A_62, %swap3A_63] : memref<32x1024xf32, #tpu.memory_space<vmem>>, vector<1x1024xf32>
    %swap3A_65 = vector.shape_cast %swap3A_64 : vector<1x1024xf32> to vector<1024xf32>
    %swap3A_66 = vector.shape_cast %reduce_min3A_53 : vector<1024xf32> to vector<1x1024xf32>
    tpu.vector_store %arg2[%swap3A_62, %swap3A_63], %swap3A_66 {strides = array<i32>} : memref<32x1024xf32, #tpu.memory_space<vmem>>, vector<1x1024xf32>,
    %swap3A_67 = arith.constant 2 : index
    %swap3A_68 = arith.constant 0 : index
    %swap3A_69 = vector.load %arg3[%swap3A_67, %swap3A_68] : memref<32x1024xi32, #tpu.memory_space<vmem>>, vector<1x1024xi32>
    %swap3A_70 = vector.shape_cast %swap3A_69 : vector<1x1024xi32> to vector<1024xi32>
    %swap3A_71 = vector.shape_cast %reduce_min3A_61 : vector<1024xi32> to vector<1x1024xi32>
    tpu.vector_store %arg3[%swap3A_67, %swap3A_68], %swap3A_71 {strides = array<i32>} : memref<32x1024xi32, #tpu.memory_space<vmem>>, vector<1x1024xi32>,
    %broadcast_in_dim3A_72 = vector.shape_cast %reduce_min3A_61 : vector<1024xi32> to vector<1x1024xi32>
    %eq3A_73 = vector.broadcast %broadcast_in_dim3A_72 : vector<1x1024xi32> to vector<512x1024xi32>
    %eq3A_74 = arith.cmpi eq, %get3A_4, %eq3A_73 : vector<512x1024xi32>
    %and3A_75 = arith.andi %eq3A_56, %eq3A_74 : vector<512x1024xi1>
    %jit3A_76 = arith.constant 3.000000e+38 : f32
    %broadcast_in_dim3A_77 = vector.broadcast %jit3A_76 : f32 to vector<512x1024xf32>
    %select_n3A_78 = arith.select %and3A_75, %broadcast_in_dim3A_77, %select_n3A_51 : vector<512x1024xi1>, vector<512x1024xf32>
    %reduce_min3A_79 = arith.constant dense<0x7F800000> : vector<1024xf32>
    %reduce_min3A_80 = vector.multi_reduction <minimumf>, %select_n3A_78, %reduce_min3A_79 [0] : vector<512x1024xf32> to vector<1024xf32>
    %broadcast_in_dim3A_81 = vector.shape_cast %reduce_min3A_80 : vector<1024xf32> to vector<1x1024xf32>
    %eq3A_82 = vector.broadcast %broadcast_in_dim3A_81 : vector<1x1024xf32> to vector<512x1024xf32>
    %eq3A_83 = arith.cmpf oeq, %select_n3A_78, %eq3A_82 : vector<512x1024xf32>
    %jit3A_84 = arith.constant 2147483647 : i32
    %broadcast_in_dim3A_85 = vector.broadcast %jit3A_84 : i32 to vector<512x1024xi32>
    %select_n3A_86 = arith.select %eq3A_83, %get3A_4, %broadcast_in_dim3A_85 : vector<512x1024xi1>, vector<512x1024xi32>
    %reduce_min3A_87 = arith.constant dense<2147483647> : vector<1024xi32>
    %reduce_min3A_88 = vector.multi_reduction <minsi>, %select_n3A_86, %reduce_min3A_87 [0] : vector<512x1024xi32> to vector<1024xi32>
    %swap3A_89 = arith.constant 3 : index
    %swap3A_90 = arith.constant 0 : index
    %swap3A_91 = vector.load %arg2[%swap3A_89, %swap3A_90] : memref<32x1024xf32, #tpu.memory_space<vmem>>, vector<1x1024xf32>
    %swap3A_92 = vector.shape_cast %swap3A_91 : vector<1x1024xf32> to vector<1024xf32>
    %swap3A_93 = vector.shape_cast %reduce_min3A_80 : vector<1024xf32> to vector<1x1024xf32>
    tpu.vector_store %arg2[%swap3A_89, %swap3A_90], %swap3A_93 {strides = array<i32>} : memref<32x1024xf32, #tpu.memory_space<vmem>>, vector<1x1024xf32>,
    %swap3A_94 = arith.constant 3 : index
    %swap3A_95 = arith.constant 0 : index
    %swap3A_96 = vector.load %arg3[%swap3A_94, %swap3A_95] : memref<32x1024xi32, #tpu.memory_space<vmem>>, vector<1x1024xi32>
    %swap3A_97 = vector.shape_cast %swap3A_96 : vector<1x1024xi32> to vector<1024xi32>
    %swap3A_98 = vector.shape_cast %reduce_min3A_88 : vector<1024xi32> to vector<1x1024xi32>
    tpu.vector_store %arg3[%swap3A_94, %swap3A_95], %swap3A_98 {strides = array<i32>} : memref<32x1024xi32, #tpu.memory_space<vmem>>, vector<1x1024xi32>,
    %broadcast_in_dim3A_99 = vector.shape_cast %reduce_min3A_88 : vector<1024xi32> to vector<1x1024xi32>
    %eq3A_100 = vector.broadcast %broadcast_in_dim3A_99 : vector<1x1024xi32> to vector<512x1024xi32>
    %eq3A_101 = arith.cmpi eq, %get3A_4, %eq3A_100 : vector<512x1024xi32>
    %and3A_102 = arith.andi %eq3A_83, %eq3A_101 : vector<512x1024xi1>
    %jit3A_103 = arith.constant 3.000000e+38 : f32
    %broadcast_in_dim3A_104 = vector.broadcast %jit3A_103 : f32 to vector<512x1024xf32>
    %select_n3A_105 = arith.select %and3A_102, %broadcast_in_dim3A_104, %select_n3A_78 : vector<512x1024xi1>, vector<512x1024xf32>
    %reduce_min3A_106 = arith.constant dense<0x7F800000> : vector<1024xf32>
    %reduce_min3A_107 = vector.multi_reduction <minimumf>, %select_n3A_105, %reduce_min3A_106 [0] : vector<512x1024xf32> to vector<1024xf32>
    %broadcast_in_dim3A_108 = vector.shape_cast %reduce_min3A_107 : vector<1024xf32> to vector<1x1024xf32>
    %eq3A_109 = vector.broadcast %broadcast_in_dim3A_108 : vector<1x1024xf32> to vector<512x1024xf32>
    %eq3A_110 = arith.cmpf oeq, %select_n3A_105, %eq3A_109 : vector<512x1024xf32>
    %jit3A_111 = arith.constant 2147483647 : i32
    %broadcast_in_dim3A_112 = vector.broadcast %jit3A_111 : i32 to vector<512x1024xi32>
    %select_n3A_113 = arith.select %eq3A_110, %get3A_4, %broadcast_in_dim3A_112 : vector<512x1024xi1>, vector<512x1024xi32>
    %reduce_min3A_114 = arith.constant dense<2147483647> : vector<1024xi32>
    %reduce_min3A_115 = vector.multi_reduction <minsi>, %select_n3A_113, %reduce_min3A_114 [0] : vector<512x1024xi32> to vector<1024xi32>
    %swap3A_116 = arith.constant 4 : index
    %swap3A_117 = arith.constant 0 : index
    %swap3A_118 = vector.load %arg2[%swap3A_116, %swap3A_117] : memref<32x1024xf32, #tpu.memory_space<vmem>>, vector<1x1024xf32>
    %swap3A_119 = vector.shape_cast %swap3A_118 : vector<1x1024xf32> to vector<1024xf32>
    %swap3A_120 = vector.shape_cast %reduce_min3A_107 : vector<1024xf32> to vector<1x1024xf32>
    tpu.vector_store %arg2[%swap3A_116, %swap3A_117], %swap3A_120 {strides = array<i32>} : memref<32x1024xf32, #tpu.memory_space<vmem>>, vector<1x1024xf32>,
    %swap3A_121 = arith.constant 4 : index
    %swap3A_122 = arith.constant 0 : index
    %swap3A_123 = vector.load %arg3[%swap3A_121, %swap3A_122] : memref<32x1024xi32, #tpu.memory_space<vmem>>, vector<1x1024xi32>
    %swap3A_124 = vector.shape_cast %swap3A_123 : vector<1x1024xi32> to vector<1024xi32>
    %swap3A_125 = vector.shape_cast %reduce_min3A_115 : vector<1024xi32> to vector<1x1024xi32>
    tpu.vector_store %arg3[%swap3A_121, %swap3A_122], %swap3A_125 {strides = array<i32>} : memref<32x1024xi32, #tpu.memory_space<vmem>>, vector<1x1024xi32>,
    %broadcast_in_dim3A_126 = vector.shape_cast %reduce_min3A_115 : vector<1024xi32> to vector<1x1024xi32>
    %eq3A_127 = vector.broadcast %broadcast_in_dim3A_126 : vector<1x1024xi32> to vector<512x1024xi32>
    %eq3A_128 = arith.cmpi eq, %get3A_4, %eq3A_127 : vector<512x1024xi32>
    %and3A_129 = arith.andi %eq3A_110, %eq3A_128 : vector<512x1024xi1>
    %jit3A_130 = arith.constant 3.000000e+38 : f32
    %broadcast_in_dim3A_131 = vector.broadcast %jit3A_130 : f32 to vector<512x1024xf32>
    %select_n3A_132 = arith.select %and3A_129, %broadcast_in_dim3A_131, %select_n3A_105 : vector<512x1024xi1>, vector<512x1024xf32>
    %reduce_min3A_133 = arith.constant dense<0x7F800000> : vector<1024xf32>
    %reduce_min3A_134 = vector.multi_reduction <minimumf>, %select_n3A_132, %reduce_min3A_133 [0] : vector<512x1024xf32> to vector<1024xf32>
    %broadcast_in_dim3A_135 = vector.shape_cast %reduce_min3A_134 : vector<1024xf32> to vector<1x1024xf32>
    %eq3A_136 = vector.broadcast %broadcast_in_dim3A_135 : vector<1x1024xf32> to vector<512x1024xf32>
    %eq3A_137 = arith.cmpf oeq, %select_n3A_132, %eq3A_136 : vector<512x1024xf32>
    %jit3A_138 = arith.constant 2147483647 : i32
    %broadcast_in_dim3A_139 = vector.broadcast %jit3A_138 : i32 to vector<512x1024xi32>
    %select_n3A_140 = arith.select %eq3A_137, %get3A_4, %broadcast_in_dim3A_139 : vector<512x1024xi1>, vector<512x1024xi32>
    %reduce_min3A_141 = arith.constant dense<2147483647> : vector<1024xi32>
    %reduce_min3A_142 = vector.multi_reduction <minsi>, %select_n3A_140, %reduce_min3A_141 [0] : vector<512x1024xi32> to vector<1024xi32>
    %swap3A_143 = arith.constant 5 : index
    %swap3A_144 = arith.constant 0 : index
    %swap3A_145 = vector.load %arg2[%swap3A_143, %swap3A_144] : memref<32x1024xf32, #tpu.memory_space<vmem>>, vector<1x1024xf32>
    %swap3A_146 = vector.shape_cast %swap3A_145 : vector<1x1024xf32> to vector<1024xf32>
    %swap3A_147 = vector.shape_cast %reduce_min3A_134 : vector<1024xf32> to vector<1x1024xf32>
    tpu.vector_store %arg2[%swap3A_143, %swap3A_144], %swap3A_147 {strides = array<i32>} : memref<32x1024xf32, #tpu.memory_space<vmem>>, vector<1x1024xf32>,
    %swap3A_148 = arith.constant 5 : index
    %swap3A_149 = arith.constant 0 : index
    %swap3A_150 = vector.load %arg3[%swap3A_148, %swap3A_149] : memref<32x1024xi32, #tpu.memory_space<vmem>>, vector<1x1024xi32>
    %swap3A_151 = vector.shape_cast %swap3A_150 : vector<1x1024xi32> to vector<1024xi32>
    %swap3A_152 = vector.shape_cast %reduce_min3A_142 : vector<1024xi32> to vector<1x1024xi32>
    tpu.vector_store %arg3[%swap3A_148, %swap3A_149], %swap3A_152 {strides = array<i32>} : memref<32x1024xi32, #tpu.memory_space<vmem>>, vector<1x1024xi32>,
    %broadcast_in_dim3A_153 = vector.shape_cast %reduce_min3A_142 : vector<1024xi32> to vector<1x1024xi32>
    %eq3A_154 = vector.broadcast %broadcast_in_dim3A_153 : vector<1x1024xi32> to vector<512x1024xi32>
    %eq3A_155 = arith.cmpi eq, %get3A_4, %eq3A_154 : vector<512x1024xi32>
    %and3A_156 = arith.andi %eq3A_137, %eq3A_155 : vector<512x1024xi1>
    %jit3A_157 = arith.constant 3.000000e+38 : f32
    %broadcast_in_dim3A_158 = vector.broadcast %jit3A_157 : f32 to vector<512x1024xf32>
    %select_n3A_159 = arith.select %and3A_156, %broadcast_in_dim3A_158, %select_n3A_132 : vector<512x1024xi1>, vector<512x1024xf32>
    %reduce_min3A_160 = arith.constant dense<0x7F800000> : vector<1024xf32>
    %reduce_min3A_161 = vector.multi_reduction <minimumf>, %select_n3A_159, %reduce_min3A_160 [0] : vector<512x1024xf32> to vector<1024xf32>
    %broadcast_in_dim3A_162 = vector.shape_cast %reduce_min3A_161 : vector<1024xf32> to vector<1x1024xf32>
    %eq3A_163 = vector.broadcast %broadcast_in_dim3A_162 : vector<1x1024xf32> to vector<512x1024xf32>
    %eq3A_164 = arith.cmpf oeq, %select_n3A_159, %eq3A_163 : vector<512x1024xf32>
    %jit3A_165 = arith.constant 2147483647 : i32
    %broadcast_in_dim3A_166 = vector.broadcast %jit3A_165 : i32 to vector<512x1024xi32>
    %select_n3A_167 = arith.select %eq3A_164, %get3A_4, %broadcast_in_dim3A_166 : vector<512x1024xi1>, vector<512x1024xi32>
    %reduce_min3A_168 = arith.constant dense<2147483647> : vector<1024xi32>
    %reduce_min3A_169 = vector.multi_reduction <minsi>, %select_n3A_167, %reduce_min3A_168 [0] : vector<512x1024xi32> to vector<1024xi32>
    %swap3A_170 = arith.constant 6 : index
    %swap3A_171 = arith.constant 0 : index
    %swap3A_172 = vector.load %arg2[%swap3A_170, %swap3A_171] : memref<32x1024xf32, #tpu.memory_space<vmem>>, vector<1x1024xf32>
    %swap3A_173 = vector.shape_cast %swap3A_172 : vector<1x1024xf32> to vector<1024xf32>
    %swap3A_174 = vector.shape_cast %reduce_min3A_161 : vector<1024xf32> to vector<1x1024xf32>
    tpu.vector_store %arg2[%swap3A_170, %swap3A_171], %swap3A_174 {strides = array<i32>} : memref<32x1024xf32, #tpu.memory_space<vmem>>, vector<1x1024xf32>,
    %swap3A_175 = arith.constant 6 : index
    %swap3A_176 = arith.constant 0 : index
    %swap3A_177 = vector.load %arg3[%swap3A_175, %swap3A_176] : memref<32x1024xi32, #tpu.memory_space<vmem>>, vector<1x1024xi32>
    %swap3A_178 = vector.shape_cast %swap3A_177 : vector<1x1024xi32> to vector<1024xi32>
    %swap3A_179 = vector.shape_cast %reduce_min3A_169 : vector<1024xi32> to vector<1x1024xi32>
    tpu.vector_store %arg3[%swap3A_175, %swap3A_176], %swap3A_179 {strides = array<i32>} : memref<32x1024xi32, #tpu.memory_space<vmem>>, vector<1x1024xi32>,
    %broadcast_in_dim3A_180 = vector.shape_cast %reduce_min3A_169 : vector<1024xi32> to vector<1x1024xi32>
    %eq3A_181 = vector.broadcast %broadcast_in_dim3A_180 : vector<1x1024xi32> to vector<512x1024xi32>
    %eq3A_182 = arith.cmpi eq, %get3A_4, %eq3A_181 : vector<512x1024xi32>
    %and3A_183 = arith.andi %eq3A_164, %eq3A_182 : vector<512x1024xi1>
    %jit3A_184 = arith.constant 3.000000e+38 : f32
    %broadcast_in_dim3A_185 = vector.broadcast %jit3A_184 : f32 to vector<512x1024xf32>
    %select_n3A_186 = arith.select %and3A_183, %broadcast_in_dim3A_185, %select_n3A_159 : vector<512x1024xi1>, vector<512x1024xf32>
    %reduce_min3A_187 = arith.constant dense<0x7F800000> : vector<1024xf32>
    %reduce_min3A_188 = vector.multi_reduction <minimumf>, %select_n3A_186, %reduce_min3A_187 [0] : vector<512x1024xf32> to vector<1024xf32>
    %broadcast_in_dim3A_189 = vector.shape_cast %reduce_min3A_188 : vector<1024xf32> to vector<1x1024xf32>
    %eq3A_190 = vector.broadcast %broadcast_in_dim3A_189 : vector<1x1024xf32> to vector<512x1024xf32>
    %eq3A_191 = arith.cmpf oeq, %select_n3A_186, %eq3A_190 : vector<512x1024xf32>
    %jit3A_192 = arith.constant 2147483647 : i32
    %broadcast_in_dim3A_193 = vector.broadcast %jit3A_192 : i32 to vector<512x1024xi32>
    %select_n3A_194 = arith.select %eq3A_191, %get3A_4, %broadcast_in_dim3A_193 : vector<512x1024xi1>, vector<512x1024xi32>
    %reduce_min3A_195 = arith.constant dense<2147483647> : vector<1024xi32>
    %reduce_min3A_196 = vector.multi_reduction <minsi>, %select_n3A_194, %reduce_min3A_195 [0] : vector<512x1024xi32> to vector<1024xi32>
    %swap3A_197 = arith.constant 7 : index
    %swap3A_198 = arith.constant 0 : index
    %swap3A_199 = vector.load %arg2[%swap3A_197, %swap3A_198] : memref<32x1024xf32, #tpu.memory_space<vmem>>, vector<1x1024xf32>
    %swap3A_200 = vector.shape_cast %swap3A_199 : vector<1x1024xf32> to vector<1024xf32>
    %swap3A_201 = vector.shape_cast %reduce_min3A_188 : vector<1024xf32> to vector<1x1024xf32>
    tpu.vector_store %arg2[%swap3A_197, %swap3A_198], %swap3A_201 {strides = array<i32>} : memref<32x1024xf32, #tpu.memory_space<vmem>>, vector<1x1024xf32>,
    %swap3A_202 = arith.constant 7 : index
    %swap3A_203 = arith.constant 0 : index
    %swap3A_204 = vector.load %arg3[%swap3A_202, %swap3A_203] : memref<32x1024xi32, #tpu.memory_space<vmem>>, vector<1x1024xi32>
    %swap3A_205 = vector.shape_cast %swap3A_204 : vector<1x1024xi32> to vector<1024xi32>
    %swap3A_206 = vector.shape_cast %reduce_min3A_196 : vector<1024xi32> to vector<1x1024xi32>
    tpu.vector_store %arg3[%swap3A_202, %swap3A_203], %swap3A_206 {strides = array<i32>} : memref<32x1024xi32, #tpu.memory_space<vmem>>, vector<1x1024xi32>,
    %broadcast_in_dim3A_207 = vector.shape_cast %reduce_min3A_196 : vector<1024xi32> to vector<1x1024xi32>
    %eq3A_208 = vector.broadcast %broadcast_in_dim3A_207 : vector<1x1024xi32> to vector<512x1024xi32>
    %eq3A_209 = arith.cmpi eq, %get3A_4, %eq3A_208 : vector<512x1024xi32>
    %and3A_210 = arith.andi %eq3A_191, %eq3A_209 : vector<512x1024xi1>
    %jit3A_211 = arith.constant 3.000000e+38 : f32
    %broadcast_in_dim3A_212 = vector.broadcast %jit3A_211 : f32 to vector<512x1024xf32>
    %select_n3A_213 = arith.select %and3A_210, %broadcast_in_dim3A_212, %select_n3A_186 : vector<512x1024xi1>, vector<512x1024xf32>
    %reduce_min3A_214 = arith.constant dense<0x7F800000> : vector<1024xf32>
    %reduce_min3A_215 = vector.multi_reduction <minimumf>, %select_n3A_213, %reduce_min3A_214 [0] : vector<512x1024xf32> to vector<1024xf32>
    %broadcast_in_dim3A_216 = vector.shape_cast %reduce_min3A_215 : vector<1024xf32> to vector<1x1024xf32>
    %eq3A_217 = vector.broadcast %broadcast_in_dim3A_216 : vector<1x1024xf32> to vector<512x1024xf32>
    %eq3A_218 = arith.cmpf oeq, %select_n3A_213, %eq3A_217 : vector<512x1024xf32>
    %jit3A_219 = arith.constant 2147483647 : i32
    %broadcast_in_dim3A_220 = vector.broadcast %jit3A_219 : i32 to vector<512x1024xi32>
    %select_n3A_221 = arith.select %eq3A_218, %get3A_4, %broadcast_in_dim3A_220 : vector<512x1024xi1>, vector<512x1024xi32>
    %reduce_min3A_222 = arith.constant dense<2147483647> : vector<1024xi32>
    %reduce_min3A_223 = vector.multi_reduction <minsi>, %select_n3A_221, %reduce_min3A_222 [0] : vector<512x1024xi32> to vector<1024xi32>
    %swap3A_224 = arith.constant 8 : index
    %swap3A_225 = arith.constant 0 : index
    %swap3A_226 = vector.load %arg2[%swap3A_224, %swap3A_225] : memref<32x1024xf32, #tpu.memory_space<vmem>>, vector<1x1024xf32>
    %swap3A_227 = vector.shape_cast %swap3A_226 : vector<1x1024xf32> to vector<1024xf32>
    %swap3A_228 = vector.shape_cast %reduce_min3A_215 : vector<1024xf32> to vector<1x1024xf32>
    tpu.vector_store %arg2[%swap3A_224, %swap3A_225], %swap3A_228 {strides = array<i32>} : memref<32x1024xf32, #tpu.memory_space<vmem>>, vector<1x1024xf32>,
    %swap3A_229 = arith.constant 8 : index
    %swap3A_230 = arith.constant 0 : index
    %swap3A_231 = vector.load %arg3[%swap3A_229, %swap3A_230] : memref<32x1024xi32, #tpu.memory_space<vmem>>, vector<1x1024xi32>
    %swap3A_232 = vector.shape_cast %swap3A_231 : vector<1x1024xi32> to vector<1024xi32>
    %swap3A_233 = vector.shape_cast %reduce_min3A_223 : vector<1024xi32> to vector<1x1024xi32>
    tpu.vector_store %arg3[%swap3A_229, %swap3A_230], %swap3A_233 {strides = array<i32>} : memref<32x1024xi32, #tpu.memory_space<vmem>>, vector<1x1024xi32>,
    %broadcast_in_dim3A_234 = vector.shape_cast %reduce_min3A_223 : vector<1024xi32> to vector<1x1024xi32>
    %eq3A_235 = vector.broadcast %broadcast_in_dim3A_234 : vector<1x1024xi32> to vector<512x1024xi32>
    %eq3A_236 = arith.cmpi eq, %get3A_4, %eq3A_235 : vector<512x1024xi32>
    %and3A_237 = arith.andi %eq3A_218, %eq3A_236 : vector<512x1024xi1>
    %jit3A_238 = arith.constant 3.000000e+38 : f32
    %broadcast_in_dim3A_239 = vector.broadcast %jit3A_238 : f32 to vector<512x1024xf32>
    %select_n3A_240 = arith.select %and3A_237, %broadcast_in_dim3A_239, %select_n3A_213 : vector<512x1024xi1>, vector<512x1024xf32>
    %reduce_min3A_241 = arith.constant dense<0x7F800000> : vector<1024xf32>
    %reduce_min3A_242 = vector.multi_reduction <minimumf>, %select_n3A_240, %reduce_min3A_241 [0] : vector<512x1024xf32> to vector<1024xf32>
    %broadcast_in_dim3A_243 = vector.shape_cast %reduce_min3A_242 : vector<1024xf32> to vector<1x1024xf32>
    %eq3A_244 = vector.broadcast %broadcast_in_dim3A_243 : vector<1x1024xf32> to vector<512x1024xf32>
    %eq3A_245 = arith.cmpf oeq, %select_n3A_240, %eq3A_244 : vector<512x1024xf32>
    %jit3A_246 = arith.constant 2147483647 : i32
    %broadcast_in_dim3A_247 = vector.broadcast %jit3A_246 : i32 to vector<512x1024xi32>
    %select_n3A_248 = arith.select %eq3A_245, %get3A_4, %broadcast_in_dim3A_247 : vector<512x1024xi1>, vector<512x1024xi32>
    %reduce_min3A_249 = arith.constant dense<2147483647> : vector<1024xi32>
    %reduce_min3A_250 = vector.multi_reduction <minsi>, %select_n3A_248, %reduce_min3A_249 [0] : vector<512x1024xi32> to vector<1024xi32>
    %swap3A_251 = arith.constant 9 : index
    %swap3A_252 = arith.constant 0 : index
    %swap3A_253 = vector.load %arg2[%swap3A_251, %swap3A_252] : memref<32x1024xf32, #tpu.memory_space<vmem>>, vector<1x1024xf32>
    %swap3A_254 = vector.shape_cast %swap3A_253 : vector<1x1024xf32> to vector<1024xf32>
    %swap3A_255 = vector.shape_cast %reduce_min3A_242 : vector<1024xf32> to vector<1x1024xf32>
    tpu.vector_store %arg2[%swap3A_251, %swap3A_252], %swap3A_255 {strides = array<i32>} : memref<32x1024xf32, #tpu.memory_space<vmem>>, vector<1x1024xf32>,
    %swap3A_256 = arith.constant 9 : index
    %swap3A_257 = arith.constant 0 : index
    %swap3A_258 = vector.load %arg3[%swap3A_256, %swap3A_257] : memref<32x1024xi32, #tpu.memory_space<vmem>>, vector<1x1024xi32>
    %swap3A_259 = vector.shape_cast %swap3A_258 : vector<1x1024xi32> to vector<1024xi32>
    %swap3A_260 = vector.shape_cast %reduce_min3A_250 : vector<1024xi32> to vector<1x1024xi32>
    tpu.vector_store %arg3[%swap3A_256, %swap3A_257], %swap3A_260 {strides = array<i32>} : memref<32x1024xi32, #tpu.memory_space<vmem>>, vector<1x1024xi32>,
    %broadcast_in_dim3A_261 = vector.shape_cast %reduce_min3A_250 : vector<1024xi32> to vector<1x1024xi32>
    %eq3A_262 = vector.broadcast %broadcast_in_dim3A_261 : vector<1x1024xi32> to vector<512x1024xi32>
    %eq3A_263 = arith.cmpi eq, %get3A_4, %eq3A_262 : vector<512x1024xi32>
    %and3A_264 = arith.andi %eq3A_245, %eq3A_263 : vector<512x1024xi1>
    %jit3A_265 = arith.constant 3.000000e+38 : f32
    %broadcast_in_dim3A_266 = vector.broadcast %jit3A_265 : f32 to vector<512x1024xf32>
    %select_n3A_267 = arith.select %and3A_264, %broadcast_in_dim3A_266, %select_n3A_240 : vector<512x1024xi1>, vector<512x1024xf32>
    %reduce_min3A_268 = arith.constant dense<0x7F800000> : vector<1024xf32>
    %reduce_min3A_269 = vector.multi_reduction <minimumf>, %select_n3A_267, %reduce_min3A_268 [0] : vector<512x1024xf32> to vector<1024xf32>
    %broadcast_in_dim3A_270 = vector.shape_cast %reduce_min3A_269 : vector<1024xf32> to vector<1x1024xf32>
    %eq3A_271 = vector.broadcast %broadcast_in_dim3A_270 : vector<1x1024xf32> to vector<512x1024xf32>
    %eq3A_272 = arith.cmpf oeq, %select_n3A_267, %eq3A_271 : vector<512x1024xf32>
    %jit3A_273 = arith.constant 2147483647 : i32
    %broadcast_in_dim3A_274 = vector.broadcast %jit3A_273 : i32 to vector<512x1024xi32>
    %select_n3A_275 = arith.select %eq3A_272, %get3A_4, %broadcast_in_dim3A_274 : vector<512x1024xi1>, vector<512x1024xi32>
    %reduce_min3A_276 = arith.constant dense<2147483647> : vector<1024xi32>
    %reduce_min3A_277 = vector.multi_reduction <minsi>, %select_n3A_275, %reduce_min3A_276 [0] : vector<512x1024xi32> to vector<1024xi32>
    %swap3A_278 = arith.constant 10 : index
    %swap3A_279 = arith.constant 0 : index
    %swap3A_280 = vector.load %arg2[%swap3A_278, %swap3A_279] : memref<32x1024xf32, #tpu.memory_space<vmem>>, vector<1x1024xf32>
    %swap3A_281 = vector.shape_cast %swap3A_280 : vector<1x1024xf32> to vector<1024xf32>
    %swap3A_282 = vector.shape_cast %reduce_min3A_269 : vector<1024xf32> to vector<1x1024xf32>
    tpu.vector_store %arg2[%swap3A_278, %swap3A_279], %swap3A_282 {strides = array<i32>} : memref<32x1024xf32, #tpu.memory_space<vmem>>, vector<1x1024xf32>,
    %swap3A_283 = arith.constant 10 : index
    %swap3A_284 = arith.constant 0 : index
    %swap3A_285 = vector.load %arg3[%swap3A_283, %swap3A_284] : memref<32x1024xi32, #tpu.memory_space<vmem>>, vector<1x1024xi32>
    %swap3A_286 = vector.shape_cast %swap3A_285 : vector<1x1024xi32> to vector<1024xi32>
    %swap3A_287 = vector.shape_cast %reduce_min3A_277 : vector<1024xi32> to vector<1x1024xi32>
    tpu.vector_store %arg3[%swap3A_283, %swap3A_284], %swap3A_287 {strides = array<i32>} : memref<32x1024xi32, #tpu.memory_space<vmem>>, vector<1x1024xi32>,
    %broadcast_in_dim3A_288 = vector.shape_cast %reduce_min3A_277 : vector<1024xi32> to vector<1x1024xi32>
    %eq3A_289 = vector.broadcast %broadcast_in_dim3A_288 : vector<1x1024xi32> to vector<512x1024xi32>
    %eq3A_290 = arith.cmpi eq, %get3A_4, %eq3A_289 : vector<512x1024xi32>
    %and3A_291 = arith.andi %eq3A_272, %eq3A_290 : vector<512x1024xi1>
    %jit3A_292 = arith.constant 3.000000e+38 : f32
    %broadcast_in_dim3A_293 = vector.broadcast %jit3A_292 : f32 to vector<512x1024xf32>
    %select_n3A_294 = arith.select %and3A_291, %broadcast_in_dim3A_293, %select_n3A_267 : vector<512x1024xi1>, vector<512x1024xf32>
    %reduce_min3A_295 = arith.constant dense<0x7F800000> : vector<1024xf32>
    %reduce_min3A_296 = vector.multi_reduction <minimumf>, %select_n3A_294, %reduce_min3A_295 [0] : vector<512x1024xf32> to vector<1024xf32>
    %broadcast_in_dim3A_297 = vector.shape_cast %reduce_min3A_296 : vector<1024xf32> to vector<1x1024xf32>
    %eq3A_298 = vector.broadcast %broadcast_in_dim3A_297 : vector<1x1024xf32> to vector<512x1024xf32>
    %eq3A_299 = arith.cmpf oeq, %select_n3A_294, %eq3A_298 : vector<512x1024xf32>
    %jit3A_300 = arith.constant 2147483647 : i32
    %broadcast_in_dim3A_301 = vector.broadcast %jit3A_300 : i32 to vector<512x1024xi32>
    %select_n3A_302 = arith.select %eq3A_299, %get3A_4, %broadcast_in_dim3A_301 : vector<512x1024xi1>, vector<512x1024xi32>
    %reduce_min3A_303 = arith.constant dense<2147483647> : vector<1024xi32>
    %reduce_min3A_304 = vector.multi_reduction <minsi>, %select_n3A_302, %reduce_min3A_303 [0] : vector<512x1024xi32> to vector<1024xi32>
    %swap3A_305 = arith.constant 11 : index
    %swap3A_306 = arith.constant 0 : index
    %swap3A_307 = vector.load %arg2[%swap3A_305, %swap3A_306] : memref<32x1024xf32, #tpu.memory_space<vmem>>, vector<1x1024xf32>
    %swap3A_308 = vector.shape_cast %swap3A_307 : vector<1x1024xf32> to vector<1024xf32>
    %swap3A_309 = vector.shape_cast %reduce_min3A_296 : vector<1024xf32> to vector<1x1024xf32>
    tpu.vector_store %arg2[%swap3A_305, %swap3A_306], %swap3A_309 {strides = array<i32>} : memref<32x1024xf32, #tpu.memory_space<vmem>>, vector<1x1024xf32>,
    %swap3A_310 = arith.constant 11 : index
    %swap3A_311 = arith.constant 0 : index
    %swap3A_312 = vector.load %arg3[%swap3A_310, %swap3A_311] : memref<32x1024xi32, #tpu.memory_space<vmem>>, vector<1x1024xi32>
    %swap3A_313 = vector.shape_cast %swap3A_312 : vector<1x1024xi32> to vector<1024xi32>
    %swap3A_314 = vector.shape_cast %reduce_min3A_304 : vector<1024xi32> to vector<1x1024xi32>
    tpu.vector_store %arg3[%swap3A_310, %swap3A_311], %swap3A_314 {strides = array<i32>} : memref<32x1024xi32, #tpu.memory_space<vmem>>, vector<1x1024xi32>,
    %broadcast_in_dim3A_315 = vector.shape_cast %reduce_min3A_304 : vector<1024xi32> to vector<1x1024xi32>
    %eq3A_316 = vector.broadcast %broadcast_in_dim3A_315 : vector<1x1024xi32> to vector<512x1024xi32>
    %eq3A_317 = arith.cmpi eq, %get3A_4, %eq3A_316 : vector<512x1024xi32>
    %and3A_318 = arith.andi %eq3A_299, %eq3A_317 : vector<512x1024xi1>
    %jit3A_319 = arith.constant 3.000000e+38 : f32
    %broadcast_in_dim3A_320 = vector.broadcast %jit3A_319 : f32 to vector<512x1024xf32>
    %select_n3A_321 = arith.select %and3A_318, %broadcast_in_dim3A_320, %select_n3A_294 : vector<512x1024xi1>, vector<512x1024xf32>
    %reduce_min3A_322 = arith.constant dense<0x7F800000> : vector<1024xf32>
    %reduce_min3A_323 = vector.multi_reduction <minimumf>, %select_n3A_321, %reduce_min3A_322 [0] : vector<512x1024xf32> to vector<1024xf32>
    %broadcast_in_dim3A_324 = vector.shape_cast %reduce_min3A_323 : vector<1024xf32> to vector<1x1024xf32>
    %eq3A_325 = vector.broadcast %broadcast_in_dim3A_324 : vector<1x1024xf32> to vector<512x1024xf32>
    %eq3A_326 = arith.cmpf oeq, %select_n3A_321, %eq3A_325 : vector<512x1024xf32>
    %jit3A_327 = arith.constant 2147483647 : i32
    %broadcast_in_dim3A_328 = vector.broadcast %jit3A_327 : i32 to vector<512x1024xi32>
    %select_n3A_329 = arith.select %eq3A_326, %get3A_4, %broadcast_in_dim3A_328 : vector<512x1024xi1>, vector<512x1024xi32>
    %reduce_min3A_330 = arith.constant dense<2147483647> : vector<1024xi32>
    %reduce_min3A_331 = vector.multi_reduction <minsi>, %select_n3A_329, %reduce_min3A_330 [0] : vector<512x1024xi32> to vector<1024xi32>
    %swap3A_332 = arith.constant 12 : index
    %swap3A_333 = arith.constant 0 : index
    %swap3A_334 = vector.load %arg2[%swap3A_332, %swap3A_333] : memref<32x1024xf32, #tpu.memory_space<vmem>>, vector<1x1024xf32>
    %swap3A_335 = vector.shape_cast %swap3A_334 : vector<1x1024xf32> to vector<1024xf32>
    %swap3A_336 = vector.shape_cast %reduce_min3A_323 : vector<1024xf32> to vector<1x1024xf32>
    tpu.vector_store %arg2[%swap3A_332, %swap3A_333], %swap3A_336 {strides = array<i32>} : memref<32x1024xf32, #tpu.memory_space<vmem>>, vector<1x1024xf32>,
    %swap3A_337 = arith.constant 12 : index
    %swap3A_338 = arith.constant 0 : index
    %swap3A_339 = vector.load %arg3[%swap3A_337, %swap3A_338] : memref<32x1024xi32, #tpu.memory_space<vmem>>, vector<1x1024xi32>
    %swap3A_340 = vector.shape_cast %swap3A_339 : vector<1x1024xi32> to vector<1024xi32>
    %swap3A_341 = vector.shape_cast %reduce_min3A_331 : vector<1024xi32> to vector<1x1024xi32>
    tpu.vector_store %arg3[%swap3A_337, %swap3A_338], %swap3A_341 {strides = array<i32>} : memref<32x1024xi32, #tpu.memory_space<vmem>>, vector<1x1024xi32>,
    %broadcast_in_dim3A_342 = vector.shape_cast %reduce_min3A_331 : vector<1024xi32> to vector<1x1024xi32>
    %eq3A_343 = vector.broadcast %broadcast_in_dim3A_342 : vector<1x1024xi32> to vector<512x1024xi32>
    %eq3A_344 = arith.cmpi eq, %get3A_4, %eq3A_343 : vector<512x1024xi32>
    %and3A_345 = arith.andi %eq3A_326, %eq3A_344 : vector<512x1024xi1>
    %jit3A_346 = arith.constant 3.000000e+38 : f32
    %broadcast_in_dim3A_347 = vector.broadcast %jit3A_346 : f32 to vector<512x1024xf32>
    %select_n3A_348 = arith.select %and3A_345, %broadcast_in_dim3A_347, %select_n3A_321 : vector<512x1024xi1>, vector<512x1024xf32>
    %reduce_min3A_349 = arith.constant dense<0x7F800000> : vector<1024xf32>
    %reduce_min3A_350 = vector.multi_reduction <minimumf>, %select_n3A_348, %reduce_min3A_349 [0] : vector<512x1024xf32> to vector<1024xf32>
    %broadcast_in_dim3A_351 = vector.shape_cast %reduce_min3A_350 : vector<1024xf32> to vector<1x1024xf32>
    %eq3A_352 = vector.broadcast %broadcast_in_dim3A_351 : vector<1x1024xf32> to vector<512x1024xf32>
    %eq3A_353 = arith.cmpf oeq, %select_n3A_348, %eq3A_352 : vector<512x1024xf32>
    %jit3A_354 = arith.constant 2147483647 : i32
    %broadcast_in_dim3A_355 = vector.broadcast %jit3A_354 : i32 to vector<512x1024xi32>
    %select_n3A_356 = arith.select %eq3A_353, %get3A_4, %broadcast_in_dim3A_355 : vector<512x1024xi1>, vector<512x1024xi32>
    %reduce_min3A_357 = arith.constant dense<2147483647> : vector<1024xi32>
    %reduce_min3A_358 = vector.multi_reduction <minsi>, %select_n3A_356, %reduce_min3A_357 [0] : vector<512x1024xi32> to vector<1024xi32>
    %swap3A_359 = arith.constant 13 : index
    %swap3A_360 = arith.constant 0 : index
    %swap3A_361 = vector.load %arg2[%swap3A_359, %swap3A_360] : memref<32x1024xf32, #tpu.memory_space<vmem>>, vector<1x1024xf32>
    %swap3A_362 = vector.shape_cast %swap3A_361 : vector<1x1024xf32> to vector<1024xf32>
    %swap3A_363 = vector.shape_cast %reduce_min3A_350 : vector<1024xf32> to vector<1x1024xf32>
    tpu.vector_store %arg2[%swap3A_359, %swap3A_360], %swap3A_363 {strides = array<i32>} : memref<32x1024xf32, #tpu.memory_space<vmem>>, vector<1x1024xf32>,
    %swap3A_364 = arith.constant 13 : index
    %swap3A_365 = arith.constant 0 : index
    %swap3A_366 = vector.load %arg3[%swap3A_364, %swap3A_365] : memref<32x1024xi32, #tpu.memory_space<vmem>>, vector<1x1024xi32>
    %swap3A_367 = vector.shape_cast %swap3A_366 : vector<1x1024xi32> to vector<1024xi32>
    %swap3A_368 = vector.shape_cast %reduce_min3A_358 : vector<1024xi32> to vector<1x1024xi32>
    tpu.vector_store %arg3[%swap3A_364, %swap3A_365], %swap3A_368 {strides = array<i32>} : memref<32x1024xi32, #tpu.memory_space<vmem>>, vector<1x1024xi32>,
    %broadcast_in_dim3A_369 = vector.shape_cast %reduce_min3A_358 : vector<1024xi32> to vector<1x1024xi32>
    %eq3A_370 = vector.broadcast %broadcast_in_dim3A_369 : vector<1x1024xi32> to vector<512x1024xi32>
    %eq3A_371 = arith.cmpi eq, %get3A_4, %eq3A_370 : vector<512x1024xi32>
    %and3A_372 = arith.andi %eq3A_353, %eq3A_371 : vector<512x1024xi1>
    %jit3A_373 = arith.constant 3.000000e+38 : f32
    %broadcast_in_dim3A_374 = vector.broadcast %jit3A_373 : f32 to vector<512x1024xf32>
    %select_n3A_375 = arith.select %and3A_372, %broadcast_in_dim3A_374, %select_n3A_348 : vector<512x1024xi1>, vector<512x1024xf32>
    %reduce_min3A_376 = arith.constant dense<0x7F800000> : vector<1024xf32>
    %reduce_min3A_377 = vector.multi_reduction <minimumf>, %select_n3A_375, %reduce_min3A_376 [0] : vector<512x1024xf32> to vector<1024xf32>
    %broadcast_in_dim3A_378 = vector.shape_cast %reduce_min3A_377 : vector<1024xf32> to vector<1x1024xf32>
    %eq3A_379 = vector.broadcast %broadcast_in_dim3A_378 : vector<1x1024xf32> to vector<512x1024xf32>
    %eq3A_380 = arith.cmpf oeq, %select_n3A_375, %eq3A_379 : vector<512x1024xf32>
    %jit3A_381 = arith.constant 2147483647 : i32
    %broadcast_in_dim3A_382 = vector.broadcast %jit3A_381 : i32 to vector<512x1024xi32>
    %select_n3A_383 = arith.select %eq3A_380, %get3A_4, %broadcast_in_dim3A_382 : vector<512x1024xi1>, vector<512x1024xi32>
    %reduce_min3A_384 = arith.constant dense<2147483647> : vector<1024xi32>
    %reduce_min3A_385 = vector.multi_reduction <minsi>, %select_n3A_383, %reduce_min3A_384 [0] : vector<512x1024xi32> to vector<1024xi32>
    %swap3A_386 = arith.constant 14 : index
    %swap3A_387 = arith.constant 0 : index
    %swap3A_388 = vector.load %arg2[%swap3A_386, %swap3A_387] : memref<32x1024xf32, #tpu.memory_space<vmem>>, vector<1x1024xf32>
    %swap3A_389 = vector.shape_cast %swap3A_388 : vector<1x1024xf32> to vector<1024xf32>
    %swap3A_390 = vector.shape_cast %reduce_min3A_377 : vector<1024xf32> to vector<1x1024xf32>
    tpu.vector_store %arg2[%swap3A_386, %swap3A_387], %swap3A_390 {strides = array<i32>} : memref<32x1024xf32, #tpu.memory_space<vmem>>, vector<1x1024xf32>,
    %swap3A_391 = arith.constant 14 : index
    %swap3A_392 = arith.constant 0 : index
    %swap3A_393 = vector.load %arg3[%swap3A_391, %swap3A_392] : memref<32x1024xi32, #tpu.memory_space<vmem>>, vector<1x1024xi32>
    %swap3A_394 = vector.shape_cast %swap3A_393 : vector<1x1024xi32> to vector<1024xi32>
    %swap3A_395 = vector.shape_cast %reduce_min3A_385 : vector<1024xi32> to vector<1x1024xi32>
    tpu.vector_store %arg3[%swap3A_391, %swap3A_392], %swap3A_395 {strides = array<i32>} : memref<32x1024xi32, #tpu.memory_space<vmem>>, vector<1x1024xi32>,
    %broadcast_in_dim3A_396 = vector.shape_cast %reduce_min3A_385 : vector<1024xi32> to vector<1x1024xi32>
    %eq3A_397 = vector.broadcast %broadcast_in_dim3A_396 : vector<1x1024xi32> to vector<512x1024xi32>
    %eq3A_398 = arith.cmpi eq, %get3A_4, %eq3A_397 : vector<512x1024xi32>
    %and3A_399 = arith.andi %eq3A_380, %eq3A_398 : vector<512x1024xi1>
    %jit3A_400 = arith.constant 3.000000e+38 : f32
    %broadcast_in_dim3A_401 = vector.broadcast %jit3A_400 : f32 to vector<512x1024xf32>
    %select_n3A_402 = arith.select %and3A_399, %broadcast_in_dim3A_401, %select_n3A_375 : vector<512x1024xi1>, vector<512x1024xf32>
    %reduce_min3A_403 = arith.constant dense<0x7F800000> : vector<1024xf32>
    %reduce_min3A_404 = vector.multi_reduction <minimumf>, %select_n3A_402, %reduce_min3A_403 [0] : vector<512x1024xf32> to vector<1024xf32>
    %broadcast_in_dim3A_405 = vector.shape_cast %reduce_min3A_404 : vector<1024xf32> to vector<1x1024xf32>
    %eq3A_406 = vector.broadcast %broadcast_in_dim3A_405 : vector<1x1024xf32> to vector<512x1024xf32>
    %eq3A_407 = arith.cmpf oeq, %select_n3A_402, %eq3A_406 : vector<512x1024xf32>
    %jit3A_408 = arith.constant 2147483647 : i32
    %broadcast_in_dim3A_409 = vector.broadcast %jit3A_408 : i32 to vector<512x1024xi32>
    %select_n3A_410 = arith.select %eq3A_407, %get3A_4, %broadcast_in_dim3A_409 : vector<512x1024xi1>, vector<512x1024xi32>
    %reduce_min3A_411 = arith.constant dense<2147483647> : vector<1024xi32>
    %reduce_min3A_412 = vector.multi_reduction <minsi>, %select_n3A_410, %reduce_min3A_411 [0] : vector<512x1024xi32> to vector<1024xi32>
    %swap3A_413 = arith.constant 15 : index
    %swap3A_414 = arith.constant 0 : index
    %swap3A_415 = vector.load %arg2[%swap3A_413, %swap3A_414] : memref<32x1024xf32, #tpu.memory_space<vmem>>, vector<1x1024xf32>
    %swap3A_416 = vector.shape_cast %swap3A_415 : vector<1x1024xf32> to vector<1024xf32>
    %swap3A_417 = vector.shape_cast %reduce_min3A_404 : vector<1024xf32> to vector<1x1024xf32>
    tpu.vector_store %arg2[%swap3A_413, %swap3A_414], %swap3A_417 {strides = array<i32>} : memref<32x1024xf32, #tpu.memory_space<vmem>>, vector<1x1024xf32>,
    %swap3A_418 = arith.constant 15 : index
    %swap3A_419 = arith.constant 0 : index
    %swap3A_420 = vector.load %arg3[%swap3A_418, %swap3A_419] : memref<32x1024xi32, #tpu.memory_space<vmem>>, vector<1x1024xi32>
    %swap3A_421 = vector.shape_cast %swap3A_420 : vector<1x1024xi32> to vector<1024xi32>
    %swap3A_422 = vector.shape_cast %reduce_min3A_412 : vector<1024xi32> to vector<1x1024xi32>
    tpu.vector_store %arg3[%swap3A_418, %swap3A_419], %swap3A_422 {strides = array<i32>} : memref<32x1024xi32, #tpu.memory_space<vmem>>, vector<1x1024xi32>,
    %broadcast_in_dim3A_423 = vector.shape_cast %reduce_min3A_412 : vector<1024xi32> to vector<1x1024xi32>
    %eq3A_424 = vector.broadcast %broadcast_in_dim3A_423 : vector<1x1024xi32> to vector<512x1024xi32>
    %eq3A_425 = arith.cmpi eq, %get3A_4, %eq3A_424 : vector<512x1024xi32>
    %and3A_426 = arith.andi %eq3A_407, %eq3A_425 : vector<512x1024xi1>
    %jit3A_427 = arith.constant 3.000000e+38 : f32
    %broadcast_in_dim3A_428 = vector.broadcast %jit3A_427 : f32 to vector<512x1024xf32>
    %select_n3A_429 = arith.select %and3A_426, %broadcast_in_dim3A_428, %select_n3A_402 : vector<512x1024xi1>, vector<512x1024xf32>
    %reduce_min3A_430 = arith.constant dense<0x7F800000> : vector<1024xf32>
    %reduce_min3A_431 = vector.multi_reduction <minimumf>, %select_n3A_429, %reduce_min3A_430 [0] : vector<512x1024xf32> to vector<1024xf32>
    %broadcast_in_dim3A_432 = vector.shape_cast %reduce_min3A_431 : vector<1024xf32> to vector<1x1024xf32>
    %eq3A_433 = vector.broadcast %broadcast_in_dim3A_432 : vector<1x1024xf32> to vector<512x1024xf32>
    %eq3A_434 = arith.cmpf oeq, %select_n3A_429, %eq3A_433 : vector<512x1024xf32>
    %jit3A_435 = arith.constant 2147483647 : i32
    %broadcast_in_dim3A_436 = vector.broadcast %jit3A_435 : i32 to vector<512x1024xi32>
    %select_n3A_437 = arith.select %eq3A_434, %get3A_4, %broadcast_in_dim3A_436 : vector<512x1024xi1>, vector<512x1024xi32>
    %reduce_min3A_438 = arith.constant dense<2147483647> : vector<1024xi32>
    %reduce_min3A_439 = vector.multi_reduction <minsi>, %select_n3A_437, %reduce_min3A_438 [0] : vector<512x1024xi32> to vector<1024xi32>
    %swap3A_440 = arith.constant 16 : index
    %swap3A_441 = arith.constant 0 : index
    %swap3A_442 = vector.load %arg2[%swap3A_440, %swap3A_441] : memref<32x1024xf32, #tpu.memory_space<vmem>>, vector<1x1024xf32>
    %swap3A_443 = vector.shape_cast %swap3A_442 : vector<1x1024xf32> to vector<1024xf32>
    %swap3A_444 = vector.shape_cast %reduce_min3A_431 : vector<1024xf32> to vector<1x1024xf32>
    tpu.vector_store %arg2[%swap3A_440, %swap3A_441], %swap3A_444 {strides = array<i32>} : memref<32x1024xf32, #tpu.memory_space<vmem>>, vector<1x1024xf32>,
    %swap3A_445 = arith.constant 16 : index
    %swap3A_446 = arith.constant 0 : index
    %swap3A_447 = vector.load %arg3[%swap3A_445, %swap3A_446] : memref<32x1024xi32, #tpu.memory_space<vmem>>, vector<1x1024xi32>
    %swap3A_448 = vector.shape_cast %swap3A_447 : vector<1x1024xi32> to vector<1024xi32>
    %swap3A_449 = vector.shape_cast %reduce_min3A_439 : vector<1024xi32> to vector<1x1024xi32>
    tpu.vector_store %arg3[%swap3A_445, %swap3A_446], %swap3A_449 {strides = array<i32>} : memref<32x1024xi32, #tpu.memory_space<vmem>>, vector<1x1024xi32>,
    %broadcast_in_dim3A_450 = vector.shape_cast %reduce_min3A_439 : vector<1024xi32> to vector<1x1024xi32>
    %eq3A_451 = vector.broadcast %broadcast_in_dim3A_450 : vector<1x1024xi32> to vector<512x1024xi32>
    %eq3A_452 = arith.cmpi eq, %get3A_4, %eq3A_451 : vector<512x1024xi32>
    %and3A_453 = arith.andi %eq3A_434, %eq3A_452 : vector<512x1024xi1>
    %jit3A_454 = arith.constant 3.000000e+38 : f32
    %broadcast_in_dim3A_455 = vector.broadcast %jit3A_454 : f32 to vector<512x1024xf32>
    %select_n3A_456 = arith.select %and3A_453, %broadcast_in_dim3A_455, %select_n3A_429 : vector<512x1024xi1>, vector<512x1024xf32>
    %reduce_min3A_457 = arith.constant dense<0x7F800000> : vector<1024xf32>
    %reduce_min3A_458 = vector.multi_reduction <minimumf>, %select_n3A_456, %reduce_min3A_457 [0] : vector<512x1024xf32> to vector<1024xf32>
    %broadcast_in_dim3A_459 = vector.shape_cast %reduce_min3A_458 : vector<1024xf32> to vector<1x1024xf32>
    %eq3A_460 = vector.broadcast %broadcast_in_dim3A_459 : vector<1x1024xf32> to vector<512x1024xf32>
    %eq3A_461 = arith.cmpf oeq, %select_n3A_456, %eq3A_460 : vector<512x1024xf32>
    %jit3A_462 = arith.constant 2147483647 : i32
    %broadcast_in_dim3A_463 = vector.broadcast %jit3A_462 : i32 to vector<512x1024xi32>
    %select_n3A_464 = arith.select %eq3A_461, %get3A_4, %broadcast_in_dim3A_463 : vector<512x1024xi1>, vector<512x1024xi32>
    %reduce_min3A_465 = arith.constant dense<2147483647> : vector<1024xi32>
    %reduce_min3A_466 = vector.multi_reduction <minsi>, %select_n3A_464, %reduce_min3A_465 [0] : vector<512x1024xi32> to vector<1024xi32>
    %swap3A_467 = arith.constant 17 : index
    %swap3A_468 = arith.constant 0 : index
    %swap3A_469 = vector.load %arg2[%swap3A_467, %swap3A_468] : memref<32x1024xf32, #tpu.memory_space<vmem>>, vector<1x1024xf32>
    %swap3A_470 = vector.shape_cast %swap3A_469 : vector<1x1024xf32> to vector<1024xf32>
    %swap3A_471 = vector.shape_cast %reduce_min3A_458 : vector<1024xf32> to vector<1x1024xf32>
    tpu.vector_store %arg2[%swap3A_467, %swap3A_468], %swap3A_471 {strides = array<i32>} : memref<32x1024xf32, #tpu.memory_space<vmem>>, vector<1x1024xf32>,
    %swap3A_472 = arith.constant 17 : index
    %swap3A_473 = arith.constant 0 : index
    %swap3A_474 = vector.load %arg3[%swap3A_472, %swap3A_473] : memref<32x1024xi32, #tpu.memory_space<vmem>>, vector<1x1024xi32>
    %swap3A_475 = vector.shape_cast %swap3A_474 : vector<1x1024xi32> to vector<1024xi32>
    %swap3A_476 = vector.shape_cast %reduce_min3A_466 : vector<1024xi32> to vector<1x1024xi32>
    tpu.vector_store %arg3[%swap3A_472, %swap3A_473], %swap3A_476 {strides = array<i32>} : memref<32x1024xi32, #tpu.memory_space<vmem>>, vector<1x1024xi32>,
    %broadcast_in_dim3A_477 = vector.shape_cast %reduce_min3A_466 : vector<1024xi32> to vector<1x1024xi32>
    %eq3A_478 = vector.broadcast %broadcast_in_dim3A_477 : vector<1x1024xi32> to vector<512x1024xi32>
    %eq3A_479 = arith.cmpi eq, %get3A_4, %eq3A_478 : vector<512x1024xi32>
    %and3A_480 = arith.andi %eq3A_461, %eq3A_479 : vector<512x1024xi1>
    %jit3A_481 = arith.constant 3.000000e+38 : f32
    %broadcast_in_dim3A_482 = vector.broadcast %jit3A_481 : f32 to vector<512x1024xf32>
    %select_n3A_483 = arith.select %and3A_480, %broadcast_in_dim3A_482, %select_n3A_456 : vector<512x1024xi1>, vector<512x1024xf32>
    %reduce_min3A_484 = arith.constant dense<0x7F800000> : vector<1024xf32>
    %reduce_min3A_485 = vector.multi_reduction <minimumf>, %select_n3A_483, %reduce_min3A_484 [0] : vector<512x1024xf32> to vector<1024xf32>
    %broadcast_in_dim3A_486 = vector.shape_cast %reduce_min3A_485 : vector<1024xf32> to vector<1x1024xf32>
    %eq3A_487 = vector.broadcast %broadcast_in_dim3A_486 : vector<1x1024xf32> to vector<512x1024xf32>
    %eq3A_488 = arith.cmpf oeq, %select_n3A_483, %eq3A_487 : vector<512x1024xf32>
    %jit3A_489 = arith.constant 2147483647 : i32
    %broadcast_in_dim3A_490 = vector.broadcast %jit3A_489 : i32 to vector<512x1024xi32>
    %select_n3A_491 = arith.select %eq3A_488, %get3A_4, %broadcast_in_dim3A_490 : vector<512x1024xi1>, vector<512x1024xi32>
    %reduce_min3A_492 = arith.constant dense<2147483647> : vector<1024xi32>
    %reduce_min3A_493 = vector.multi_reduction <minsi>, %select_n3A_491, %reduce_min3A_492 [0] : vector<512x1024xi32> to vector<1024xi32>
    %swap3A_494 = arith.constant 18 : index
    %swap3A_495 = arith.constant 0 : index
    %swap3A_496 = vector.load %arg2[%swap3A_494, %swap3A_495] : memref<32x1024xf32, #tpu.memory_space<vmem>>, vector<1x1024xf32>
    %swap3A_497 = vector.shape_cast %swap3A_496 : vector<1x1024xf32> to vector<1024xf32>
    %swap3A_498 = vector.shape_cast %reduce_min3A_485 : vector<1024xf32> to vector<1x1024xf32>
    tpu.vector_store %arg2[%swap3A_494, %swap3A_495], %swap3A_498 {strides = array<i32>} : memref<32x1024xf32, #tpu.memory_space<vmem>>, vector<1x1024xf32>,
    %swap3A_499 = arith.constant 18 : index
    %swap3A_500 = arith.constant 0 : index
    %swap3A_501 = vector.load %arg3[%swap3A_499, %swap3A_500] : memref<32x1024xi32, #tpu.memory_space<vmem>>, vector<1x1024xi32>
    %swap3A_502 = vector.shape_cast %swap3A_501 : vector<1x1024xi32> to vector<1024xi32>
    %swap3A_503 = vector.shape_cast %reduce_min3A_493 : vector<1024xi32> to vector<1x1024xi32>
    tpu.vector_store %arg3[%swap3A_499, %swap3A_500], %swap3A_503 {strides = array<i32>} : memref<32x1024xi32, #tpu.memory_space<vmem>>, vector<1x1024xi32>,
    %broadcast_in_dim3A_504 = vector.shape_cast %reduce_min3A_493 : vector<1024xi32> to vector<1x1024xi32>
    %eq3A_505 = vector.broadcast %broadcast_in_dim3A_504 : vector<1x1024xi32> to vector<512x1024xi32>
    %eq3A_506 = arith.cmpi eq, %get3A_4, %eq3A_505 : vector<512x1024xi32>
    %and3A_507 = arith.andi %eq3A_488, %eq3A_506 : vector<512x1024xi1>
    %jit3A_508 = arith.constant 3.000000e+38 : f32
    %broadcast_in_dim3A_509 = vector.broadcast %jit3A_508 : f32 to vector<512x1024xf32>
    %select_n3A_510 = arith.select %and3A_507, %broadcast_in_dim3A_509, %select_n3A_483 : vector<512x1024xi1>, vector<512x1024xf32>
    %reduce_min3A_511 = arith.constant dense<0x7F800000> : vector<1024xf32>
    %reduce_min3A_512 = vector.multi_reduction <minimumf>, %select_n3A_510, %reduce_min3A_511 [0] : vector<512x1024xf32> to vector<1024xf32>
    %broadcast_in_dim3A_513 = vector.shape_cast %reduce_min3A_512 : vector<1024xf32> to vector<1x1024xf32>
    %eq3A_514 = vector.broadcast %broadcast_in_dim3A_513 : vector<1x1024xf32> to vector<512x1024xf32>
    %eq3A_515 = arith.cmpf oeq, %select_n3A_510, %eq3A_514 : vector<512x1024xf32>
    %jit3A_516 = arith.constant 2147483647 : i32
    %broadcast_in_dim3A_517 = vector.broadcast %jit3A_516 : i32 to vector<512x1024xi32>
    %select_n3A_518 = arith.select %eq3A_515, %get3A_4, %broadcast_in_dim3A_517 : vector<512x1024xi1>, vector<512x1024xi32>
    %reduce_min3A_519 = arith.constant dense<2147483647> : vector<1024xi32>
    %reduce_min3A_520 = vector.multi_reduction <minsi>, %select_n3A_518, %reduce_min3A_519 [0] : vector<512x1024xi32> to vector<1024xi32>
    %swap3A_521 = arith.constant 19 : index
    %swap3A_522 = arith.constant 0 : index
    %swap3A_523 = vector.load %arg2[%swap3A_521, %swap3A_522] : memref<32x1024xf32, #tpu.memory_space<vmem>>, vector<1x1024xf32>
    %swap3A_524 = vector.shape_cast %swap3A_523 : vector<1x1024xf32> to vector<1024xf32>
    %swap3A_525 = vector.shape_cast %reduce_min3A_512 : vector<1024xf32> to vector<1x1024xf32>
    tpu.vector_store %arg2[%swap3A_521, %swap3A_522], %swap3A_525 {strides = array<i32>} : memref<32x1024xf32, #tpu.memory_space<vmem>>, vector<1x1024xf32>,
    %swap3A_526 = arith.constant 19 : index
    %swap3A_527 = arith.constant 0 : index
    %swap3A_528 = vector.load %arg3[%swap3A_526, %swap3A_527] : memref<32x1024xi32, #tpu.memory_space<vmem>>, vector<1x1024xi32>
    %swap3A_529 = vector.shape_cast %swap3A_528 : vector<1x1024xi32> to vector<1024xi32>
    %swap3A_530 = vector.shape_cast %reduce_min3A_520 : vector<1024xi32> to vector<1x1024xi32>
    tpu.vector_store %arg3[%swap3A_526, %swap3A_527], %swap3A_530 {strides = array<i32>} : memref<32x1024xi32, #tpu.memory_space<vmem>>, vector<1x1024xi32>,
    %broadcast_in_dim3A_531 = vector.shape_cast %reduce_min3A_520 : vector<1024xi32> to vector<1x1024xi32>
    %eq3A_532 = vector.broadcast %broadcast_in_dim3A_531 : vector<1x1024xi32> to vector<512x1024xi32>
    %eq3A_533 = arith.cmpi eq, %get3A_4, %eq3A_532 : vector<512x1024xi32>
    %and3A_534 = arith.andi %eq3A_515, %eq3A_533 : vector<512x1024xi1>
    %jit3A_535 = arith.constant 3.000000e+38 : f32
    %broadcast_in_dim3A_536 = vector.broadcast %jit3A_535 : f32 to vector<512x1024xf32>
    %select_n3A_537 = arith.select %and3A_534, %broadcast_in_dim3A_536, %select_n3A_510 : vector<512x1024xi1>, vector<512x1024xf32>
    %reduce_min3A_538 = arith.constant dense<0x7F800000> : vector<1024xf32>
    %reduce_min3A_539 = vector.multi_reduction <minimumf>, %select_n3A_537, %reduce_min3A_538 [0] : vector<512x1024xf32> to vector<1024xf32>
    %broadcast_in_dim3A_540 = vector.shape_cast %reduce_min3A_539 : vector<1024xf32> to vector<1x1024xf32>
    %eq3A_541 = vector.broadcast %broadcast_in_dim3A_540 : vector<1x1024xf32> to vector<512x1024xf32>
    %eq3A_542 = arith.cmpf oeq, %select_n3A_537, %eq3A_541 : vector<512x1024xf32>
    %jit3A_543 = arith.constant 2147483647 : i32
    %broadcast_in_dim3A_544 = vector.broadcast %jit3A_543 : i32 to vector<512x1024xi32>
    %select_n3A_545 = arith.select %eq3A_542, %get3A_4, %broadcast_in_dim3A_544 : vector<512x1024xi1>, vector<512x1024xi32>
    %reduce_min3A_546 = arith.constant dense<2147483647> : vector<1024xi32>
    %reduce_min3A_547 = vector.multi_reduction <minsi>, %select_n3A_545, %reduce_min3A_546 [0] : vector<512x1024xi32> to vector<1024xi32>
    %swap3A_548 = arith.constant 20 : index
    %swap3A_549 = arith.constant 0 : index
    %swap3A_550 = vector.load %arg2[%swap3A_548, %swap3A_549] : memref<32x1024xf32, #tpu.memory_space<vmem>>, vector<1x1024xf32>
    %swap3A_551 = vector.shape_cast %swap3A_550 : vector<1x1024xf32> to vector<1024xf32>
    %swap3A_552 = vector.shape_cast %reduce_min3A_539 : vector<1024xf32> to vector<1x1024xf32>
    tpu.vector_store %arg2[%swap3A_548, %swap3A_549], %swap3A_552 {strides = array<i32>} : memref<32x1024xf32, #tpu.memory_space<vmem>>, vector<1x1024xf32>,
    %swap3A_553 = arith.constant 20 : index
    %swap3A_554 = arith.constant 0 : index
    %swap3A_555 = vector.load %arg3[%swap3A_553, %swap3A_554] : memref<32x1024xi32, #tpu.memory_space<vmem>>, vector<1x1024xi32>
    %swap3A_556 = vector.shape_cast %swap3A_555 : vector<1x1024xi32> to vector<1024xi32>
    %swap3A_557 = vector.shape_cast %reduce_min3A_547 : vector<1024xi32> to vector<1x1024xi32>
    tpu.vector_store %arg3[%swap3A_553, %swap3A_554], %swap3A_557 {strides = array<i32>} : memref<32x1024xi32, #tpu.memory_space<vmem>>, vector<1x1024xi32>,
    %broadcast_in_dim3A_558 = vector.shape_cast %reduce_min3A_547 : vector<1024xi32> to vector<1x1024xi32>
    %eq3A_559 = vector.broadcast %broadcast_in_dim3A_558 : vector<1x1024xi32> to vector<512x1024xi32>
    %eq3A_560 = arith.cmpi eq, %get3A_4, %eq3A_559 : vector<512x1024xi32>
    %and3A_561 = arith.andi %eq3A_542, %eq3A_560 : vector<512x1024xi1>
    %jit3A_562 = arith.constant 3.000000e+38 : f32
    %broadcast_in_dim3A_563 = vector.broadcast %jit3A_562 : f32 to vector<512x1024xf32>
    %select_n3A_564 = arith.select %and3A_561, %broadcast_in_dim3A_563, %select_n3A_537 : vector<512x1024xi1>, vector<512x1024xf32>
    %reduce_min3A_565 = arith.constant dense<0x7F800000> : vector<1024xf32>
    %reduce_min3A_566 = vector.multi_reduction <minimumf>, %select_n3A_564, %reduce_min3A_565 [0] : vector<512x1024xf32> to vector<1024xf32>
    %broadcast_in_dim3A_567 = vector.shape_cast %reduce_min3A_566 : vector<1024xf32> to vector<1x1024xf32>
    %eq3A_568 = vector.broadcast %broadcast_in_dim3A_567 : vector<1x1024xf32> to vector<512x1024xf32>
    %eq3A_569 = arith.cmpf oeq, %select_n3A_564, %eq3A_568 : vector<512x1024xf32>
    %jit3A_570 = arith.constant 2147483647 : i32
    %broadcast_in_dim3A_571 = vector.broadcast %jit3A_570 : i32 to vector<512x1024xi32>
    %select_n3A_572 = arith.select %eq3A_569, %get3A_4, %broadcast_in_dim3A_571 : vector<512x1024xi1>, vector<512x1024xi32>
    %reduce_min3A_573 = arith.constant dense<2147483647> : vector<1024xi32>
    %reduce_min3A_574 = vector.multi_reduction <minsi>, %select_n3A_572, %reduce_min3A_573 [0] : vector<512x1024xi32> to vector<1024xi32>
    %swap3A_575 = arith.constant 21 : index
    %swap3A_576 = arith.constant 0 : index
    %swap3A_577 = vector.load %arg2[%swap3A_575, %swap3A_576] : memref<32x1024xf32, #tpu.memory_space<vmem>>, vector<1x1024xf32>
    %swap3A_578 = vector.shape_cast %swap3A_577 : vector<1x1024xf32> to vector<1024xf32>
    %swap3A_579 = vector.shape_cast %reduce_min3A_566 : vector<1024xf32> to vector<1x1024xf32>
    tpu.vector_store %arg2[%swap3A_575, %swap3A_576], %swap3A_579 {strides = array<i32>} : memref<32x1024xf32, #tpu.memory_space<vmem>>, vector<1x1024xf32>,
    %swap3A_580 = arith.constant 21 : index
    %swap3A_581 = arith.constant 0 : index
    %swap3A_582 = vector.load %arg3[%swap3A_580, %swap3A_581] : memref<32x1024xi32, #tpu.memory_space<vmem>>, vector<1x1024xi32>
    %swap3A_583 = vector.shape_cast %swap3A_582 : vector<1x1024xi32> to vector<1024xi32>
    %swap3A_584 = vector.shape_cast %reduce_min3A_574 : vector<1024xi32> to vector<1x1024xi32>
    tpu.vector_store %arg3[%swap3A_580, %swap3A_581], %swap3A_584 {strides = array<i32>} : memref<32x1024xi32, #tpu.memory_space<vmem>>, vector<1x1024xi32>,
    %broadcast_in_dim3A_585 = vector.shape_cast %reduce_min3A_574 : vector<1024xi32> to vector<1x1024xi32>
    %eq3A_586 = vector.broadcast %broadcast_in_dim3A_585 : vector<1x1024xi32> to vector<512x1024xi32>
    %eq3A_587 = arith.cmpi eq, %get3A_4, %eq3A_586 : vector<512x1024xi32>
    %and3A_588 = arith.andi %eq3A_569, %eq3A_587 : vector<512x1024xi1>
    %jit3A_589 = arith.constant 3.000000e+38 : f32
    %broadcast_in_dim3A_590 = vector.broadcast %jit3A_589 : f32 to vector<512x1024xf32>
    %select_n3A_591 = arith.select %and3A_588, %broadcast_in_dim3A_590, %select_n3A_564 : vector<512x1024xi1>, vector<512x1024xf32>
    %reduce_min3A_592 = arith.constant dense<0x7F800000> : vector<1024xf32>
    %reduce_min3A_593 = vector.multi_reduction <minimumf>, %select_n3A_591, %reduce_min3A_592 [0] : vector<512x1024xf32> to vector<1024xf32>
    %broadcast_in_dim3A_594 = vector.shape_cast %reduce_min3A_593 : vector<1024xf32> to vector<1x1024xf32>
    %eq3A_595 = vector.broadcast %broadcast_in_dim3A_594 : vector<1x1024xf32> to vector<512x1024xf32>
    %eq3A_596 = arith.cmpf oeq, %select_n3A_591, %eq3A_595 : vector<512x1024xf32>
    %jit3A_597 = arith.constant 2147483647 : i32
    %broadcast_in_dim3A_598 = vector.broadcast %jit3A_597 : i32 to vector<512x1024xi32>
    %select_n3A_599 = arith.select %eq3A_596, %get3A_4, %broadcast_in_dim3A_598 : vector<512x1024xi1>, vector<512x1024xi32>
    %reduce_min3A_600 = arith.constant dense<2147483647> : vector<1024xi32>
    %reduce_min3A_601 = vector.multi_reduction <minsi>, %select_n3A_599, %reduce_min3A_600 [0] : vector<512x1024xi32> to vector<1024xi32>
    %swap3A_602 = arith.constant 22 : index
    %swap3A_603 = arith.constant 0 : index
    %swap3A_604 = vector.load %arg2[%swap3A_602, %swap3A_603] : memref<32x1024xf32, #tpu.memory_space<vmem>>, vector<1x1024xf32>
    %swap3A_605 = vector.shape_cast %swap3A_604 : vector<1x1024xf32> to vector<1024xf32>
    %swap3A_606 = vector.shape_cast %reduce_min3A_593 : vector<1024xf32> to vector<1x1024xf32>
    tpu.vector_store %arg2[%swap3A_602, %swap3A_603], %swap3A_606 {strides = array<i32>} : memref<32x1024xf32, #tpu.memory_space<vmem>>, vector<1x1024xf32>,
    %swap3A_607 = arith.constant 22 : index
    %swap3A_608 = arith.constant 0 : index
    %swap3A_609 = vector.load %arg3[%swap3A_607, %swap3A_608] : memref<32x1024xi32, #tpu.memory_space<vmem>>, vector<1x1024xi32>
    %swap3A_610 = vector.shape_cast %swap3A_609 : vector<1x1024xi32> to vector<1024xi32>
    %swap3A_611 = vector.shape_cast %reduce_min3A_601 : vector<1024xi32> to vector<1x1024xi32>
    tpu.vector_store %arg3[%swap3A_607, %swap3A_608], %swap3A_611 {strides = array<i32>} : memref<32x1024xi32, #tpu.memory_space<vmem>>, vector<1x1024xi32>,
    %broadcast_in_dim3A_612 = vector.shape_cast %reduce_min3A_601 : vector<1024xi32> to vector<1x1024xi32>
    %eq3A_613 = vector.broadcast %broadcast_in_dim3A_612 : vector<1x1024xi32> to vector<512x1024xi32>
    %eq3A_614 = arith.cmpi eq, %get3A_4, %eq3A_613 : vector<512x1024xi32>
    %and3A_615 = arith.andi %eq3A_596, %eq3A_614 : vector<512x1024xi1>
    %jit3A_616 = arith.constant 3.000000e+38 : f32
    %broadcast_in_dim3A_617 = vector.broadcast %jit3A_616 : f32 to vector<512x1024xf32>
    %select_n3A_618 = arith.select %and3A_615, %broadcast_in_dim3A_617, %select_n3A_591 : vector<512x1024xi1>, vector<512x1024xf32>
    %reduce_min3A_619 = arith.constant dense<0x7F800000> : vector<1024xf32>
    %reduce_min3A_620 = vector.multi_reduction <minimumf>, %select_n3A_618, %reduce_min3A_619 [0] : vector<512x1024xf32> to vector<1024xf32>
    %broadcast_in_dim3A_621 = vector.shape_cast %reduce_min3A_620 : vector<1024xf32> to vector<1x1024xf32>
    %eq3A_622 = vector.broadcast %broadcast_in_dim3A_621 : vector<1x1024xf32> to vector<512x1024xf32>
    %eq3A_623 = arith.cmpf oeq, %select_n3A_618, %eq3A_622 : vector<512x1024xf32>
    %jit3A_624 = arith.constant 2147483647 : i32
    %broadcast_in_dim3A_625 = vector.broadcast %jit3A_624 : i32 to vector<512x1024xi32>
    %select_n3A_626 = arith.select %eq3A_623, %get3A_4, %broadcast_in_dim3A_625 : vector<512x1024xi1>, vector<512x1024xi32>
    %reduce_min3A_627 = arith.constant dense<2147483647> : vector<1024xi32>
    %reduce_min3A_628 = vector.multi_reduction <minsi>, %select_n3A_626, %reduce_min3A_627 [0] : vector<512x1024xi32> to vector<1024xi32>
    %swap3A_629 = arith.constant 23 : index
    %swap3A_630 = arith.constant 0 : index
    %swap3A_631 = vector.load %arg2[%swap3A_629, %swap3A_630] : memref<32x1024xf32, #tpu.memory_space<vmem>>, vector<1x1024xf32>
    %swap3A_632 = vector.shape_cast %swap3A_631 : vector<1x1024xf32> to vector<1024xf32>
    %swap3A_633 = vector.shape_cast %reduce_min3A_620 : vector<1024xf32> to vector<1x1024xf32>
    tpu.vector_store %arg2[%swap3A_629, %swap3A_630], %swap3A_633 {strides = array<i32>} : memref<32x1024xf32, #tpu.memory_space<vmem>>, vector<1x1024xf32>,
    %swap3A_634 = arith.constant 23 : index
    %swap3A_635 = arith.constant 0 : index
    %swap3A_636 = vector.load %arg3[%swap3A_634, %swap3A_635] : memref<32x1024xi32, #tpu.memory_space<vmem>>, vector<1x1024xi32>
    %swap3A_637 = vector.shape_cast %swap3A_636 : vector<1x1024xi32> to vector<1024xi32>
    %swap3A_638 = vector.shape_cast %reduce_min3A_628 : vector<1024xi32> to vector<1x1024xi32>
    tpu.vector_store %arg3[%swap3A_634, %swap3A_635], %swap3A_638 {strides = array<i32>} : memref<32x1024xi32, #tpu.memory_space<vmem>>, vector<1x1024xi32>,
    %broadcast_in_dim3A_639 = vector.shape_cast %reduce_min3A_628 : vector<1024xi32> to vector<1x1024xi32>
    %eq3A_640 = vector.broadcast %broadcast_in_dim3A_639 : vector<1x1024xi32> to vector<512x1024xi32>
    %eq3A_641 = arith.cmpi eq, %get3A_4, %eq3A_640 : vector<512x1024xi32>
    %and3A_642 = arith.andi %eq3A_623, %eq3A_641 : vector<512x1024xi1>
    %jit3A_643 = arith.constant 3.000000e+38 : f32
    %broadcast_in_dim3A_644 = vector.broadcast %jit3A_643 : f32 to vector<512x1024xf32>
    %select_n3A_645 = arith.select %and3A_642, %broadcast_in_dim3A_644, %select_n3A_618 : vector<512x1024xi1>, vector<512x1024xf32>
    %reduce_min3A_646 = arith.constant dense<0x7F800000> : vector<1024xf32>
    %reduce_min3A_647 = vector.multi_reduction <minimumf>, %select_n3A_645, %reduce_min3A_646 [0] : vector<512x1024xf32> to vector<1024xf32>
    %broadcast_in_dim3A_648 = vector.shape_cast %reduce_min3A_647 : vector<1024xf32> to vector<1x1024xf32>
    %eq3A_649 = vector.broadcast %broadcast_in_dim3A_648 : vector<1x1024xf32> to vector<512x1024xf32>
    %eq3A_650 = arith.cmpf oeq, %select_n3A_645, %eq3A_649 : vector<512x1024xf32>
    %jit3A_651 = arith.constant 2147483647 : i32
    %broadcast_in_dim3A_652 = vector.broadcast %jit3A_651 : i32 to vector<512x1024xi32>
    %select_n3A_653 = arith.select %eq3A_650, %get3A_4, %broadcast_in_dim3A_652 : vector<512x1024xi1>, vector<512x1024xi32>
    %reduce_min3A_654 = arith.constant dense<2147483647> : vector<1024xi32>
    %reduce_min3A_655 = vector.multi_reduction <minsi>, %select_n3A_653, %reduce_min3A_654 [0] : vector<512x1024xi32> to vector<1024xi32>
    %swap3A_656 = arith.constant 24 : index
    %swap3A_657 = arith.constant 0 : index
    %swap3A_658 = vector.load %arg2[%swap3A_656, %swap3A_657] : memref<32x1024xf32, #tpu.memory_space<vmem>>, vector<1x1024xf32>
    %swap3A_659 = vector.shape_cast %swap3A_658 : vector<1x1024xf32> to vector<1024xf32>
    %swap3A_660 = vector.shape_cast %reduce_min3A_647 : vector<1024xf32> to vector<1x1024xf32>
    tpu.vector_store %arg2[%swap3A_656, %swap3A_657], %swap3A_660 {strides = array<i32>} : memref<32x1024xf32, #tpu.memory_space<vmem>>, vector<1x1024xf32>,
    %swap3A_661 = arith.constant 24 : index
    %swap3A_662 = arith.constant 0 : index
    %swap3A_663 = vector.load %arg3[%swap3A_661, %swap3A_662] : memref<32x1024xi32, #tpu.memory_space<vmem>>, vector<1x1024xi32>
    %swap3A_664 = vector.shape_cast %swap3A_663 : vector<1x1024xi32> to vector<1024xi32>
    %swap3A_665 = vector.shape_cast %reduce_min3A_655 : vector<1024xi32> to vector<1x1024xi32>
    tpu.vector_store %arg3[%swap3A_661, %swap3A_662], %swap3A_665 {strides = array<i32>} : memref<32x1024xi32, #tpu.memory_space<vmem>>, vector<1x1024xi32>,
    %broadcast_in_dim3A_666 = vector.shape_cast %reduce_min3A_655 : vector<1024xi32> to vector<1x1024xi32>
    %eq3A_667 = vector.broadcast %broadcast_in_dim3A_666 : vector<1x1024xi32> to vector<512x1024xi32>
    %eq3A_668 = arith.cmpi eq, %get3A_4, %eq3A_667 : vector<512x1024xi32>
    %and3A_669 = arith.andi %eq3A_650, %eq3A_668 : vector<512x1024xi1>
    %jit3A_670 = arith.constant 3.000000e+38 : f32
    %broadcast_in_dim3A_671 = vector.broadcast %jit3A_670 : f32 to vector<512x1024xf32>
    %select_n3A_672 = arith.select %and3A_669, %broadcast_in_dim3A_671, %select_n3A_645 : vector<512x1024xi1>, vector<512x1024xf32>
    %reduce_min3A_673 = arith.constant dense<0x7F800000> : vector<1024xf32>
    %reduce_min3A_674 = vector.multi_reduction <minimumf>, %select_n3A_672, %reduce_min3A_673 [0] : vector<512x1024xf32> to vector<1024xf32>
    %broadcast_in_dim3A_675 = vector.shape_cast %reduce_min3A_674 : vector<1024xf32> to vector<1x1024xf32>
    %eq3A_676 = vector.broadcast %broadcast_in_dim3A_675 : vector<1x1024xf32> to vector<512x1024xf32>
    %eq3A_677 = arith.cmpf oeq, %select_n3A_672, %eq3A_676 : vector<512x1024xf32>
    %jit3A_678 = arith.constant 2147483647 : i32
    %broadcast_in_dim3A_679 = vector.broadcast %jit3A_678 : i32 to vector<512x1024xi32>
    %select_n3A_680 = arith.select %eq3A_677, %get3A_4, %broadcast_in_dim3A_679 : vector<512x1024xi1>, vector<512x1024xi32>
    %reduce_min3A_681 = arith.constant dense<2147483647> : vector<1024xi32>
    %reduce_min3A_682 = vector.multi_reduction <minsi>, %select_n3A_680, %reduce_min3A_681 [0] : vector<512x1024xi32> to vector<1024xi32>
    %swap3A_683 = arith.constant 25 : index
    %swap3A_684 = arith.constant 0 : index
    %swap3A_685 = vector.load %arg2[%swap3A_683, %swap3A_684] : memref<32x1024xf32, #tpu.memory_space<vmem>>, vector<1x1024xf32>
    %swap3A_686 = vector.shape_cast %swap3A_685 : vector<1x1024xf32> to vector<1024xf32>
    %swap3A_687 = vector.shape_cast %reduce_min3A_674 : vector<1024xf32> to vector<1x1024xf32>
    tpu.vector_store %arg2[%swap3A_683, %swap3A_684], %swap3A_687 {strides = array<i32>} : memref<32x1024xf32, #tpu.memory_space<vmem>>, vector<1x1024xf32>,
    %swap3A_688 = arith.constant 25 : index
    %swap3A_689 = arith.constant 0 : index
    %swap3A_690 = vector.load %arg3[%swap3A_688, %swap3A_689] : memref<32x1024xi32, #tpu.memory_space<vmem>>, vector<1x1024xi32>
    %swap3A_691 = vector.shape_cast %swap3A_690 : vector<1x1024xi32> to vector<1024xi32>
    %swap3A_692 = vector.shape_cast %reduce_min3A_682 : vector<1024xi32> to vector<1x1024xi32>
    tpu.vector_store %arg3[%swap3A_688, %swap3A_689], %swap3A_692 {strides = array<i32>} : memref<32x1024xi32, #tpu.memory_space<vmem>>, vector<1x1024xi32>,
    %broadcast_in_dim3A_693 = vector.shape_cast %reduce_min3A_682 : vector<1024xi32> to vector<1x1024xi32>
    %eq3A_694 = vector.broadcast %broadcast_in_dim3A_693 : vector<1x1024xi32> to vector<512x1024xi32>
    %eq3A_695 = arith.cmpi eq, %get3A_4, %eq3A_694 : vector<512x1024xi32>
    %and3A_696 = arith.andi %eq3A_677, %eq3A_695 : vector<512x1024xi1>
    %jit3A_697 = arith.constant 3.000000e+38 : f32
    %broadcast_in_dim3A_698 = vector.broadcast %jit3A_697 : f32 to vector<512x1024xf32>
    %select_n3A_699 = arith.select %and3A_696, %broadcast_in_dim3A_698, %select_n3A_672 : vector<512x1024xi1>, vector<512x1024xf32>
    %reduce_min3A_700 = arith.constant dense<0x7F800000> : vector<1024xf32>
    %reduce_min3A_701 = vector.multi_reduction <minimumf>, %select_n3A_699, %reduce_min3A_700 [0] : vector<512x1024xf32> to vector<1024xf32>
    %broadcast_in_dim3A_702 = vector.shape_cast %reduce_min3A_701 : vector<1024xf32> to vector<1x1024xf32>
    %eq3A_703 = vector.broadcast %broadcast_in_dim3A_702 : vector<1x1024xf32> to vector<512x1024xf32>
    %eq3A_704 = arith.cmpf oeq, %select_n3A_699, %eq3A_703 : vector<512x1024xf32>
    %jit3A_705 = arith.constant 2147483647 : i32
    %broadcast_in_dim3A_706 = vector.broadcast %jit3A_705 : i32 to vector<512x1024xi32>
    %select_n3A_707 = arith.select %eq3A_704, %get3A_4, %broadcast_in_dim3A_706 : vector<512x1024xi1>, vector<512x1024xi32>
    %reduce_min3A_708 = arith.constant dense<2147483647> : vector<1024xi32>
    %reduce_min3A_709 = vector.multi_reduction <minsi>, %select_n3A_707, %reduce_min3A_708 [0] : vector<512x1024xi32> to vector<1024xi32>
    %swap3A_710 = arith.constant 26 : index
    %swap3A_711 = arith.constant 0 : index
    %swap3A_712 = vector.load %arg2[%swap3A_710, %swap3A_711] : memref<32x1024xf32, #tpu.memory_space<vmem>>, vector<1x1024xf32>
    %swap3A_713 = vector.shape_cast %swap3A_712 : vector<1x1024xf32> to vector<1024xf32>
    %swap3A_714 = vector.shape_cast %reduce_min3A_701 : vector<1024xf32> to vector<1x1024xf32>
    tpu.vector_store %arg2[%swap3A_710, %swap3A_711], %swap3A_714 {strides = array<i32>} : memref<32x1024xf32, #tpu.memory_space<vmem>>, vector<1x1024xf32>,
    %swap3A_715 = arith.constant 26 : index
    %swap3A_716 = arith.constant 0 : index
    %swap3A_717 = vector.load %arg3[%swap3A_715, %swap3A_716] : memref<32x1024xi32, #tpu.memory_space<vmem>>, vector<1x1024xi32>
    %swap3A_718 = vector.shape_cast %swap3A_717 : vector<1x1024xi32> to vector<1024xi32>
    %swap3A_719 = vector.shape_cast %reduce_min3A_709 : vector<1024xi32> to vector<1x1024xi32>
    tpu.vector_store %arg3[%swap3A_715, %swap3A_716], %swap3A_719 {strides = array<i32>} : memref<32x1024xi32, #tpu.memory_space<vmem>>, vector<1x1024xi32>,
    %broadcast_in_dim3A_720 = vector.shape_cast %reduce_min3A_709 : vector<1024xi32> to vector<1x1024xi32>
    %eq3A_721 = vector.broadcast %broadcast_in_dim3A_720 : vector<1x1024xi32> to vector<512x1024xi32>
    %eq3A_722 = arith.cmpi eq, %get3A_4, %eq3A_721 : vector<512x1024xi32>
    %and3A_723 = arith.andi %eq3A_704, %eq3A_722 : vector<512x1024xi1>
    %jit3A_724 = arith.constant 3.000000e+38 : f32
    %broadcast_in_dim3A_725 = vector.broadcast %jit3A_724 : f32 to vector<512x1024xf32>
    %select_n3A_726 = arith.select %and3A_723, %broadcast_in_dim3A_725, %select_n3A_699 : vector<512x1024xi1>, vector<512x1024xf32>
    %reduce_min3A_727 = arith.constant dense<0x7F800000> : vector<1024xf32>
    %reduce_min3A_728 = vector.multi_reduction <minimumf>, %select_n3A_726, %reduce_min3A_727 [0] : vector<512x1024xf32> to vector<1024xf32>
    %broadcast_in_dim3A_729 = vector.shape_cast %reduce_min3A_728 : vector<1024xf32> to vector<1x1024xf32>
    %eq3A_730 = vector.broadcast %broadcast_in_dim3A_729 : vector<1x1024xf32> to vector<512x1024xf32>
    %eq3A_731 = arith.cmpf oeq, %select_n3A_726, %eq3A_730 : vector<512x1024xf32>
    %jit3A_732 = arith.constant 2147483647 : i32
    %broadcast_in_dim3A_733 = vector.broadcast %jit3A_732 : i32 to vector<512x1024xi32>
    %select_n3A_734 = arith.select %eq3A_731, %get3A_4, %broadcast_in_dim3A_733 : vector<512x1024xi1>, vector<512x1024xi32>
    %reduce_min3A_735 = arith.constant dense<2147483647> : vector<1024xi32>
    %reduce_min3A_736 = vector.multi_reduction <minsi>, %select_n3A_734, %reduce_min3A_735 [0] : vector<512x1024xi32> to vector<1024xi32>
    %swap3A_737 = arith.constant 27 : index
    %swap3A_738 = arith.constant 0 : index
    %swap3A_739 = vector.load %arg2[%swap3A_737, %swap3A_738] : memref<32x1024xf32, #tpu.memory_space<vmem>>, vector<1x1024xf32>
    %swap3A_740 = vector.shape_cast %swap3A_739 : vector<1x1024xf32> to vector<1024xf32>
    %swap3A_741 = vector.shape_cast %reduce_min3A_728 : vector<1024xf32> to vector<1x1024xf32>
    tpu.vector_store %arg2[%swap3A_737, %swap3A_738], %swap3A_741 {strides = array<i32>} : memref<32x1024xf32, #tpu.memory_space<vmem>>, vector<1x1024xf32>,
    %swap3A_742 = arith.constant 27 : index
    %swap3A_743 = arith.constant 0 : index
    %swap3A_744 = vector.load %arg3[%swap3A_742, %swap3A_743] : memref<32x1024xi32, #tpu.memory_space<vmem>>, vector<1x1024xi32>
    %swap3A_745 = vector.shape_cast %swap3A_744 : vector<1x1024xi32> to vector<1024xi32>
    %swap3A_746 = vector.shape_cast %reduce_min3A_736 : vector<1024xi32> to vector<1x1024xi32>
    tpu.vector_store %arg3[%swap3A_742, %swap3A_743], %swap3A_746 {strides = array<i32>} : memref<32x1024xi32, #tpu.memory_space<vmem>>, vector<1x1024xi32>,
    %broadcast_in_dim3A_747 = vector.shape_cast %reduce_min3A_736 : vector<1024xi32> to vector<1x1024xi32>
    %eq3A_748 = vector.broadcast %broadcast_in_dim3A_747 : vector<1x1024xi32> to vector<512x1024xi32>
    %eq3A_749 = arith.cmpi eq, %get3A_4, %eq3A_748 : vector<512x1024xi32>
    %and3A_750 = arith.andi %eq3A_731, %eq3A_749 : vector<512x1024xi1>
    %jit3A_751 = arith.constant 3.000000e+38 : f32
    %broadcast_in_dim3A_752 = vector.broadcast %jit3A_751 : f32 to vector<512x1024xf32>
    %select_n3A_753 = arith.select %and3A_750, %broadcast_in_dim3A_752, %select_n3A_726 : vector<512x1024xi1>, vector<512x1024xf32>
    %reduce_min3A_754 = arith.constant dense<0x7F800000> : vector<1024xf32>
    %reduce_min3A_755 = vector.multi_reduction <minimumf>, %select_n3A_753, %reduce_min3A_754 [0] : vector<512x1024xf32> to vector<1024xf32>
    %broadcast_in_dim3A_756 = vector.shape_cast %reduce_min3A_755 : vector<1024xf32> to vector<1x1024xf32>
    %eq3A_757 = vector.broadcast %broadcast_in_dim3A_756 : vector<1x1024xf32> to vector<512x1024xf32>
    %eq3A_758 = arith.cmpf oeq, %select_n3A_753, %eq3A_757 : vector<512x1024xf32>
    %jit3A_759 = arith.constant 2147483647 : i32
    %broadcast_in_dim3A_760 = vector.broadcast %jit3A_759 : i32 to vector<512x1024xi32>
    %select_n3A_761 = arith.select %eq3A_758, %get3A_4, %broadcast_in_dim3A_760 : vector<512x1024xi1>, vector<512x1024xi32>
    %reduce_min3A_762 = arith.constant dense<2147483647> : vector<1024xi32>
    %reduce_min3A_763 = vector.multi_reduction <minsi>, %select_n3A_761, %reduce_min3A_762 [0] : vector<512x1024xi32> to vector<1024xi32>
    %swap3A_764 = arith.constant 28 : index
    %swap3A_765 = arith.constant 0 : index
    %swap3A_766 = vector.load %arg2[%swap3A_764, %swap3A_765] : memref<32x1024xf32, #tpu.memory_space<vmem>>, vector<1x1024xf32>
    %swap3A_767 = vector.shape_cast %swap3A_766 : vector<1x1024xf32> to vector<1024xf32>
    %swap3A_768 = vector.shape_cast %reduce_min3A_755 : vector<1024xf32> to vector<1x1024xf32>
    tpu.vector_store %arg2[%swap3A_764, %swap3A_765], %swap3A_768 {strides = array<i32>} : memref<32x1024xf32, #tpu.memory_space<vmem>>, vector<1x1024xf32>,
    %swap3A_769 = arith.constant 28 : index
    %swap3A_770 = arith.constant 0 : index
    %swap3A_771 = vector.load %arg3[%swap3A_769, %swap3A_770] : memref<32x1024xi32, #tpu.memory_space<vmem>>, vector<1x1024xi32>
    %swap3A_772 = vector.shape_cast %swap3A_771 : vector<1x1024xi32> to vector<1024xi32>
    %swap3A_773 = vector.shape_cast %reduce_min3A_763 : vector<1024xi32> to vector<1x1024xi32>
    tpu.vector_store %arg3[%swap3A_769, %swap3A_770], %swap3A_773 {strides = array<i32>} : memref<32x1024xi32, #tpu.memory_space<vmem>>, vector<1x1024xi32>,
    %broadcast_in_dim3A_774 = vector.shape_cast %reduce_min3A_763 : vector<1024xi32> to vector<1x1024xi32>
    %eq3A_775 = vector.broadcast %broadcast_in_dim3A_774 : vector<1x1024xi32> to vector<512x1024xi32>
    %eq3A_776 = arith.cmpi eq, %get3A_4, %eq3A_775 : vector<512x1024xi32>
    %and3A_777 = arith.andi %eq3A_758, %eq3A_776 : vector<512x1024xi1>
    %jit3A_778 = arith.constant 3.000000e+38 : f32
    %broadcast_in_dim3A_779 = vector.broadcast %jit3A_778 : f32 to vector<512x1024xf32>
    %select_n3A_780 = arith.select %and3A_777, %broadcast_in_dim3A_779, %select_n3A_753 : vector<512x1024xi1>, vector<512x1024xf32>
    %reduce_min3A_781 = arith.constant dense<0x7F800000> : vector<1024xf32>
    %reduce_min3A_782 = vector.multi_reduction <minimumf>, %select_n3A_780, %reduce_min3A_781 [0] : vector<512x1024xf32> to vector<1024xf32>
    %broadcast_in_dim3A_783 = vector.shape_cast %reduce_min3A_782 : vector<1024xf32> to vector<1x1024xf32>
    %eq3A_784 = vector.broadcast %broadcast_in_dim3A_783 : vector<1x1024xf32> to vector<512x1024xf32>
    %eq3A_785 = arith.cmpf oeq, %select_n3A_780, %eq3A_784 : vector<512x1024xf32>
    %jit3A_786 = arith.constant 2147483647 : i32
    %broadcast_in_dim3A_787 = vector.broadcast %jit3A_786 : i32 to vector<512x1024xi32>
    %select_n3A_788 = arith.select %eq3A_785, %get3A_4, %broadcast_in_dim3A_787 : vector<512x1024xi1>, vector<512x1024xi32>
    %reduce_min3A_789 = arith.constant dense<2147483647> : vector<1024xi32>
    %reduce_min3A_790 = vector.multi_reduction <minsi>, %select_n3A_788, %reduce_min3A_789 [0] : vector<512x1024xi32> to vector<1024xi32>
    %swap3A_791 = arith.constant 29 : index
    %swap3A_792 = arith.constant 0 : index
    %swap3A_793 = vector.load %arg2[%swap3A_791, %swap3A_792] : memref<32x1024xf32, #tpu.memory_space<vmem>>, vector<1x1024xf32>
    %swap3A_794 = vector.shape_cast %swap3A_793 : vector<1x1024xf32> to vector<1024xf32>
    %swap3A_795 = vector.shape_cast %reduce_min3A_782 : vector<1024xf32> to vector<1x1024xf32>
    tpu.vector_store %arg2[%swap3A_791, %swap3A_792], %swap3A_795 {strides = array<i32>} : memref<32x1024xf32, #tpu.memory_space<vmem>>, vector<1x1024xf32>,
    %swap3A_796 = arith.constant 29 : index
    %swap3A_797 = arith.constant 0 : index
    %swap3A_798 = vector.load %arg3[%swap3A_796, %swap3A_797] : memref<32x1024xi32, #tpu.memory_space<vmem>>, vector<1x1024xi32>
    %swap3A_799 = vector.shape_cast %swap3A_798 : vector<1x1024xi32> to vector<1024xi32>
    %swap3A_800 = vector.shape_cast %reduce_min3A_790 : vector<1024xi32> to vector<1x1024xi32>
    tpu.vector_store %arg3[%swap3A_796, %swap3A_797], %swap3A_800 {strides = array<i32>} : memref<32x1024xi32, #tpu.memory_space<vmem>>, vector<1x1024xi32>,
    %broadcast_in_dim3A_801 = vector.shape_cast %reduce_min3A_790 : vector<1024xi32> to vector<1x1024xi32>
    %eq3A_802 = vector.broadcast %broadcast_in_dim3A_801 : vector<1x1024xi32> to vector<512x1024xi32>
    %eq3A_803 = arith.cmpi eq, %get3A_4, %eq3A_802 : vector<512x1024xi32>
    %and3A_804 = arith.andi %eq3A_785, %eq3A_803 : vector<512x1024xi1>
    %jit3A_805 = arith.constant 3.000000e+38 : f32
    %broadcast_in_dim3A_806 = vector.broadcast %jit3A_805 : f32 to vector<512x1024xf32>
    %select_n3A_807 = arith.select %and3A_804, %broadcast_in_dim3A_806, %select_n3A_780 : vector<512x1024xi1>, vector<512x1024xf32>
    %reduce_min3A_808 = arith.constant dense<0x7F800000> : vector<1024xf32>
    %reduce_min3A_809 = vector.multi_reduction <minimumf>, %select_n3A_807, %reduce_min3A_808 [0] : vector<512x1024xf32> to vector<1024xf32>
    %broadcast_in_dim3A_810 = vector.shape_cast %reduce_min3A_809 : vector<1024xf32> to vector<1x1024xf32>
    %eq3A_811 = vector.broadcast %broadcast_in_dim3A_810 : vector<1x1024xf32> to vector<512x1024xf32>
    %eq3A_812 = arith.cmpf oeq, %select_n3A_807, %eq3A_811 : vector<512x1024xf32>
    %jit3A_813 = arith.constant 2147483647 : i32
    %broadcast_in_dim3A_814 = vector.broadcast %jit3A_813 : i32 to vector<512x1024xi32>
    %select_n3A_815 = arith.select %eq3A_812, %get3A_4, %broadcast_in_dim3A_814 : vector<512x1024xi1>, vector<512x1024xi32>
    %reduce_min3A_816 = arith.constant dense<2147483647> : vector<1024xi32>
    %reduce_min3A_817 = vector.multi_reduction <minsi>, %select_n3A_815, %reduce_min3A_816 [0] : vector<512x1024xi32> to vector<1024xi32>
    %swap3A_818 = arith.constant 30 : index
    %swap3A_819 = arith.constant 0 : index
    %swap3A_820 = vector.load %arg2[%swap3A_818, %swap3A_819] : memref<32x1024xf32, #tpu.memory_space<vmem>>, vector<1x1024xf32>
    %swap3A_821 = vector.shape_cast %swap3A_820 : vector<1x1024xf32> to vector<1024xf32>
    %swap3A_822 = vector.shape_cast %reduce_min3A_809 : vector<1024xf32> to vector<1x1024xf32>
    tpu.vector_store %arg2[%swap3A_818, %swap3A_819], %swap3A_822 {strides = array<i32>} : memref<32x1024xf32, #tpu.memory_space<vmem>>, vector<1x1024xf32>,
    %swap3A_823 = arith.constant 30 : index
    %swap3A_824 = arith.constant 0 : index
    %swap3A_825 = vector.load %arg3[%swap3A_823, %swap3A_824] : memref<32x1024xi32, #tpu.memory_space<vmem>>, vector<1x1024xi32>
    %swap3A_826 = vector.shape_cast %swap3A_825 : vector<1x1024xi32> to vector<1024xi32>
    %swap3A_827 = vector.shape_cast %reduce_min3A_817 : vector<1024xi32> to vector<1x1024xi32>
    tpu.vector_store %arg3[%swap3A_823, %swap3A_824], %swap3A_827 {strides = array<i32>} : memref<32x1024xi32, #tpu.memory_space<vmem>>, vector<1x1024xi32>,
    %broadcast_in_dim3A_828 = vector.shape_cast %reduce_min3A_817 : vector<1024xi32> to vector<1x1024xi32>
    %eq3A_829 = vector.broadcast %broadcast_in_dim3A_828 : vector<1x1024xi32> to vector<512x1024xi32>
    %eq3A_830 = arith.cmpi eq, %get3A_4, %eq3A_829 : vector<512x1024xi32>
    %and3A_831 = arith.andi %eq3A_812, %eq3A_830 : vector<512x1024xi1>
    %jit3A_832 = arith.constant 3.000000e+38 : f32
    %broadcast_in_dim3A_833 = vector.broadcast %jit3A_832 : f32 to vector<512x1024xf32>
    %select_n3A_834 = arith.select %and3A_831, %broadcast_in_dim3A_833, %select_n3A_807 : vector<512x1024xi1>, vector<512x1024xf32>
    %reduce_min3A_835 = arith.constant dense<0x7F800000> : vector<1024xf32>
    %reduce_min3A_836 = vector.multi_reduction <minimumf>, %select_n3A_834, %reduce_min3A_835 [0] : vector<512x1024xf32> to vector<1024xf32>
    %broadcast_in_dim3A_837 = vector.shape_cast %reduce_min3A_836 : vector<1024xf32> to vector<1x1024xf32>
    %eq3A_838 = vector.broadcast %broadcast_in_dim3A_837 : vector<1x1024xf32> to vector<512x1024xf32>
    %eq3A_839 = arith.cmpf oeq, %select_n3A_834, %eq3A_838 : vector<512x1024xf32>
    %jit3A_840 = arith.constant 2147483647 : i32
    %broadcast_in_dim3A_841 = vector.broadcast %jit3A_840 : i32 to vector<512x1024xi32>
    %select_n3A_842 = arith.select %eq3A_839, %get3A_4, %broadcast_in_dim3A_841 : vector<512x1024xi1>, vector<512x1024xi32>
    %reduce_min3A_843 = arith.constant dense<2147483647> : vector<1024xi32>
    %reduce_min3A_844 = vector.multi_reduction <minsi>, %select_n3A_842, %reduce_min3A_843 [0] : vector<512x1024xi32> to vector<1024xi32>
    %swap3A_845 = arith.constant 31 : index
    %swap3A_846 = arith.constant 0 : index
    %swap3A_847 = vector.load %arg2[%swap3A_845, %swap3A_846] : memref<32x1024xf32, #tpu.memory_space<vmem>>, vector<1x1024xf32>
    %swap3A_848 = vector.shape_cast %swap3A_847 : vector<1x1024xf32> to vector<1024xf32>
    %swap3A_849 = vector.shape_cast %reduce_min3A_836 : vector<1024xf32> to vector<1x1024xf32>
    tpu.vector_store %arg2[%swap3A_845, %swap3A_846], %swap3A_849 {strides = array<i32>} : memref<32x1024xf32, #tpu.memory_space<vmem>>, vector<1x1024xf32>,
    %swap3A_850 = arith.constant 31 : index
    %swap3A_851 = arith.constant 0 : index
    %swap3A_852 = vector.load %arg3[%swap3A_850, %swap3A_851] : memref<32x1024xi32, #tpu.memory_space<vmem>>, vector<1x1024xi32>
    %swap3A_853 = vector.shape_cast %swap3A_852 : vector<1x1024xi32> to vector<1024xi32>
    %swap3A_854 = vector.shape_cast %reduce_min3A_844 : vector<1024xi32> to vector<1x1024xi32>
    tpu.vector_store %arg3[%swap3A_850, %swap3A_851], %swap3A_854 {strides = array<i32>} : memref<32x1024xi32, #tpu.memory_space<vmem>>, vector<1x1024xi32>,
    return
  }
}

</mosaic_0001>

<sc_bundles>
// kernel: kernel.12.cloned.1.call-start
scs
__scs_entry_jumppad:
0x0: {  	(pc) =	sbr.rel $0x88, $3  }
0x1: {  	(tag) =	ssettag $0x0;
	lr =	simm.s32 $0x1  }
0x2: {  	[smem:$0x3F9E] =	sst lr;
	_ =	strace $0xD0000000  }
0x3: {  	_ = 	snop  }
0x4: {  	_ = 	snop  }
0x5: {  	_ = 	snop  }
0x6: {  	_ = 	snop  }
0x7: {  	_ = 	snop  }
__scs_overlays_trampoline_lowered:
0x8: {  	[smem:$0x3FAD] =	sst s0  }
0x9: {  	[smem:$0x3FAE] =	sst s1  }
0xa: {  	[smem:$0x3FAF] =	sst s2  }
0xb: {  	[smem:$0x3FB0] =	sst s3  }
0xc: {  	[smem:$0x3FB1] =	sst s4  }
0xd: {  	[smem:$0x3FB2] =	sst s5  }
0xe: {  	[smem:$0x3FB3] =	sst s6  }
0xf: {  	[smem:$0x3FB4] =	sst s7  }
0x10: {  	[smem:$0x3FB5] =	sst s8  }
0x11: {  	[smem:$0x3FB6] =	sst s9;
	s0 =	simm.s32 @!p0 $0x0  }
0x12: {  	s1 =	sld [smem:$0x3F9C];
	s0 =	simm.s32 @p0 $0x1  }
0x13: {  	[smem:$0x3FB7] =	sst s0;
	s0 =	simm.s32 @!p1 $0x0  }
0x14: {  	s2 =	sld [smem:$0x3F9B];
	s0 =	simm.s32 @p1 $0x1  }
0x15: {  	[smem:$0x3FB8] =	sst s0;
	s0 =	simm.s32 @!p2 $0x0  }
0x16: {  	s3 =	sld [smem:$0x3FDB];
	s0 =	simm.s32 @p2 $0x1  }
0x17: {  	s4 =	simm.s32 $0x1BF5;
	[smem:$0x3FBA] =	sst s0  }
0x18: {  	s0 =	sld [smem:$0x3F9D];
	_ =	swait.ge [sflag:s4], $0x0  }
0x19: {  	s7 =	sld [smem:$0x3F9E]  }
0x1a: {  	s8 =	sadd.s32 $0xFFFFE003, lr  }
0x1b: {  	s9 =	sadd.s32 $0xFFFFFEF7, lr;
	s5 =	simm.s32 $0xFFFFFFFF;
	p2 =	slt.u32 s8, $0xFFFFF086  }
0x1c: {  	p1 =	slt.u32 s9, $0xF7A;
	s5 =	simm.s32 @!p2 $0x0  }
0x1d: {  	s5 =	simm.s32 @p1 $0x1;
	p0 =	seq.s32 s7, s2  }
0x1e: {  	s7 =	smul.u32 @!p0 $0xF7A, s2;
	p2 =	seq.s32 @!p0 s5, $0x0  }
0x1f: {  	s9 =	smul.u32 $0xF7A, s1;
	s8 =	simm.s32 @!p0 $0x1BF5;
	p2 =	por !p2, p0  }
0x20: {  	[sflag:s8] =	ssyncset.s32 @!p0 $0xFFFFF086;
	s6 =	sadd.s32 @!p0 s3, s7;
	s7 =	simm.s32 @!p0 $0x108  }
0x21: {  	s3 =	sadd.s32 s3, s9;
	s6 =	sadd.s32 @!p0 $0x88, s6;
	s7 =	simm.s32 @p2 $0x1082  }
0x22: {  	[simem:s7], [sflag:s8] =	dma.local @!p0 [hbm:s6], $0xF7A  }
0x23: {  	s9 =	sor.u32 $0xD0000000, s2;
	s6 =	simm.s32 $0x108;
	_ =	swait.ge @!p0 [sflag:s8], $0x0  }
0x24: {  	s3 =	sadd.s32 $0x88, s3;
	s6 =	simm.s32 @!p1 $0x1082;
	[sflag:s4] =	ssyncset.s32 $0xFFFFF086  }
0x25: {  	[simem:s6], [sflag:s4] =	dma.local [hbm:s3], $0xF7A  }
0x26: {  	[smem:$0x3F9E] =	sst s1;
	(tag) =	ssettag s2;
	_ =	strace s9  }
0x27: {  	s1 =	sld [smem:$0x3FAE]  }
0x28: {  	s2 =	sld [smem:$0x3FAF]  }
0x29: {  	s4 =	sld [smem:$0x3FB1]  }
0x2a: {  	p0 =	seq.s32 s5, $0x0;
	s5 =	sld [smem:$0x3FB2]  }
0x2b: {  	s6 =	sld [smem:$0x3FB3]  }
0x2c: {  	s7 =	sld [smem:$0x3FB4]  }
0x2d: {  	s3 =	simm.s32 $0x108;
	s8 =	sld [smem:$0x3FB5]  }
0x2e: {  	s3 =	simm.s32 @!p0 $0x1082;
	s9 =	sld [smem:$0x3FB6]  }
0x2f: {  	lr =	sadd.s32 s0, s3;
	s0 =	sld [smem:$0x3FAD]  }
0x30: {  	s3 =	sld [smem:$0x3FB0]  }
0x31: {  	[smem:$0x3FB9] =	sst s10  }
0x32: {  	s10 =	sld [smem:$0x3FB7];
	_ =	sdelay $0x3  }
0x33: {  	p0 =	seq.s32 s10, $0x1;
	s10 =	sld [smem:$0x3FB9];
	_ =	sdelay $0x3  }
0x34: {  	[smem:$0x3FB9] =	sst s10  }
0x35: {  	s10 =	sld [smem:$0x3FB8];
	_ =	sdelay $0x3  }
0x36: {  	p1 =	seq.s32 s10, $0x1;
	s10 =	sld [smem:$0x3FB9];
	_ =	sdelay $0x3  }
0x37: {  	[smem:$0x3FB9] =	sst s10  }
0x38: {  	s10 =	sld [smem:$0x3FBA]  }
0x39: {  	_ = 	snop;
	(pc) =	sbr.ind lr, $3  }
0x3a: {  	_ = 	snop  }
0x3b: {  	_ = 	snop  }
0x3c: {  	p2 =	seq.s32 s10, $0x1;
	s10 =	sld [smem:$0x3FB9]  }
0x3d: {  	_ =	shalt  }
0x3e: {  	_ =	shalt  }
0x3f: {  	_ =	shalt  }
0x40: {  	_ =	shalt  }
0x41: {  	_ =	shalt  }
0x42: {  	_ =	shalt  }
0x43: {  	_ =	shalt  }
0x44: {  	_ =	shalt  }
0x45: {  	_ =	shalt  }
0x46: {  	_ =	shalt  }
0x47: {  	_ =	shalt  }
0x48: {  	_ =	shalt  }
0x49: {  	_ =	shalt  }
0x4a: {  	_ =	shalt  }
0x4b: {  	_ =	shalt  }
0x4c: {  	_ =	shalt  }
0x4d: {  	_ =	shalt  }
0x4e: {  	_ =	shalt  }
0x4f: {  	_ =	shalt  }
0x50: {  	_ =	shalt  }
0x51: {  	_ =	shalt  }
0x52: {  	_ =	shalt  }
0x53: {  	_ =	shalt  }
0x54: {  	_ =	shalt  }
0x55: {  	_ =	shalt  }
0x56: {  	_ =	shalt  }
0x57: {  	_ =	shalt  }
0x58: {  	_ =	shalt  }
0x59: {  	_ =	shalt  }
0x5a: {  	_ =	shalt  }
0x5b: {  	_ =	shalt  }
0x5c: {  	_ =	shalt  }
0x5d: {  	_ =	shalt  }
0x5e: {  	_ =	shalt  }
0x5f: {  	_ =	shalt  }
0x60: {  	_ =	shalt  }
0x61: {  	_ =	shalt  }
0x62: {  	_ =	shalt  }
0x63: {  	_ =	shalt  }
0x64: {  	_ =	shalt  }
0x65: {  	_ =	shalt  }
0x66: {  	_ =	shalt  }
0x67: {  	_ =	shalt  }
0x68: {  	_ =	shalt  }
0x69: {  	_ =	shalt  }
0x6a: {  	_ =	shalt  }
0x6b: {  	_ =	shalt  }
0x6c: {  	_ =	shalt  }
0x6d: {  	_ =	shalt  }
0x6e: {  	_ =	shalt  }
0x6f: {  	_ =	shalt  }
0x70: {  	_ =	shalt  }
0x71: {  	_ =	shalt  }
0x72: {  	_ =	shalt  }
0x73: {  	_ =	shalt  }
0x74: {  	_ =	shalt  }
0x75: {  	_ =	shalt  }
0x76: {  	_ =	shalt  }
0x77: {  	_ =	shalt  }
0x78: {  	_ =	shalt  }
0x79: {  	_ =	shalt  }
0x7a: {  	_ =	shalt  }
0x7b: {  	_ =	shalt  }
0x7c: {  	_ =	shalt  }
0x7d: {  	_ =	shalt  }
0x7e: {  	_ =	shalt  }
0x7f: {  	_ =	shalt  }
0x80: {  	_ =	shalt  }
0x81: {  	_ =	shalt  }
0x82: {  	_ =	shalt  }
0x83: {  	_ =	shalt  }
0x84: {  	_ =	shalt  }
0x85: {  	_ =	shalt  }
0x86: {  	_ =	shalt  }
0x87: {  	_ =	shalt  }
.Lfunc_end0:
.L_simem_size_0:
called_computation_lowered:
.L_overlay_start_0:
0x88: {  	s2 =	sld [smem:$0x3FD9]  }
0x89: {  	s3 =	sld [smem:$0x3FFE];
	_ =	sdelay $0x1  }
0x8a: {  	s1 =	srdreg.scid  }
0x8b: {  	s0 =	sand.u32 $0x1, s1  }
0x8c: {  	s14 =	sshll.u32 s0, $0xA;
	s2 =	sadd.s32 s3, s2  }
0x8d: {  	s2 =	sadd.s32 s2, s14  }
0x8e: {  	[smem:$0x3FC5] =	sst s2  }
0x8f: {  	_ = 	snop  }
0x90: {  	s2 =	sld [smem:$0x3FD0];
	_ =	sdelay $0x2  }
0x91: {  	s15 =	simm.s32 $0xB;
	s4 =	simm.s32 $0x10  }
0x92: {  	[smem:s4], [sflag:s15] =	dma.local [hbm:s2], $0x1  }
0x93: {  	_ =	swait.eq [sflag:s15], $0x1  }
0x94: {  	[sflag:s15] =	ssyncset.done $0x0  }
0x95: {  	s16 =	sld [smem:$0x10];
	[sflag:s15] =	ssyncadd.s32 $0xFFFFFFFF  }
0x96: {  	s17 =	sld [smem:$0x12];
	(tm) =	ssettm $0x1  }
0x97: {  	s18 =	sld [smem:$0x3FFB];
	_ =	sdelay $0x3  }
0x98: {  	_ =	strace s18  }
0x99: {  	s4 =	sld [smem:$0x3FFC];
	_ =	sdelay $0x3  }
0x9a: {  	_ =	strace s4  }
0x9b: {  	s4 =	sld [smem:$0x3FFD];
	_ =	sdelay $0x3  }
0x9c: {  	_ =	strace s4  }
0x9d: {  	_ =	strace $0x8FFFFFFF  }
0x9e: {  	s19 =	sld [smem:$0x3FDB];
	_ =	sdelay $0x1  }
0x9f: {  	s5 =	simm.s32 $_scs_section_size  }
0xa0: {  	s6 =	simm.s32 $_size__tile_overlayer_lowered;
	s7 =	simm.s32 $_tile_overlayer_lowered  }
0xa1: {  	s22 =	simm.s32 $0x1BFF;
	s21 =	sshll.u32 s7, $0x1;
	s4 =	sadd.s32 s5, s19  }
0xa2: {  	s8 =	simm.s32 $0x0;
	s20 =	sshll.u32 s6, $0x1;
	s6 =	sadd.s32 s21, s4  }
0xa3: {  	[timem:s8], [sflag:s22] =	dma.local [hbm:s6], s20  }
0xa4: {  	_ =	swait.ge [sflag:s22], s20  }
0xa5: {  	s5 =	ssub.s32 $0x0, s20;
	[sflag:s22] =	ssyncset.done $0x0  }
0xa6: {  	[sflag:s22] =	ssyncadd.s32 s5;
	_ =	sdelay $0x1  }
0xa7: {  	s23 =	simm.s32 $0x1B8B  }
0xa8: {  	_ =	swait.ge [sflag:s23], $0x1  }
0xa9: {  	[sflag:s23] =	ssyncset.done $0x0  }
0xaa: {  	s25 =	simm.s32 $0x1B8E;
	s24 =	sld [smem:$0x3FFE];
	[sflag:s23] =	ssyncadd.s32 $0xFFFFFFFF  }
0xab: {  	s26 =	simm.s32 $execute0_lowered;
	[smem:$0x3FD2] =	sst s25  }
0xac: {  	s6 =	sshll.u32 s26, $0x1;
	_ =	strace $0x80000046;
	[dreg:$0x1] =	wrdreg $0xFFFFFFFF  }
0xad: {  	s28 =	simm.s32 $_size_execute0_lowered;
	s4 =	sadd.s32 s4, s6;
	[dreg:$0x0] =	wrdreg $0x0  }
0xae: {  	s6 =	sshll.u32 s28, $0x1;
	[dreg:$0x2] =	wrdreg s4  }
0xaf: {  	[dreg:$0x3] =	wrdreg s6  }
0xb0: {  	[dreg:$0x4] =	wrdreg $0xC0  }
0xb1: {  	_ =	task [dreg:s8], $0x5FFFF  }
0xb2: {  	[dreg:$0x1] =	wrdreg $0xFFFFFFFF  }
0xb3: {  	[dreg:$0x0] =	wrdreg $0x60  }
0xb4: {  	[dreg:$0x2] =	wrdreg s17  }
0xb5: {  	[dreg:$0x3] =	wrdreg s24  }
0xb6: {  	[dreg:$0x4] =	wrdreg s16  }
0xb7: {  	[dreg:$0x5] =	wrdreg $0x9  }
0xb8: {  	_ =	task.clear_ibuf [dreg:s8], $0x6FFFF;
	_ =	strace $0x90000046  }
0xb9: {  	s29 =	simm.s32 $0x9;
	_ =	strace $0x80000048  }
0xba: {  	_ =	swait.ge [sflag:s29], $0x1  }
0xbb: {  	[sflag:s29] =	ssyncadd.s32 $0xFFFFFFFF  }
0xbc: {  	_ =	strace $0x90000048  }
0xbd: {  	_ =	sfence  }
0xbe: {  	s30 =	sld [smem:$0x0];
	_ =	sdelay $0x2  }
0xbf: {  	s31 =	sshll.u32 s1, $0xD;
	s1 =	sshrl.u32 s1, $0x2  }
0xc0: {  	s3 =	sand.u32 $0x4000, s31;
	s1 =	sadd.s32 s1, s30  }
0xc1: {  	s0 =	sor.u32 s3, s0;
	s1 =	sshll.u32 s1, $0x11  }
0xc2: {  	s0 =	sor.u32 s1, s0  }
0xc3: {  	s0 =	sadd.s32 $0x8F2B, s0  }
0xc4: {  	[sflag:s0] =	ssyncadd.remote.s32 $0x1  }
0xc5: {  	_ =	sfence.sel $0xFFFF  }
0xc6: {  	[dreg:$0x0] =	wrdreg $0xFFFFFFFF;
	(pc) =	sbr.abs _section_cstart, $3  }
0xc7: {  	[dreg:$0x1] =	wrdreg $0xFFFFFFFF  }
0xc8: {  	_ =	task.clear_ibuf [dreg:s8], $0x2FFFF;
	_ =	strace $0x9FFFFFFF  }
0xc9: {  	(tm) =	ssettm $0x7FFFFFFF  }
tec
execute0_lowered:
.L_overlay_start_1:
0x0: {  	(tag) =	ssettag $0x1  }
0x1: {  	s3 =	rddreg [dreg:$0x0]  }
0x2: {  	s1 =	srdreg.scid;
	s5 =	rddreg [dreg:$0x1]  }
0x3: {  	s0 =	stileid.u32;
	s8 =	rddreg [dreg:$0x2];
	s6 =	sand.u32 $0x1, s1  }
0x4: {  	s2 =	simm.s32 $0x0;
	s4 =	sshll.u32 s0, $0xB;
	s7 =	sshll.u32 s6, $0xA  }
0x5: {  	[smem:$0x7FF] =	sst s2;
	s9 =	sor.u32 s7, s4  }
0x6: {  	s1 =	rddreg [dreg:$0x3];
	_ =	strace $0x80000047;
	s4 =	sshrl.u32 s9, $0x3  }
0x7: {  	s10 =	ssub.s32 $0x2, s6;
	s4 =	sadd.s32 s3, s4;
	s3 =	simm.s32 $0x2  }
0x8: {  	[tilespmem:s2], [sflag:$0x2] =	stream.linear.gather [hbm4b:s4+s2], $0x400, $0x38;
	[tilespmem:$0x4400] =	vst v63  }
0x9: {  	s5 =	sadd.s32 $0x1E00, s5;
	s11 =	sshrl.u32 s10, $0x1;
	_ =	swait.ge [sflag:s3], $0x400  }
0xa: {  	s6 =	simm.s32 $0x400;
	s10 =	ssub.s32 s10, s11;
	[sflag:s3] =	ssyncset.done $0x0  }
0xb: {  	s7 =	simm.s32 $0x1;
	s31 =	smax.u32 s10, $0x1;
	[sflag:s3] =	ssyncadd.s32 $0xFFFFFC00  }
0xc: {  	[tilespmem:s6], [sflag:$0x1] =	stream.indirect.gather [hbm4b:s5+s6], $0x10, s2, s6, $0xb8;
	[tilespmem:$0x4400] =	vst v63  }
0xd: {  	p0 =	sne.s32 s31, $0x1;
	_ =	swait.ge [sflag:s7], $0x4000  }
.Ltmp0:
0xe: {  	s9 =	sshll.u32 s9, $0x1;
	[sflag:s7] =	ssyncset.done $0x0;
	(pc) =	sbr.rel @!p0 .LBB2_2-.Ltmp0, $4  }
0xf: {  	s8 =	sadd.s32 s8, s9;
	[sflag:s7] =	ssyncadd.s32 $0xFFFFC000  }
0x10: {  	[hbm4b:s8+s2] =	stream.linear.scatter [tilespmem:s6], [sflag:$0x2], $0x4000, $0x38;
	[tilespmem:$0x4400] =	vst v63  }
0x11: {  	_ =	swait.ge [sflag:s3], $0x4000  }
0x12: {  	s9 =	sadd.s32 $0xFFFFFFFF, s31;
	[sflag:s3] =	ssyncset.done $0x0  }
.LBB2_1:
0x13: {  	p0 =	sne.s32 s9, $0x1;
	s9 =	sadd.s32 $0xFFFFFFFF, s9;
	[sflag:s3] =	ssyncadd.s32 $0xFFFFC000  }
0x14: {  	[tilespmem:s2], [sflag:$0x2] =	stream.linear.gather [hbm4b:s4+s2], $0x400, $0x38;
	[tilespmem:$0x4400] =	vst v63  }
0x15: {  	_ =	swait.ge [sflag:s3], $0x400  }
0x16: {  	[sflag:s3] =	ssyncset.done $0x0  }
0x17: {  	[sflag:s3] =	ssyncadd.s32 $0xFFFFFC00  }
0x18: {  	[tilespmem:s6], [sflag:$0x1] =	stream.indirect.gather [hbm4b:s5+s6], $0x10, s2, s6, $0xb8;
	[tilespmem:$0x4400] =	vst v63  }
0x19: {  	_ =	swait.ge [sflag:s7], $0x4000  }
.Ltmp1:
0x1a: {  	[sflag:s7] =	ssyncset.done $0x0;
	(pc) =	sbr.rel @p0 .LBB2_1-.Ltmp1, $4  }
0x1b: {  	[sflag:s7] =	ssyncadd.s32 $0xFFFFC000  }
0x1c: {  	[hbm4b:s8+s2] =	stream.linear.scatter [tilespmem:s6], [sflag:$0x2], $0x4000, $0x38;
	[tilespmem:$0x4400] =	vst v63  }
0x1d: {  	_ =	swait.ge [sflag:s3], $0x4000  }
0x1e: {  	[sflag:s3] =	ssyncset.done $0x0  }
.LBB2_2:
0x1f: {  	[sflag:s3] =	ssyncadd.s32 $0xFFFFC000  }
0x20: {  	_ =	sfence.sel $0x180000  }
0x21: {  	[bflag:$0x0] =	sbarrier.arrive $0xFFFF  }
0x22: {  	p0 =	sne.s32 s0, $0x0;
	_ =	strace $0x90000047  }
0x23: {  	s0 =	sadd.s32 @!p0 $0x100000, s1;
	[bflag:$0x2] =	sbarrier.arrive $0xFFFF  }
0x24: {  	[sflag:s0] =	ssyncadd.tile.s32 @!p0 $0x1;
	_ =	shalt  }
.Lfunc_end2:
_tile_overlayer_lowered:
.L_overlay_start_2:
0x25: {  	(tag) =	ssettag $0x2  }
0x26: {  	s0 =	rddreg [dreg:$0x0];
	s2 =	stileid.u32  }
0x27: {  	s1 =	rddreg [dreg:$0x1];
	p0 =	sne.s32 s2, $0x0  }
0x28: {  	s3 =	rddreg [dreg:$0x2];
	[bflag:$0x3] =	sbarrier.arrive $0xFFFF;
	s2 =	simm.s32 @!p0 $0x1C02  }
0x29: {  	[timem:s3], [sflag:s2] =	dma.local @!p0 [hbm:s0], s1  }
0x2a: {  	s0 =	simm.s32 @!p0 $0x2  }
0x2b: {  	_ =	swait.ge @!p0 [sflag:s0], s1  }
0x2c: {  	s1 =	ssub.s32 @!p0 $0x0, s1;
	[sflag:s0] =	ssyncset.done @!p0 $0x0  }
0x2d: {  	[sflag:s0] =	ssyncadd.s32 @!p0 s1  }
0x2e: {  	[bflag:$0x3] =	sbarrier.arrive $0xFFFF  }
0x2f: {  	_ =	shalt  }

// kernel: kernel.15.cloned.1.call-start
scs
__scs_entry_jumppad:
0x0: {  	(pc) =	sbr.rel $0x88, $3  }
0x1: {  	(tag) =	ssettag $0x0;
	lr =	simm.s32 $0x1  }
0x2: {  	[smem:$0x3F9E] =	sst lr;
	_ =	strace $0xD0000000  }
0x3: {  	_ = 	snop  }
0x4: {  	_ = 	snop  }
0x5: {  	_ = 	snop  }
0x6: {  	_ = 	snop  }
0x7: {  	_ = 	snop  }
__scs_overlays_trampoline_lowered:
0x8: {  	[smem:$0x3FAD] =	sst s0  }
0x9: {  	[smem:$0x3FAE] =	sst s1  }
0xa: {  	[smem:$0x3FAF] =	sst s2  }
0xb: {  	[smem:$0x3FB0] =	sst s3  }
0xc: {  	[smem:$0x3FB1] =	sst s4  }
0xd: {  	[smem:$0x3FB2] =	sst s5  }
0xe: {  	[smem:$0x3FB3] =	sst s6  }
0xf: {  	[smem:$0x3FB4] =	sst s7  }
0x10: {  	[smem:$0x3FB5] =	sst s8  }
0x11: {  	[smem:$0x3FB6] =	sst s9;
	s0 =	simm.s32 @!p0 $0x0  }
0x12: {  	s1 =	sld [smem:$0x3F9C];
	s0 =	simm.s32 @p0 $0x1  }
0x13: {  	[smem:$0x3FB7] =	sst s0;
	s0 =	simm.s32 @!p1 $0x0  }
0x14: {  	s2 =	sld [smem:$0x3F9B];
	s0 =	simm.s32 @p1 $0x1  }
0x15: {  	[smem:$0x3FB8] =	sst s0;
	s0 =	simm.s32 @!p2 $0x0  }
0x16: {  	s3 =	sld [smem:$0x3FDB];
	s0 =	simm.s32 @p2 $0x1  }
0x17: {  	s4 =	simm.s32 $0x1BF5;
	[smem:$0x3FBA] =	sst s0  }
0x18: {  	s0 =	sld [smem:$0x3F9D];
	_ =	swait.ge [sflag:s4], $0x0  }
0x19: {  	s7 =	sld [smem:$0x3F9E]  }
0x1a: {  	s8 =	sadd.s32 $0xFFFFE003, lr  }
0x1b: {  	s9 =	sadd.s32 $0xFFFFFEF7, lr;
	s5 =	simm.s32 $0xFFFFFFFF;
	p2 =	slt.u32 s8, $0xFFFFF086  }
0x1c: {  	p1 =	slt.u32 s9, $0xF7A;
	s5 =	simm.s32 @!p2 $0x0  }
0x1d: {  	s5 =	simm.s32 @p1 $0x1;
	p0 =	seq.s32 s7, s2  }
0x1e: {  	s7 =	smul.u32 @!p0 $0xF7A, s2;
	p2 =	seq.s32 @!p0 s5, $0x0  }
0x1f: {  	s9 =	smul.u32 $0xF7A, s1;
	s8 =	simm.s32 @!p0 $0x1BF5;
	p2 =	por !p2, p0  }
0x20: {  	[sflag:s8] =	ssyncset.s32 @!p0 $0xFFFFF086;
	s6 =	sadd.s32 @!p0 s3, s7;
	s7 =	simm.s32 @!p0 $0x108  }
0x21: {  	s3 =	sadd.s32 s3, s9;
	s6 =	sadd.s32 @!p0 $0x88, s6;
	s7 =	simm.s32 @p2 $0x1082  }
0x22: {  	[simem:s7], [sflag:s8] =	dma.local @!p0 [hbm:s6], $0xF7A  }
0x23: {  	s9 =	sor.u32 $0xD0000000, s2;
	s6 =	simm.s32 $0x108;
	_ =	swait.ge @!p0 [sflag:s8], $0x0  }
0x24: {  	s3 =	sadd.s32 $0x88, s3;
	s6 =	simm.s32 @!p1 $0x1082;
	[sflag:s4] =	ssyncset.s32 $0xFFFFF086  }
0x25: {  	[simem:s6], [sflag:s4] =	dma.local [hbm:s3], $0xF7A  }
0x26: {  	[smem:$0x3F9E] =	sst s1;
	(tag) =	ssettag s2;
	_ =	strace s9  }
0x27: {  	s1 =	sld [smem:$0x3FAE]  }
0x28: {  	s2 =	sld [smem:$0x3FAF]  }
0x29: {  	s4 =	sld [smem:$0x3FB1]  }
0x2a: {  	p0 =	seq.s32 s5, $0x0;
	s5 =	sld [smem:$0x3FB2]  }
0x2b: {  	s6 =	sld [smem:$0x3FB3]  }
0x2c: {  	s7 =	sld [smem:$0x3FB4]  }
0x2d: {  	s3 =	simm.s32 $0x108;
	s8 =	sld [smem:$0x3FB5]  }
0x2e: {  	s3 =	simm.s32 @!p0 $0x1082;
	s9 =	sld [smem:$0x3FB6]  }
0x2f: {  	lr =	sadd.s32 s0, s3;
	s0 =	sld [smem:$0x3FAD]  }
0x30: {  	s3 =	sld [smem:$0x3FB0]  }
0x31: {  	[smem:$0x3FB9] =	sst s10  }
0x32: {  	s10 =	sld [smem:$0x3FB7];
	_ =	sdelay $0x3  }
0x33: {  	p0 =	seq.s32 s10, $0x1;
	s10 =	sld [smem:$0x3FB9];
	_ =	sdelay $0x3  }
0x34: {  	[smem:$0x3FB9] =	sst s10  }
0x35: {  	s10 =	sld [smem:$0x3FB8];
	_ =	sdelay $0x3  }
0x36: {  	p1 =	seq.s32 s10, $0x1;
	s10 =	sld [smem:$0x3FB9];
	_ =	sdelay $0x3  }
0x37: {  	[smem:$0x3FB9] =	sst s10  }
0x38: {  	s10 =	sld [smem:$0x3FBA]  }
0x39: {  	_ = 	snop;
	(pc) =	sbr.ind lr, $3  }
0x3a: {  	_ = 	snop  }
0x3b: {  	_ = 	snop  }
0x3c: {  	p2 =	seq.s32 s10, $0x1;
	s10 =	sld [smem:$0x3FB9]  }
0x3d: {  	_ =	shalt  }
0x3e: {  	_ =	shalt  }
0x3f: {  	_ =	shalt  }
0x40: {  	_ =	shalt  }
0x41: {  	_ =	shalt  }
0x42: {  	_ =	shalt  }
0x43: {  	_ =	shalt  }
0x44: {  	_ =	shalt  }
0x45: {  	_ =	shalt  }
0x46: {  	_ =	shalt  }
0x47: {  	_ =	shalt  }
0x48: {  	_ =	shalt  }
0x49: {  	_ =	shalt  }
0x4a: {  	_ =	shalt  }
0x4b: {  	_ =	shalt  }
0x4c: {  	_ =	shalt  }
0x4d: {  	_ =	shalt  }
0x4e: {  	_ =	shalt  }
0x4f: {  	_ =	shalt  }
0x50: {  	_ =	shalt  }
0x51: {  	_ =	shalt  }
0x52: {  	_ =	shalt  }
0x53: {  	_ =	shalt  }
0x54: {  	_ =	shalt  }
0x55: {  	_ =	shalt  }
0x56: {  	_ =	shalt  }
0x57: {  	_ =	shalt  }
0x58: {  	_ =	shalt  }
0x59: {  	_ =	shalt  }
0x5a: {  	_ =	shalt  }
0x5b: {  	_ =	shalt  }
0x5c: {  	_ =	shalt  }
0x5d: {  	_ =	shalt  }
0x5e: {  	_ =	shalt  }
0x5f: {  	_ =	shalt  }
0x60: {  	_ =	shalt  }
0x61: {  	_ =	shalt  }
0x62: {  	_ =	shalt  }
0x63: {  	_ =	shalt  }
0x64: {  	_ =	shalt  }
0x65: {  	_ =	shalt  }
0x66: {  	_ =	shalt  }
0x67: {  	_ =	shalt  }
0x68: {  	_ =	shalt  }
0x69: {  	_ =	shalt  }
0x6a: {  	_ =	shalt  }
0x6b: {  	_ =	shalt  }
0x6c: {  	_ =	shalt  }
0x6d: {  	_ =	shalt  }
0x6e: {  	_ =	shalt  }
0x6f: {  	_ =	shalt  }
0x70: {  	_ =	shalt  }
0x71: {  	_ =	shalt  }
0x72: {  	_ =	shalt  }
0x73: {  	_ =	shalt  }
0x74: {  	_ =	shalt  }
0x75: {  	_ =	shalt  }
0x76: {  	_ =	shalt  }
0x77: {  	_ =	shalt  }
0x78: {  	_ =	shalt  }
0x79: {  	_ =	shalt  }
0x7a: {  	_ =	shalt  }
0x7b: {  	_ =	shalt  }
0x7c: {  	_ =	shalt  }
0x7d: {  	_ =	shalt  }
0x7e: {  	_ =	shalt  }
0x7f: {  	_ =	shalt  }
0x80: {  	_ =	shalt  }
0x81: {  	_ =	shalt  }
0x82: {  	_ =	shalt  }
0x83: {  	_ =	shalt  }
0x84: {  	_ =	shalt  }
0x85: {  	_ =	shalt  }
0x86: {  	_ =	shalt  }
0x87: {  	_ =	shalt  }
.Lfunc_end0:
.L_simem_size_0:
called_computation.1_lowered:
.L_overlay_start_0:
0x88: {  	s2 =	sld [smem:$0x3FD9]  }
0x89: {  	s3 =	sld [smem:$0x3FFE];
	_ =	sdelay $0x1  }
0x8a: {  	s1 =	srdreg.scid  }
0x8b: {  	s0 =	sand.u32 $0x1, s1  }
0x8c: {  	s15 =	sshll.u32 s0, $0xA;
	s2 =	sadd.s32 s3, s2  }
0x8d: {  	s2 =	sadd.s32 s2, s15  }
0x8e: {  	[smem:$0x3FC5] =	sst s2  }
0x8f: {  	_ = 	snop  }
0x90: {  	s2 =	sld [smem:$0x3FD0];
	_ =	sdelay $0x2  }
0x91: {  	s16 =	simm.s32 $0xB;
	s4 =	simm.s32 $0x10  }
0x92: {  	[smem:s4], [sflag:s16] =	dma.local [hbm:s2], $0x1  }
0x93: {  	_ =	swait.eq [sflag:s16], $0x1  }
0x94: {  	[sflag:s16] =	ssyncset.done $0x0  }
0x95: {  	[sflag:s16] =	ssyncadd.s32 $0xFFFFFFFF  }
0x96: {  	s17 =	sld [smem:$0x10];
	(tm) =	ssettm $0x1  }
0x97: {  	s18 =	sld [smem:$0x3FFB];
	_ =	sdelay $0x3  }
0x98: {  	_ =	strace s18  }
0x99: {  	s2 =	sld [smem:$0x3FFC];
	_ =	sdelay $0x3  }
0x9a: {  	_ =	strace s2  }
0x9b: {  	s2 =	sld [smem:$0x3FFD];
	_ =	sdelay $0x3  }
0x9c: {  	_ =	strace s2  }
0x9d: {  	_ =	strace $0x8FFFFFFF  }
0x9e: {  	s19 =	sld [smem:$0x3FDB];
	_ =	sdelay $0x1  }
0x9f: {  	s20 =	simm.s32 $_scs_section_size  }
0xa0: {  	s5 =	simm.s32 $_size__tile_overlayer_lowered;
	s6 =	simm.s32 $_tile_overlayer_lowered  }
0xa1: {  	s7 =	simm.s32 $0x1BFF;
	s21 =	sshll.u32 s6, $0x1;
	s4 =	sadd.s32 s20, s19  }
0xa2: {  	s22 =	simm.s32 $0x0;
	s5 =	sshll.u32 s5, $0x1;
	s6 =	sadd.s32 s21, s4  }
0xa3: {  	[timem:s22], [sflag:s7] =	dma.local [hbm:s6], s5  }
0xa4: {  	_ =	swait.ge [sflag:s7], s5  }
0xa5: {  	s5 =	ssub.s32 $0x0, s5;
	[sflag:s7] =	ssyncset.done $0x0  }
0xa6: {  	[sflag:s7] =	ssyncadd.s32 s5;
	_ =	sdelay $0x1  }
0xa7: {  	s23 =	simm.s32 $0x1B8B  }
0xa8: {  	_ =	swait.ge [sflag:s23], $0x1  }
0xa9: {  	[sflag:s23] =	ssyncset.done $0x0  }
0xaa: {  	[sflag:s23] =	ssyncadd.s32 $0xFFFFFFFF  }
0xab: {  	s5 =	sld [smem:$0x0]  }
0xac: {  	s6 =	sand.u32 $0xFFFFFFFE, s1  }
0xad: {  	p0 =	sne.s32 s1, s6  }
0xae: {  	s6 =	sshll.u32 @p0 s6, $0xE  }
0xaf: {  	s6 =	sadd.s32 @p0 $0x11B8D, s6;
	s7 =	sshll.u32 @p0 s5, $0x11  }
0xb0: {  	s6 =	sor.u32 @p0 s7, s6  }
0xb1: {  	[sflag:s6] =	ssyncadd.remote.s32 @p0 $0x1;
	_ =	sdelay $0x1  }
0xb2: {  	s6 =	simm.s32 @p0 $0x1B8D  }
0xb3: {  	_ =	swait.eq @p0 [sflag:s6], $0x1  }
0xb4: {  	[sflag:s6] =	ssyncadd.s32 @p0 $0xFFFFFFFF  }
0xb5: {  	s7 =	sshll.u32 @!p0 s1, $0xE  }
0xb6: {  	s7 =	sor.u32 @!p0 $0x4000, s7;
	s6 =	simm.s32 @!p0 $0x1B8D  }
0xb7: {  	s5 =	sshll.u32 @!p0 s5, $0x11;
	s7 =	sadd.s32 @!p0 $0x11B8D, s7;
	_ =	swait.eq @!p0 [sflag:s6], $0x1  }
0xb8: {  	s5 =	sor.u32 @!p0 s5, s7;
	[sflag:s6] =	ssyncadd.s32 @!p0 $0xFFFFFFFF  }
0xb9: {  	s25 =	simm.s32 $0x1B8E;
	s24 =	sld [smem:$0x3FFE];
	[sflag:s5] =	ssyncadd.remote.s32 @!p0 $0x1  }
0xba: {  	s26 =	simm.s32 $execute0_lowered;
	[smem:$0x3FD2] =	sst s25  }
0xbb: {  	s6 =	sshll.u32 s26, $0x1;
	_ =	strace $0x8000004C;
	[dreg:$0x1] =	wrdreg $0xFFFFFFFF  }
0xbc: {  	s28 =	simm.s32 $_size_execute0_lowered;
	s4 =	sadd.s32 s4, s6;
	[dreg:$0x0] =	wrdreg $0x0  }
0xbd: {  	s6 =	sshll.u32 s28, $0x1;
	[dreg:$0x2] =	wrdreg s4  }
0xbe: {  	[dreg:$0x3] =	wrdreg s6  }
0xbf: {  	[dreg:$0x4] =	wrdreg $0xC0  }
0xc0: {  	_ =	task [dreg:s22], $0x5FFFF  }
0xc1: {  	[dreg:$0x1] =	wrdreg $0xFFFFFFFF  }
0xc2: {  	[dreg:$0x0] =	wrdreg $0x60  }
0xc3: {  	[dreg:$0x2] =	wrdreg s17  }
0xc4: {  	[dreg:$0x3] =	wrdreg s24  }
0xc5: {  	[dreg:$0x4] =	wrdreg $0x9  }
0xc6: {  	_ =	task.clear_ibuf [dreg:s22], $0x5FFFF;
	_ =	strace $0x9000004C  }
0xc7: {  	s29 =	simm.s32 $0x9;
	_ =	strace $0x8000004E  }
0xc8: {  	_ =	swait.ge [sflag:s29], $0x1  }
0xc9: {  	[sflag:s29] =	ssyncadd.s32 $0xFFFFFFFF  }
0xca: {  	_ =	strace $0x9000004E  }
0xcb: {  	_ =	sfence  }
0xcc: {  	s30 =	sld [smem:$0x0];
	_ =	sdelay $0x2  }
0xcd: {  	s31 =	sshll.u32 s1, $0xD;
	s1 =	sshrl.u32 s1, $0x2  }
0xce: {  	s4 =	sand.u32 $0x4000, s31;
	s1 =	sadd.s32 s1, s30  }
0xcf: {  	s0 =	sor.u32 s4, s0;
	s1 =	sshll.u32 s1, $0x11  }
0xd0: {  	s0 =	sor.u32 s1, s0  }
0xd1: {  	s0 =	sadd.s32 $0x8F2B, s0  }
0xd2: {  	[sflag:s0] =	ssyncadd.remote.s32 $0x1  }
0xd3: {  	_ =	sfence.sel $0xFFFF  }
0xd4: {  	[dreg:$0x0] =	wrdreg $0xFFFFFFFF;
	(pc) =	sbr.abs _section_cstart, $3  }
0xd5: {  	[dreg:$0x1] =	wrdreg $0xFFFFFFFF  }
0xd6: {  	_ =	task.clear_ibuf [dreg:s22], $0x2FFFF;
	_ =	strace $0x9FFFFFFF  }
0xd7: {  	(tm) =	ssettm $0x7FFFFFFF  }
tec
execute0_lowered:
.L_overlay_start_1:
0x0: {  	(tag) =	ssettag $0x1  }
0x1: {  	s1 =	srdreg.scid  }
0x2: {  	s21 =	rddreg [dreg:$0x0];
	s0 =	stileid.u32;
	s22 =	sand.u32 $0x1, s1  }
0x3: {  	s8 =	rddreg [dreg:$0x1];
	s3 =	sshll.u32 s0, $0xF;
	s4 =	sshll.u32 s22, $0xE  }
0x4: {  	s2 =	simm.s32 $0x0;
	s1 =	rddreg [dreg:$0x2];
	s24 =	sor.u32 s4, s3  }
0x5: {  	[smem:$0x7FF] =	sst s2;
	s3 =	sshrl.u32 s24, $0x3  }
0x6: {  	_ =	strace $0x8000004D;
	s4 =	sadd.s32 s21, s3;
	s3 =	simm.s32 $0x2  }
0x7: {  	[tilespmem:s2], [sflag:$0x2] =	stream.linear.gather [hbm4b:s4+s2], $0x800, $0x38;
	[tilespmem:$0x10800] =	vst v63  }
0x8: {  	_ =	swait.ge [sflag:s3], $0x800  }
0x9: {  	s6 =	simm.s32 $0x800;
	[sflag:s3] =	ssyncset.done $0x0  }
0xa: {  	s7 =	simm.s32 $0x1;
	s5 =	sadd.s32 $0xD9000, s8;
	[sflag:s3] =	ssyncadd.s32 $0xFFFFF800  }
0xb: {  	[tilespmem:s6], [sflag:$0x1] =	stream.indirect.gather [hbm4b:s5+s6], $0x20, s2, s6, $0xb8;
	[tilespmem:$0x10800] =	vst v63  }
0xc: {  	_ =	swait.ge [sflag:s7], $0x10000  }
0xd: {  	s23 =	sadd.s32 $0x18C800, s8;
	s28 =	sshll.u32 s24, $0x2;
	[sflag:s7] =	ssyncset.done $0x0  }
0xe: {  	s8 =	sadd.s32 s23, s28;
	[sflag:s7] =	ssyncadd.s32 $0xFFFF0000  }
0xf: {  	[hbm4b:s8+s2] =	stream.linear.scatter [tilespmem:s6], [sflag:$0x2], $0x10000, $0x38;
	[tilespmem:$0x10800] =	vst v63  }
0x10: {  	s10 =	sor.u32 $0x800, s24;
	_ =	swait.ge [sflag:s3], $0x10000  }
0x11: {  	s9 =	sshrl.u32 s10, $0x3;
	[sflag:s3] =	ssyncset.done $0x0  }
0x12: {  	s9 =	sadd.s32 s21, s9;
	[sflag:s3] =	ssyncadd.s32 $0xFFFF0000  }
0x13: {  	[tilespmem:s2], [sflag:$0x2] =	stream.linear.gather [hbm4b:s9+s2], $0x800, $0x38;
	[tilespmem:$0x10800] =	vst v63  }
0x14: {  	_ =	swait.ge [sflag:s3], $0x800  }
0x15: {  	[sflag:s3] =	ssyncset.done $0x0  }
0x16: {  	[sflag:s3] =	ssyncadd.s32 $0xFFFFF800  }
0x17: {  	[tilespmem:s6], [sflag:$0x1] =	stream.indirect.gather [hbm4b:s5+s6], $0x20, s2, s6, $0xb8;
	[tilespmem:$0x10800] =	vst v63  }
0x18: {  	_ =	swait.ge [sflag:s7], $0x10000  }
0x19: {  	s10 =	sshll.u32 s10, $0x2;
	[sflag:s7] =	ssyncset.done $0x0  }
0x1a: {  	s10 =	sadd.s32 s23, s10;
	[sflag:s7] =	ssyncadd.s32 $0xFFFF0000  }
0x1b: {  	[hbm4b:s10+s2] =	stream.linear.scatter [tilespmem:s6], [sflag:$0x2], $0x10000, $0x38;
	[tilespmem:$0x10800] =	vst v63  }
0x1c: {  	s12 =	sor.u32 $0x1000, s24;
	_ =	swait.ge [sflag:s3], $0x10000  }
0x1d: {  	s11 =	sshrl.u32 s12, $0x3;
	[sflag:s3] =	ssyncset.done $0x0  }
0x1e: {  	s11 =	sadd.s32 s21, s11;
	[sflag:s3] =	ssyncadd.s32 $0xFFFF0000  }
0x1f: {  	[tilespmem:s2], [sflag:$0x2] =	stream.linear.gather [hbm4b:s11+s2], $0x800, $0x38;
	[tilespmem:$0x10800] =	vst v63  }
0x20: {  	_ =	swait.ge [sflag:s3], $0x800  }
0x21: {  	[sflag:s3] =	ssyncset.done $0x0  }
0x22: {  	[sflag:s3] =	ssyncadd.s32 $0xFFFFF800  }
0x23: {  	[tilespmem:s6], [sflag:$0x1] =	stream.indirect.gather [hbm4b:s5+s6], $0x20, s2, s6, $0xb8;
	[tilespmem:$0x10800] =	vst v63  }
0x24: {  	_ =	swait.ge [sflag:s7], $0x10000  }
0x25: {  	s12 =	sshll.u32 s12, $0x2;
	[sflag:s7] =	ssyncset.done $0x0  }
0x26: {  	s12 =	sadd.s32 s23, s12;
	[sflag:s7] =	ssyncadd.s32 $0xFFFF0000  }
0x27: {  	[hbm4b:s12+s2] =	stream.linear.scatter [tilespmem:s6], [sflag:$0x2], $0x10000, $0x38;
	[tilespmem:$0x10800] =	vst v63  }
0x28: {  	s14 =	sor.u32 $0x1800, s24;
	_ =	swait.ge [sflag:s3], $0x10000  }
0x29: {  	s13 =	sshrl.u32 s14, $0x3;
	[sflag:s3] =	ssyncset.done $0x0  }
0x2a: {  	s13 =	sadd.s32 s21, s13;
	[sflag:s3] =	ssyncadd.s32 $0xFFFF0000  }
0x2b: {  	[tilespmem:s2], [sflag:$0x2] =	stream.linear.gather [hbm4b:s13+s2], $0x800, $0x38;
	[tilespmem:$0x10800] =	vst v63  }
0x2c: {  	_ =	swait.ge [sflag:s3], $0x800  }
0x2d: {  	[sflag:s3] =	ssyncset.done $0x0  }
0x2e: {  	[sflag:s3] =	ssyncadd.s32 $0xFFFFF800  }
0x2f: {  	[tilespmem:s6], [sflag:$0x1] =	stream.indirect.gather [hbm4b:s5+s6], $0x20, s2, s6, $0xb8;
	[tilespmem:$0x10800] =	vst v63  }
0x30: {  	_ =	swait.ge [sflag:s7], $0x10000  }
0x31: {  	s14 =	sshll.u32 s14, $0x2;
	[sflag:s7] =	ssyncset.done $0x0  }
0x32: {  	s14 =	sadd.s32 s23, s14;
	[sflag:s7] =	ssyncadd.s32 $0xFFFF0000  }
0x33: {  	[hbm4b:s14+s2] =	stream.linear.scatter [tilespmem:s6], [sflag:$0x2], $0x10000, $0x38;
	[tilespmem:$0x10800] =	vst v63  }
0x34: {  	s16 =	sor.u32 $0x2000, s24;
	_ =	swait.ge [sflag:s3], $0x10000  }
0x35: {  	s15 =	sshrl.u32 s16, $0x3;
	[sflag:s3] =	ssyncset.done $0x0  }
0x36: {  	s15 =	sadd.s32 s21, s15;
	[sflag:s3] =	ssyncadd.s32 $0xFFFF0000  }
0x37: {  	[tilespmem:s2], [sflag:$0x2] =	stream.linear.gather [hbm4b:s15+s2], $0x800, $0x38;
	[tilespmem:$0x10800] =	vst v63  }
0x38: {  	_ =	swait.ge [sflag:s3], $0x800  }
0x39: {  	[sflag:s3] =	ssyncset.done $0x0  }
0x3a: {  	[sflag:s3] =	ssyncadd.s32 $0xFFFFF800  }
0x3b: {  	[tilespmem:s6], [sflag:$0x1] =	stream.indirect.gather [hbm4b:s5+s6], $0x20, s2, s6, $0xb8;
	[tilespmem:$0x10800] =	vst v63  }
0x3c: {  	_ =	swait.ge [sflag:s7], $0x10000  }
0x3d: {  	s16 =	sshll.u32 s16, $0x2;
	[sflag:s7] =	ssyncset.done $0x0  }
0x3e: {  	s16 =	sadd.s32 s23, s16;
	[sflag:s7] =	ssyncadd.s32 $0xFFFF0000  }
0x3f: {  	[hbm4b:s16+s2] =	stream.linear.scatter [tilespmem:s6], [sflag:$0x2], $0x10000, $0x38;
	[tilespmem:$0x10800] =	vst v63  }
0x40: {  	s18 =	sor.u32 $0x2800, s24;
	_ =	swait.ge [sflag:s3], $0x10000  }
0x41: {  	s17 =	sshrl.u32 s18, $0x3;
	[sflag:s3] =	ssyncset.done $0x0  }
0x42: {  	s17 =	sadd.s32 s21, s17;
	[sflag:s3] =	ssyncadd.s32 $0xFFFF0000  }
0x43: {  	[tilespmem:s2], [sflag:$0x2] =	stream.linear.gather [hbm4b:s17+s2], $0x800, $0x38;
	[tilespmem:$0x10800] =	vst v63  }
0x44: {  	_ =	swait.ge [sflag:s3], $0x800  }
0x45: {  	[sflag:s3] =	ssyncset.done $0x0  }
0x46: {  	[sflag:s3] =	ssyncadd.s32 $0xFFFFF800  }
0x47: {  	[tilespmem:s6], [sflag:$0x1] =	stream.indirect.gather [hbm4b:s5+s6], $0x20, s2, s6, $0xb8;
	[tilespmem:$0x10800] =	vst v63  }
0x48: {  	_ =	swait.ge [sflag:s7], $0x10000  }
0x49: {  	s18 =	sshll.u32 s18, $0x2;
	[sflag:s7] =	ssyncset.done $0x0  }
0x4a: {  	s18 =	sadd.s32 s23, s18;
	[sflag:s7] =	ssyncadd.s32 $0xFFFF0000  }
0x4b: {  	[hbm4b:s18+s2] =	stream.linear.scatter [tilespmem:s6], [sflag:$0x2], $0x10000, $0x38;
	[tilespmem:$0x10800] =	vst v63  }
0x4c: {  	s20 =	sor.u32 $0x3000, s24;
	_ =	swait.ge [sflag:s3], $0x10000  }
0x4d: {  	s19 =	sshrl.u32 s20, $0x3;
	[sflag:s3] =	ssyncset.done $0x0  }
0x4e: {  	s19 =	sadd.s32 s21, s19;
	[sflag:s3] =	ssyncadd.s32 $0xFFFF0000  }
0x4f: {  	[tilespmem:s2], [sflag:$0x2] =	stream.linear.gather [hbm4b:s19+s2], $0x800, $0x38;
	[tilespmem:$0x10800] =	vst v63  }
0x50: {  	_ =	swait.ge [sflag:s3], $0x800  }
0x51: {  	[sflag:s3] =	ssyncset.done $0x0  }
0x52: {  	[sflag:s3] =	ssyncadd.s32 $0xFFFFF800  }
0x53: {  	[tilespmem:s6], [sflag:$0x1] =	stream.indirect.gather [hbm4b:s5+s6], $0x20, s2, s6, $0xb8;
	[tilespmem:$0x10800] =	vst v63  }
0x54: {  	_ =	swait.ge [sflag:s7], $0x10000  }
0x55: {  	s20 =	sshll.u32 s20, $0x2;
	[sflag:s7] =	ssyncset.done $0x0  }
0x56: {  	s20 =	sadd.s32 s23, s20;
	[sflag:s7] =	ssyncadd.s32 $0xFFFF0000  }
0x57: {  	[hbm4b:s20+s2] =	stream.linear.scatter [tilespmem:s6], [sflag:$0x2], $0x10000, $0x38;
	[tilespmem:$0x10800] =	vst v63  }
0x58: {  	s24 =	sor.u32 $0x3800, s24;
	_ =	swait.ge [sflag:s3], $0x10000  }
0x59: {  	s25 =	sshrl.u32 s24, $0x3;
	[sflag:s3] =	ssyncset.done $0x0  }
0x5a: {  	s22 =	ssub.s32 $0x2, s22;
	s21 =	sadd.s32 s21, s25;
	[sflag:s3] =	ssyncadd.s32 $0xFFFF0000  }
0x5b: {  	[tilespmem:s2], [sflag:$0x2] =	stream.linear.gather [hbm4b:s21+s2], $0x800, $0x38;
	[tilespmem:$0x10800] =	vst v63  }
0x5c: {  	s29 =	sshrl.u32 s22, $0x1;
	_ =	swait.ge [sflag:s3], $0x800  }
0x5d: {  	s25 =	ssub.s32 s22, s29;
	[sflag:s3] =	ssyncset.done $0x0  }
0x5e: {  	s31 =	smax.u32 s25, $0x1;
	[sflag:s3] =	ssyncadd.s32 $0xFFFFF800  }
0x5f: {  	[tilespmem:s6], [sflag:$0x1] =	stream.indirect.gather [hbm4b:s5+s6], $0x20, s2, s6, $0xb8;
	[tilespmem:$0x10800] =	vst v63  }
0x60: {  	p0 =	sne.s32 s31, $0x1;
	_ =	swait.ge [sflag:s7], $0x10000  }
.Ltmp0:
0x61: {  	s30 =	sshll.u32 s24, $0x2;
	[sflag:s7] =	ssyncset.done $0x0;
	(pc) =	sbr.rel @!p0 .LBB2_2-.Ltmp0, $4  }
0x62: {  	s22 =	sadd.s32 s23, s30;
	[sflag:s7] =	ssyncadd.s32 $0xFFFF0000  }
0x63: {  	[hbm4b:s22+s2] =	stream.linear.scatter [tilespmem:s6], [sflag:$0x2], $0x10000, $0x38;
	[tilespmem:$0x10800] =	vst v63  }
0x64: {  	_ =	swait.ge [sflag:s3], $0x10000  }
0x65: {  	s23 =	sadd.s32 $0xFFFFFFFF, s31;
	[sflag:s3] =	ssyncset.done $0x0  }
.LBB2_1:
0x66: {  	p0 =	sne.s32 s23, $0x1;
	s23 =	sadd.s32 $0xFFFFFFFF, s23;
	[sflag:s3] =	ssyncadd.s32 $0xFFFF0000  }
0x67: {  	[tilespmem:s2], [sflag:$0x2] =	stream.linear.gather [hbm4b:s4+s2], $0x800, $0x38;
	[tilespmem:$0x10800] =	vst v63  }
0x68: {  	_ =	swait.ge [sflag:s3], $0x800  }
0x69: {  	[sflag:s3] =	ssyncset.done $0x0  }
0x6a: {  	[sflag:s3] =	ssyncadd.s32 $0xFFFFF800  }
0x6b: {  	[tilespmem:s6], [sflag:$0x1] =	stream.indirect.gather [hbm4b:s5+s6], $0x20, s2, s6, $0xb8;
	[tilespmem:$0x10800] =	vst v63  }
0x6c: {  	_ =	swait.ge [sflag:s7], $0x10000  }
0x6d: {  	[sflag:s7] =	ssyncset.done $0x0  }
0x6e: {  	[sflag:s7] =	ssyncadd.s32 $0xFFFF0000  }
0x6f: {  	[hbm4b:s8+s2] =	stream.linear.scatter [tilespmem:s6], [sflag:$0x2], $0x10000, $0x38;
	[tilespmem:$0x10800] =	vst v63  }
0x70: {  	_ =	swait.ge [sflag:s3], $0x10000  }
0x71: {  	[sflag:s3] =	ssyncset.done $0x0  }
0x72: {  	[sflag:s3] =	ssyncadd.s32 $0xFFFF0000  }
0x73: {  	[tilespmem:s2], [sflag:$0x2] =	stream.linear.gather [hbm4b:s9+s2], $0x800, $0x38;
	[tilespmem:$0x10800] =	vst v63  }
0x74: {  	_ =	swait.ge [sflag:s3], $0x800  }
0x75: {  	[sflag:s3] =	ssyncset.done $0x0  }
0x76: {  	[sflag:s3] =	ssyncadd.s32 $0xFFFFF800  }
0x77: {  	[tilespmem:s6], [sflag:$0x1] =	stream.indirect.gather [hbm4b:s5+s6], $0x20, s2, s6, $0xb8;
	[tilespmem:$0x10800] =	vst v63  }
0x78: {  	_ =	swait.ge [sflag:s7], $0x10000  }
0x79: {  	[sflag:s7] =	ssyncset.done $0x0  }
0x7a: {  	[sflag:s7] =	ssyncadd.s32 $0xFFFF0000  }
0x7b: {  	[hbm4b:s10+s2] =	stream.linear.scatter [tilespmem:s6], [sflag:$0x2], $0x10000, $0x38;
	[tilespmem:$0x10800] =	vst v63  }
0x7c: {  	_ =	swait.ge [sflag:s3], $0x10000  }
0x7d: {  	[sflag:s3] =	ssyncset.done $0x0  }
0x7e: {  	[sflag:s3] =	ssyncadd.s32 $0xFFFF0000  }
0x7f: {  	[tilespmem:s2], [sflag:$0x2] =	stream.linear.gather [hbm4b:s11+s2], $0x800, $0x38;
	[tilespmem:$0x10800] =	vst v63  }
0x80: {  	_ =	swait.ge [sflag:s3], $0x800  }
0x81: {  	[sflag:s3] =	ssyncset.done $0x0  }
0x82: {  	[sflag:s3] =	ssyncadd.s32 $0xFFFFF800  }
0x83: {  	[tilespmem:s6], [sflag:$0x1] =	stream.indirect.gather [hbm4b:s5+s6], $0x20, s2, s6, $0xb8;
	[tilespmem:$0x10800] =	vst v63  }
0x84: {  	_ =	swait.ge [sflag:s7], $0x10000  }
0x85: {  	[sflag:s7] =	ssyncset.done $0x0  }
0x86: {  	[sflag:s7] =	ssyncadd.s32 $0xFFFF0000  }
0x87: {  	[hbm4b:s12+s2] =	stream.linear.scatter [tilespmem:s6], [sflag:$0x2], $0x10000, $0x38;
	[tilespmem:$0x10800] =	vst v63  }
0x88: {  	_ =	swait.ge [sflag:s3], $0x10000  }
0x89: {  	[sflag:s3] =	ssyncset.done $0x0  }
0x8a: {  	[sflag:s3] =	ssyncadd.s32 $0xFFFF0000  }
0x8b: {  	[tilespmem:s2], [sflag:$0x2] =	stream.linear.gather [hbm4b:s13+s2], $0x800, $0x38;
	[tilespmem:$0x10800] =	vst v63  }
0x8c: {  	_ =	swait.ge [sflag:s3], $0x800  }
0x8d: {  	[sflag:s3] =	ssyncset.done $0x0  }
0x8e: {  	[sflag:s3] =	ssyncadd.s32 $0xFFFFF800  }
0x8f: {  	[tilespmem:s6], [sflag:$0x1] =	stream.indirect.gather [hbm4b:s5+s6], $0x20, s2, s6, $0xb8;
	[tilespmem:$0x10800] =	vst v63  }
0x90: {  	_ =	swait.ge [sflag:s7], $0x10000  }
0x91: {  	[sflag:s7] =	ssyncset.done $0x0  }
0x92: {  	[sflag:s7] =	ssyncadd.s32 $0xFFFF0000  }
0x93: {  	[hbm4b:s14+s2] =	stream.linear.scatter [tilespmem:s6], [sflag:$0x2], $0x10000, $0x38;
	[tilespmem:$0x10800] =	vst v63  }
0x94: {  	_ =	swait.ge [sflag:s3], $0x10000  }
0x95: {  	[sflag:s3] =	ssyncset.done $0x0  }
0x96: {  	[sflag:s3] =	ssyncadd.s32 $0xFFFF0000  }
0x97: {  	[tilespmem:s2], [sflag:$0x2] =	stream.linear.gather [hbm4b:s15+s2], $0x800, $0x38;
	[tilespmem:$0x10800] =	vst v63  }
0x98: {  	_ =	swait.ge [sflag:s3], $0x800  }
0x99: {  	[sflag:s3] =	ssyncset.done $0x0  }
0x9a: {  	[sflag:s3] =	ssyncadd.s32 $0xFFFFF800  }
0x9b: {  	[tilespmem:s6], [sflag:$0x1] =	stream.indirect.gather [hbm4b:s5+s6], $0x20, s2, s6, $0xb8;
	[tilespmem:$0x10800] =	vst v63  }
0x9c: {  	_ =	swait.ge [sflag:s7], $0x10000  }
0x9d: {  	[sflag:s7] =	ssyncset.done $0x0  }
0x9e: {  	[sflag:s7] =	ssyncadd.s32 $0xFFFF0000  }
0x9f: {  	[hbm4b:s16+s2] =	stream.linear.scatter [tilespmem:s6], [sflag:$0x2], $0x10000, $0x38;
	[tilespmem:$0x10800] =	vst v63  }
0xa0: {  	_ =	swait.ge [sflag:s3], $0x10000  }
0xa1: {  	[sflag:s3] =	ssyncset.done $0x0  }
0xa2: {  	[sflag:s3] =	ssyncadd.s32 $0xFFFF0000  }
0xa3: {  	[tilespmem:s2], [sflag:$0x2] =	stream.linear.gather [hbm4b:s17+s2], $0x800, $0x38;
	[tilespmem:$0x10800] =	vst v63  }
0xa4: {  	_ =	swait.ge [sflag:s3], $0x800  }
0xa5: {  	[sflag:s3] =	ssyncset.done $0x0  }
0xa6: {  	[sflag:s3] =	ssyncadd.s32 $0xFFFFF800  }
0xa7: {  	[tilespmem:s6], [sflag:$0x1] =	stream.indirect.gather [hbm4b:s5+s6], $0x20, s2, s6, $0xb8;
	[tilespmem:$0x10800] =	vst v63  }
0xa8: {  	_ =	swait.ge [sflag:s7], $0x10000  }
0xa9: {  	[sflag:s7] =	ssyncset.done $0x0  }
0xaa: {  	[sflag:s7] =	ssyncadd.s32 $0xFFFF0000  }
0xab: {  	[hbm4b:s18+s2] =	stream.linear.scatter [tilespmem:s6], [sflag:$0x2], $0x10000, $0x38;
	[tilespmem:$0x10800] =	vst v63  }
0xac: {  	_ =	swait.ge [sflag:s3], $0x10000  }
0xad: {  	[sflag:s3] =	ssyncset.done $0x0  }
0xae: {  	[sflag:s3] =	ssyncadd.s32 $0xFFFF0000  }
0xaf: {  	[tilespmem:s2], [sflag:$0x2] =	stream.linear.gather [hbm4b:s19+s2], $0x800, $0x38;
	[tilespmem:$0x10800] =	vst v63  }
0xb0: {  	_ =	swait.ge [sflag:s3], $0x800  }
0xb1: {  	[sflag:s3] =	ssyncset.done $0x0  }
0xb2: {  	[sflag:s3] =	ssyncadd.s32 $0xFFFFF800  }
0xb3: {  	[tilespmem:s6], [sflag:$0x1] =	stream.indirect.gather [hbm4b:s5+s6], $0x20, s2, s6, $0xb8;
	[tilespmem:$0x10800] =	vst v63  }
0xb4: {  	_ =	swait.ge [sflag:s7], $0x10000  }
0xb5: {  	[sflag:s7] =	ssyncset.done $0x0  }
0xb6: {  	[sflag:s7] =	ssyncadd.s32 $0xFFFF0000  }
0xb7: {  	[hbm4b:s20+s2] =	stream.linear.scatter [tilespmem:s6], [sflag:$0x2], $0x10000, $0x38;
	[tilespmem:$0x10800] =	vst v63  }
0xb8: {  	_ =	swait.ge [sflag:s3], $0x10000  }
0xb9: {  	[sflag:s3] =	ssyncset.done $0x0  }
0xba: {  	[sflag:s3] =	ssyncadd.s32 $0xFFFF0000  }
0xbb: {  	[tilespmem:s2], [sflag:$0x2] =	stream.linear.gather [hbm4b:s21+s2], $0x800, $0x38;
	[tilespmem:$0x10800] =	vst v63  }
0xbc: {  	_ =	swait.ge [sflag:s3], $0x800  }
0xbd: {  	[sflag:s3] =	ssyncset.done $0x0  }
0xbe: {  	[sflag:s3] =	ssyncadd.s32 $0xFFFFF800  }
0xbf: {  	[tilespmem:s6], [sflag:$0x1] =	stream.indirect.gather [hbm4b:s5+s6], $0x20, s2, s6, $0xb8;
	[tilespmem:$0x10800] =	vst v63  }
0xc0: {  	_ =	swait.ge [sflag:s7], $0x10000  }
.Ltmp1:
0xc1: {  	[sflag:s7] =	ssyncset.done $0x0;
	(pc) =	sbr.rel @p0 .LBB2_1-.Ltmp1, $4  }
0xc2: {  	[sflag:s7] =	ssyncadd.s32 $0xFFFF0000  }
0xc3: {  	[hbm4b:s22+s2] =	stream.linear.scatter [tilespmem:s6], [sflag:$0x2], $0x10000, $0x38;
	[tilespmem:$0x10800] =	vst v63  }
0xc4: {  	_ =	swait.ge [sflag:s3], $0x10000  }
0xc5: {  	[sflag:s3] =	ssyncset.done $0x0  }
.LBB2_2:
0xc6: {  	[sflag:s3] =	ssyncadd.s32 $0xFFFF0000  }
0xc7: {  	_ =	sfence.sel $0x180000  }
0xc8: {  	[bflag:$0x0] =	sbarrier.arrive $0xFFFF  }
0xc9: {  	p0 =	sne.s32 s0, $0x0;
	_ =	strace $0x9000004D  }
0xca: {  	s0 =	sadd.s32 @!p0 $0x100000, s1;
	[bflag:$0x2] =	sbarrier.arrive $0xFFFF  }
0xcb: {  	[sflag:s0] =	ssyncadd.tile.s32 @!p0 $0x1;
	_ =	shalt  }
.Lfunc_end2:
_tile_overlayer_lowered:
.L_overlay_start_2:
0xcc: {  	(tag) =	ssettag $0x2  }
0xcd: {  	s0 =	rddreg [dreg:$0x0];
	s2 =	stileid.u32  }
0xce: {  	s1 =	rddreg [dreg:$0x1];
	p0 =	sne.s32 s2, $0x0  }
0xcf: {  	s3 =	rddreg [dreg:$0x2];
	[bflag:$0x3] =	sbarrier.arrive $0xFFFF;
	s2 =	simm.s32 @!p0 $0x1C02  }
0xd0: {  	[timem:s3], [sflag:s2] =	dma.local @!p0 [hbm:s0], s1  }
0xd1: {  	s0 =	simm.s32 @!p0 $0x2  }
0xd2: {  	_ =	swait.ge @!p0 [sflag:s0], s1  }
0xd3: {  	s1 =	ssub.s32 @!p0 $0x0, s1;
	[sflag:s0] =	ssyncset.done @!p0 $0x0  }
0xd4: {  	[sflag:s0] =	ssyncadd.s32 @!p0 s1  }
0xd5: {  	[bflag:$0x3] =	sbarrier.arrive $0xFFFF  }
0xd6: {  	_ =	shalt  }

// kernel: kernel.18.cloned.1.call-start
scs
__scs_entry_jumppad:
0x0: {  	(pc) =	sbr.rel $0x88, $3  }
0x1: {  	(tag) =	ssettag $0x0;
	lr =	simm.s32 $0x1  }
0x2: {  	[smem:$0x3F9E] =	sst lr;
	_ =	strace $0xD0000000  }
0x3: {  	_ = 	snop  }
0x4: {  	_ = 	snop  }
0x5: {  	_ = 	snop  }
0x6: {  	_ = 	snop  }
0x7: {  	_ = 	snop  }
__scs_overlays_trampoline_lowered:
0x8: {  	[smem:$0x3FAD] =	sst s0  }
0x9: {  	[smem:$0x3FAE] =	sst s1  }
0xa: {  	[smem:$0x3FAF] =	sst s2  }
0xb: {  	[smem:$0x3FB0] =	sst s3  }
0xc: {  	[smem:$0x3FB1] =	sst s4  }
0xd: {  	[smem:$0x3FB2] =	sst s5  }
0xe: {  	[smem:$0x3FB3] =	sst s6  }
0xf: {  	[smem:$0x3FB4] =	sst s7  }
0x10: {  	[smem:$0x3FB5] =	sst s8  }
0x11: {  	[smem:$0x3FB6] =	sst s9;
	s0 =	simm.s32 @!p0 $0x0  }
0x12: {  	s1 =	sld [smem:$0x3F9C];
	s0 =	simm.s32 @p0 $0x1  }
0x13: {  	[smem:$0x3FB7] =	sst s0;
	s0 =	simm.s32 @!p1 $0x0  }
0x14: {  	s2 =	sld [smem:$0x3F9B];
	s0 =	simm.s32 @p1 $0x1  }
0x15: {  	[smem:$0x3FB8] =	sst s0;
	s0 =	simm.s32 @!p2 $0x0  }
0x16: {  	s3 =	sld [smem:$0x3FDB];
	s0 =	simm.s32 @p2 $0x1  }
0x17: {  	s4 =	simm.s32 $0x1BF5;
	[smem:$0x3FBA] =	sst s0  }
0x18: {  	s0 =	sld [smem:$0x3F9D];
	_ =	swait.ge [sflag:s4], $0x0  }
0x19: {  	s7 =	sld [smem:$0x3F9E]  }
0x1a: {  	s8 =	sadd.s32 $0xFFFFE003, lr  }
0x1b: {  	s9 =	sadd.s32 $0xFFFFFEF7, lr;
	s5 =	simm.s32 $0xFFFFFFFF;
	p2 =	slt.u32 s8, $0xFFFFF086  }
0x1c: {  	p1 =	slt.u32 s9, $0xF7A;
	s5 =	simm.s32 @!p2 $0x0  }
0x1d: {  	s5 =	simm.s32 @p1 $0x1;
	p0 =	seq.s32 s7, s2  }
0x1e: {  	s7 =	smul.u32 @!p0 $0xF7A, s2;
	p2 =	seq.s32 @!p0 s5, $0x0  }
0x1f: {  	s9 =	smul.u32 $0xF7A, s1;
	s8 =	simm.s32 @!p0 $0x1BF5;
	p2 =	por !p2, p0  }
0x20: {  	[sflag:s8] =	ssyncset.s32 @!p0 $0xFFFFF086;
	s6 =	sadd.s32 @!p0 s3, s7;
	s7 =	simm.s32 @!p0 $0x108  }
0x21: {  	s3 =	sadd.s32 s3, s9;
	s6 =	sadd.s32 @!p0 $0x88, s6;
	s7 =	simm.s32 @p2 $0x1082  }
0x22: {  	[simem:s7], [sflag:s8] =	dma.local @!p0 [hbm:s6], $0xF7A  }
0x23: {  	s9 =	sor.u32 $0xD0000000, s2;
	s6 =	simm.s32 $0x108;
	_ =	swait.ge @!p0 [sflag:s8], $0x0  }
0x24: {  	s3 =	sadd.s32 $0x88, s3;
	s6 =	simm.s32 @!p1 $0x1082;
	[sflag:s4] =	ssyncset.s32 $0xFFFFF086  }
0x25: {  	[simem:s6], [sflag:s4] =	dma.local [hbm:s3], $0xF7A  }
0x26: {  	[smem:$0x3F9E] =	sst s1;
	(tag) =	ssettag s2;
	_ =	strace s9  }
0x27: {  	s1 =	sld [smem:$0x3FAE]  }
0x28: {  	s2 =	sld [smem:$0x3FAF]  }
0x29: {  	s4 =	sld [smem:$0x3FB1]  }
0x2a: {  	p0 =	seq.s32 s5, $0x0;
	s5 =	sld [smem:$0x3FB2]  }
0x2b: {  	s6 =	sld [smem:$0x3FB3]  }
0x2c: {  	s7 =	sld [smem:$0x3FB4]  }
0x2d: {  	s3 =	simm.s32 $0x108;
	s8 =	sld [smem:$0x3FB5]  }
0x2e: {  	s3 =	simm.s32 @!p0 $0x1082;
	s9 =	sld [smem:$0x3FB6]  }
0x2f: {  	lr =	sadd.s32 s0, s3;
	s0 =	sld [smem:$0x3FAD]  }
0x30: {  	s3 =	sld [smem:$0x3FB0]  }
0x31: {  	[smem:$0x3FB9] =	sst s10  }
0x32: {  	s10 =	sld [smem:$0x3FB7];
	_ =	sdelay $0x3  }
0x33: {  	p0 =	seq.s32 s10, $0x1;
	s10 =	sld [smem:$0x3FB9];
	_ =	sdelay $0x3  }
0x34: {  	[smem:$0x3FB9] =	sst s10  }
0x35: {  	s10 =	sld [smem:$0x3FB8];
	_ =	sdelay $0x3  }
0x36: {  	p1 =	seq.s32 s10, $0x1;
	s10 =	sld [smem:$0x3FB9];
	_ =	sdelay $0x3  }
0x37: {  	[smem:$0x3FB9] =	sst s10  }
0x38: {  	s10 =	sld [smem:$0x3FBA]  }
0x39: {  	_ = 	snop;
	(pc) =	sbr.ind lr, $3  }
0x3a: {  	_ = 	snop  }
0x3b: {  	_ = 	snop  }
0x3c: {  	p2 =	seq.s32 s10, $0x1;
	s10 =	sld [smem:$0x3FB9]  }
0x3d: {  	_ =	shalt  }
0x3e: {  	_ =	shalt  }
0x3f: {  	_ =	shalt  }
0x40: {  	_ =	shalt  }
0x41: {  	_ =	shalt  }
0x42: {  	_ =	shalt  }
0x43: {  	_ =	shalt  }
0x44: {  	_ =	shalt  }
0x45: {  	_ =	shalt  }
0x46: {  	_ =	shalt  }
0x47: {  	_ =	shalt  }
0x48: {  	_ =	shalt  }
0x49: {  	_ =	shalt  }
0x4a: {  	_ =	shalt  }
0x4b: {  	_ =	shalt  }
0x4c: {  	_ =	shalt  }
0x4d: {  	_ =	shalt  }
0x4e: {  	_ =	shalt  }
0x4f: {  	_ =	shalt  }
0x50: {  	_ =	shalt  }
0x51: {  	_ =	shalt  }
0x52: {  	_ =	shalt  }
0x53: {  	_ =	shalt  }
0x54: {  	_ =	shalt  }
0x55: {  	_ =	shalt  }
0x56: {  	_ =	shalt  }
0x57: {  	_ =	shalt  }
0x58: {  	_ =	shalt  }
0x59: {  	_ =	shalt  }
0x5a: {  	_ =	shalt  }
0x5b: {  	_ =	shalt  }
0x5c: {  	_ =	shalt  }
0x5d: {  	_ =	shalt  }
0x5e: {  	_ =	shalt  }
0x5f: {  	_ =	shalt  }
0x60: {  	_ =	shalt  }
0x61: {  	_ =	shalt  }
0x62: {  	_ =	shalt  }
0x63: {  	_ =	shalt  }
0x64: {  	_ =	shalt  }
0x65: {  	_ =	shalt  }
0x66: {  	_ =	shalt  }
0x67: {  	_ =	shalt  }
0x68: {  	_ =	shalt  }
0x69: {  	_ =	shalt  }
0x6a: {  	_ =	shalt  }
0x6b: {  	_ =	shalt  }
0x6c: {  	_ =	shalt  }
0x6d: {  	_ =	shalt  }
0x6e: {  	_ =	shalt  }
0x6f: {  	_ =	shalt  }
0x70: {  	_ =	shalt  }
0x71: {  	_ =	shalt  }
0x72: {  	_ =	shalt  }
0x73: {  	_ =	shalt  }
0x74: {  	_ =	shalt  }
0x75: {  	_ =	shalt  }
0x76: {  	_ =	shalt  }
0x77: {  	_ =	shalt  }
0x78: {  	_ =	shalt  }
0x79: {  	_ =	shalt  }
0x7a: {  	_ =	shalt  }
0x7b: {  	_ =	shalt  }
0x7c: {  	_ =	shalt  }
0x7d: {  	_ =	shalt  }
0x7e: {  	_ =	shalt  }
0x7f: {  	_ =	shalt  }
0x80: {  	_ =	shalt  }
0x81: {  	_ =	shalt  }
0x82: {  	_ =	shalt  }
0x83: {  	_ =	shalt  }
0x84: {  	_ =	shalt  }
0x85: {  	_ =	shalt  }
0x86: {  	_ =	shalt  }
0x87: {  	_ =	shalt  }
.Lfunc_end0:
.L_simem_size_0:
called_computation.2_lowered:
.L_overlay_start_0:
0x88: {  	s2 =	sld [smem:$0x3FD9]  }
0x89: {  	s3 =	sld [smem:$0x3FFE];
	_ =	sdelay $0x1  }
0x8a: {  	s1 =	srdreg.scid  }
0x8b: {  	s0 =	sand.u32 $0x1, s1  }
0x8c: {  	s14 =	sshll.u32 s0, $0xA;
	s2 =	sadd.s32 s3, s2  }
0x8d: {  	s2 =	sadd.s32 s2, s14  }
0x8e: {  	[smem:$0x3FC5] =	sst s2  }
0x8f: {  	_ = 	snop  }
0x90: {  	s2 =	sld [smem:$0x3FD0];
	_ =	sdelay $0x2  }
0x91: {  	s15 =	simm.s32 $0xB;
	s4 =	simm.s32 $0x10  }
0x92: {  	[smem:s4], [sflag:s15] =	dma.local [hbm:s2], $0x1  }
0x93: {  	_ =	swait.eq [sflag:s15], $0x1  }
0x94: {  	[sflag:s15] =	ssyncset.done $0x0  }
0x95: {  	[sflag:s15] =	ssyncadd.s32 $0xFFFFFFFF  }
0x96: {  	s16 =	sld [smem:$0x12];
	(tm) =	ssettm $0x1  }
0x97: {  	s17 =	sld [smem:$0x3FFB];
	_ =	sdelay $0x3  }
0x98: {  	_ =	strace s17  }
0x99: {  	s3 =	sld [smem:$0x3FFC];
	_ =	sdelay $0x3  }
0x9a: {  	_ =	strace s3  }
0x9b: {  	s3 =	sld [smem:$0x3FFD];
	_ =	sdelay $0x3  }
0x9c: {  	_ =	strace s3  }
0x9d: {  	_ =	strace $0x8FFFFFFF  }
0x9e: {  	s18 =	sld [smem:$0x3FDB];
	_ =	sdelay $0x1  }
0x9f: {  	s19 =	simm.s32 $_scs_section_size  }
0xa0: {  	s5 =	simm.s32 $_size__tile_overlayer_lowered;
	s6 =	simm.s32 $_tile_overlayer_lowered  }
0xa1: {  	s22 =	simm.s32 $0x1BFF;
	s21 =	sshll.u32 s6, $0x1;
	s3 =	sadd.s32 s19, s18  }
0xa2: {  	s7 =	simm.s32 $0x0;
	s20 =	sshll.u32 s5, $0x1;
	s5 =	sadd.s32 s21, s3  }
0xa3: {  	[timem:s7], [sflag:s22] =	dma.local [hbm:s5], s20  }
0xa4: {  	_ =	swait.ge [sflag:s22], s20  }
0xa5: {  	s4 =	ssub.s32 $0x0, s20;
	[sflag:s22] =	ssyncset.done $0x0  }
0xa6: {  	[sflag:s22] =	ssyncadd.s32 s4;
	_ =	sdelay $0x1  }
0xa7: {  	s23 =	simm.s32 $0x1B8B  }
0xa8: {  	_ =	swait.ge [sflag:s23], $0x1  }
0xa9: {  	[sflag:s23] =	ssyncset.done $0x0  }
0xaa: {  	s25 =	simm.s32 $0x1B8E;
	s24 =	sld [smem:$0x3FFE];
	[sflag:s23] =	ssyncadd.s32 $0xFFFFFFFF  }
0xab: {  	s26 =	simm.s32 $execute0_lowered;
	[smem:$0x3FD2] =	sst s25  }
0xac: {  	s5 =	sshll.u32 s26, $0x1;
	_ =	strace $0x80000049;
	[dreg:$0x1] =	wrdreg $0xFFFFFFFF  }
0xad: {  	s28 =	simm.s32 $_size_execute0_lowered;
	s3 =	sadd.s32 s3, s5;
	[dreg:$0x0] =	wrdreg $0x0  }
0xae: {  	s5 =	sshll.u32 s28, $0x1;
	[dreg:$0x2] =	wrdreg s3  }
0xaf: {  	[dreg:$0x3] =	wrdreg s5  }
0xb0: {  	[dreg:$0x4] =	wrdreg $0xC0  }
0xb1: {  	_ =	task [dreg:s7], $0x5FFFF  }
0xb2: {  	[dreg:$0x1] =	wrdreg $0xFFFFFFFF  }
0xb3: {  	[dreg:$0x0] =	wrdreg $0x60  }
0xb4: {  	[dreg:$0x2] =	wrdreg s16  }
0xb5: {  	[dreg:$0x3] =	wrdreg s24  }
0xb6: {  	[dreg:$0x4] =	wrdreg $0xA  }
0xb7: {  	_ =	task.clear_ibuf [dreg:s7], $0x5FFFF;
	_ =	strace $0x90000049  }
0xb8: {  	s29 =	simm.s32 $0xA;
	_ =	strace $0x8000004B  }
0xb9: {  	_ =	swait.ge [sflag:s29], $0x1  }
0xba: {  	[sflag:s29] =	ssyncadd.s32 $0xFFFFFFFF  }
0xbb: {  	_ =	strace $0x9000004B  }
0xbc: {  	_ =	sfence  }
0xbd: {  	s30 =	sld [smem:$0x0];
	_ =	sdelay $0x2  }
0xbe: {  	s31 =	sshll.u32 s1, $0xD;
	s1 =	sshrl.u32 s1, $0x2  }
0xbf: {  	s3 =	sand.u32 $0x4000, s31;
	s1 =	sadd.s32 s1, s30  }
0xc0: {  	s0 =	sor.u32 s3, s0;
	s1 =	sshll.u32 s1, $0x11  }
0xc1: {  	s0 =	sor.u32 s1, s0  }
0xc2: {  	s0 =	sadd.s32 $0x8F2B, s0  }
0xc3: {  	[sflag:s0] =	ssyncadd.remote.s32 $0x1  }
0xc4: {  	_ =	sfence.sel $0xFFFF  }
0xc5: {  	[dreg:$0x0] =	wrdreg $0xFFFFFFFF;
	(pc) =	sbr.abs _section_cstart, $3  }
0xc6: {  	[dreg:$0x1] =	wrdreg $0xFFFFFFFF  }
0xc7: {  	_ =	task.clear_ibuf [dreg:s7], $0x2FFFF;
	_ =	strace $0x9FFFFFFF  }
0xc8: {  	(tm) =	ssettm $0x7FFFFFFF  }
0xc9: {  	_ =	shalt  }
tec
execute0_lowered:
.L_overlay_start_1:
0x0: {  	(tag) =	ssettag $0x1  }
0x1: {  	s1 =	srdreg.scid  }
0x2: {  	s3 =	rddreg [dreg:$0x0];
	s0 =	stileid.u32  }
0x3: {  	s8 =	rddreg [dreg:$0x1];
	s2 =	simm.s32 $0x0;
	s6 =	sand.u32 $0x1, s1  }
0x4: {  	s4 =	sshll.u32 s0, $0xB;
	s1 =	rddreg [dreg:$0x2];
	s5 =	sshll.u32 s6, $0xA  }
0x5: {  	s7 =	simm.s32 $0x1;
	[smem:$0x7FF] =	sst s2;
	s9 =	sor.u32 s5, s4  }
0x6: {  	_ =	strace $0x8000004A;
	s10 =	ssub.s32 $0x2, s6;
	s4 =	sshrl.u32 s9, $0x3  }
0x7: {  	s6 =	simm.s32 $0x400;
	s4 =	sadd.s32 s3, s4;
	s3 =	simm.s32 $0x2  }
0x8: {  	[tilespmem:s2], [sflag:$0x2] =	stream.linear.gather [hbm4b:s4+s2], $0x400, $0x38;
	[tilespmem:$0x4400] =	vst v63  }
0x9: {  	s5 =	sadd.s32 $0xC5E00, s8;
	s11 =	sshrl.u32 s10, $0x1;
	_ =	swait.ge [sflag:s3], $0x400  }
0xa: {  	s9 =	sshll.u32 s9, $0x1;
	s31 =	ssub.s32 s10, s11;
	[sflag:s3] =	ssyncset.done $0x0  }
0xb: {  	s8 =	sadd.s32 s9, s8;
	s9 =	smax.u32 s31, $0x1;
	[sflag:s3] =	ssyncadd.s32 $0xFFFFFC00  }
0xc: {  	[tilespmem:s6], [sflag:$0x1] =	stream.indirect.gather [hbm4b:s5+s6], $0x10, s2, s6, $0xb8;
	[tilespmem:$0x4400] =	vst v63  }
0xd: {  	p0 =	sne.s32 s9, $0x1;
	_ =	swait.ge [sflag:s7], $0x4000  }
.Ltmp0:
0xe: {  	[sflag:s7] =	ssyncset.done $0x0;
	(pc) =	sbr.rel @!p0 .LBB2_2-.Ltmp0, $4  }
0xf: {  	s8 =	sadd.s32 $0xC9000, s8;
	[sflag:s7] =	ssyncadd.s32 $0xFFFFC000  }
0x10: {  	[hbm4b:s8+s2] =	stream.linear.scatter [tilespmem:s6], [sflag:$0x2], $0x4000, $0x38;
	[tilespmem:$0x4400] =	vst v63  }
0x11: {  	_ =	swait.ge [sflag:s3], $0x4000  }
0x12: {  	s9 =	sadd.s32 $0xFFFFFFFF, s9;
	[sflag:s3] =	ssyncset.done $0x0  }
.LBB2_1:
0x13: {  	p0 =	sne.s32 s9, $0x1;
	s9 =	sadd.s32 $0xFFFFFFFF, s9;
	[sflag:s3] =	ssyncadd.s32 $0xFFFFC000  }
0x14: {  	[tilespmem:s2], [sflag:$0x2] =	stream.linear.gather [hbm4b:s4+s2], $0x400, $0x38;
	[tilespmem:$0x4400] =	vst v63  }
0x15: {  	_ =	swait.ge [sflag:s3], $0x400  }
0x16: {  	[sflag:s3] =	ssyncset.done $0x0  }
0x17: {  	[sflag:s3] =	ssyncadd.s32 $0xFFFFFC00  }
0x18: {  	[tilespmem:s6], [sflag:$0x1] =	stream.indirect.gather [hbm4b:s5+s6], $0x10, s2, s6, $0xb8;
	[tilespmem:$0x4400] =	vst v63  }
0x19: {  	_ =	swait.ge [sflag:s7], $0x4000  }
.Ltmp1:
0x1a: {  	[sflag:s7] =	ssyncset.done $0x0;
	(pc) =	sbr.rel @p0 .LBB2_1-.Ltmp1, $4  }
0x1b: {  	[sflag:s7] =	ssyncadd.s32 $0xFFFFC000  }
0x1c: {  	[hbm4b:s8+s2] =	stream.linear.scatter [tilespmem:s6], [sflag:$0x2], $0x4000, $0x38;
	[tilespmem:$0x4400] =	vst v63  }
0x1d: {  	_ =	swait.ge [sflag:s3], $0x4000  }
0x1e: {  	[sflag:s3] =	ssyncset.done $0x0  }
.LBB2_2:
0x1f: {  	[sflag:s3] =	ssyncadd.s32 $0xFFFFC000  }
0x20: {  	_ =	sfence.sel $0x180000  }
0x21: {  	[bflag:$0x0] =	sbarrier.arrive $0xFFFF  }
0x22: {  	p0 =	sne.s32 s0, $0x0;
	_ =	strace $0x9000004A  }
0x23: {  	s0 =	sadd.s32 @!p0 $0x100000, s1;
	[bflag:$0x2] =	sbarrier.arrive $0xFFFF  }
0x24: {  	[sflag:s0] =	ssyncadd.tile.s32 @!p0 $0x1;
	_ =	shalt  }
.Lfunc_end2:
_tile_overlayer_lowered:
.L_overlay_start_2:
0x25: {  	(tag) =	ssettag $0x2  }
0x26: {  	s0 =	rddreg [dreg:$0x0];
	s2 =	stileid.u32  }
0x27: {  	s1 =	rddreg [dreg:$0x1];
	p0 =	sne.s32 s2, $0x0  }
0x28: {  	s3 =	rddreg [dreg:$0x2];
	[bflag:$0x3] =	sbarrier.arrive $0xFFFF;
	s2 =	simm.s32 @!p0 $0x1C02  }
0x29: {  	[timem:s3], [sflag:s2] =	dma.local @!p0 [hbm:s0], s1  }
0x2a: {  	s0 =	simm.s32 @!p0 $0x2  }
0x2b: {  	_ =	swait.ge @!p0 [sflag:s0], s1  }
0x2c: {  	s1 =	ssub.s32 @!p0 $0x0, s1;
	[sflag:s0] =	ssyncset.done @!p0 $0x0  }
0x2d: {  	[sflag:s0] =	ssyncadd.s32 @!p0 s1  }
0x2e: {  	[bflag:$0x3] =	sbarrier.arrive $0xFFFF  }
0x2f: {  	_ =	shalt  }

// kernel: kernel.21.cloned.1.call-start
scs
__scs_entry_jumppad:
0x0: {  	(pc) =	sbr.rel $0x88, $3  }
0x1: {  	(tag) =	ssettag $0x0;
	lr =	simm.s32 $0x1  }
0x2: {  	[smem:$0x3F9E] =	sst lr;
	_ =	strace $0xD0000000  }
0x3: {  	_ = 	snop  }
0x4: {  	_ = 	snop  }
0x5: {  	_ = 	snop  }
0x6: {  	_ = 	snop  }
0x7: {  	_ = 	snop  }
__scs_overlays_trampoline_lowered:
0x8: {  	[smem:$0x3FAD] =	sst s0  }
0x9: {  	[smem:$0x3FAE] =	sst s1  }
0xa: {  	[smem:$0x3FAF] =	sst s2  }
0xb: {  	[smem:$0x3FB0] =	sst s3  }
0xc: {  	[smem:$0x3FB1] =	sst s4  }
0xd: {  	[smem:$0x3FB2] =	sst s5  }
0xe: {  	[smem:$0x3FB3] =	sst s6  }
0xf: {  	[smem:$0x3FB4] =	sst s7  }
0x10: {  	[smem:$0x3FB5] =	sst s8  }
0x11: {  	[smem:$0x3FB6] =	sst s9;
	s0 =	simm.s32 @!p0 $0x0  }
0x12: {  	s1 =	sld [smem:$0x3F9C];
	s0 =	simm.s32 @p0 $0x1  }
0x13: {  	[smem:$0x3FB7] =	sst s0;
	s0 =	simm.s32 @!p1 $0x0  }
0x14: {  	s2 =	sld [smem:$0x3F9B];
	s0 =	simm.s32 @p1 $0x1  }
0x15: {  	[smem:$0x3FB8] =	sst s0;
	s0 =	simm.s32 @!p2 $0x0  }
0x16: {  	s3 =	sld [smem:$0x3FDB];
	s0 =	simm.s32 @p2 $0x1  }
0x17: {  	s4 =	simm.s32 $0x1BF5;
	[smem:$0x3FBA] =	sst s0  }
0x18: {  	s0 =	sld [smem:$0x3F9D];
	_ =	swait.ge [sflag:s4], $0x0  }
0x19: {  	s7 =	sld [smem:$0x3F9E]  }
0x1a: {  	s8 =	sadd.s32 $0xFFFFE003, lr  }
0x1b: {  	s9 =	sadd.s32 $0xFFFFFEF7, lr;
	s5 =	simm.s32 $0xFFFFFFFF;
	p2 =	slt.u32 s8, $0xFFFFF086  }
0x1c: {  	p1 =	slt.u32 s9, $0xF7A;
	s5 =	simm.s32 @!p2 $0x0  }
0x1d: {  	s5 =	simm.s32 @p1 $0x1;
	p0 =	seq.s32 s7, s2  }
0x1e: {  	s7 =	smul.u32 @!p0 $0xF7A, s2;
	p2 =	seq.s32 @!p0 s5, $0x0  }
0x1f: {  	s9 =	smul.u32 $0xF7A, s1;
	s8 =	simm.s32 @!p0 $0x1BF5;
	p2 =	por !p2, p0  }
0x20: {  	[sflag:s8] =	ssyncset.s32 @!p0 $0xFFFFF086;
	s6 =	sadd.s32 @!p0 s3, s7;
	s7 =	simm.s32 @!p0 $0x108  }
0x21: {  	s3 =	sadd.s32 s3, s9;
	s6 =	sadd.s32 @!p0 $0x88, s6;
	s7 =	simm.s32 @p2 $0x1082  }
0x22: {  	[simem:s7], [sflag:s8] =	dma.local @!p0 [hbm:s6], $0xF7A  }
0x23: {  	s9 =	sor.u32 $0xD0000000, s2;
	s6 =	simm.s32 $0x108;
	_ =	swait.ge @!p0 [sflag:s8], $0x0  }
0x24: {  	s3 =	sadd.s32 $0x88, s3;
	s6 =	simm.s32 @!p1 $0x1082;
	[sflag:s4] =	ssyncset.s32 $0xFFFFF086  }
0x25: {  	[simem:s6], [sflag:s4] =	dma.local [hbm:s3], $0xF7A  }
0x26: {  	[smem:$0x3F9E] =	sst s1;
	(tag) =	ssettag s2;
	_ =	strace s9  }
0x27: {  	s1 =	sld [smem:$0x3FAE]  }
0x28: {  	s2 =	sld [smem:$0x3FAF]  }
0x29: {  	s4 =	sld [smem:$0x3FB1]  }
0x2a: {  	p0 =	seq.s32 s5, $0x0;
	s5 =	sld [smem:$0x3FB2]  }
0x2b: {  	s6 =	sld [smem:$0x3FB3]  }
0x2c: {  	s7 =	sld [smem:$0x3FB4]  }
0x2d: {  	s3 =	simm.s32 $0x108;
	s8 =	sld [smem:$0x3FB5]  }
0x2e: {  	s3 =	simm.s32 @!p0 $0x1082;
	s9 =	sld [smem:$0x3FB6]  }
0x2f: {  	lr =	sadd.s32 s0, s3;
	s0 =	sld [smem:$0x3FAD]  }
0x30: {  	s3 =	sld [smem:$0x3FB0]  }
0x31: {  	[smem:$0x3FB9] =	sst s10  }
0x32: {  	s10 =	sld [smem:$0x3FB7];
	_ =	sdelay $0x3  }
0x33: {  	p0 =	seq.s32 s10, $0x1;
	s10 =	sld [smem:$0x3FB9];
	_ =	sdelay $0x3  }
0x34: {  	[smem:$0x3FB9] =	sst s10  }
0x35: {  	s10 =	sld [smem:$0x3FB8];
	_ =	sdelay $0x3  }
0x36: {  	p1 =	seq.s32 s10, $0x1;
	s10 =	sld [smem:$0x3FB9];
	_ =	sdelay $0x3  }
0x37: {  	[smem:$0x3FB9] =	sst s10  }
0x38: {  	s10 =	sld [smem:$0x3FBA]  }
0x39: {  	_ = 	snop;
	(pc) =	sbr.ind lr, $3  }
0x3a: {  	_ = 	snop  }
0x3b: {  	_ = 	snop  }
0x3c: {  	p2 =	seq.s32 s10, $0x1;
	s10 =	sld [smem:$0x3FB9]  }
0x3d: {  	_ =	shalt  }
0x3e: {  	_ =	shalt  }
0x3f: {  	_ =	shalt  }
0x40: {  	_ =	shalt  }
0x41: {  	_ =	shalt  }
0x42: {  	_ =	shalt  }
0x43: {  	_ =	shalt  }
0x44: {  	_ =	shalt  }
0x45: {  	_ =	shalt  }
0x46: {  	_ =	shalt  }
0x47: {  	_ =	shalt  }
0x48: {  	_ =	shalt  }
0x49: {  	_ =	shalt  }
0x4a: {  	_ =	shalt  }
0x4b: {  	_ =	shalt  }
0x4c: {  	_ =	shalt  }
0x4d: {  	_ =	shalt  }
0x4e: {  	_ =	shalt  }
0x4f: {  	_ =	shalt  }
0x50: {  	_ =	shalt  }
0x51: {  	_ =	shalt  }
0x52: {  	_ =	shalt  }
0x53: {  	_ =	shalt  }
0x54: {  	_ =	shalt  }
0x55: {  	_ =	shalt  }
0x56: {  	_ =	shalt  }
0x57: {  	_ =	shalt  }
0x58: {  	_ =	shalt  }
0x59: {  	_ =	shalt  }
0x5a: {  	_ =	shalt  }
0x5b: {  	_ =	shalt  }
0x5c: {  	_ =	shalt  }
0x5d: {  	_ =	shalt  }
0x5e: {  	_ =	shalt  }
0x5f: {  	_ =	shalt  }
0x60: {  	_ =	shalt  }
0x61: {  	_ =	shalt  }
0x62: {  	_ =	shalt  }
0x63: {  	_ =	shalt  }
0x64: {  	_ =	shalt  }
0x65: {  	_ =	shalt  }
0x66: {  	_ =	shalt  }
0x67: {  	_ =	shalt  }
0x68: {  	_ =	shalt  }
0x69: {  	_ =	shalt  }
0x6a: {  	_ =	shalt  }
0x6b: {  	_ =	shalt  }
0x6c: {  	_ =	shalt  }
0x6d: {  	_ =	shalt  }
0x6e: {  	_ =	shalt  }
0x6f: {  	_ =	shalt  }
0x70: {  	_ =	shalt  }
0x71: {  	_ =	shalt  }
0x72: {  	_ =	shalt  }
0x73: {  	_ =	shalt  }
0x74: {  	_ =	shalt  }
0x75: {  	_ =	shalt  }
0x76: {  	_ =	shalt  }
0x77: {  	_ =	shalt  }
0x78: {  	_ =	shalt  }
0x79: {  	_ =	shalt  }
0x7a: {  	_ =	shalt  }
0x7b: {  	_ =	shalt  }
0x7c: {  	_ =	shalt  }
0x7d: {  	_ =	shalt  }
0x7e: {  	_ =	shalt  }
0x7f: {  	_ =	shalt  }
0x80: {  	_ =	shalt  }
0x81: {  	_ =	shalt  }
0x82: {  	_ =	shalt  }
0x83: {  	_ =	shalt  }
0x84: {  	_ =	shalt  }
0x85: {  	_ =	shalt  }
0x86: {  	_ =	shalt  }
0x87: {  	_ =	shalt  }
.Lfunc_end0:
.L_simem_size_0:
called_computation.3_lowered:
.L_overlay_start_0:
0x88: {  	s2 =	sld [smem:$0x3FD9]  }
0x89: {  	s3 =	sld [smem:$0x3FFE];
	_ =	sdelay $0x1  }
0x8a: {  	s1 =	srdreg.scid  }
0x8b: {  	s0 =	sand.u32 $0x1, s1  }
0x8c: {  	s14 =	sshll.u32 s0, $0xA;
	s2 =	sadd.s32 s3, s2  }
0x8d: {  	s2 =	sadd.s32 s2, s14  }
0x8e: {  	[smem:$0x3FC5] =	sst s2  }
0x8f: {  	_ = 	snop  }
0x90: {  	s2 =	sld [smem:$0x3FD0];
	_ =	sdelay $0x2  }
0x91: {  	s15 =	simm.s32 $0xB;
	s4 =	simm.s32 $0x10  }
0x92: {  	[smem:s4], [sflag:s15] =	dma.local [hbm:s2], $0x1  }
0x93: {  	_ =	swait.eq [sflag:s15], $0x1  }
0x94: {  	[sflag:s15] =	ssyncset.done $0x0  }
0x95: {  	[sflag:s15] =	ssyncadd.s32 $0xFFFFFFFF  }
0x96: {  	s16 =	sld [smem:$0x10];
	(tm) =	ssettm $0x1  }
0x97: {  	s17 =	sld [smem:$0x3FFB];
	_ =	sdelay $0x3  }
0x98: {  	_ =	strace s17  }
0x99: {  	s3 =	sld [smem:$0x3FFC];
	_ =	sdelay $0x3  }
0x9a: {  	_ =	strace s3  }
0x9b: {  	s3 =	sld [smem:$0x3FFD];
	_ =	sdelay $0x3  }
0x9c: {  	_ =	strace s3  }
0x9d: {  	_ =	strace $0x8FFFFFFF  }
0x9e: {  	s18 =	sld [smem:$0x3FDB];
	_ =	sdelay $0x1  }
0x9f: {  	s19 =	simm.s32 $_scs_section_size  }
0xa0: {  	s5 =	simm.s32 $_size__tile_overlayer_lowered;
	s6 =	simm.s32 $_tile_overlayer_lowered  }
0xa1: {  	s22 =	simm.s32 $0x1BFF;
	s21 =	sshll.u32 s6, $0x1;
	s3 =	sadd.s32 s19, s18  }
0xa2: {  	s7 =	simm.s32 $0x0;
	s20 =	sshll.u32 s5, $0x1;
	s5 =	sadd.s32 s21, s3  }
0xa3: {  	[timem:s7], [sflag:s22] =	dma.local [hbm:s5], s20  }
0xa4: {  	_ =	swait.ge [sflag:s22], s20  }
0xa5: {  	s4 =	ssub.s32 $0x0, s20;
	[sflag:s22] =	ssyncset.done $0x0  }
0xa6: {  	[sflag:s22] =	ssyncadd.s32 s4;
	_ =	sdelay $0x1  }
0xa7: {  	s23 =	simm.s32 $0x1B8B  }
0xa8: {  	_ =	swait.ge [sflag:s23], $0x1  }
0xa9: {  	[sflag:s23] =	ssyncset.done $0x0  }
0xaa: {  	s25 =	simm.s32 $0x1B8E;
	s24 =	sld [smem:$0x3FFE];
	[sflag:s23] =	ssyncadd.s32 $0xFFFFFFFF  }
0xab: {  	s26 =	simm.s32 $execute0_lowered;
	[smem:$0x3FD2] =	sst s25  }
0xac: {  	s5 =	sshll.u32 s26, $0x1;
	_ =	strace $0x8000004F;
	[dreg:$0x1] =	wrdreg $0xFFFFFFFF  }
0xad: {  	s28 =	simm.s32 $_size_execute0_lowered;
	s3 =	sadd.s32 s3, s5;
	[dreg:$0x0] =	wrdreg $0x0  }
0xae: {  	s5 =	sshll.u32 s28, $0x1;
	[dreg:$0x2] =	wrdreg s3  }
0xaf: {  	[dreg:$0x3] =	wrdreg s5  }
0xb0: {  	[dreg:$0x4] =	wrdreg $0xC0  }
0xb1: {  	_ =	task [dreg:s7], $0x5FFFF  }
0xb2: {  	[dreg:$0x1] =	wrdreg $0xFFFFFFFF  }
0xb3: {  	[dreg:$0x0] =	wrdreg $0x60  }
0xb4: {  	[dreg:$0x2] =	wrdreg s24  }
0xb5: {  	[dreg:$0x3] =	wrdreg s16  }
0xb6: {  	[dreg:$0x4] =	wrdreg $0x9  }
0xb7: {  	_ =	task.clear_ibuf [dreg:s7], $0x5FFFF;
	_ =	strace $0x9000004F  }
0xb8: {  	s29 =	simm.s32 $0x9;
	_ =	strace $0x80000051  }
0xb9: {  	_ =	swait.ge [sflag:s29], $0x1  }
0xba: {  	[sflag:s29] =	ssyncadd.s32 $0xFFFFFFFF  }
0xbb: {  	_ =	strace $0x90000051  }
0xbc: {  	_ =	sfence  }
0xbd: {  	s30 =	sld [smem:$0x0];
	_ =	sdelay $0x2  }
0xbe: {  	s31 =	sshll.u32 s1, $0xD;
	s1 =	sshrl.u32 s1, $0x2  }
0xbf: {  	s3 =	sand.u32 $0x4000, s31;
	s1 =	sadd.s32 s1, s30  }
0xc0: {  	s0 =	sor.u32 s3, s0;
	s1 =	sshll.u32 s1, $0x11  }
0xc1: {  	s0 =	sor.u32 s1, s0  }
0xc2: {  	s0 =	sadd.s32 $0x8F2B, s0  }
0xc3: {  	[sflag:s0] =	ssyncadd.remote.s32 $0x1  }
0xc4: {  	_ =	sfence.sel $0xFFFF  }
0xc5: {  	[dreg:$0x0] =	wrdreg $0xFFFFFFFF;
	(pc) =	sbr.abs _section_cstart, $3  }
0xc6: {  	[dreg:$0x1] =	wrdreg $0xFFFFFFFF  }
0xc7: {  	_ =	task.clear_ibuf [dreg:s7], $0x2FFFF;
	_ =	strace $0x9FFFFFFF  }
0xc8: {  	(tm) =	ssettm $0x7FFFFFFF  }
0xc9: {  	_ =	shalt  }
tec
execute0_lowered:
.L_overlay_start_1:
0x0: {  	(tag) =	ssettag $0x1  }
0x1: {  	s1 =	srdreg.scid  }
0x2: {  	s0 =	stileid.u32;
	s6 =	sand.u32 $0x1, s1  }
0x3: {  	s5 =	rddreg [dreg:$0x0];
	s30 =	sshll.u32 s0, $0xB;
	s2 =	sshll.u32 s6, $0xA  }
0x4: {  	s8 =	rddreg [dreg:$0x1];
	s9 =	sor.u32 s2, s30  }
0x5: {  	s1 =	rddreg [dreg:$0x2];
	s2 =	simm.s32 $0x0;
	s3 =	sshrl.u32 s9, $0x3  }
0x6: {  	s10 =	ssub.s32 $0x2, s6;
	[smem:$0x7FF] =	sst s2;
	s3 =	sadd.s32 s3, s5  }
0x7: {  	_ =	strace $0x80000050;
	s4 =	sadd.s32 $0x1E00, s3;
	s3 =	simm.s32 $0x2  }
0x8: {  	[tilespmem:s2], [sflag:$0x2] =	stream.linear.gather [hbm4b:s4+s2], $0x400, $0x38;
	[tilespmem:$0x8400] =	vst v63  }
0x9: {  	s7 =	simm.s32 $0x1;
	s11 =	sshrl.u32 s10, $0x1;
	_ =	swait.ge [sflag:s3], $0x400  }
0xa: {  	s6 =	simm.s32 $0x400;
	s10 =	ssub.s32 s10, s11;
	[sflag:s3] =	ssyncset.done $0x0  }
0xb: {  	s5 =	sadd.s32 $0xD9000, s5;
	s31 =	smax.u32 s10, $0x1;
	[sflag:s3] =	ssyncadd.s32 $0xFFFFFC00  }
0xc: {  	[tilespmem:s6], [sflag:$0x1] =	stream.indirect.gather [hbm4b:s5+s6], $0x20, s2, s6, $0xb8;
	[tilespmem:$0x8400] =	vst v63  }
0xd: {  	p0 =	sne.s32 s31, $0x1;
	_ =	swait.ge [sflag:s7], $0x8000  }
.Ltmp0:
0xe: {  	s9 =	sshll.u32 s9, $0x2;
	[sflag:s7] =	ssyncset.done $0x0;
	(pc) =	sbr.rel @!p0 .LBB2_2-.Ltmp0, $4  }
0xf: {  	s8 =	sadd.s32 s8, s9;
	[sflag:s7] =	ssyncadd.s32 $0xFFFF8000  }
0x10: {  	[hbm4b:s8+s2] =	stream.linear.scatter [tilespmem:s6], [sflag:$0x2], $0x8000, $0x38;
	[tilespmem:$0x8400] =	vst v63  }
0x11: {  	_ =	swait.ge [sflag:s3], $0x8000  }
0x12: {  	s9 =	sadd.s32 $0xFFFFFFFF, s31;
	[sflag:s3] =	ssyncset.done $0x0  }
.LBB2_1:
0x13: {  	p0 =	sne.s32 s9, $0x1;
	s9 =	sadd.s32 $0xFFFFFFFF, s9;
	[sflag:s3] =	ssyncadd.s32 $0xFFFF8000  }
0x14: {  	[tilespmem:s2], [sflag:$0x2] =	stream.linear.gather [hbm4b:s4+s2], $0x400, $0x38;
	[tilespmem:$0x8400] =	vst v63  }
0x15: {  	_ =	swait.ge [sflag:s3], $0x400  }
0x16: {  	[sflag:s3] =	ssyncset.done $0x0  }
0x17: {  	[sflag:s3] =	ssyncadd.s32 $0xFFFFFC00  }
0x18: {  	[tilespmem:s6], [sflag:$0x1] =	stream.indirect.gather [hbm4b:s5+s6], $0x20, s2, s6, $0xb8;
	[tilespmem:$0x8400] =	vst v63  }
0x19: {  	_ =	swait.ge [sflag:s7], $0x8000  }
.Ltmp1:
0x1a: {  	[sflag:s7] =	ssyncset.done $0x0;
	(pc) =	sbr.rel @p0 .LBB2_1-.Ltmp1, $4  }
0x1b: {  	[sflag:s7] =	ssyncadd.s32 $0xFFFF8000  }
0x1c: {  	[hbm4b:s8+s2] =	stream.linear.scatter [tilespmem:s6], [sflag:$0x2], $0x8000, $0x38;
	[tilespmem:$0x8400] =	vst v63  }
0x1d: {  	_ =	swait.ge [sflag:s3], $0x8000  }
0x1e: {  	[sflag:s3] =	ssyncset.done $0x0  }
.LBB2_2:
0x1f: {  	[sflag:s3] =	ssyncadd.s32 $0xFFFF8000  }
0x20: {  	_ =	sfence.sel $0x180000  }
0x21: {  	[bflag:$0x0] =	sbarrier.arrive $0xFFFF  }
0x22: {  	p0 =	sne.s32 s0, $0x0;
	_ =	strace $0x90000050  }
0x23: {  	s0 =	sadd.s32 @!p0 $0x100000, s1;
	[bflag:$0x2] =	sbarrier.arrive $0xFFFF  }
0x24: {  	[sflag:s0] =	ssyncadd.tile.s32 @!p0 $0x1;
	_ =	shalt  }
.Lfunc_end2:
_tile_overlayer_lowered:
.L_overlay_start_2:
0x25: {  	(tag) =	ssettag $0x2  }
0x26: {  	s0 =	rddreg [dreg:$0x0];
	s2 =	stileid.u32  }
0x27: {  	s1 =	rddreg [dreg:$0x1];
	p0 =	sne.s32 s2, $0x0  }
0x28: {  	s3 =	rddreg [dreg:$0x2];
	[bflag:$0x3] =	sbarrier.arrive $0xFFFF;
	s2 =	simm.s32 @!p0 $0x1C02  }
0x29: {  	[timem:s3], [sflag:s2] =	dma.local @!p0 [hbm:s0], s1  }
0x2a: {  	s0 =	simm.s32 @!p0 $0x2  }
0x2b: {  	_ =	swait.ge @!p0 [sflag:s0], s1  }
0x2c: {  	s1 =	ssub.s32 @!p0 $0x0, s1;
	[sflag:s0] =	ssyncset.done @!p0 $0x0  }
0x2d: {  	[sflag:s0] =	ssyncadd.s32 @!p0 s1  }
0x2e: {  	[bflag:$0x3] =	sbarrier.arrive $0xFFFF  }
0x2f: {  	_ =	shalt  }

</sc_bundles>
